<compile_context>
chip_gen: v7x
topology: tpu7x:2x2x1
jax: 0.10.2.dev20260603
libtpu: 0.0.44.dev20260713+nightly
codegen_flags: <defaults>
</compile_context>

<pallas_src>
import functools

import jax
import jax.numpy as jnp
from jax import lax
from jax.experimental import pallas as pl
from jax.experimental.pallas import tpu as pltpu
from jax.experimental.pallas import tpu_sc as plsc

NC, NS, LANES = 2, 16, 16
NW = NC * NS
B, L, D = 16384, 50, 128
MED = 1000
CH = 128
BPW = B // NW
NCHUNK = BPW // CH
NPC = 2 * NCHUNK


def _prep_codes(cur, prev):
    c = jnp.stack([cur, prev]).astype(jnp.int32)
    nb = c.shape[1]
    nchunk = nb // (NW * CH)
    c = c.reshape(2, NW, nchunk, CH, L)
    c = c.transpose(1, 0, 2, 4, 3)
    return c.reshape(NW, 2 * nchunk, L, CH)


@functools.cache
def _build_pool_sc(nb):
    bpw = nb // NW
    nchunk = bpw // CH
    npc = 2 * nchunk
    mesh = plsc.VectorSubcoreMesh(core_axis_name="c", subcore_axis_name="s",
                                  num_cores=NC, num_subcores=NS)

    @functools.partial(
        pl.kernel,
        out_type=jax.ShapeDtypeStruct((4, nb, D), jnp.float32),
        mesh=mesh,
        scratch_types=[
            pltpu.VMEM((2, L, CH), jnp.int32),
            pltpu.VMEM((2, CH, D), jnp.float32),
            pltpu.SemaphoreType.DMA,
            pltpu.SemaphoreType.DMA,
        ],
    )
    def pool_sc(diag_codes_h, proc_codes_h, diag_tab_h, proc_tab_h, out_h,
                idx_v, acc_v, sem0, sem1):
        wid = lax.axis_index("s") * NC + lax.axis_index("c")
        zeros = jnp.zeros((LANES,), jnp.float32)
        sems = (sem0, sem1)

        blocks = [(codes_h, tab_h, t, pc)
                  for t, (codes_h, tab_h) in enumerate(
                      ((diag_codes_h, diag_tab_h), (proc_codes_h, proc_tab_h)))
                  for pc in range(npc)]

        def fire_block(codes_h, tab_h, pc, buf):
            idx = idx_v.at[buf]
            acc = acc_v.at[buf]
            pltpu.sync_copy(codes_h.at[wid, pc], idx)

            def zrow(r, c2):
                for k in range(D // LANES):
                    acc_v[buf, r, pl.ds(k * LANES, LANES)] = zeros
                return c2

            lax.fori_loop(0, CH, zrow, 0)

            def fire(g, c2):
                pltpu.async_copy(tab_h.at[idx.at[g]], acc, sems[buf],
                                 add=True)
                return c2

            lax.fori_loop(0, L, fire, 0)

        def drain_block(tab_h, t, pc, buf):
            idx = idx_v.at[buf]
            acc = acc_v.at[buf]

            def drain(g, c2):
                pltpu.make_async_copy(tab_h.at[idx.at[0]], acc,
                                      sems[buf]).wait()
                return c2

            lax.fori_loop(0, L, drain, 0)
            p = pc // nchunk
            c = pc % nchunk
            base = wid * bpw + c * CH
            pltpu.sync_copy(acc, out_h.at[t * 2 + p, pl.ds(base, CH)])

        for i, (codes_h, tab_h, t, pc) in enumerate(blocks):
            fire_block(codes_h, tab_h, pc, i % 2)
            if i > 0:
                pcodes_h, ptab_h, pt, ppc = blocks[i - 1]
                drain_block(ptab_h, pt, ppc, (i - 1) % 2)
        lcodes_h, ltab_h, lt, lpc = blocks[-1]
        drain_block(ltab_h, lt, lpc, (len(blocks) - 1) % 2)

    return pool_sc


TILE = 2048


def _dot(a, b):
    return lax.dot_general(a, b, (((1,), (1,)), ((), ())),
                           preferred_element_type=jnp.float32)


def _mlp_body(pooled_ref, w1ta_ref, w1tb_ref, b1_ref, w2ta_ref, w2tb_ref,
              b2_ref, w3t_ref, b3_ref, out_ref):
    ed = pooled_ref[0].astype(jnp.bfloat16)
    pd = pooled_ref[1].astype(jnp.bfloat16)
    ep = pooled_ref[2].astype(jnp.bfloat16)
    pp = pooled_ref[3].astype(jnp.bfloat16)
    cur = _dot(ed, w1ta_ref[...]) + _dot(ep, w1tb_ref[...]) + b1_ref[...]
    prv = _dot(pd, w1ta_ref[...]) + _dot(pp, w1tb_ref[...]) + b1_ref[...]
    h = jnp.maximum(_dot(cur.astype(jnp.bfloat16), w2ta_ref[...])
                    + _dot(prv.astype(jnp.bfloat16), w2tb_ref[...])
                    + b2_ref[...], 0.0)
    out_ref[...] = jax.nn.sigmoid(
        _dot(h.astype(jnp.bfloat16), w3t_ref[...]) + b3_ref[...])


def _mlp_tc(pooled, w1ta, w1tb, b1r, w2ta, w2tb, b2r, w3t, b3r):
    nb = pooled.shape[1]
    return pl.pallas_call(
        _mlp_body,
        grid=(nb // TILE,),
        in_specs=[
            pl.BlockSpec((4, TILE, D), lambda i: (0, i, 0)),
            pl.BlockSpec((D, D), lambda i: (0, 0)),
            pl.BlockSpec((D, D), lambda i: (0, 0)),
            pl.BlockSpec((1, D), lambda i: (0, 0)),
            pl.BlockSpec((2 * D, D), lambda i: (0, 0)),
            pl.BlockSpec((2 * D, D), lambda i: (0, 0)),
            pl.BlockSpec((1, 2 * D), lambda i: (0, 0)),
            pl.BlockSpec((MED, 2 * D), lambda i: (0, 0)),
            pl.BlockSpec((1, MED), lambda i: (0, 0)),
        ],
        out_specs=pl.BlockSpec((TILE, MED), lambda i: (i, 0)),
        out_shape=jax.ShapeDtypeStruct((nb, MED), jnp.float32),
    )(pooled, w1ta, w1tb, b1r, w2ta, w2tb, b2r, w3t, b3r)


NSPLIT = 1


def kernel(diag_codes, proc_codes, prev_diag_codes, prev_proc_codes,
           diag_table, proc_table, W1, b1, W2, b2, W3, b3):
    h = B // NSPLIT
    b1r, b2r, b3r = b1.reshape(1, -1), b2.reshape(1, -1), b3.reshape(1, -1)
    w1b = W1.astype(jnp.bfloat16)
    w2b = W2.astype(jnp.bfloat16)
    w1ta, w1tb = w1b[:, :D], w1b[:, D:]
    w2ta, w2tb = w2b[:, :D], w2b[:, D:]
    w3t = W3.astype(jnp.bfloat16)
    pooled_halves = []
    for s in range(NSPLIT):
        sl = slice(s * h, (s + 1) * h)
        dcodes = _prep_codes(diag_codes[sl], prev_diag_codes[sl])
        pcodes = _prep_codes(proc_codes[sl], prev_proc_codes[sl])
        pooled_halves.append(
            _build_pool_sc(h)(dcodes, pcodes, diag_table, proc_table))
    outs = [_mlp_tc(p, w1ta, w1tb, b1r, w2ta, w2tb, b2r, w3t, b3r)
            for p in pooled_halves]
    return outs[0] if NSPLIT == 1 else jnp.concatenate(outs, axis=0)

# --- scband reference (transcript-rebuilt; emitter-appended) ---
"""Pipeline reference for scband-luke-micron-ablation-84344567759287 (READ-ONLY COPY).

The authoritative reference and input builder live on the scoring server;
editing this copy changes nothing except your own understanding.
"""

import jax, jax.numpy as jnp
import numpy as np

B, L = 16384, 50
DIAG, PROC, MED = 100000, 100000, 1000
D = 128

def setup_inputs(seed: int = 0) -> dict:
    key = jax.random.key(seed)
    ks = jax.random.split(key, 12)
    inp = {
        "diag_codes": jax.random.randint(ks[0], (B, L), 0, DIAG, dtype=jnp.int64) if jax.config.jax_enable_x64 else jax.random.randint(ks[0], (B, L), 0, DIAG),
        "proc_codes": jax.random.randint(ks[1], (B, L), 0, PROC),
        "prev_diag_codes": jax.random.randint(ks[2], (B, L), 0, DIAG),
        "prev_proc_codes": jax.random.randint(ks[3], (B, L), 0, PROC),
        "diag_table": jax.random.normal(ks[4], (DIAG, D), dtype=jnp.float32),
        "proc_table": jax.random.normal(ks[5], (PROC, D), dtype=jnp.float32),
        "W1": jax.random.normal(ks[6], (D, 2 * D), dtype=jnp.float32) * 0.05,
        "b1": jnp.zeros((D,), dtype=jnp.float32),
        "W2": jax.random.normal(ks[7], (256, 2 * D), dtype=jnp.float32) * 0.05,
        "b2": jnp.zeros((256,), dtype=jnp.float32),
        "W3": jax.random.normal(ks[8], (MED, 256), dtype=jnp.float32) * 0.05,
        "b3": jnp.zeros((MED,), dtype=jnp.float32),
    }
    return inp

def reference(diag_codes, proc_codes, prev_diag_codes, prev_proc_codes,
              diag_table, proc_table, W1, b1, W2, b2, W3, b3):
    # embedding gather + per-visit sum pooling (sum over the codes dim),
    # faithful to torch.stack([sum(emb(codes_i), dim=0) for ...])
    embedded_diag = jnp.take(diag_table, diag_codes, axis=0).sum(axis=1)        # [B, 128]
    embedded_proc = jnp.take(proc_table, proc_codes, axis=0).sum(axis=1)        # [B, 128]
    prev_embedded_diag = jnp.take(diag_table, prev_diag_codes, axis=0).sum(axis=1)
    prev_embedded_proc = jnp.take(proc_table, prev_proc_codes, axis=0).sum(axis=1)
    # health_net = Linear(256->128) + Dropout (identity in eval)
    cur = jnp.concatenate([embedded_diag, embedded_proc], axis=1) @ W1.T + b1   # [B, 128]
    prev = jnp.concatenate([prev_embedded_diag, prev_embedded_proc], axis=1) @ W1.T + b1
    rep = jnp.concatenate([cur, prev], axis=1)                                  # [B, 256]
    # prescription_net = Linear(256->256) + ReLU + Linear(256->med_len) + Sigmoid
    h = jax.nn.relu(rep @ W2.T + b2)
    out = jax.nn.sigmoid(h @ W3.T + b3)                                          # [B, med_len]
    return out

if __name__ == "__main__":
    import jax
    _d = setup_inputs()
    print(jax.jit(kernel)(*tuple(_d.values())))

</pallas_src>

<mosaic_0001>
#map = affine_map<(d0, d1) -> (0, 0, 0, 0)>
#map1 = affine_map<(d0, d1) -> (0, 0)>
#map2 = affine_map<(d0, d1) -> (0, 0, 0)>
module attributes {stable_mosaic.version = 14 : i64} {
  func.func @pool_sc(%arg0: i32, %arg1: i32, %arg2: memref<32x8x50x128xi32, #tpu.memory_space<hbm>>, %arg3: memref<32x8x50x128xi32, #tpu.memory_space<hbm>>, %arg4: memref<100000x128xf32, #tpu.memory_space<hbm>>, %arg5: memref<100000x128xf32, #tpu.memory_space<hbm>>, %arg6: memref<4x16384x128xf32, #tpu.memory_space<hbm>>, %arg7: memref<2x50x128xi32, #tpu.memory_space<vmem>>, %arg8: memref<2x128x128xf32, #tpu.memory_space<vmem>>, %arg9: memref<!tpu.dma_semaphore, #tpu.memory_space<semaphore_mem>>, %arg10: memref<!tpu.dma_semaphore, #tpu.memory_space<semaphore_mem>>) attributes {dimension_semantics = [#tpu.dimension_semantics<core_parallel>, #tpu.dimension_semantics<subcore_parallel>], iteration_bounds = array<i64: 2, 16>, scalar_prefetch = 0 : i64, scratch_operands = 4 : i64, tpu.core_type = #tpu.core_type<sc_vector_subcore>, window_params = [{transform_indices = #map}, {transform_indices = #map}, {transform_indices = #map1}, {transform_indices = #map1}, {transform_indices = #map2}]} {
    %mul3A = arith.constant 2 : i32
    %mul3A_0 = arith.muli %arg1, %mul3A : i32
    %add3A = arith.addi %mul3A_0, %arg0 : i32
    %broadcast_in_dim3A = arith.constant 0.000000e+00 : f32
    %broadcast_in_dim3A_1 = vector.broadcast %broadcast_in_dim3A : f32 to vector<16xf32>
    %run_scoped3A = arith.constant 0 : i32
    %run_scoped3A_2 = arith.constant 0 : i32
    "tpu.region"() ({
      %run_scoped3A_480 = tpu.sem_alloc : memref<!tpu.dma_semaphore, #tpu.memory_space<semaphore_mem>>
      %dma_start3A = arith.constant 0 : i32
      %dma_start3A_481 = arith.constant 0 : i32
      %dma_start3A_482 = tpu.memref_slice %arg7[%run_scoped3A_2, %dma_start3A, %dma_start3A_481] : memref<2x50x128xi32, #tpu.memory_space<vmem>> -> memref<1x50x128xi32, #tpu.memory_space<vmem>>
      %dma_start3A_483 = tpu.memref_squeeze %dma_start3A_482 : memref<1x50x128xi32, #tpu.memory_space<vmem>> -> memref<50x128xi32, #tpu.memory_space<vmem>>
      %dma_start3A_484 = arith.constant 0 : i32
      %dma_start3A_485 = arith.constant 0 : i32
      %dma_start3A_486 = tpu.memref_slice %arg2[%add3A, %run_scoped3A, %dma_start3A_484, %dma_start3A_485] : memref<32x8x50x128xi32, #tpu.memory_space<hbm>> -> memref<1x1x50x128xi32, #tpu.memory_space<hbm>>
      %dma_start3A_487 = tpu.memref_squeeze %dma_start3A_486 : memref<1x1x50x128xi32, #tpu.memory_space<hbm>> -> memref<50x128xi32, #tpu.memory_space<hbm>>
      %dma_start3A_488 = arith.constant 0 : i32
      %dma_start3A_489 = arith.constant 0 : i32
      %dma_start3A_490 = tpu.memref_slice %arg7[%run_scoped3A_2, %dma_start3A_488, %dma_start3A_489] : memref<2x50x128xi32, #tpu.memory_space<vmem>> -> memref<1x50x128xi32, #tpu.memory_space<vmem>>
      %dma_start3A_491 = tpu.memref_squeeze %dma_start3A_490 : memref<1x50x128xi32, #tpu.memory_space<vmem>> -> memref<50x128xi32, #tpu.memory_space<vmem>>
      %dma_start3A_492 = arith.constant 0 : i32
      %dma_start3A_493 = arith.constant 0 : i32
      %dma_start3A_494 = tpu.memref_slice %arg2[%add3A, %run_scoped3A, %dma_start3A_492, %dma_start3A_493] : memref<32x8x50x128xi32, #tpu.memory_space<hbm>> -> memref<1x1x50x128xi32, #tpu.memory_space<hbm>>
      %dma_start3A_495 = tpu.memref_squeeze %dma_start3A_494 : memref<1x1x50x128xi32, #tpu.memory_space<hbm>> -> memref<50x128xi32, #tpu.memory_space<hbm>>
      tpu.enqueue_dma source(%dma_start3A_495 : memref<50x128xi32, #tpu.memory_space<hbm>>) target(%dma_start3A_491 : memref<50x128xi32, #tpu.memory_space<vmem>>) target_semaphore(%run_scoped3A_480 : memref<!tpu.dma_semaphore, #tpu.memory_space<semaphore_mem>>)
      %dma_wait3A = arith.constant 0 : i32
      %dma_wait3A_496 = arith.constant 0 : i32
      %dma_wait3A_497 = tpu.memref_slice %arg7[%run_scoped3A_2, %dma_wait3A, %dma_wait3A_496] : memref<2x50x128xi32, #tpu.memory_space<vmem>> -> memref<1x50x128xi32, #tpu.memory_space<vmem>>
      %dma_wait3A_498 = tpu.memref_squeeze %dma_wait3A_497 : memref<1x50x128xi32, #tpu.memory_space<vmem>> -> memref<50x128xi32, #tpu.memory_space<vmem>>
      %dma_wait3A_499 = arith.constant 0 : i32
      %dma_wait3A_500 = arith.constant 0 : i32
      %dma_wait3A_501 = tpu.memref_slice %arg2[%add3A, %run_scoped3A, %dma_wait3A_499, %dma_wait3A_500] : memref<32x8x50x128xi32, #tpu.memory_space<hbm>> -> memref<1x1x50x128xi32, #tpu.memory_space<hbm>>
      %dma_wait3A_502 = tpu.memref_squeeze %dma_wait3A_501 : memref<1x1x50x128xi32, #tpu.memory_space<hbm>> -> memref<50x128xi32, #tpu.memory_space<hbm>>
      %dma_wait3A_503 = arith.constant 0 : i32
      %dma_wait3A_504 = arith.constant 0 : i32
      %dma_wait3A_505 = tpu.memref_slice %arg7[%run_scoped3A_2, %dma_wait3A_503, %dma_wait3A_504] : memref<2x50x128xi32, #tpu.memory_space<vmem>> -> memref<1x50x128xi32, #tpu.memory_space<vmem>>
      %dma_wait3A_506 = tpu.memref_squeeze %dma_wait3A_505 : memref<1x50x128xi32, #tpu.memory_space<vmem>> -> memref<50x128xi32, #tpu.memory_space<vmem>>
      %dma_wait3A_507 = arith.constant 0 : i32
      %dma_wait3A_508 = arith.constant 0 : i32
      %dma_wait3A_509 = tpu.memref_slice %arg2[%add3A, %run_scoped3A, %dma_wait3A_507, %dma_wait3A_508] : memref<32x8x50x128xi32, #tpu.memory_space<hbm>> -> memref<1x1x50x128xi32, #tpu.memory_space<hbm>>
      %dma_wait3A_510 = tpu.memref_squeeze %dma_wait3A_509 : memref<1x1x50x128xi32, #tpu.memory_space<hbm>> -> memref<50x128xi32, #tpu.memory_space<hbm>>
      tpu.wait_dma2 semaphore(%run_scoped3A_480 : memref<!tpu.dma_semaphore, #tpu.memory_space<semaphore_mem>>) src(%dma_wait3A_510 : memref<50x128xi32, #tpu.memory_space<hbm>>) dst(%dma_wait3A_506 : memref<50x128xi32, #tpu.memory_space<vmem>>)
      tpu.yield
    }) : () -> ()
    %scan3A = arith.constant 0 : i32
    %scan3A_3 = arith.constant 0 : i32
    %scan3A_4 = arith.constant 128 : i32
    %scan3A_5 = arith.addi %scan3A_3, %scan3A_4 : i32
    %scan3A_6 = arith.constant 1 : i32
    scf.for %scan3A_480 = %scan3A_3 to %scan3A_5 step %scan3A_6  : i32 {
      %swap3A = arith.constant 0 : i32
      %swap3A_481 = arith.index_cast %swap3A : i32 to index
      %swap3A_482 = arith.index_cast %scan3A_480 : i32 to index
      %swap3A_483 = arith.constant 0 : index
      %swap3A_484 = tpu.vector_load %arg8[%swap3A_481, %swap3A_482, %swap3A_483] {strides = array<i32>} : memref<2x128x128xf32, #tpu.memory_space<vmem>>, vector<1x1x16xf32>,
      %swap3A_485 = vector.shape_cast %swap3A_484 : vector<1x1x16xf32> to vector<16xf32>
      %swap3A_486 = vector.shape_cast %broadcast_in_dim3A_1 : vector<16xf32> to vector<1x1x16xf32>
      tpu.vector_store %arg8[%swap3A_481, %swap3A_482, %swap3A_483], %swap3A_486 {strides = array<i32>} : memref<2x128x128xf32, #tpu.memory_space<vmem>>, vector<1x1x16xf32>,
      %swap3A_487 = arith.constant 0 : i32
      %swap3A_488 = arith.index_cast %swap3A_487 : i32 to index
      %swap3A_489 = arith.index_cast %scan3A_480 : i32 to index
      %swap3A_490 = arith.constant 16 : index
      %swap3A_491 = tpu.vector_load %arg8[%swap3A_488, %swap3A_489, %swap3A_490] {strides = array<i32>} : memref<2x128x128xf32, #tpu.memory_space<vmem>>, vector<1x1x16xf32>,
      %swap3A_492 = vector.shape_cast %swap3A_491 : vector<1x1x16xf32> to vector<16xf32>
      %swap3A_493 = vector.shape_cast %broadcast_in_dim3A_1 : vector<16xf32> to vector<1x1x16xf32>
      tpu.vector_store %arg8[%swap3A_488, %swap3A_489, %swap3A_490], %swap3A_493 {strides = array<i32>} : memref<2x128x128xf32, #tpu.memory_space<vmem>>, vector<1x1x16xf32>,
      %swap3A_494 = arith.constant 0 : i32
      %swap3A_495 = arith.index_cast %swap3A_494 : i32 to index
      %swap3A_496 = arith.index_cast %scan3A_480 : i32 to index
      %swap3A_497 = arith.constant 32 : index
      %swap3A_498 = tpu.vector_load %arg8[%swap3A_495, %swap3A_496, %swap3A_497] {strides = array<i32>} : memref<2x128x128xf32, #tpu.memory_space<vmem>>, vector<1x1x16xf32>,
      %swap3A_499 = vector.shape_cast %swap3A_498 : vector<1x1x16xf32> to vector<16xf32>
      %swap3A_500 = vector.shape_cast %broadcast_in_dim3A_1 : vector<16xf32> to vector<1x1x16xf32>
      tpu.vector_store %arg8[%swap3A_495, %swap3A_496, %swap3A_497], %swap3A_500 {strides = array<i32>} : memref<2x128x128xf32, #tpu.memory_space<vmem>>, vector<1x1x16xf32>,
      %swap3A_501 = arith.constant 0 : i32
      %swap3A_502 = arith.index_cast %swap3A_501 : i32 to index
      %swap3A_503 = arith.index_cast %scan3A_480 : i32 to index
      %swap3A_504 = arith.constant 48 : index
      %swap3A_505 = tpu.vector_load %arg8[%swap3A_502, %swap3A_503, %swap3A_504] {strides = array<i32>} : memref<2x128x128xf32, #tpu.memory_space<vmem>>, vector<1x1x16xf32>,
      %swap3A_506 = vector.shape_cast %swap3A_505 : vector<1x1x16xf32> to vector<16xf32>
      %swap3A_507 = vector.shape_cast %broadcast_in_dim3A_1 : vector<16xf32> to vector<1x1x16xf32>
      tpu.vector_store %arg8[%swap3A_502, %swap3A_503, %swap3A_504], %swap3A_507 {strides = array<i32>} : memref<2x128x128xf32, #tpu.memory_space<vmem>>, vector<1x1x16xf32>,
      %swap3A_508 = arith.constant 0 : i32
      %swap3A_509 = arith.index_cast %swap3A_508 : i32 to index
      %swap3A_510 = arith.index_cast %scan3A_480 : i32 to index
      %swap3A_511 = arith.constant 64 : index
      %swap3A_512 = tpu.vector_load %arg8[%swap3A_509, %swap3A_510, %swap3A_511] {strides = array<i32>} : memref<2x128x128xf32, #tpu.memory_space<vmem>>, vector<1x1x16xf32>,
      %swap3A_513 = vector.shape_cast %swap3A_512 : vector<1x1x16xf32> to vector<16xf32>
      %swap3A_514 = vector.shape_cast %broadcast_in_dim3A_1 : vector<16xf32> to vector<1x1x16xf32>
      tpu.vector_store %arg8[%swap3A_509, %swap3A_510, %swap3A_511], %swap3A_514 {strides = array<i32>} : memref<2x128x128xf32, #tpu.memory_space<vmem>>, vector<1x1x16xf32>,
      %swap3A_515 = arith.constant 0 : i32
      %swap3A_516 = arith.index_cast %swap3A_515 : i32 to index
      %swap3A_517 = arith.index_cast %scan3A_480 : i32 to index
      %swap3A_518 = arith.constant 80 : index
      %swap3A_519 = tpu.vector_load %arg8[%swap3A_516, %swap3A_517, %swap3A_518] {strides = array<i32>} : memref<2x128x128xf32, #tpu.memory_space<vmem>>, vector<1x1x16xf32>,
      %swap3A_520 = vector.shape_cast %swap3A_519 : vector<1x1x16xf32> to vector<16xf32>
      %swap3A_521 = vector.shape_cast %broadcast_in_dim3A_1 : vector<16xf32> to vector<1x1x16xf32>
      tpu.vector_store %arg8[%swap3A_516, %swap3A_517, %swap3A_518], %swap3A_521 {strides = array<i32>} : memref<2x128x128xf32, #tpu.memory_space<vmem>>, vector<1x1x16xf32>,
      %swap3A_522 = arith.constant 0 : i32
      %swap3A_523 = arith.index_cast %swap3A_522 : i32 to index
      %swap3A_524 = arith.index_cast %scan3A_480 : i32 to index
      %swap3A_525 = arith.constant 96 : index
      %swap3A_526 = tpu.vector_load %arg8[%swap3A_523, %swap3A_524, %swap3A_525] {strides = array<i32>} : memref<2x128x128xf32, #tpu.memory_space<vmem>>, vector<1x1x16xf32>,
      %swap3A_527 = vector.shape_cast %swap3A_526 : vector<1x1x16xf32> to vector<16xf32>
      %swap3A_528 = vector.shape_cast %broadcast_in_dim3A_1 : vector<16xf32> to vector<1x1x16xf32>
      tpu.vector_store %arg8[%swap3A_523, %swap3A_524, %swap3A_525], %swap3A_528 {strides = array<i32>} : memref<2x128x128xf32, #tpu.memory_space<vmem>>, vector<1x1x16xf32>,
      %swap3A_529 = arith.constant 0 : i32
      %swap3A_530 = arith.index_cast %swap3A_529 : i32 to index
      %swap3A_531 = arith.index_cast %scan3A_480 : i32 to index
      %swap3A_532 = arith.constant 112 : index
      %swap3A_533 = tpu.vector_load %arg8[%swap3A_530, %swap3A_531, %swap3A_532] {strides = array<i32>} : memref<2x128x128xf32, #tpu.memory_space<vmem>>, vector<1x1x16xf32>,
      %swap3A_534 = vector.shape_cast %swap3A_533 : vector<1x1x16xf32> to vector<16xf32>
      %swap3A_535 = vector.shape_cast %broadcast_in_dim3A_1 : vector<16xf32> to vector<1x1x16xf32>
      tpu.vector_store %arg8[%swap3A_530, %swap3A_531, %swap3A_532], %swap3A_535 {strides = array<i32>} : memref<2x128x128xf32, #tpu.memory_space<vmem>>, vector<1x1x16xf32>,
    }
    %scan3A_7 = arith.constant 128 : i32
    %scan3A_8 = arith.constant 0 : i32
    %scan3A_9 = arith.constant 0 : i32
    %scan3A_10 = arith.constant 0 : i32
    %scan3A_11 = arith.constant 0 : i32
    %scan3A_12 = arith.constant 50 : i32
    %scan3A_13 = arith.addi %scan3A_11, %scan3A_12 : i32
    %scan3A_14 = arith.constant 1 : i32
    scf.for %scan3A_480 = %scan3A_11 to %scan3A_13 step %scan3A_14  : i32 {
      %dma_start3A = arith.constant 0 : i32
      %dma_start3A_481 = arith.constant 0 : i32
      %dma_start3A_482 = tpu.memref_slice %arg8[%scan3A_10, %dma_start3A, %dma_start3A_481] : memref<2x128x128xf32, #tpu.memory_space<vmem>> -> memref<1x128x128xf32, #tpu.memory_space<vmem>>
      %dma_start3A_483 = tpu.memref_squeeze %dma_start3A_482 : memref<1x128x128xf32, #tpu.memory_space<vmem>> -> memref<128x128xf32, #tpu.memory_space<vmem>>
      %dma_start3A_484 = arith.constant 0 : i32
      %dma_start3A_485 = arith.constant 0 : i32
      %dma_start3A_486 = tpu.memref_slice %arg7[%scan3A_9, %dma_start3A_484, %dma_start3A_485] : memref<2x50x128xi32, #tpu.memory_space<vmem>> -> memref<1x50x128xi32, #tpu.memory_space<vmem>>
      %dma_start3A_487 = tpu.memref_squeeze %dma_start3A_486 : memref<1x50x128xi32, #tpu.memory_space<vmem>> -> memref<50x128xi32, #tpu.memory_space<vmem>>
      %dma_start3A_488 = arith.constant 0 : i32
      %dma_start3A_489 = tpu.memref_slice %dma_start3A_487[%scan3A_480, %dma_start3A_488] : memref<50x128xi32, #tpu.memory_space<vmem>> -> memref<1x128xi32, #tpu.memory_space<vmem>>
      %dma_start3A_490 = tpu.memref_squeeze %dma_start3A_489 : memref<1x128xi32, #tpu.memory_space<vmem>> -> memref<128xi32, #tpu.memory_space<vmem>>
      %dma_start3A_491 = arith.constant 0 : i32
      %dma_start3A_492 = arith.constant 0 : i32
      %dma_start3A_493 = tpu.memref_slice %arg4[%dma_start3A_491, %dma_start3A_492] : memref<100000x128xf32, #tpu.memory_space<hbm>> -> memref<100000x128xf32, #tpu.memory_space<hbm>>
      tpu.enqueue_indirect_dma source(%dma_start3A_493 : memref<100000x128xf32, #tpu.memory_space<hbm>>) target(%dma_start3A_483 : memref<128x128xf32, #tpu.memory_space<vmem>>) offsets(%dma_start3A_490 : memref<128xi32, #tpu.memory_space<vmem>>) semaphore(%arg9 : memref<!tpu.dma_semaphore, #tpu.memory_space<semaphore_mem>>) {add = true}
    }
    %scan3A_15 = arith.constant 50 : i32
    %run_scoped3A_16 = arith.constant 1 : i32
    %run_scoped3A_17 = arith.constant 1 : i32
    "tpu.region"() ({
      %run_scoped3A_480 = tpu.sem_alloc : memref<!tpu.dma_semaphore, #tpu.memory_space<semaphore_mem>>
      %dma_start3A = arith.constant 0 : i32
      %dma_start3A_481 = arith.constant 0 : i32
      %dma_start3A_482 = tpu.memref_slice %arg7[%run_scoped3A_17, %dma_start3A, %dma_start3A_481] : memref<2x50x128xi32, #tpu.memory_space<vmem>> -> memref<1x50x128xi32, #tpu.memory_space<vmem>>
      %dma_start3A_483 = tpu.memref_squeeze %dma_start3A_482 : memref<1x50x128xi32, #tpu.memory_space<vmem>> -> memref<50x128xi32, #tpu.memory_space<vmem>>
      %dma_start3A_484 = arith.constant 0 : i32
      %dma_start3A_485 = arith.constant 0 : i32
      %dma_start3A_486 = tpu.memref_slice %arg2[%add3A, %run_scoped3A_16, %dma_start3A_484, %dma_start3A_485] : memref<32x8x50x128xi32, #tpu.memory_space<hbm>> -> memref<1x1x50x128xi32, #tpu.memory_space<hbm>>
      %dma_start3A_487 = tpu.memref_squeeze %dma_start3A_486 : memref<1x1x50x128xi32, #tpu.memory_space<hbm>> -> memref<50x128xi32, #tpu.memory_space<hbm>>
      %dma_start3A_488 = arith.constant 0 : i32
      %dma_start3A_489 = arith.constant 0 : i32
      %dma_start3A_490 = tpu.memref_slice %arg7[%run_scoped3A_17, %dma_start3A_488, %dma_start3A_489] : memref<2x50x128xi32, #tpu.memory_space<vmem>> -> memref<1x50x128xi32, #tpu.memory_space<vmem>>
      %dma_start3A_491 = tpu.memref_squeeze %dma_start3A_490 : memref<1x50x128xi32, #tpu.memory_space<vmem>> -> memref<50x128xi32, #tpu.memory_space<vmem>>
      %dma_start3A_492 = arith.constant 0 : i32
      %dma_start3A_493 = arith.constant 0 : i32
      %dma_start3A_494 = tpu.memref_slice %arg2[%add3A, %run_scoped3A_16, %dma_start3A_492, %dma_start3A_493] : memref<32x8x50x128xi32, #tpu.memory_space<hbm>> -> memref<1x1x50x128xi32, #tpu.memory_space<hbm>>
      %dma_start3A_495 = tpu.memref_squeeze %dma_start3A_494 : memref<1x1x50x128xi32, #tpu.memory_space<hbm>> -> memref<50x128xi32, #tpu.memory_space<hbm>>
      tpu.enqueue_dma source(%dma_start3A_495 : memref<50x128xi32, #tpu.memory_space<hbm>>) target(%dma_start3A_491 : memref<50x128xi32, #tpu.memory_space<vmem>>) target_semaphore(%run_scoped3A_480 : memref<!tpu.dma_semaphore, #tpu.memory_space<semaphore_mem>>)
      %dma_wait3A = arith.constant 0 : i32
      %dma_wait3A_496 = arith.constant 0 : i32
      %dma_wait3A_497 = tpu.memref_slice %arg7[%run_scoped3A_17, %dma_wait3A, %dma_wait3A_496] : memref<2x50x128xi32, #tpu.memory_space<vmem>> -> memref<1x50x128xi32, #tpu.memory_space<vmem>>
      %dma_wait3A_498 = tpu.memref_squeeze %dma_wait3A_497 : memref<1x50x128xi32, #tpu.memory_space<vmem>> -> memref<50x128xi32, #tpu.memory_space<vmem>>
      %dma_wait3A_499 = arith.constant 0 : i32
      %dma_wait3A_500 = arith.constant 0 : i32
      %dma_wait3A_501 = tpu.memref_slice %arg2[%add3A, %run_scoped3A_16, %dma_wait3A_499, %dma_wait3A_500] : memref<32x8x50x128xi32, #tpu.memory_space<hbm>> -> memref<1x1x50x128xi32, #tpu.memory_space<hbm>>
      %dma_wait3A_502 = tpu.memref_squeeze %dma_wait3A_501 : memref<1x1x50x128xi32, #tpu.memory_space<hbm>> -> memref<50x128xi32, #tpu.memory_space<hbm>>
      %dma_wait3A_503 = arith.constant 0 : i32
      %dma_wait3A_504 = arith.constant 0 : i32
      %dma_wait3A_505 = tpu.memref_slice %arg7[%run_scoped3A_17, %dma_wait3A_503, %dma_wait3A_504] : memref<2x50x128xi32, #tpu.memory_space<vmem>> -> memref<1x50x128xi32, #tpu.memory_space<vmem>>
      %dma_wait3A_506 = tpu.memref_squeeze %dma_wait3A_505 : memref<1x50x128xi32, #tpu.memory_space<vmem>> -> memref<50x128xi32, #tpu.memory_space<vmem>>
      %dma_wait3A_507 = arith.constant 0 : i32
      %dma_wait3A_508 = arith.constant 0 : i32
      %dma_wait3A_509 = tpu.memref_slice %arg2[%add3A, %run_scoped3A_16, %dma_wait3A_507, %dma_wait3A_508] : memref<32x8x50x128xi32, #tpu.memory_space<hbm>> -> memref<1x1x50x128xi32, #tpu.memory_space<hbm>>
      %dma_wait3A_510 = tpu.memref_squeeze %dma_wait3A_509 : memref<1x1x50x128xi32, #tpu.memory_space<hbm>> -> memref<50x128xi32, #tpu.memory_space<hbm>>
      tpu.wait_dma2 semaphore(%run_scoped3A_480 : memref<!tpu.dma_semaphore, #tpu.memory_space<semaphore_mem>>) src(%dma_wait3A_510 : memref<50x128xi32, #tpu.memory_space<hbm>>) dst(%dma_wait3A_506 : memref<50x128xi32, #tpu.memory_space<vmem>>)
      tpu.yield
    }) : () -> ()
    %scan3A_18 = arith.constant 0 : i32
    %scan3A_19 = arith.constant 0 : i32
    %scan3A_20 = arith.constant 128 : i32
    %scan3A_21 = arith.addi %scan3A_19, %scan3A_20 : i32
    %scan3A_22 = arith.constant 1 : i32
    scf.for %scan3A_480 = %scan3A_19 to %scan3A_21 step %scan3A_22  : i32 {
      %swap3A = arith.constant 1 : i32
      %swap3A_481 = arith.index_cast %swap3A : i32 to index
      %swap3A_482 = arith.index_cast %scan3A_480 : i32 to index
      %swap3A_483 = arith.constant 0 : index
      %swap3A_484 = tpu.vector_load %arg8[%swap3A_481, %swap3A_482, %swap3A_483] {strides = array<i32>} : memref<2x128x128xf32, #tpu.memory_space<vmem>>, vector<1x1x16xf32>,
      %swap3A_485 = vector.shape_cast %swap3A_484 : vector<1x1x16xf32> to vector<16xf32>
      %swap3A_486 = vector.shape_cast %broadcast_in_dim3A_1 : vector<16xf32> to vector<1x1x16xf32>
      tpu.vector_store %arg8[%swap3A_481, %swap3A_482, %swap3A_483], %swap3A_486 {strides = array<i32>} : memref<2x128x128xf32, #tpu.memory_space<vmem>>, vector<1x1x16xf32>,
      %swap3A_487 = arith.constant 1 : i32
      %swap3A_488 = arith.index_cast %swap3A_487 : i32 to index
      %swap3A_489 = arith.index_cast %scan3A_480 : i32 to index
      %swap3A_490 = arith.constant 16 : index
      %swap3A_491 = tpu.vector_load %arg8[%swap3A_488, %swap3A_489, %swap3A_490] {strides = array<i32>} : memref<2x128x128xf32, #tpu.memory_space<vmem>>, vector<1x1x16xf32>,
      %swap3A_492 = vector.shape_cast %swap3A_491 : vector<1x1x16xf32> to vector<16xf32>
      %swap3A_493 = vector.shape_cast %broadcast_in_dim3A_1 : vector<16xf32> to vector<1x1x16xf32>
      tpu.vector_store %arg8[%swap3A_488, %swap3A_489, %swap3A_490], %swap3A_493 {strides = array<i32>} : memref<2x128x128xf32, #tpu.memory_space<vmem>>, vector<1x1x16xf32>,
      %swap3A_494 = arith.constant 1 : i32
      %swap3A_495 = arith.index_cast %swap3A_494 : i32 to index
      %swap3A_496 = arith.index_cast %scan3A_480 : i32 to index
      %swap3A_497 = arith.constant 32 : index
      %swap3A_498 = tpu.vector_load %arg8[%swap3A_495, %swap3A_496, %swap3A_497] {strides = array<i32>} : memref<2x128x128xf32, #tpu.memory_space<vmem>>, vector<1x1x16xf32>,
      %swap3A_499 = vector.shape_cast %swap3A_498 : vector<1x1x16xf32> to vector<16xf32>
      %swap3A_500 = vector.shape_cast %broadcast_in_dim3A_1 : vector<16xf32> to vector<1x1x16xf32>
      tpu.vector_store %arg8[%swap3A_495, %swap3A_496, %swap3A_497], %swap3A_500 {strides = array<i32>} : memref<2x128x128xf32, #tpu.memory_space<vmem>>, vector<1x1x16xf32>,
      %swap3A_501 = arith.constant 1 : i32
      %swap3A_502 = arith.index_cast %swap3A_501 : i32 to index
      %swap3A_503 = arith.index_cast %scan3A_480 : i32 to index
      %swap3A_504 = arith.constant 48 : index
      %swap3A_505 = tpu.vector_load %arg8[%swap3A_502, %swap3A_503, %swap3A_504] {strides = array<i32>} : memref<2x128x128xf32, #tpu.memory_space<vmem>>, vector<1x1x16xf32>,
      %swap3A_506 = vector.shape_cast %swap3A_505 : vector<1x1x16xf32> to vector<16xf32>
      %swap3A_507 = vector.shape_cast %broadcast_in_dim3A_1 : vector<16xf32> to vector<1x1x16xf32>
      tpu.vector_store %arg8[%swap3A_502, %swap3A_503, %swap3A_504], %swap3A_507 {strides = array<i32>} : memref<2x128x128xf32, #tpu.memory_space<vmem>>, vector<1x1x16xf32>,
      %swap3A_508 = arith.constant 1 : i32
      %swap3A_509 = arith.index_cast %swap3A_508 : i32 to index
      %swap3A_510 = arith.index_cast %scan3A_480 : i32 to index
      %swap3A_511 = arith.constant 64 : index
      %swap3A_512 = tpu.vector_load %arg8[%swap3A_509, %swap3A_510, %swap3A_511] {strides = array<i32>} : memref<2x128x128xf32, #tpu.memory_space<vmem>>, vector<1x1x16xf32>,
      %swap3A_513 = vector.shape_cast %swap3A_512 : vector<1x1x16xf32> to vector<16xf32>
      %swap3A_514 = vector.shape_cast %broadcast_in_dim3A_1 : vector<16xf32> to vector<1x1x16xf32>
      tpu.vector_store %arg8[%swap3A_509, %swap3A_510, %swap3A_511], %swap3A_514 {strides = array<i32>} : memref<2x128x128xf32, #tpu.memory_space<vmem>>, vector<1x1x16xf32>,
      %swap3A_515 = arith.constant 1 : i32
      %swap3A_516 = arith.index_cast %swap3A_515 : i32 to index
      %swap3A_517 = arith.index_cast %scan3A_480 : i32 to index
      %swap3A_518 = arith.constant 80 : index
      %swap3A_519 = tpu.vector_load %arg8[%swap3A_516, %swap3A_517, %swap3A_518] {strides = array<i32>} : memref<2x128x128xf32, #tpu.memory_space<vmem>>, vector<1x1x16xf32>,
      %swap3A_520 = vector.shape_cast %swap3A_519 : vector<1x1x16xf32> to vector<16xf32>
      %swap3A_521 = vector.shape_cast %broadcast_in_dim3A_1 : vector<16xf32> to vector<1x1x16xf32>
      tpu.vector_store %arg8[%swap3A_516, %swap3A_517, %swap3A_518], %swap3A_521 {strides = array<i32>} : memref<2x128x128xf32, #tpu.memory_space<vmem>>, vector<1x1x16xf32>,
      %swap3A_522 = arith.constant 1 : i32
      %swap3A_523 = arith.index_cast %swap3A_522 : i32 to index
      %swap3A_524 = arith.index_cast %scan3A_480 : i32 to index
      %swap3A_525 = arith.constant 96 : index
      %swap3A_526 = tpu.vector_load %arg8[%swap3A_523, %swap3A_524, %swap3A_525] {strides = array<i32>} : memref<2x128x128xf32, #tpu.memory_space<vmem>>, vector<1x1x16xf32>,
      %swap3A_527 = vector.shape_cast %swap3A_526 : vector<1x1x16xf32> to vector<16xf32>
      %swap3A_528 = vector.shape_cast %broadcast_in_dim3A_1 : vector<16xf32> to vector<1x1x16xf32>
      tpu.vector_store %arg8[%swap3A_523, %swap3A_524, %swap3A_525], %swap3A_528 {strides = array<i32>} : memref<2x128x128xf32, #tpu.memory_space<vmem>>, vector<1x1x16xf32>,
      %swap3A_529 = arith.constant 1 : i32
      %swap3A_530 = arith.index_cast %swap3A_529 : i32 to index
      %swap3A_531 = arith.index_cast %scan3A_480 : i32 to index
      %swap3A_532 = arith.constant 112 : index
      %swap3A_533 = tpu.vector_load %arg8[%swap3A_530, %swap3A_531, %swap3A_532] {strides = array<i32>} : memref<2x128x128xf32, #tpu.memory_space<vmem>>, vector<1x1x16xf32>,
      %swap3A_534 = vector.shape_cast %swap3A_533 : vector<1x1x16xf32> to vector<16xf32>
      %swap3A_535 = vector.shape_cast %broadcast_in_dim3A_1 : vector<16xf32> to vector<1x1x16xf32>
      tpu.vector_store %arg8[%swap3A_530, %swap3A_531, %swap3A_532], %swap3A_535 {strides = array<i32>} : memref<2x128x128xf32, #tpu.memory_space<vmem>>, vector<1x1x16xf32>,
    }
    %scan3A_23 = arith.constant 128 : i32
    %scan3A_24 = arith.constant 0 : i32
    %scan3A_25 = arith.constant 1 : i32
    %scan3A_26 = arith.constant 1 : i32
    %scan3A_27 = arith.constant 0 : i32
    %scan3A_28 = arith.constant 50 : i32
    %scan3A_29 = arith.addi %scan3A_27, %scan3A_28 : i32
    %scan3A_30 = arith.constant 1 : i32
    scf.for %scan3A_480 = %scan3A_27 to %scan3A_29 step %scan3A_30  : i32 {
      %dma_start3A = arith.constant 0 : i32
      %dma_start3A_481 = arith.constant 0 : i32
      %dma_start3A_482 = tpu.memref_slice %arg8[%scan3A_26, %dma_start3A, %dma_start3A_481] : memref<2x128x128xf32, #tpu.memory_space<vmem>> -> memref<1x128x128xf32, #tpu.memory_space<vmem>>
      %dma_start3A_483 = tpu.memref_squeeze %dma_start3A_482 : memref<1x128x128xf32, #tpu.memory_space<vmem>> -> memref<128x128xf32, #tpu.memory_space<vmem>>
      %dma_start3A_484 = arith.constant 0 : i32
      %dma_start3A_485 = arith.constant 0 : i32
      %dma_start3A_486 = tpu.memref_slice %arg7[%scan3A_25, %dma_start3A_484, %dma_start3A_485] : memref<2x50x128xi32, #tpu.memory_space<vmem>> -> memref<1x50x128xi32, #tpu.memory_space<vmem>>
      %dma_start3A_487 = tpu.memref_squeeze %dma_start3A_486 : memref<1x50x128xi32, #tpu.memory_space<vmem>> -> memref<50x128xi32, #tpu.memory_space<vmem>>
      %dma_start3A_488 = arith.constant 0 : i32
      %dma_start3A_489 = tpu.memref_slice %dma_start3A_487[%scan3A_480, %dma_start3A_488] : memref<50x128xi32, #tpu.memory_space<vmem>> -> memref<1x128xi32, #tpu.memory_space<vmem>>
      %dma_start3A_490 = tpu.memref_squeeze %dma_start3A_489 : memref<1x128xi32, #tpu.memory_space<vmem>> -> memref<128xi32, #tpu.memory_space<vmem>>
      %dma_start3A_491 = arith.constant 0 : i32
      %dma_start3A_492 = arith.constant 0 : i32
      %dma_start3A_493 = tpu.memref_slice %arg4[%dma_start3A_491, %dma_start3A_492] : memref<100000x128xf32, #tpu.memory_space<hbm>> -> memref<100000x128xf32, #tpu.memory_space<hbm>>
      tpu.enqueue_indirect_dma source(%dma_start3A_493 : memref<100000x128xf32, #tpu.memory_space<hbm>>) target(%dma_start3A_483 : memref<128x128xf32, #tpu.memory_space<vmem>>) offsets(%dma_start3A_490 : memref<128xi32, #tpu.memory_space<vmem>>) semaphore(%arg10 : memref<!tpu.dma_semaphore, #tpu.memory_space<semaphore_mem>>) {add = true}
    }
    %scan3A_31 = arith.constant 50 : i32
    %scan3A_32 = arith.constant 0 : i32
    %scan3A_33 = arith.constant 0 : i32
    %scan3A_34 = arith.constant 0 : i32
    %scan3A_35 = arith.constant 0 : i32
    %scan3A_36 = arith.constant 50 : i32
    %scan3A_37 = arith.addi %scan3A_35, %scan3A_36 : i32
    %scan3A_38 = arith.constant 1 : i32
    scf.for %scan3A_480 = %scan3A_35 to %scan3A_37 step %scan3A_38  : i32 {
      %dma_wait3A = arith.constant 0 : i32
      %dma_wait3A_481 = arith.constant 0 : i32
      %dma_wait3A_482 = arith.constant 0 : i32
      %dma_wait3A_483 = tpu.memref_slice %arg8[%scan3A_34, %dma_wait3A_481, %dma_wait3A_482] : memref<2x128x128xf32, #tpu.memory_space<vmem>> -> memref<1x128x128xf32, #tpu.memory_space<vmem>>
      %dma_wait3A_484 = tpu.memref_squeeze %dma_wait3A_483 : memref<1x128x128xf32, #tpu.memory_space<vmem>> -> memref<128x128xf32, #tpu.memory_space<vmem>>
      %dma_wait3A_485 = arith.constant 0 : i32
      %dma_wait3A_486 = arith.constant 0 : i32
      %dma_wait3A_487 = tpu.memref_slice %arg7[%scan3A_33, %dma_wait3A_485, %dma_wait3A_486] : memref<2x50x128xi32, #tpu.memory_space<vmem>> -> memref<1x50x128xi32, #tpu.memory_space<vmem>>
      %dma_wait3A_488 = tpu.memref_squeeze %dma_wait3A_487 : memref<1x50x128xi32, #tpu.memory_space<vmem>> -> memref<50x128xi32, #tpu.memory_space<vmem>>
      %dma_wait3A_489 = arith.constant 0 : i32
      %dma_wait3A_490 = tpu.memref_slice %dma_wait3A_488[%dma_wait3A, %dma_wait3A_489] : memref<50x128xi32, #tpu.memory_space<vmem>> -> memref<1x128xi32, #tpu.memory_space<vmem>>
      %dma_wait3A_491 = tpu.memref_squeeze %dma_wait3A_490 : memref<1x128xi32, #tpu.memory_space<vmem>> -> memref<128xi32, #tpu.memory_space<vmem>>
      %dma_wait3A_492 = arith.constant 0 : i32
      %dma_wait3A_493 = arith.constant 0 : i32
      %dma_wait3A_494 = tpu.memref_slice %arg4[%dma_wait3A_492, %dma_wait3A_493] : memref<100000x128xf32, #tpu.memory_space<hbm>> -> memref<100000x128xf32, #tpu.memory_space<hbm>>
      tpu.wait_indirect_dma semaphore(%arg9 : memref<!tpu.dma_semaphore, #tpu.memory_space<semaphore_mem>>) src(%dma_wait3A_494 : memref<100000x128xf32, #tpu.memory_space<hbm>>) dst(%dma_wait3A_484 : memref<128x128xf32, #tpu.memory_space<vmem>>)
    }
    %scan3A_39 = arith.constant 50 : i32
    %mul3A_40 = arith.constant 512 : i32
    %mul3A_41 = arith.muli %add3A, %mul3A_40 : i32
    %add3A_42 = arith.constant 0 : i32
    %add3A_43 = arith.addi %mul3A_41, %add3A_42 : i32
    %run_scoped3A_44 = arith.constant 0 : i32
    %run_scoped3A_45 = arith.constant 0 : i32
    "tpu.region"() ({
      %run_scoped3A_480 = tpu.sem_alloc : memref<!tpu.dma_semaphore, #tpu.memory_space<semaphore_mem>>
      %dma_start3A = arith.constant 0 : i32
      %dma_start3A_481 = arith.constant 0 : i32
      %dma_start3A_482 = tpu.memref_slice %arg8[%run_scoped3A_44, %dma_start3A, %dma_start3A_481] : memref<2x128x128xf32, #tpu.memory_space<vmem>> -> memref<1x128x128xf32, #tpu.memory_space<vmem>>
      %dma_start3A_483 = tpu.memref_squeeze %dma_start3A_482 : memref<1x128x128xf32, #tpu.memory_space<vmem>> -> memref<128x128xf32, #tpu.memory_space<vmem>>
      %dma_start3A_484 = arith.constant 0 : i32
      %dma_start3A_485 = tpu.memref_slice %arg6[%run_scoped3A_45, %add3A_43, %dma_start3A_484] : memref<4x16384x128xf32, #tpu.memory_space<hbm>> -> memref<1x128x128xf32, #tpu.memory_space<hbm>>
      %dma_start3A_486 = tpu.memref_squeeze %dma_start3A_485 : memref<1x128x128xf32, #tpu.memory_space<hbm>> -> memref<128x128xf32, #tpu.memory_space<hbm>>
      %dma_start3A_487 = arith.constant 0 : i32
      %dma_start3A_488 = tpu.memref_slice %arg6[%run_scoped3A_45, %add3A_43, %dma_start3A_487] : memref<4x16384x128xf32, #tpu.memory_space<hbm>> -> memref<1x128x128xf32, #tpu.memory_space<hbm>>
      %dma_start3A_489 = tpu.memref_squeeze %dma_start3A_488 : memref<1x128x128xf32, #tpu.memory_space<hbm>> -> memref<128x128xf32, #tpu.memory_space<hbm>>
      %dma_start3A_490 = arith.constant 0 : i32
      %dma_start3A_491 = arith.constant 0 : i32
      %dma_start3A_492 = tpu.memref_slice %arg8[%run_scoped3A_44, %dma_start3A_490, %dma_start3A_491] : memref<2x128x128xf32, #tpu.memory_space<vmem>> -> memref<1x128x128xf32, #tpu.memory_space<vmem>>
      %dma_start3A_493 = tpu.memref_squeeze %dma_start3A_492 : memref<1x128x128xf32, #tpu.memory_space<vmem>> -> memref<128x128xf32, #tpu.memory_space<vmem>>
      tpu.enqueue_dma source(%dma_start3A_493 : memref<128x128xf32, #tpu.memory_space<vmem>>) target(%dma_start3A_489 : memref<128x128xf32, #tpu.memory_space<hbm>>) target_semaphore(%run_scoped3A_480 : memref<!tpu.dma_semaphore, #tpu.memory_space<semaphore_mem>>)
      %dma_wait3A = arith.constant 0 : i32
      %dma_wait3A_494 = arith.constant 0 : i32
      %dma_wait3A_495 = tpu.memref_slice %arg8[%run_scoped3A_44, %dma_wait3A, %dma_wait3A_494] : memref<2x128x128xf32, #tpu.memory_space<vmem>> -> memref<1x128x128xf32, #tpu.memory_space<vmem>>
      %dma_wait3A_496 = tpu.memref_squeeze %dma_wait3A_495 : memref<1x128x128xf32, #tpu.memory_space<vmem>> -> memref<128x128xf32, #tpu.memory_space<vmem>>
      %dma_wait3A_497 = arith.constant 0 : i32
      %dma_wait3A_498 = tpu.memref_slice %arg6[%run_scoped3A_45, %add3A_43, %dma_wait3A_497] : memref<4x16384x128xf32, #tpu.memory_space<hbm>> -> memref<1x128x128xf32, #tpu.memory_space<hbm>>
      %dma_wait3A_499 = tpu.memref_squeeze %dma_wait3A_498 : memref<1x128x128xf32, #tpu.memory_space<hbm>> -> memref<128x128xf32, #tpu.memory_space<hbm>>
      %dma_wait3A_500 = arith.constant 0 : i32
      %dma_wait3A_501 = tpu.memref_slice %arg6[%run_scoped3A_45, %add3A_43, %dma_wait3A_500] : memref<4x16384x128xf32, #tpu.memory_space<hbm>> -> memref<1x128x128xf32, #tpu.memory_space<hbm>>
      %dma_wait3A_502 = tpu.memref_squeeze %dma_wait3A_501 : memref<1x128x128xf32, #tpu.memory_space<hbm>> -> memref<128x128xf32, #tpu.memory_space<hbm>>
      %dma_wait3A_503 = arith.constant 0 : i32
      %dma_wait3A_504 = arith.constant 0 : i32
      %dma_wait3A_505 = tpu.memref_slice %arg8[%run_scoped3A_44, %dma_wait3A_503, %dma_wait3A_504] : memref<2x128x128xf32, #tpu.memory_space<vmem>> -> memref<1x128x128xf32, #tpu.memory_space<vmem>>
      %dma_wait3A_506 = tpu.memref_squeeze %dma_wait3A_505 : memref<1x128x128xf32, #tpu.memory_space<vmem>> -> memref<128x128xf32, #tpu.memory_space<vmem>>
      tpu.wait_dma2 semaphore(%run_scoped3A_480 : memref<!tpu.dma_semaphore, #tpu.memory_space<semaphore_mem>>) src(%dma_wait3A_506 : memref<128x128xf32, #tpu.memory_space<vmem>>) dst(%dma_wait3A_502 : memref<128x128xf32, #tpu.memory_space<hbm>>)
      tpu.yield
    }) : () -> ()
    %run_scoped3A_46 = arith.constant 2 : i32
    %run_scoped3A_47 = arith.constant 0 : i32
    "tpu.region"() ({
      %run_scoped3A_480 = tpu.sem_alloc : memref<!tpu.dma_semaphore, #tpu.memory_space<semaphore_mem>>
      %dma_start3A = arith.constant 0 : i32
      %dma_start3A_481 = arith.constant 0 : i32
      %dma_start3A_482 = tpu.memref_slice %arg7[%run_scoped3A_47, %dma_start3A, %dma_start3A_481] : memref<2x50x128xi32, #tpu.memory_space<vmem>> -> memref<1x50x128xi32, #tpu.memory_space<vmem>>
      %dma_start3A_483 = tpu.memref_squeeze %dma_start3A_482 : memref<1x50x128xi32, #tpu.memory_space<vmem>> -> memref<50x128xi32, #tpu.memory_space<vmem>>
      %dma_start3A_484 = arith.constant 0 : i32
      %dma_start3A_485 = arith.constant 0 : i32
      %dma_start3A_486 = tpu.memref_slice %arg2[%add3A, %run_scoped3A_46, %dma_start3A_484, %dma_start3A_485] : memref<32x8x50x128xi32, #tpu.memory_space<hbm>> -> memref<1x1x50x128xi32, #tpu.memory_space<hbm>>
      %dma_start3A_487 = tpu.memref_squeeze %dma_start3A_486 : memref<1x1x50x128xi32, #tpu.memory_space<hbm>> -> memref<50x128xi32, #tpu.memory_space<hbm>>
      %dma_start3A_488 = arith.constant 0 : i32
      %dma_start3A_489 = arith.constant 0 : i32
      %dma_start3A_490 = tpu.memref_slice %arg7[%run_scoped3A_47, %dma_start3A_488, %dma_start3A_489] : memref<2x50x128xi32, #tpu.memory_space<vmem>> -> memref<1x50x128xi32, #tpu.memory_space<vmem>>
      %dma_start3A_491 = tpu.memref_squeeze %dma_start3A_490 : memref<1x50x128xi32, #tpu.memory_space<vmem>> -> memref<50x128xi32, #tpu.memory_space<vmem>>
      %dma_start3A_492 = arith.constant 0 : i32
      %dma_start3A_493 = arith.constant 0 : i32
      %dma_start3A_494 = tpu.memref_slice %arg2[%add3A, %run_scoped3A_46, %dma_start3A_492, %dma_start3A_493] : memref<32x8x50x128xi32, #tpu.memory_space<hbm>> -> memref<1x1x50x128xi32, #tpu.memory_space<hbm>>
      %dma_start3A_495 = tpu.memref_squeeze %dma_start3A_494 : memref<1x1x50x128xi32, #tpu.memory_space<hbm>> -> memref<50x128xi32, #tpu.memory_space<hbm>>
      tpu.enqueue_dma source(%dma_start3A_495 : memref<50x128xi32, #tpu.memory_space<hbm>>) target(%dma_start3A_491 : memref<50x128xi32, #tpu.memory_space<vmem>>) target_semaphore(%run_scoped3A_480 : memref<!tpu.dma_semaphore, #tpu.memory_space<semaphore_mem>>)
      %dma_wait3A = arith.constant 0 : i32
      %dma_wait3A_496 = arith.constant 0 : i32
      %dma_wait3A_497 = tpu.memref_slice %arg7[%run_scoped3A_47, %dma_wait3A, %dma_wait3A_496] : memref<2x50x128xi32, #tpu.memory_space<vmem>> -> memref<1x50x128xi32, #tpu.memory_space<vmem>>
      %dma_wait3A_498 = tpu.memref_squeeze %dma_wait3A_497 : memref<1x50x128xi32, #tpu.memory_space<vmem>> -> memref<50x128xi32, #tpu.memory_space<vmem>>
      %dma_wait3A_499 = arith.constant 0 : i32
      %dma_wait3A_500 = arith.constant 0 : i32
      %dma_wait3A_501 = tpu.memref_slice %arg2[%add3A, %run_scoped3A_46, %dma_wait3A_499, %dma_wait3A_500] : memref<32x8x50x128xi32, #tpu.memory_space<hbm>> -> memref<1x1x50x128xi32, #tpu.memory_space<hbm>>
      %dma_wait3A_502 = tpu.memref_squeeze %dma_wait3A_501 : memref<1x1x50x128xi32, #tpu.memory_space<hbm>> -> memref<50x128xi32, #tpu.memory_space<hbm>>
      %dma_wait3A_503 = arith.constant 0 : i32
      %dma_wait3A_504 = arith.constant 0 : i32
      %dma_wait3A_505 = tpu.memref_slice %arg7[%run_scoped3A_47, %dma_wait3A_503, %dma_wait3A_504] : memref<2x50x128xi32, #tpu.memory_space<vmem>> -> memref<1x50x128xi32, #tpu.memory_space<vmem>>
      %dma_wait3A_506 = tpu.memref_squeeze %dma_wait3A_505 : memref<1x50x128xi32, #tpu.memory_space<vmem>> -> memref<50x128xi32, #tpu.memory_space<vmem>>
      %dma_wait3A_507 = arith.constant 0 : i32
      %dma_wait3A_508 = arith.constant 0 : i32
      %dma_wait3A_509 = tpu.memref_slice %arg2[%add3A, %run_scoped3A_46, %dma_wait3A_507, %dma_wait3A_508] : memref<32x8x50x128xi32, #tpu.memory_space<hbm>> -> memref<1x1x50x128xi32, #tpu.memory_space<hbm>>
      %dma_wait3A_510 = tpu.memref_squeeze %dma_wait3A_509 : memref<1x1x50x128xi32, #tpu.memory_space<hbm>> -> memref<50x128xi32, #tpu.memory_space<hbm>>
      tpu.wait_dma2 semaphore(%run_scoped3A_480 : memref<!tpu.dma_semaphore, #tpu.memory_space<semaphore_mem>>) src(%dma_wait3A_510 : memref<50x128xi32, #tpu.memory_space<hbm>>) dst(%dma_wait3A_506 : memref<50x128xi32, #tpu.memory_space<vmem>>)
      tpu.yield
    }) : () -> ()
    %scan3A_48 = arith.constant 0 : i32
    %scan3A_49 = arith.constant 0 : i32
    %scan3A_50 = arith.constant 128 : i32
    %scan3A_51 = arith.addi %scan3A_49, %scan3A_50 : i32
    %scan3A_52 = arith.constant 1 : i32
    scf.for %scan3A_480 = %scan3A_49 to %scan3A_51 step %scan3A_52  : i32 {
      %swap3A = arith.constant 0 : i32
      %swap3A_481 = arith.index_cast %swap3A : i32 to index
      %swap3A_482 = arith.index_cast %scan3A_480 : i32 to index
      %swap3A_483 = arith.constant 0 : index
      %swap3A_484 = tpu.vector_load %arg8[%swap3A_481, %swap3A_482, %swap3A_483] {strides = array<i32>} : memref<2x128x128xf32, #tpu.memory_space<vmem>>, vector<1x1x16xf32>,
      %swap3A_485 = vector.shape_cast %swap3A_484 : vector<1x1x16xf32> to vector<16xf32>
      %swap3A_486 = vector.shape_cast %broadcast_in_dim3A_1 : vector<16xf32> to vector<1x1x16xf32>
      tpu.vector_store %arg8[%swap3A_481, %swap3A_482, %swap3A_483], %swap3A_486 {strides = array<i32>} : memref<2x128x128xf32, #tpu.memory_space<vmem>>, vector<1x1x16xf32>,
      %swap3A_487 = arith.constant 0 : i32
      %swap3A_488 = arith.index_cast %swap3A_487 : i32 to index
      %swap3A_489 = arith.index_cast %scan3A_480 : i32 to index
      %swap3A_490 = arith.constant 16 : index
      %swap3A_491 = tpu.vector_load %arg8[%swap3A_488, %swap3A_489, %swap3A_490] {strides = array<i32>} : memref<2x128x128xf32, #tpu.memory_space<vmem>>, vector<1x1x16xf32>,
      %swap3A_492 = vector.shape_cast %swap3A_491 : vector<1x1x16xf32> to vector<16xf32>
      %swap3A_493 = vector.shape_cast %broadcast_in_dim3A_1 : vector<16xf32> to vector<1x1x16xf32>
      tpu.vector_store %arg8[%swap3A_488, %swap3A_489, %swap3A_490], %swap3A_493 {strides = array<i32>} : memref<2x128x128xf32, #tpu.memory_space<vmem>>, vector<1x1x16xf32>,
      %swap3A_494 = arith.constant 0 : i32
      %swap3A_495 = arith.index_cast %swap3A_494 : i32 to index
      %swap3A_496 = arith.index_cast %scan3A_480 : i32 to index
      %swap3A_497 = arith.constant 32 : index
      %swap3A_498 = tpu.vector_load %arg8[%swap3A_495, %swap3A_496, %swap3A_497] {strides = array<i32>} : memref<2x128x128xf32, #tpu.memory_space<vmem>>, vector<1x1x16xf32>,
      %swap3A_499 = vector.shape_cast %swap3A_498 : vector<1x1x16xf32> to vector<16xf32>
      %swap3A_500 = vector.shape_cast %broadcast_in_dim3A_1 : vector<16xf32> to vector<1x1x16xf32>
      tpu.vector_store %arg8[%swap3A_495, %swap3A_496, %swap3A_497], %swap3A_500 {strides = array<i32>} : memref<2x128x128xf32, #tpu.memory_space<vmem>>, vector<1x1x16xf32>,
      %swap3A_501 = arith.constant 0 : i32
      %swap3A_502 = arith.index_cast %swap3A_501 : i32 to index
      %swap3A_503 = arith.index_cast %scan3A_480 : i32 to index
      %swap3A_504 = arith.constant 48 : index
      %swap3A_505 = tpu.vector_load %arg8[%swap3A_502, %swap3A_503, %swap3A_504] {strides = array<i32>} : memref<2x128x128xf32, #tpu.memory_space<vmem>>, vector<1x1x16xf32>,
      %swap3A_506 = vector.shape_cast %swap3A_505 : vector<1x1x16xf32> to vector<16xf32>
      %swap3A_507 = vector.shape_cast %broadcast_in_dim3A_1 : vector<16xf32> to vector<1x1x16xf32>
      tpu.vector_store %arg8[%swap3A_502, %swap3A_503, %swap3A_504], %swap3A_507 {strides = array<i32>} : memref<2x128x128xf32, #tpu.memory_space<vmem>>, vector<1x1x16xf32>,
      %swap3A_508 = arith.constant 0 : i32
      %swap3A_509 = arith.index_cast %swap3A_508 : i32 to index
      %swap3A_510 = arith.index_cast %scan3A_480 : i32 to index
      %swap3A_511 = arith.constant 64 : index
      %swap3A_512 = tpu.vector_load %arg8[%swap3A_509, %swap3A_510, %swap3A_511] {strides = array<i32>} : memref<2x128x128xf32, #tpu.memory_space<vmem>>, vector<1x1x16xf32>,
      %swap3A_513 = vector.shape_cast %swap3A_512 : vector<1x1x16xf32> to vector<16xf32>
      %swap3A_514 = vector.shape_cast %broadcast_in_dim3A_1 : vector<16xf32> to vector<1x1x16xf32>
      tpu.vector_store %arg8[%swap3A_509, %swap3A_510, %swap3A_511], %swap3A_514 {strides = array<i32>} : memref<2x128x128xf32, #tpu.memory_space<vmem>>, vector<1x1x16xf32>,
      %swap3A_515 = arith.constant 0 : i32
      %swap3A_516 = arith.index_cast %swap3A_515 : i32 to index
      %swap3A_517 = arith.index_cast %scan3A_480 : i32 to index
      %swap3A_518 = arith.constant 80 : index
      %swap3A_519 = tpu.vector_load %arg8[%swap3A_516, %swap3A_517, %swap3A_518] {strides = array<i32>} : memref<2x128x128xf32, #tpu.memory_space<vmem>>, vector<1x1x16xf32>,
      %swap3A_520 = vector.shape_cast %swap3A_519 : vector<1x1x16xf32> to vector<16xf32>
      %swap3A_521 = vector.shape_cast %broadcast_in_dim3A_1 : vector<16xf32> to vector<1x1x16xf32>
      tpu.vector_store %arg8[%swap3A_516, %swap3A_517, %swap3A_518], %swap3A_521 {strides = array<i32>} : memref<2x128x128xf32, #tpu.memory_space<vmem>>, vector<1x1x16xf32>,
      %swap3A_522 = arith.constant 0 : i32
      %swap3A_523 = arith.index_cast %swap3A_522 : i32 to index
      %swap3A_524 = arith.index_cast %scan3A_480 : i32 to index
      %swap3A_525 = arith.constant 96 : index
      %swap3A_526 = tpu.vector_load %arg8[%swap3A_523, %swap3A_524, %swap3A_525] {strides = array<i32>} : memref<2x128x128xf32, #tpu.memory_space<vmem>>, vector<1x1x16xf32>,
      %swap3A_527 = vector.shape_cast %swap3A_526 : vector<1x1x16xf32> to vector<16xf32>
      %swap3A_528 = vector.shape_cast %broadcast_in_dim3A_1 : vector<16xf32> to vector<1x1x16xf32>
      tpu.vector_store %arg8[%swap3A_523, %swap3A_524, %swap3A_525], %swap3A_528 {strides = array<i32>} : memref<2x128x128xf32, #tpu.memory_space<vmem>>, vector<1x1x16xf32>,
      %swap3A_529 = arith.constant 0 : i32
      %swap3A_530 = arith.index_cast %swap3A_529 : i32 to index
      %swap3A_531 = arith.index_cast %scan3A_480 : i32 to index
      %swap3A_532 = arith.constant 112 : index
      %swap3A_533 = tpu.vector_load %arg8[%swap3A_530, %swap3A_531, %swap3A_532] {strides = array<i32>} : memref<2x128x128xf32, #tpu.memory_space<vmem>>, vector<1x1x16xf32>,
      %swap3A_534 = vector.shape_cast %swap3A_533 : vector<1x1x16xf32> to vector<16xf32>
      %swap3A_535 = vector.shape_cast %broadcast_in_dim3A_1 : vector<16xf32> to vector<1x1x16xf32>
      tpu.vector_store %arg8[%swap3A_530, %swap3A_531, %swap3A_532], %swap3A_535 {strides = array<i32>} : memref<2x128x128xf32, #tpu.memory_space<vmem>>, vector<1x1x16xf32>,
    }
    %scan3A_53 = arith.constant 128 : i32
    %scan3A_54 = arith.constant 0 : i32
    %scan3A_55 = arith.constant 0 : i32
    %scan3A_56 = arith.constant 0 : i32
    %scan3A_57 = arith.constant 0 : i32
    %scan3A_58 = arith.constant 50 : i32
    %scan3A_59 = arith.addi %scan3A_57, %scan3A_58 : i32
    %scan3A_60 = arith.constant 1 : i32
    scf.for %scan3A_480 = %scan3A_57 to %scan3A_59 step %scan3A_60  : i32 {
      %dma_start3A = arith.constant 0 : i32
      %dma_start3A_481 = arith.constant 0 : i32
      %dma_start3A_482 = tpu.memref_slice %arg8[%scan3A_56, %dma_start3A, %dma_start3A_481] : memref<2x128x128xf32, #tpu.memory_space<vmem>> -> memref<1x128x128xf32, #tpu.memory_space<vmem>>
      %dma_start3A_483 = tpu.memref_squeeze %dma_start3A_482 : memref<1x128x128xf32, #tpu.memory_space<vmem>> -> memref<128x128xf32, #tpu.memory_space<vmem>>
      %dma_start3A_484 = arith.constant 0 : i32
      %dma_start3A_485 = arith.constant 0 : i32
      %dma_start3A_486 = tpu.memref_slice %arg7[%scan3A_55, %dma_start3A_484, %dma_start3A_485] : memref<2x50x128xi32, #tpu.memory_space<vmem>> -> memref<1x50x128xi32, #tpu.memory_space<vmem>>
      %dma_start3A_487 = tpu.memref_squeeze %dma_start3A_486 : memref<1x50x128xi32, #tpu.memory_space<vmem>> -> memref<50x128xi32, #tpu.memory_space<vmem>>
      %dma_start3A_488 = arith.constant 0 : i32
      %dma_start3A_489 = tpu.memref_slice %dma_start3A_487[%scan3A_480, %dma_start3A_488] : memref<50x128xi32, #tpu.memory_space<vmem>> -> memref<1x128xi32, #tpu.memory_space<vmem>>
      %dma_start3A_490 = tpu.memref_squeeze %dma_start3A_489 : memref<1x128xi32, #tpu.memory_space<vmem>> -> memref<128xi32, #tpu.memory_space<vmem>>
      %dma_start3A_491 = arith.constant 0 : i32
      %dma_start3A_492 = arith.constant 0 : i32
      %dma_start3A_493 = tpu.memref_slice %arg4[%dma_start3A_491, %dma_start3A_492] : memref<100000x128xf32, #tpu.memory_space<hbm>> -> memref<100000x128xf32, #tpu.memory_space<hbm>>
      tpu.enqueue_indirect_dma source(%dma_start3A_493 : memref<100000x128xf32, #tpu.memory_space<hbm>>) target(%dma_start3A_483 : memref<128x128xf32, #tpu.memory_space<vmem>>) offsets(%dma_start3A_490 : memref<128xi32, #tpu.memory_space<vmem>>) semaphore(%arg9 : memref<!tpu.dma_semaphore, #tpu.memory_space<semaphore_mem>>) {add = true}
    }
    %scan3A_61 = arith.constant 50 : i32
    %scan3A_62 = arith.constant 0 : i32
    %scan3A_63 = arith.constant 1 : i32
    %scan3A_64 = arith.constant 1 : i32
    %scan3A_65 = arith.constant 0 : i32
    %scan3A_66 = arith.constant 50 : i32
    %scan3A_67 = arith.addi %scan3A_65, %scan3A_66 : i32
    %scan3A_68 = arith.constant 1 : i32
    scf.for %scan3A_480 = %scan3A_65 to %scan3A_67 step %scan3A_68  : i32 {
      %dma_wait3A = arith.constant 0 : i32
      %dma_wait3A_481 = arith.constant 0 : i32
      %dma_wait3A_482 = arith.constant 0 : i32
      %dma_wait3A_483 = tpu.memref_slice %arg8[%scan3A_64, %dma_wait3A_481, %dma_wait3A_482] : memref<2x128x128xf32, #tpu.memory_space<vmem>> -> memref<1x128x128xf32, #tpu.memory_space<vmem>>
      %dma_wait3A_484 = tpu.memref_squeeze %dma_wait3A_483 : memref<1x128x128xf32, #tpu.memory_space<vmem>> -> memref<128x128xf32, #tpu.memory_space<vmem>>
      %dma_wait3A_485 = arith.constant 0 : i32
      %dma_wait3A_486 = arith.constant 0 : i32
      %dma_wait3A_487 = tpu.memref_slice %arg7[%scan3A_63, %dma_wait3A_485, %dma_wait3A_486] : memref<2x50x128xi32, #tpu.memory_space<vmem>> -> memref<1x50x128xi32, #tpu.memory_space<vmem>>
      %dma_wait3A_488 = tpu.memref_squeeze %dma_wait3A_487 : memref<1x50x128xi32, #tpu.memory_space<vmem>> -> memref<50x128xi32, #tpu.memory_space<vmem>>
      %dma_wait3A_489 = arith.constant 0 : i32
      %dma_wait3A_490 = tpu.memref_slice %dma_wait3A_488[%dma_wait3A, %dma_wait3A_489] : memref<50x128xi32, #tpu.memory_space<vmem>> -> memref<1x128xi32, #tpu.memory_space<vmem>>
      %dma_wait3A_491 = tpu.memref_squeeze %dma_wait3A_490 : memref<1x128xi32, #tpu.memory_space<vmem>> -> memref<128xi32, #tpu.memory_space<vmem>>
      %dma_wait3A_492 = arith.constant 0 : i32
      %dma_wait3A_493 = arith.constant 0 : i32
      %dma_wait3A_494 = tpu.memref_slice %arg4[%dma_wait3A_492, %dma_wait3A_493] : memref<100000x128xf32, #tpu.memory_space<hbm>> -> memref<100000x128xf32, #tpu.memory_space<hbm>>
      tpu.wait_indirect_dma semaphore(%arg10 : memref<!tpu.dma_semaphore, #tpu.memory_space<semaphore_mem>>) src(%dma_wait3A_494 : memref<100000x128xf32, #tpu.memory_space<hbm>>) dst(%dma_wait3A_484 : memref<128x128xf32, #tpu.memory_space<vmem>>)
    }
    %scan3A_69 = arith.constant 50 : i32
    %mul3A_70 = arith.constant 512 : i32
    %mul3A_71 = arith.muli %add3A, %mul3A_70 : i32
    %add3A_72 = arith.constant 128 : i32
    %add3A_73 = arith.addi %mul3A_71, %add3A_72 : i32
    %run_scoped3A_74 = arith.constant 1 : i32
    %run_scoped3A_75 = arith.constant 0 : i32
    "tpu.region"() ({
      %run_scoped3A_480 = tpu.sem_alloc : memref<!tpu.dma_semaphore, #tpu.memory_space<semaphore_mem>>
      %dma_start3A = arith.constant 0 : i32
      %dma_start3A_481 = arith.constant 0 : i32
      %dma_start3A_482 = tpu.memref_slice %arg8[%run_scoped3A_74, %dma_start3A, %dma_start3A_481] : memref<2x128x128xf32, #tpu.memory_space<vmem>> -> memref<1x128x128xf32, #tpu.memory_space<vmem>>
      %dma_start3A_483 = tpu.memref_squeeze %dma_start3A_482 : memref<1x128x128xf32, #tpu.memory_space<vmem>> -> memref<128x128xf32, #tpu.memory_space<vmem>>
      %dma_start3A_484 = arith.constant 0 : i32
      %dma_start3A_485 = tpu.memref_slice %arg6[%run_scoped3A_75, %add3A_73, %dma_start3A_484] : memref<4x16384x128xf32, #tpu.memory_space<hbm>> -> memref<1x128x128xf32, #tpu.memory_space<hbm>>
      %dma_start3A_486 = tpu.memref_squeeze %dma_start3A_485 : memref<1x128x128xf32, #tpu.memory_space<hbm>> -> memref<128x128xf32, #tpu.memory_space<hbm>>
      %dma_start3A_487 = arith.constant 0 : i32
      %dma_start3A_488 = tpu.memref_slice %arg6[%run_scoped3A_75, %add3A_73, %dma_start3A_487] : memref<4x16384x128xf32, #tpu.memory_space<hbm>> -> memref<1x128x128xf32, #tpu.memory_space<hbm>>
      %dma_start3A_489 = tpu.memref_squeeze %dma_start3A_488 : memref<1x128x128xf32, #tpu.memory_space<hbm>> -> memref<128x128xf32, #tpu.memory_space<hbm>>
      %dma_start3A_490 = arith.constant 0 : i32
      %dma_start3A_491 = arith.constant 0 : i32
      %dma_start3A_492 = tpu.memref_slice %arg8[%run_scoped3A_74, %dma_start3A_490, %dma_start3A_491] : memref<2x128x128xf32, #tpu.memory_space<vmem>> -> memref<1x128x128xf32, #tpu.memory_space<vmem>>
      %dma_start3A_493 = tpu.memref_squeeze %dma_start3A_492 : memref<1x128x128xf32, #tpu.memory_space<vmem>> -> memref<128x128xf32, #tpu.memory_space<vmem>>
      tpu.enqueue_dma source(%dma_start3A_493 : memref<128x128xf32, #tpu.memory_space<vmem>>) target(%dma_start3A_489 : memref<128x128xf32, #tpu.memory_space<hbm>>) target_semaphore(%run_scoped3A_480 : memref<!tpu.dma_semaphore, #tpu.memory_space<semaphore_mem>>)
      %dma_wait3A = arith.constant 0 : i32
      %dma_wait3A_494 = arith.constant 0 : i32
      %dma_wait3A_495 = tpu.memref_slice %arg8[%run_scoped3A_74, %dma_wait3A, %dma_wait3A_494] : memref<2x128x128xf32, #tpu.memory_space<vmem>> -> memref<1x128x128xf32, #tpu.memory_space<vmem>>
      %dma_wait3A_496 = tpu.memref_squeeze %dma_wait3A_495 : memref<1x128x128xf32, #tpu.memory_space<vmem>> -> memref<128x128xf32, #tpu.memory_space<vmem>>
      %dma_wait3A_497 = arith.constant 0 : i32
      %dma_wait3A_498 = tpu.memref_slice %arg6[%run_scoped3A_75, %add3A_73, %dma_wait3A_497] : memref<4x16384x128xf32, #tpu.memory_space<hbm>> -> memref<1x128x128xf32, #tpu.memory_space<hbm>>
      %dma_wait3A_499 = tpu.memref_squeeze %dma_wait3A_498 : memref<1x128x128xf32, #tpu.memory_space<hbm>> -> memref<128x128xf32, #tpu.memory_space<hbm>>
      %dma_wait3A_500 = arith.constant 0 : i32
      %dma_wait3A_501 = tpu.memref_slice %arg6[%run_scoped3A_75, %add3A_73, %dma_wait3A_500] : memref<4x16384x128xf32, #tpu.memory_space<hbm>> -> memref<1x128x128xf32, #tpu.memory_space<hbm>>
      %dma_wait3A_502 = tpu.memref_squeeze %dma_wait3A_501 : memref<1x128x128xf32, #tpu.memory_space<hbm>> -> memref<128x128xf32, #tpu.memory_space<hbm>>
      %dma_wait3A_503 = arith.constant 0 : i32
      %dma_wait3A_504 = arith.constant 0 : i32
      %dma_wait3A_505 = tpu.memref_slice %arg8[%run_scoped3A_74, %dma_wait3A_503, %dma_wait3A_504] : memref<2x128x128xf32, #tpu.memory_space<vmem>> -> memref<1x128x128xf32, #tpu.memory_space<vmem>>
      %dma_wait3A_506 = tpu.memref_squeeze %dma_wait3A_505 : memref<1x128x128xf32, #tpu.memory_space<vmem>> -> memref<128x128xf32, #tpu.memory_space<vmem>>
      tpu.wait_dma2 semaphore(%run_scoped3A_480 : memref<!tpu.dma_semaphore, #tpu.memory_space<semaphore_mem>>) src(%dma_wait3A_506 : memref<128x128xf32, #tpu.memory_space<vmem>>) dst(%dma_wait3A_502 : memref<128x128xf32, #tpu.memory_space<hbm>>)
      tpu.yield
    }) : () -> ()
    %run_scoped3A_76 = arith.constant 3 : i32
    %run_scoped3A_77 = arith.constant 1 : i32
    "tpu.region"() ({
      %run_scoped3A_480 = tpu.sem_alloc : memref<!tpu.dma_semaphore, #tpu.memory_space<semaphore_mem>>
      %dma_start3A = arith.constant 0 : i32
      %dma_start3A_481 = arith.constant 0 : i32
      %dma_start3A_482 = tpu.memref_slice %arg7[%run_scoped3A_77, %dma_start3A, %dma_start3A_481] : memref<2x50x128xi32, #tpu.memory_space<vmem>> -> memref<1x50x128xi32, #tpu.memory_space<vmem>>
      %dma_start3A_483 = tpu.memref_squeeze %dma_start3A_482 : memref<1x50x128xi32, #tpu.memory_space<vmem>> -> memref<50x128xi32, #tpu.memory_space<vmem>>
      %dma_start3A_484 = arith.constant 0 : i32
      %dma_start3A_485 = arith.constant 0 : i32
      %dma_start3A_486 = tpu.memref_slice %arg2[%add3A, %run_scoped3A_76, %dma_start3A_484, %dma_start3A_485] : memref<32x8x50x128xi32, #tpu.memory_space<hbm>> -> memref<1x1x50x128xi32, #tpu.memory_space<hbm>>
      %dma_start3A_487 = tpu.memref_squeeze %dma_start3A_486 : memref<1x1x50x128xi32, #tpu.memory_space<hbm>> -> memref<50x128xi32, #tpu.memory_space<hbm>>
      %dma_start3A_488 = arith.constant 0 : i32
      %dma_start3A_489 = arith.constant 0 : i32
      %dma_start3A_490 = tpu.memref_slice %arg7[%run_scoped3A_77, %dma_start3A_488, %dma_start3A_489] : memref<2x50x128xi32, #tpu.memory_space<vmem>> -> memref<1x50x128xi32, #tpu.memory_space<vmem>>
      %dma_start3A_491 = tpu.memref_squeeze %dma_start3A_490 : memref<1x50x128xi32, #tpu.memory_space<vmem>> -> memref<50x128xi32, #tpu.memory_space<vmem>>
      %dma_start3A_492 = arith.constant 0 : i32
      %dma_start3A_493 = arith.constant 0 : i32
      %dma_start3A_494 = tpu.memref_slice %arg2[%add3A, %run_scoped3A_76, %dma_start3A_492, %dma_start3A_493] : memref<32x8x50x128xi32, #tpu.memory_space<hbm>> -> memref<1x1x50x128xi32, #tpu.memory_space<hbm>>
      %dma_start3A_495 = tpu.memref_squeeze %dma_start3A_494 : memref<1x1x50x128xi32, #tpu.memory_space<hbm>> -> memref<50x128xi32, #tpu.memory_space<hbm>>
      tpu.enqueue_dma source(%dma_start3A_495 : memref<50x128xi32, #tpu.memory_space<hbm>>) target(%dma_start3A_491 : memref<50x128xi32, #tpu.memory_space<vmem>>) target_semaphore(%run_scoped3A_480 : memref<!tpu.dma_semaphore, #tpu.memory_space<semaphore_mem>>)
      %dma_wait3A = arith.constant 0 : i32
      %dma_wait3A_496 = arith.constant 0 : i32
      %dma_wait3A_497 = tpu.memref_slice %arg7[%run_scoped3A_77, %dma_wait3A, %dma_wait3A_496] : memref<2x50x128xi32, #tpu.memory_space<vmem>> -> memref<1x50x128xi32, #tpu.memory_space<vmem>>
      %dma_wait3A_498 = tpu.memref_squeeze %dma_wait3A_497 : memref<1x50x128xi32, #tpu.memory_space<vmem>> -> memref<50x128xi32, #tpu.memory_space<vmem>>
      %dma_wait3A_499 = arith.constant 0 : i32
      %dma_wait3A_500 = arith.constant 0 : i32
      %dma_wait3A_501 = tpu.memref_slice %arg2[%add3A, %run_scoped3A_76, %dma_wait3A_499, %dma_wait3A_500] : memref<32x8x50x128xi32, #tpu.memory_space<hbm>> -> memref<1x1x50x128xi32, #tpu.memory_space<hbm>>
      %dma_wait3A_502 = tpu.memref_squeeze %dma_wait3A_501 : memref<1x1x50x128xi32, #tpu.memory_space<hbm>> -> memref<50x128xi32, #tpu.memory_space<hbm>>
      %dma_wait3A_503 = arith.constant 0 : i32
      %dma_wait3A_504 = arith.constant 0 : i32
      %dma_wait3A_505 = tpu.memref_slice %arg7[%run_scoped3A_77, %dma_wait3A_503, %dma_wait3A_504] : memref<2x50x128xi32, #tpu.memory_space<vmem>> -> memref<1x50x128xi32, #tpu.memory_space<vmem>>
      %dma_wait3A_506 = tpu.memref_squeeze %dma_wait3A_505 : memref<1x50x128xi32, #tpu.memory_space<vmem>> -> memref<50x128xi32, #tpu.memory_space<vmem>>
      %dma_wait3A_507 = arith.constant 0 : i32
      %dma_wait3A_508 = arith.constant 0 : i32
      %dma_wait3A_509 = tpu.memref_slice %arg2[%add3A, %run_scoped3A_76, %dma_wait3A_507, %dma_wait3A_508] : memref<32x8x50x128xi32, #tpu.memory_space<hbm>> -> memref<1x1x50x128xi32, #tpu.memory_space<hbm>>
      %dma_wait3A_510 = tpu.memref_squeeze %dma_wait3A_509 : memref<1x1x50x128xi32, #tpu.memory_space<hbm>> -> memref<50x128xi32, #tpu.memory_space<hbm>>
      tpu.wait_dma2 semaphore(%run_scoped3A_480 : memref<!tpu.dma_semaphore, #tpu.memory_space<semaphore_mem>>) src(%dma_wait3A_510 : memref<50x128xi32, #tpu.memory_space<hbm>>) dst(%dma_wait3A_506 : memref<50x128xi32, #tpu.memory_space<vmem>>)
      tpu.yield
    }) : () -> ()
    %scan3A_78 = arith.constant 0 : i32
    %scan3A_79 = arith.constant 0 : i32
    %scan3A_80 = arith.constant 128 : i32
    %scan3A_81 = arith.addi %scan3A_79, %scan3A_80 : i32
    %scan3A_82 = arith.constant 1 : i32
    scf.for %scan3A_480 = %scan3A_79 to %scan3A_81 step %scan3A_82  : i32 {
      %swap3A = arith.constant 1 : i32
      %swap3A_481 = arith.index_cast %swap3A : i32 to index
      %swap3A_482 = arith.index_cast %scan3A_480 : i32 to index
      %swap3A_483 = arith.constant 0 : index
      %swap3A_484 = tpu.vector_load %arg8[%swap3A_481, %swap3A_482, %swap3A_483] {strides = array<i32>} : memref<2x128x128xf32, #tpu.memory_space<vmem>>, vector<1x1x16xf32>,
      %swap3A_485 = vector.shape_cast %swap3A_484 : vector<1x1x16xf32> to vector<16xf32>
      %swap3A_486 = vector.shape_cast %broadcast_in_dim3A_1 : vector<16xf32> to vector<1x1x16xf32>
      tpu.vector_store %arg8[%swap3A_481, %swap3A_482, %swap3A_483], %swap3A_486 {strides = array<i32>} : memref<2x128x128xf32, #tpu.memory_space<vmem>>, vector<1x1x16xf32>,
      %swap3A_487 = arith.constant 1 : i32
      %swap3A_488 = arith.index_cast %swap3A_487 : i32 to index
      %swap3A_489 = arith.index_cast %scan3A_480 : i32 to index
      %swap3A_490 = arith.constant 16 : index
      %swap3A_491 = tpu.vector_load %arg8[%swap3A_488, %swap3A_489, %swap3A_490] {strides = array<i32>} : memref<2x128x128xf32, #tpu.memory_space<vmem>>, vector<1x1x16xf32>,
      %swap3A_492 = vector.shape_cast %swap3A_491 : vector<1x1x16xf32> to vector<16xf32>
      %swap3A_493 = vector.shape_cast %broadcast_in_dim3A_1 : vector<16xf32> to vector<1x1x16xf32>
      tpu.vector_store %arg8[%swap3A_488, %swap3A_489, %swap3A_490], %swap3A_493 {strides = array<i32>} : memref<2x128x128xf32, #tpu.memory_space<vmem>>, vector<1x1x16xf32>,
      %swap3A_494 = arith.constant 1 : i32
      %swap3A_495 = arith.index_cast %swap3A_494 : i32 to index
      %swap3A_496 = arith.index_cast %scan3A_480 : i32 to index
      %swap3A_497 = arith.constant 32 : index
      %swap3A_498 = tpu.vector_load %arg8[%swap3A_495, %swap3A_496, %swap3A_497] {strides = array<i32>} : memref<2x128x128xf32, #tpu.memory_space<vmem>>, vector<1x1x16xf32>,
      %swap3A_499 = vector.shape_cast %swap3A_498 : vector<1x1x16xf32> to vector<16xf32>
      %swap3A_500 = vector.shape_cast %broadcast_in_dim3A_1 : vector<16xf32> to vector<1x1x16xf32>
      tpu.vector_store %arg8[%swap3A_495, %swap3A_496, %swap3A_497], %swap3A_500 {strides = array<i32>} : memref<2x128x128xf32, #tpu.memory_space<vmem>>, vector<1x1x16xf32>,
      %swap3A_501 = arith.constant 1 : i32
      %swap3A_502 = arith.index_cast %swap3A_501 : i32 to index
      %swap3A_503 = arith.index_cast %scan3A_480 : i32 to index
      %swap3A_504 = arith.constant 48 : index
      %swap3A_505 = tpu.vector_load %arg8[%swap3A_502, %swap3A_503, %swap3A_504] {strides = array<i32>} : memref<2x128x128xf32, #tpu.memory_space<vmem>>, vector<1x1x16xf32>,
      %swap3A_506 = vector.shape_cast %swap3A_505 : vector<1x1x16xf32> to vector<16xf32>
      %swap3A_507 = vector.shape_cast %broadcast_in_dim3A_1 : vector<16xf32> to vector<1x1x16xf32>
      tpu.vector_store %arg8[%swap3A_502, %swap3A_503, %swap3A_504], %swap3A_507 {strides = array<i32>} : memref<2x128x128xf32, #tpu.memory_space<vmem>>, vector<1x1x16xf32>,
      %swap3A_508 = arith.constant 1 : i32
      %swap3A_509 = arith.index_cast %swap3A_508 : i32 to index
      %swap3A_510 = arith.index_cast %scan3A_480 : i32 to index
      %swap3A_511 = arith.constant 64 : index
      %swap3A_512 = tpu.vector_load %arg8[%swap3A_509, %swap3A_510, %swap3A_511] {strides = array<i32>} : memref<2x128x128xf32, #tpu.memory_space<vmem>>, vector<1x1x16xf32>,
      %swap3A_513 = vector.shape_cast %swap3A_512 : vector<1x1x16xf32> to vector<16xf32>
      %swap3A_514 = vector.shape_cast %broadcast_in_dim3A_1 : vector<16xf32> to vector<1x1x16xf32>
      tpu.vector_store %arg8[%swap3A_509, %swap3A_510, %swap3A_511], %swap3A_514 {strides = array<i32>} : memref<2x128x128xf32, #tpu.memory_space<vmem>>, vector<1x1x16xf32>,
      %swap3A_515 = arith.constant 1 : i32
      %swap3A_516 = arith.index_cast %swap3A_515 : i32 to index
      %swap3A_517 = arith.index_cast %scan3A_480 : i32 to index
      %swap3A_518 = arith.constant 80 : index
      %swap3A_519 = tpu.vector_load %arg8[%swap3A_516, %swap3A_517, %swap3A_518] {strides = array<i32>} : memref<2x128x128xf32, #tpu.memory_space<vmem>>, vector<1x1x16xf32>,
      %swap3A_520 = vector.shape_cast %swap3A_519 : vector<1x1x16xf32> to vector<16xf32>
      %swap3A_521 = vector.shape_cast %broadcast_in_dim3A_1 : vector<16xf32> to vector<1x1x16xf32>
      tpu.vector_store %arg8[%swap3A_516, %swap3A_517, %swap3A_518], %swap3A_521 {strides = array<i32>} : memref<2x128x128xf32, #tpu.memory_space<vmem>>, vector<1x1x16xf32>,
      %swap3A_522 = arith.constant 1 : i32
      %swap3A_523 = arith.index_cast %swap3A_522 : i32 to index
      %swap3A_524 = arith.index_cast %scan3A_480 : i32 to index
      %swap3A_525 = arith.constant 96 : index
      %swap3A_526 = tpu.vector_load %arg8[%swap3A_523, %swap3A_524, %swap3A_525] {strides = array<i32>} : memref<2x128x128xf32, #tpu.memory_space<vmem>>, vector<1x1x16xf32>,
      %swap3A_527 = vector.shape_cast %swap3A_526 : vector<1x1x16xf32> to vector<16xf32>
      %swap3A_528 = vector.shape_cast %broadcast_in_dim3A_1 : vector<16xf32> to vector<1x1x16xf32>
      tpu.vector_store %arg8[%swap3A_523, %swap3A_524, %swap3A_525], %swap3A_528 {strides = array<i32>} : memref<2x128x128xf32, #tpu.memory_space<vmem>>, vector<1x1x16xf32>,
      %swap3A_529 = arith.constant 1 : i32
      %swap3A_530 = arith.index_cast %swap3A_529 : i32 to index
      %swap3A_531 = arith.index_cast %scan3A_480 : i32 to index
      %swap3A_532 = arith.constant 112 : index
      %swap3A_533 = tpu.vector_load %arg8[%swap3A_530, %swap3A_531, %swap3A_532] {strides = array<i32>} : memref<2x128x128xf32, #tpu.memory_space<vmem>>, vector<1x1x16xf32>,
      %swap3A_534 = vector.shape_cast %swap3A_533 : vector<1x1x16xf32> to vector<16xf32>
      %swap3A_535 = vector.shape_cast %broadcast_in_dim3A_1 : vector<16xf32> to vector<1x1x16xf32>
      tpu.vector_store %arg8[%swap3A_530, %swap3A_531, %swap3A_532], %swap3A_535 {strides = array<i32>} : memref<2x128x128xf32, #tpu.memory_space<vmem>>, vector<1x1x16xf32>,
    }
    %scan3A_83 = arith.constant 128 : i32
    %scan3A_84 = arith.constant 0 : i32
    %scan3A_85 = arith.constant 1 : i32
    %scan3A_86 = arith.constant 1 : i32
    %scan3A_87 = arith.constant 0 : i32
    %scan3A_88 = arith.constant 50 : i32
    %scan3A_89 = arith.addi %scan3A_87, %scan3A_88 : i32
    %scan3A_90 = arith.constant 1 : i32
    scf.for %scan3A_480 = %scan3A_87 to %scan3A_89 step %scan3A_90  : i32 {
      %dma_start3A = arith.constant 0 : i32
      %dma_start3A_481 = arith.constant 0 : i32
      %dma_start3A_482 = tpu.memref_slice %arg8[%scan3A_86, %dma_start3A, %dma_start3A_481] : memref<2x128x128xf32, #tpu.memory_space<vmem>> -> memref<1x128x128xf32, #tpu.memory_space<vmem>>
      %dma_start3A_483 = tpu.memref_squeeze %dma_start3A_482 : memref<1x128x128xf32, #tpu.memory_space<vmem>> -> memref<128x128xf32, #tpu.memory_space<vmem>>
      %dma_start3A_484 = arith.constant 0 : i32
      %dma_start3A_485 = arith.constant 0 : i32
      %dma_start3A_486 = tpu.memref_slice %arg7[%scan3A_85, %dma_start3A_484, %dma_start3A_485] : memref<2x50x128xi32, #tpu.memory_space<vmem>> -> memref<1x50x128xi32, #tpu.memory_space<vmem>>
      %dma_start3A_487 = tpu.memref_squeeze %dma_start3A_486 : memref<1x50x128xi32, #tpu.memory_space<vmem>> -> memref<50x128xi32, #tpu.memory_space<vmem>>
      %dma_start3A_488 = arith.constant 0 : i32
      %dma_start3A_489 = tpu.memref_slice %dma_start3A_487[%scan3A_480, %dma_start3A_488] : memref<50x128xi32, #tpu.memory_space<vmem>> -> memref<1x128xi32, #tpu.memory_space<vmem>>
      %dma_start3A_490 = tpu.memref_squeeze %dma_start3A_489 : memref<1x128xi32, #tpu.memory_space<vmem>> -> memref<128xi32, #tpu.memory_space<vmem>>
      %dma_start3A_491 = arith.constant 0 : i32
      %dma_start3A_492 = arith.constant 0 : i32
      %dma_start3A_493 = tpu.memref_slice %arg4[%dma_start3A_491, %dma_start3A_492] : memref<100000x128xf32, #tpu.memory_space<hbm>> -> memref<100000x128xf32, #tpu.memory_space<hbm>>
      tpu.enqueue_indirect_dma source(%dma_start3A_493 : memref<100000x128xf32, #tpu.memory_space<hbm>>) target(%dma_start3A_483 : memref<128x128xf32, #tpu.memory_space<vmem>>) offsets(%dma_start3A_490 : memref<128xi32, #tpu.memory_space<vmem>>) semaphore(%arg10 : memref<!tpu.dma_semaphore, #tpu.memory_space<semaphore_mem>>) {add = true}
    }
    %scan3A_91 = arith.constant 50 : i32
    %scan3A_92 = arith.constant 0 : i32
    %scan3A_93 = arith.constant 0 : i32
    %scan3A_94 = arith.constant 0 : i32
    %scan3A_95 = arith.constant 0 : i32
    %scan3A_96 = arith.constant 50 : i32
    %scan3A_97 = arith.addi %scan3A_95, %scan3A_96 : i32
    %scan3A_98 = arith.constant 1 : i32
    scf.for %scan3A_480 = %scan3A_95 to %scan3A_97 step %scan3A_98  : i32 {
      %dma_wait3A = arith.constant 0 : i32
      %dma_wait3A_481 = arith.constant 0 : i32
      %dma_wait3A_482 = arith.constant 0 : i32
      %dma_wait3A_483 = tpu.memref_slice %arg8[%scan3A_94, %dma_wait3A_481, %dma_wait3A_482] : memref<2x128x128xf32, #tpu.memory_space<vmem>> -> memref<1x128x128xf32, #tpu.memory_space<vmem>>
      %dma_wait3A_484 = tpu.memref_squeeze %dma_wait3A_483 : memref<1x128x128xf32, #tpu.memory_space<vmem>> -> memref<128x128xf32, #tpu.memory_space<vmem>>
      %dma_wait3A_485 = arith.constant 0 : i32
      %dma_wait3A_486 = arith.constant 0 : i32
      %dma_wait3A_487 = tpu.memref_slice %arg7[%scan3A_93, %dma_wait3A_485, %dma_wait3A_486] : memref<2x50x128xi32, #tpu.memory_space<vmem>> -> memref<1x50x128xi32, #tpu.memory_space<vmem>>
      %dma_wait3A_488 = tpu.memref_squeeze %dma_wait3A_487 : memref<1x50x128xi32, #tpu.memory_space<vmem>> -> memref<50x128xi32, #tpu.memory_space<vmem>>
      %dma_wait3A_489 = arith.constant 0 : i32
      %dma_wait3A_490 = tpu.memref_slice %dma_wait3A_488[%dma_wait3A, %dma_wait3A_489] : memref<50x128xi32, #tpu.memory_space<vmem>> -> memref<1x128xi32, #tpu.memory_space<vmem>>
      %dma_wait3A_491 = tpu.memref_squeeze %dma_wait3A_490 : memref<1x128xi32, #tpu.memory_space<vmem>> -> memref<128xi32, #tpu.memory_space<vmem>>
      %dma_wait3A_492 = arith.constant 0 : i32
      %dma_wait3A_493 = arith.constant 0 : i32
      %dma_wait3A_494 = tpu.memref_slice %arg4[%dma_wait3A_492, %dma_wait3A_493] : memref<100000x128xf32, #tpu.memory_space<hbm>> -> memref<100000x128xf32, #tpu.memory_space<hbm>>
      tpu.wait_indirect_dma semaphore(%arg9 : memref<!tpu.dma_semaphore, #tpu.memory_space<semaphore_mem>>) src(%dma_wait3A_494 : memref<100000x128xf32, #tpu.memory_space<hbm>>) dst(%dma_wait3A_484 : memref<128x128xf32, #tpu.memory_space<vmem>>)
    }
    %scan3A_99 = arith.constant 50 : i32
    %mul3A_100 = arith.constant 512 : i32
    %mul3A_101 = arith.muli %add3A, %mul3A_100 : i32
    %add3A_102 = arith.constant 256 : i32
    %add3A_103 = arith.addi %mul3A_101, %add3A_102 : i32
    %run_scoped3A_104 = arith.constant 0 : i32
    %run_scoped3A_105 = arith.constant 0 : i32
    "tpu.region"() ({
      %run_scoped3A_480 = tpu.sem_alloc : memref<!tpu.dma_semaphore, #tpu.memory_space<semaphore_mem>>
      %dma_start3A = arith.constant 0 : i32
      %dma_start3A_481 = arith.constant 0 : i32
      %dma_start3A_482 = tpu.memref_slice %arg8[%run_scoped3A_104, %dma_start3A, %dma_start3A_481] : memref<2x128x128xf32, #tpu.memory_space<vmem>> -> memref<1x128x128xf32, #tpu.memory_space<vmem>>
      %dma_start3A_483 = tpu.memref_squeeze %dma_start3A_482 : memref<1x128x128xf32, #tpu.memory_space<vmem>> -> memref<128x128xf32, #tpu.memory_space<vmem>>
      %dma_start3A_484 = arith.constant 0 : i32
      %dma_start3A_485 = tpu.memref_slice %arg6[%run_scoped3A_105, %add3A_103, %dma_start3A_484] : memref<4x16384x128xf32, #tpu.memory_space<hbm>> -> memref<1x128x128xf32, #tpu.memory_space<hbm>>
      %dma_start3A_486 = tpu.memref_squeeze %dma_start3A_485 : memref<1x128x128xf32, #tpu.memory_space<hbm>> -> memref<128x128xf32, #tpu.memory_space<hbm>>
      %dma_start3A_487 = arith.constant 0 : i32
      %dma_start3A_488 = tpu.memref_slice %arg6[%run_scoped3A_105, %add3A_103, %dma_start3A_487] : memref<4x16384x128xf32, #tpu.memory_space<hbm>> -> memref<1x128x128xf32, #tpu.memory_space<hbm>>
      %dma_start3A_489 = tpu.memref_squeeze %dma_start3A_488 : memref<1x128x128xf32, #tpu.memory_space<hbm>> -> memref<128x128xf32, #tpu.memory_space<hbm>>
      %dma_start3A_490 = arith.constant 0 : i32
      %dma_start3A_491 = arith.constant 0 : i32
      %dma_start3A_492 = tpu.memref_slice %arg8[%run_scoped3A_104, %dma_start3A_490, %dma_start3A_491] : memref<2x128x128xf32, #tpu.memory_space<vmem>> -> memref<1x128x128xf32, #tpu.memory_space<vmem>>
      %dma_start3A_493 = tpu.memref_squeeze %dma_start3A_492 : memref<1x128x128xf32, #tpu.memory_space<vmem>> -> memref<128x128xf32, #tpu.memory_space<vmem>>
      tpu.enqueue_dma source(%dma_start3A_493 : memref<128x128xf32, #tpu.memory_space<vmem>>) target(%dma_start3A_489 : memref<128x128xf32, #tpu.memory_space<hbm>>) target_semaphore(%run_scoped3A_480 : memref<!tpu.dma_semaphore, #tpu.memory_space<semaphore_mem>>)
      %dma_wait3A = arith.constant 0 : i32
      %dma_wait3A_494 = arith.constant 0 : i32
      %dma_wait3A_495 = tpu.memref_slice %arg8[%run_scoped3A_104, %dma_wait3A, %dma_wait3A_494] : memref<2x128x128xf32, #tpu.memory_space<vmem>> -> memref<1x128x128xf32, #tpu.memory_space<vmem>>
      %dma_wait3A_496 = tpu.memref_squeeze %dma_wait3A_495 : memref<1x128x128xf32, #tpu.memory_space<vmem>> -> memref<128x128xf32, #tpu.memory_space<vmem>>
      %dma_wait3A_497 = arith.constant 0 : i32
      %dma_wait3A_498 = tpu.memref_slice %arg6[%run_scoped3A_105, %add3A_103, %dma_wait3A_497] : memref<4x16384x128xf32, #tpu.memory_space<hbm>> -> memref<1x128x128xf32, #tpu.memory_space<hbm>>
      %dma_wait3A_499 = tpu.memref_squeeze %dma_wait3A_498 : memref<1x128x128xf32, #tpu.memory_space<hbm>> -> memref<128x128xf32, #tpu.memory_space<hbm>>
      %dma_wait3A_500 = arith.constant 0 : i32
      %dma_wait3A_501 = tpu.memref_slice %arg6[%run_scoped3A_105, %add3A_103, %dma_wait3A_500] : memref<4x16384x128xf32, #tpu.memory_space<hbm>> -> memref<1x128x128xf32, #tpu.memory_space<hbm>>
      %dma_wait3A_502 = tpu.memref_squeeze %dma_wait3A_501 : memref<1x128x128xf32, #tpu.memory_space<hbm>> -> memref<128x128xf32, #tpu.memory_space<hbm>>
      %dma_wait3A_503 = arith.constant 0 : i32
      %dma_wait3A_504 = arith.constant 0 : i32
      %dma_wait3A_505 = tpu.memref_slice %arg8[%run_scoped3A_104, %dma_wait3A_503, %dma_wait3A_504] : memref<2x128x128xf32, #tpu.memory_space<vmem>> -> memref<1x128x128xf32, #tpu.memory_space<vmem>>
      %dma_wait3A_506 = tpu.memref_squeeze %dma_wait3A_505 : memref<1x128x128xf32, #tpu.memory_space<vmem>> -> memref<128x128xf32, #tpu.memory_space<vmem>>
      tpu.wait_dma2 semaphore(%run_scoped3A_480 : memref<!tpu.dma_semaphore, #tpu.memory_space<semaphore_mem>>) src(%dma_wait3A_506 : memref<128x128xf32, #tpu.memory_space<vmem>>) dst(%dma_wait3A_502 : memref<128x128xf32, #tpu.memory_space<hbm>>)
      tpu.yield
    }) : () -> ()
    %run_scoped3A_106 = arith.constant 4 : i32
    %run_scoped3A_107 = arith.constant 0 : i32
    "tpu.region"() ({
      %run_scoped3A_480 = tpu.sem_alloc : memref<!tpu.dma_semaphore, #tpu.memory_space<semaphore_mem>>
      %dma_start3A = arith.constant 0 : i32
      %dma_start3A_481 = arith.constant 0 : i32
      %dma_start3A_482 = tpu.memref_slice %arg7[%run_scoped3A_107, %dma_start3A, %dma_start3A_481] : memref<2x50x128xi32, #tpu.memory_space<vmem>> -> memref<1x50x128xi32, #tpu.memory_space<vmem>>
      %dma_start3A_483 = tpu.memref_squeeze %dma_start3A_482 : memref<1x50x128xi32, #tpu.memory_space<vmem>> -> memref<50x128xi32, #tpu.memory_space<vmem>>
      %dma_start3A_484 = arith.constant 0 : i32
      %dma_start3A_485 = arith.constant 0 : i32
      %dma_start3A_486 = tpu.memref_slice %arg2[%add3A, %run_scoped3A_106, %dma_start3A_484, %dma_start3A_485] : memref<32x8x50x128xi32, #tpu.memory_space<hbm>> -> memref<1x1x50x128xi32, #tpu.memory_space<hbm>>
      %dma_start3A_487 = tpu.memref_squeeze %dma_start3A_486 : memref<1x1x50x128xi32, #tpu.memory_space<hbm>> -> memref<50x128xi32, #tpu.memory_space<hbm>>
      %dma_start3A_488 = arith.constant 0 : i32
      %dma_start3A_489 = arith.constant 0 : i32
      %dma_start3A_490 = tpu.memref_slice %arg7[%run_scoped3A_107, %dma_start3A_488, %dma_start3A_489] : memref<2x50x128xi32, #tpu.memory_space<vmem>> -> memref<1x50x128xi32, #tpu.memory_space<vmem>>
      %dma_start3A_491 = tpu.memref_squeeze %dma_start3A_490 : memref<1x50x128xi32, #tpu.memory_space<vmem>> -> memref<50x128xi32, #tpu.memory_space<vmem>>
      %dma_start3A_492 = arith.constant 0 : i32
      %dma_start3A_493 = arith.constant 0 : i32
      %dma_start3A_494 = tpu.memref_slice %arg2[%add3A, %run_scoped3A_106, %dma_start3A_492, %dma_start3A_493] : memref<32x8x50x128xi32, #tpu.memory_space<hbm>> -> memref<1x1x50x128xi32, #tpu.memory_space<hbm>>
      %dma_start3A_495 = tpu.memref_squeeze %dma_start3A_494 : memref<1x1x50x128xi32, #tpu.memory_space<hbm>> -> memref<50x128xi32, #tpu.memory_space<hbm>>
      tpu.enqueue_dma source(%dma_start3A_495 : memref<50x128xi32, #tpu.memory_space<hbm>>) target(%dma_start3A_491 : memref<50x128xi32, #tpu.memory_space<vmem>>) target_semaphore(%run_scoped3A_480 : memref<!tpu.dma_semaphore, #tpu.memory_space<semaphore_mem>>)
      %dma_wait3A = arith.constant 0 : i32
      %dma_wait3A_496 = arith.constant 0 : i32
      %dma_wait3A_497 = tpu.memref_slice %arg7[%run_scoped3A_107, %dma_wait3A, %dma_wait3A_496] : memref<2x50x128xi32, #tpu.memory_space<vmem>> -> memref<1x50x128xi32, #tpu.memory_space<vmem>>
      %dma_wait3A_498 = tpu.memref_squeeze %dma_wait3A_497 : memref<1x50x128xi32, #tpu.memory_space<vmem>> -> memref<50x128xi32, #tpu.memory_space<vmem>>
      %dma_wait3A_499 = arith.constant 0 : i32
      %dma_wait3A_500 = arith.constant 0 : i32
      %dma_wait3A_501 = tpu.memref_slice %arg2[%add3A, %run_scoped3A_106, %dma_wait3A_499, %dma_wait3A_500] : memref<32x8x50x128xi32, #tpu.memory_space<hbm>> -> memref<1x1x50x128xi32, #tpu.memory_space<hbm>>
      %dma_wait3A_502 = tpu.memref_squeeze %dma_wait3A_501 : memref<1x1x50x128xi32, #tpu.memory_space<hbm>> -> memref<50x128xi32, #tpu.memory_space<hbm>>
      %dma_wait3A_503 = arith.constant 0 : i32
      %dma_wait3A_504 = arith.constant 0 : i32
      %dma_wait3A_505 = tpu.memref_slice %arg7[%run_scoped3A_107, %dma_wait3A_503, %dma_wait3A_504] : memref<2x50x128xi32, #tpu.memory_space<vmem>> -> memref<1x50x128xi32, #tpu.memory_space<vmem>>
      %dma_wait3A_506 = tpu.memref_squeeze %dma_wait3A_505 : memref<1x50x128xi32, #tpu.memory_space<vmem>> -> memref<50x128xi32, #tpu.memory_space<vmem>>
      %dma_wait3A_507 = arith.constant 0 : i32
      %dma_wait3A_508 = arith.constant 0 : i32
      %dma_wait3A_509 = tpu.memref_slice %arg2[%add3A, %run_scoped3A_106, %dma_wait3A_507, %dma_wait3A_508] : memref<32x8x50x128xi32, #tpu.memory_space<hbm>> -> memref<1x1x50x128xi32, #tpu.memory_space<hbm>>
      %dma_wait3A_510 = tpu.memref_squeeze %dma_wait3A_509 : memref<1x1x50x128xi32, #tpu.memory_space<hbm>> -> memref<50x128xi32, #tpu.memory_space<hbm>>
      tpu.wait_dma2 semaphore(%run_scoped3A_480 : memref<!tpu.dma_semaphore, #tpu.memory_space<semaphore_mem>>) src(%dma_wait3A_510 : memref<50x128xi32, #tpu.memory_space<hbm>>) dst(%dma_wait3A_506 : memref<50x128xi32, #tpu.memory_space<vmem>>)
      tpu.yield
    }) : () -> ()
    %scan3A_108 = arith.constant 0 : i32
    %scan3A_109 = arith.constant 0 : i32
    %scan3A_110 = arith.constant 128 : i32
    %scan3A_111 = arith.addi %scan3A_109, %scan3A_110 : i32
    %scan3A_112 = arith.constant 1 : i32
    scf.for %scan3A_480 = %scan3A_109 to %scan3A_111 step %scan3A_112  : i32 {
      %swap3A = arith.constant 0 : i32
      %swap3A_481 = arith.index_cast %swap3A : i32 to index
      %swap3A_482 = arith.index_cast %scan3A_480 : i32 to index
      %swap3A_483 = arith.constant 0 : index
      %swap3A_484 = tpu.vector_load %arg8[%swap3A_481, %swap3A_482, %swap3A_483] {strides = array<i32>} : memref<2x128x128xf32, #tpu.memory_space<vmem>>, vector<1x1x16xf32>,
      %swap3A_485 = vector.shape_cast %swap3A_484 : vector<1x1x16xf32> to vector<16xf32>
      %swap3A_486 = vector.shape_cast %broadcast_in_dim3A_1 : vector<16xf32> to vector<1x1x16xf32>
      tpu.vector_store %arg8[%swap3A_481, %swap3A_482, %swap3A_483], %swap3A_486 {strides = array<i32>} : memref<2x128x128xf32, #tpu.memory_space<vmem>>, vector<1x1x16xf32>,
      %swap3A_487 = arith.constant 0 : i32
      %swap3A_488 = arith.index_cast %swap3A_487 : i32 to index
      %swap3A_489 = arith.index_cast %scan3A_480 : i32 to index
      %swap3A_490 = arith.constant 16 : index
      %swap3A_491 = tpu.vector_load %arg8[%swap3A_488, %swap3A_489, %swap3A_490] {strides = array<i32>} : memref<2x128x128xf32, #tpu.memory_space<vmem>>, vector<1x1x16xf32>,
      %swap3A_492 = vector.shape_cast %swap3A_491 : vector<1x1x16xf32> to vector<16xf32>
      %swap3A_493 = vector.shape_cast %broadcast_in_dim3A_1 : vector<16xf32> to vector<1x1x16xf32>
      tpu.vector_store %arg8[%swap3A_488, %swap3A_489, %swap3A_490], %swap3A_493 {strides = array<i32>} : memref<2x128x128xf32, #tpu.memory_space<vmem>>, vector<1x1x16xf32>,
      %swap3A_494 = arith.constant 0 : i32
      %swap3A_495 = arith.index_cast %swap3A_494 : i32 to index
      %swap3A_496 = arith.index_cast %scan3A_480 : i32 to index
      %swap3A_497 = arith.constant 32 : index
      %swap3A_498 = tpu.vector_load %arg8[%swap3A_495, %swap3A_496, %swap3A_497] {strides = array<i32>} : memref<2x128x128xf32, #tpu.memory_space<vmem>>, vector<1x1x16xf32>,
      %swap3A_499 = vector.shape_cast %swap3A_498 : vector<1x1x16xf32> to vector<16xf32>
      %swap3A_500 = vector.shape_cast %broadcast_in_dim3A_1 : vector<16xf32> to vector<1x1x16xf32>
      tpu.vector_store %arg8[%swap3A_495, %swap3A_496, %swap3A_497], %swap3A_500 {strides = array<i32>} : memref<2x128x128xf32, #tpu.memory_space<vmem>>, vector<1x1x16xf32>,
      %swap3A_501 = arith.constant 0 : i32
      %swap3A_502 = arith.index_cast %swap3A_501 : i32 to index
      %swap3A_503 = arith.index_cast %scan3A_480 : i32 to index
      %swap3A_504 = arith.constant 48 : index
      %swap3A_505 = tpu.vector_load %arg8[%swap3A_502, %swap3A_503, %swap3A_504] {strides = array<i32>} : memref<2x128x128xf32, #tpu.memory_space<vmem>>, vector<1x1x16xf32>,
      %swap3A_506 = vector.shape_cast %swap3A_505 : vector<1x1x16xf32> to vector<16xf32>
      %swap3A_507 = vector.shape_cast %broadcast_in_dim3A_1 : vector<16xf32> to vector<1x1x16xf32>
      tpu.vector_store %arg8[%swap3A_502, %swap3A_503, %swap3A_504], %swap3A_507 {strides = array<i32>} : memref<2x128x128xf32, #tpu.memory_space<vmem>>, vector<1x1x16xf32>,
      %swap3A_508 = arith.constant 0 : i32
      %swap3A_509 = arith.index_cast %swap3A_508 : i32 to index
      %swap3A_510 = arith.index_cast %scan3A_480 : i32 to index
      %swap3A_511 = arith.constant 64 : index
      %swap3A_512 = tpu.vector_load %arg8[%swap3A_509, %swap3A_510, %swap3A_511] {strides = array<i32>} : memref<2x128x128xf32, #tpu.memory_space<vmem>>, vector<1x1x16xf32>,
      %swap3A_513 = vector.shape_cast %swap3A_512 : vector<1x1x16xf32> to vector<16xf32>
      %swap3A_514 = vector.shape_cast %broadcast_in_dim3A_1 : vector<16xf32> to vector<1x1x16xf32>
      tpu.vector_store %arg8[%swap3A_509, %swap3A_510, %swap3A_511], %swap3A_514 {strides = array<i32>} : memref<2x128x128xf32, #tpu.memory_space<vmem>>, vector<1x1x16xf32>,
      %swap3A_515 = arith.constant 0 : i32
      %swap3A_516 = arith.index_cast %swap3A_515 : i32 to index
      %swap3A_517 = arith.index_cast %scan3A_480 : i32 to index
      %swap3A_518 = arith.constant 80 : index
      %swap3A_519 = tpu.vector_load %arg8[%swap3A_516, %swap3A_517, %swap3A_518] {strides = array<i32>} : memref<2x128x128xf32, #tpu.memory_space<vmem>>, vector<1x1x16xf32>,
      %swap3A_520 = vector.shape_cast %swap3A_519 : vector<1x1x16xf32> to vector<16xf32>
      %swap3A_521 = vector.shape_cast %broadcast_in_dim3A_1 : vector<16xf32> to vector<1x1x16xf32>
      tpu.vector_store %arg8[%swap3A_516, %swap3A_517, %swap3A_518], %swap3A_521 {strides = array<i32>} : memref<2x128x128xf32, #tpu.memory_space<vmem>>, vector<1x1x16xf32>,
      %swap3A_522 = arith.constant 0 : i32
      %swap3A_523 = arith.index_cast %swap3A_522 : i32 to index
      %swap3A_524 = arith.index_cast %scan3A_480 : i32 to index
      %swap3A_525 = arith.constant 96 : index
      %swap3A_526 = tpu.vector_load %arg8[%swap3A_523, %swap3A_524, %swap3A_525] {strides = array<i32>} : memref<2x128x128xf32, #tpu.memory_space<vmem>>, vector<1x1x16xf32>,
      %swap3A_527 = vector.shape_cast %swap3A_526 : vector<1x1x16xf32> to vector<16xf32>
      %swap3A_528 = vector.shape_cast %broadcast_in_dim3A_1 : vector<16xf32> to vector<1x1x16xf32>
      tpu.vector_store %arg8[%swap3A_523, %swap3A_524, %swap3A_525], %swap3A_528 {strides = array<i32>} : memref<2x128x128xf32, #tpu.memory_space<vmem>>, vector<1x1x16xf32>,
      %swap3A_529 = arith.constant 0 : i32
      %swap3A_530 = arith.index_cast %swap3A_529 : i32 to index
      %swap3A_531 = arith.index_cast %scan3A_480 : i32 to index
      %swap3A_532 = arith.constant 112 : index
      %swap3A_533 = tpu.vector_load %arg8[%swap3A_530, %swap3A_531, %swap3A_532] {strides = array<i32>} : memref<2x128x128xf32, #tpu.memory_space<vmem>>, vector<1x1x16xf32>,
      %swap3A_534 = vector.shape_cast %swap3A_533 : vector<1x1x16xf32> to vector<16xf32>
      %swap3A_535 = vector.shape_cast %broadcast_in_dim3A_1 : vector<16xf32> to vector<1x1x16xf32>
      tpu.vector_store %arg8[%swap3A_530, %swap3A_531, %swap3A_532], %swap3A_535 {strides = array<i32>} : memref<2x128x128xf32, #tpu.memory_space<vmem>>, vector<1x1x16xf32>,
    }
    %scan3A_113 = arith.constant 128 : i32
    %scan3A_114 = arith.constant 0 : i32
    %scan3A_115 = arith.constant 0 : i32
    %scan3A_116 = arith.constant 0 : i32
    %scan3A_117 = arith.constant 0 : i32
    %scan3A_118 = arith.constant 50 : i32
    %scan3A_119 = arith.addi %scan3A_117, %scan3A_118 : i32
    %scan3A_120 = arith.constant 1 : i32
    scf.for %scan3A_480 = %scan3A_117 to %scan3A_119 step %scan3A_120  : i32 {
      %dma_start3A = arith.constant 0 : i32
      %dma_start3A_481 = arith.constant 0 : i32
      %dma_start3A_482 = tpu.memref_slice %arg8[%scan3A_116, %dma_start3A, %dma_start3A_481] : memref<2x128x128xf32, #tpu.memory_space<vmem>> -> memref<1x128x128xf32, #tpu.memory_space<vmem>>
      %dma_start3A_483 = tpu.memref_squeeze %dma_start3A_482 : memref<1x128x128xf32, #tpu.memory_space<vmem>> -> memref<128x128xf32, #tpu.memory_space<vmem>>
      %dma_start3A_484 = arith.constant 0 : i32
      %dma_start3A_485 = arith.constant 0 : i32
      %dma_start3A_486 = tpu.memref_slice %arg7[%scan3A_115, %dma_start3A_484, %dma_start3A_485] : memref<2x50x128xi32, #tpu.memory_space<vmem>> -> memref<1x50x128xi32, #tpu.memory_space<vmem>>
      %dma_start3A_487 = tpu.memref_squeeze %dma_start3A_486 : memref<1x50x128xi32, #tpu.memory_space<vmem>> -> memref<50x128xi32, #tpu.memory_space<vmem>>
      %dma_start3A_488 = arith.constant 0 : i32
      %dma_start3A_489 = tpu.memref_slice %dma_start3A_487[%scan3A_480, %dma_start3A_488] : memref<50x128xi32, #tpu.memory_space<vmem>> -> memref<1x128xi32, #tpu.memory_space<vmem>>
      %dma_start3A_490 = tpu.memref_squeeze %dma_start3A_489 : memref<1x128xi32, #tpu.memory_space<vmem>> -> memref<128xi32, #tpu.memory_space<vmem>>
      %dma_start3A_491 = arith.constant 0 : i32
      %dma_start3A_492 = arith.constant 0 : i32
      %dma_start3A_493 = tpu.memref_slice %arg4[%dma_start3A_491, %dma_start3A_492] : memref<100000x128xf32, #tpu.memory_space<hbm>> -> memref<100000x128xf32, #tpu.memory_space<hbm>>
      tpu.enqueue_indirect_dma source(%dma_start3A_493 : memref<100000x128xf32, #tpu.memory_space<hbm>>) target(%dma_start3A_483 : memref<128x128xf32, #tpu.memory_space<vmem>>) offsets(%dma_start3A_490 : memref<128xi32, #tpu.memory_space<vmem>>) semaphore(%arg9 : memref<!tpu.dma_semaphore, #tpu.memory_space<semaphore_mem>>) {add = true}
    }
    %scan3A_121 = arith.constant 50 : i32
    %scan3A_122 = arith.constant 0 : i32
    %scan3A_123 = arith.constant 1 : i32
    %scan3A_124 = arith.constant 1 : i32
    %scan3A_125 = arith.constant 0 : i32
    %scan3A_126 = arith.constant 50 : i32
    %scan3A_127 = arith.addi %scan3A_125, %scan3A_126 : i32
    %scan3A_128 = arith.constant 1 : i32
    scf.for %scan3A_480 = %scan3A_125 to %scan3A_127 step %scan3A_128  : i32 {
      %dma_wait3A = arith.constant 0 : i32
      %dma_wait3A_481 = arith.constant 0 : i32
      %dma_wait3A_482 = arith.constant 0 : i32
      %dma_wait3A_483 = tpu.memref_slice %arg8[%scan3A_124, %dma_wait3A_481, %dma_wait3A_482] : memref<2x128x128xf32, #tpu.memory_space<vmem>> -> memref<1x128x128xf32, #tpu.memory_space<vmem>>
      %dma_wait3A_484 = tpu.memref_squeeze %dma_wait3A_483 : memref<1x128x128xf32, #tpu.memory_space<vmem>> -> memref<128x128xf32, #tpu.memory_space<vmem>>
      %dma_wait3A_485 = arith.constant 0 : i32
      %dma_wait3A_486 = arith.constant 0 : i32
      %dma_wait3A_487 = tpu.memref_slice %arg7[%scan3A_123, %dma_wait3A_485, %dma_wait3A_486] : memref<2x50x128xi32, #tpu.memory_space<vmem>> -> memref<1x50x128xi32, #tpu.memory_space<vmem>>
      %dma_wait3A_488 = tpu.memref_squeeze %dma_wait3A_487 : memref<1x50x128xi32, #tpu.memory_space<vmem>> -> memref<50x128xi32, #tpu.memory_space<vmem>>
      %dma_wait3A_489 = arith.constant 0 : i32
      %dma_wait3A_490 = tpu.memref_slice %dma_wait3A_488[%dma_wait3A, %dma_wait3A_489] : memref<50x128xi32, #tpu.memory_space<vmem>> -> memref<1x128xi32, #tpu.memory_space<vmem>>
      %dma_wait3A_491 = tpu.memref_squeeze %dma_wait3A_490 : memref<1x128xi32, #tpu.memory_space<vmem>> -> memref<128xi32, #tpu.memory_space<vmem>>
      %dma_wait3A_492 = arith.constant 0 : i32
      %dma_wait3A_493 = arith.constant 0 : i32
      %dma_wait3A_494 = tpu.memref_slice %arg4[%dma_wait3A_492, %dma_wait3A_493] : memref<100000x128xf32, #tpu.memory_space<hbm>> -> memref<100000x128xf32, #tpu.memory_space<hbm>>
      tpu.wait_indirect_dma semaphore(%arg10 : memref<!tpu.dma_semaphore, #tpu.memory_space<semaphore_mem>>) src(%dma_wait3A_494 : memref<100000x128xf32, #tpu.memory_space<hbm>>) dst(%dma_wait3A_484 : memref<128x128xf32, #tpu.memory_space<vmem>>)
    }
    %scan3A_129 = arith.constant 50 : i32
    %mul3A_130 = arith.constant 512 : i32
    %mul3A_131 = arith.muli %add3A, %mul3A_130 : i32
    %add3A_132 = arith.constant 384 : i32
    %add3A_133 = arith.addi %mul3A_131, %add3A_132 : i32
    %run_scoped3A_134 = arith.constant 1 : i32
    %run_scoped3A_135 = arith.constant 0 : i32
    "tpu.region"() ({
      %run_scoped3A_480 = tpu.sem_alloc : memref<!tpu.dma_semaphore, #tpu.memory_space<semaphore_mem>>
      %dma_start3A = arith.constant 0 : i32
      %dma_start3A_481 = arith.constant 0 : i32
      %dma_start3A_482 = tpu.memref_slice %arg8[%run_scoped3A_134, %dma_start3A, %dma_start3A_481] : memref<2x128x128xf32, #tpu.memory_space<vmem>> -> memref<1x128x128xf32, #tpu.memory_space<vmem>>
      %dma_start3A_483 = tpu.memref_squeeze %dma_start3A_482 : memref<1x128x128xf32, #tpu.memory_space<vmem>> -> memref<128x128xf32, #tpu.memory_space<vmem>>
      %dma_start3A_484 = arith.constant 0 : i32
      %dma_start3A_485 = tpu.memref_slice %arg6[%run_scoped3A_135, %add3A_133, %dma_start3A_484] : memref<4x16384x128xf32, #tpu.memory_space<hbm>> -> memref<1x128x128xf32, #tpu.memory_space<hbm>>
      %dma_start3A_486 = tpu.memref_squeeze %dma_start3A_485 : memref<1x128x128xf32, #tpu.memory_space<hbm>> -> memref<128x128xf32, #tpu.memory_space<hbm>>
      %dma_start3A_487 = arith.constant 0 : i32
      %dma_start3A_488 = tpu.memref_slice %arg6[%run_scoped3A_135, %add3A_133, %dma_start3A_487] : memref<4x16384x128xf32, #tpu.memory_space<hbm>> -> memref<1x128x128xf32, #tpu.memory_space<hbm>>
      %dma_start3A_489 = tpu.memref_squeeze %dma_start3A_488 : memref<1x128x128xf32, #tpu.memory_space<hbm>> -> memref<128x128xf32, #tpu.memory_space<hbm>>
      %dma_start3A_490 = arith.constant 0 : i32
      %dma_start3A_491 = arith.constant 0 : i32
      %dma_start3A_492 = tpu.memref_slice %arg8[%run_scoped3A_134, %dma_start3A_490, %dma_start3A_491] : memref<2x128x128xf32, #tpu.memory_space<vmem>> -> memref<1x128x128xf32, #tpu.memory_space<vmem>>
      %dma_start3A_493 = tpu.memref_squeeze %dma_start3A_492 : memref<1x128x128xf32, #tpu.memory_space<vmem>> -> memref<128x128xf32, #tpu.memory_space<vmem>>
      tpu.enqueue_dma source(%dma_start3A_493 : memref<128x128xf32, #tpu.memory_space<vmem>>) target(%dma_start3A_489 : memref<128x128xf32, #tpu.memory_space<hbm>>) target_semaphore(%run_scoped3A_480 : memref<!tpu.dma_semaphore, #tpu.memory_space<semaphore_mem>>)
      %dma_wait3A = arith.constant 0 : i32
      %dma_wait3A_494 = arith.constant 0 : i32
      %dma_wait3A_495 = tpu.memref_slice %arg8[%run_scoped3A_134, %dma_wait3A, %dma_wait3A_494] : memref<2x128x128xf32, #tpu.memory_space<vmem>> -> memref<1x128x128xf32, #tpu.memory_space<vmem>>
      %dma_wait3A_496 = tpu.memref_squeeze %dma_wait3A_495 : memref<1x128x128xf32, #tpu.memory_space<vmem>> -> memref<128x128xf32, #tpu.memory_space<vmem>>
      %dma_wait3A_497 = arith.constant 0 : i32
      %dma_wait3A_498 = tpu.memref_slice %arg6[%run_scoped3A_135, %add3A_133, %dma_wait3A_497] : memref<4x16384x128xf32, #tpu.memory_space<hbm>> -> memref<1x128x128xf32, #tpu.memory_space<hbm>>
      %dma_wait3A_499 = tpu.memref_squeeze %dma_wait3A_498 : memref<1x128x128xf32, #tpu.memory_space<hbm>> -> memref<128x128xf32, #tpu.memory_space<hbm>>
      %dma_wait3A_500 = arith.constant 0 : i32
      %dma_wait3A_501 = tpu.memref_slice %arg6[%run_scoped3A_135, %add3A_133, %dma_wait3A_500] : memref<4x16384x128xf32, #tpu.memory_space<hbm>> -> memref<1x128x128xf32, #tpu.memory_space<hbm>>
      %dma_wait3A_502 = tpu.memref_squeeze %dma_wait3A_501 : memref<1x128x128xf32, #tpu.memory_space<hbm>> -> memref<128x128xf32, #tpu.memory_space<hbm>>
      %dma_wait3A_503 = arith.constant 0 : i32
      %dma_wait3A_504 = arith.constant 0 : i32
      %dma_wait3A_505 = tpu.memref_slice %arg8[%run_scoped3A_134, %dma_wait3A_503, %dma_wait3A_504] : memref<2x128x128xf32, #tpu.memory_space<vmem>> -> memref<1x128x128xf32, #tpu.memory_space<vmem>>
      %dma_wait3A_506 = tpu.memref_squeeze %dma_wait3A_505 : memref<1x128x128xf32, #tpu.memory_space<vmem>> -> memref<128x128xf32, #tpu.memory_space<vmem>>
      tpu.wait_dma2 semaphore(%run_scoped3A_480 : memref<!tpu.dma_semaphore, #tpu.memory_space<semaphore_mem>>) src(%dma_wait3A_506 : memref<128x128xf32, #tpu.memory_space<vmem>>) dst(%dma_wait3A_502 : memref<128x128xf32, #tpu.memory_space<hbm>>)
      tpu.yield
    }) : () -> ()
    %run_scoped3A_136 = arith.constant 5 : i32
    %run_scoped3A_137 = arith.constant 1 : i32
    "tpu.region"() ({
      %run_scoped3A_480 = tpu.sem_alloc : memref<!tpu.dma_semaphore, #tpu.memory_space<semaphore_mem>>
      %dma_start3A = arith.constant 0 : i32
      %dma_start3A_481 = arith.constant 0 : i32
      %dma_start3A_482 = tpu.memref_slice %arg7[%run_scoped3A_137, %dma_start3A, %dma_start3A_481] : memref<2x50x128xi32, #tpu.memory_space<vmem>> -> memref<1x50x128xi32, #tpu.memory_space<vmem>>
      %dma_start3A_483 = tpu.memref_squeeze %dma_start3A_482 : memref<1x50x128xi32, #tpu.memory_space<vmem>> -> memref<50x128xi32, #tpu.memory_space<vmem>>
      %dma_start3A_484 = arith.constant 0 : i32
      %dma_start3A_485 = arith.constant 0 : i32
      %dma_start3A_486 = tpu.memref_slice %arg2[%add3A, %run_scoped3A_136, %dma_start3A_484, %dma_start3A_485] : memref<32x8x50x128xi32, #tpu.memory_space<hbm>> -> memref<1x1x50x128xi32, #tpu.memory_space<hbm>>
      %dma_start3A_487 = tpu.memref_squeeze %dma_start3A_486 : memref<1x1x50x128xi32, #tpu.memory_space<hbm>> -> memref<50x128xi32, #tpu.memory_space<hbm>>
      %dma_start3A_488 = arith.constant 0 : i32
      %dma_start3A_489 = arith.constant 0 : i32
      %dma_start3A_490 = tpu.memref_slice %arg7[%run_scoped3A_137, %dma_start3A_488, %dma_start3A_489] : memref<2x50x128xi32, #tpu.memory_space<vmem>> -> memref<1x50x128xi32, #tpu.memory_space<vmem>>
      %dma_start3A_491 = tpu.memref_squeeze %dma_start3A_490 : memref<1x50x128xi32, #tpu.memory_space<vmem>> -> memref<50x128xi32, #tpu.memory_space<vmem>>
      %dma_start3A_492 = arith.constant 0 : i32
      %dma_start3A_493 = arith.constant 0 : i32
      %dma_start3A_494 = tpu.memref_slice %arg2[%add3A, %run_scoped3A_136, %dma_start3A_492, %dma_start3A_493] : memref<32x8x50x128xi32, #tpu.memory_space<hbm>> -> memref<1x1x50x128xi32, #tpu.memory_space<hbm>>
      %dma_start3A_495 = tpu.memref_squeeze %dma_start3A_494 : memref<1x1x50x128xi32, #tpu.memory_space<hbm>> -> memref<50x128xi32, #tpu.memory_space<hbm>>
      tpu.enqueue_dma source(%dma_start3A_495 : memref<50x128xi32, #tpu.memory_space<hbm>>) target(%dma_start3A_491 : memref<50x128xi32, #tpu.memory_space<vmem>>) target_semaphore(%run_scoped3A_480 : memref<!tpu.dma_semaphore, #tpu.memory_space<semaphore_mem>>)
      %dma_wait3A = arith.constant 0 : i32
      %dma_wait3A_496 = arith.constant 0 : i32
      %dma_wait3A_497 = tpu.memref_slice %arg7[%run_scoped3A_137, %dma_wait3A, %dma_wait3A_496] : memref<2x50x128xi32, #tpu.memory_space<vmem>> -> memref<1x50x128xi32, #tpu.memory_space<vmem>>
      %dma_wait3A_498 = tpu.memref_squeeze %dma_wait3A_497 : memref<1x50x128xi32, #tpu.memory_space<vmem>> -> memref<50x128xi32, #tpu.memory_space<vmem>>
      %dma_wait3A_499 = arith.constant 0 : i32
      %dma_wait3A_500 = arith.constant 0 : i32
      %dma_wait3A_501 = tpu.memref_slice %arg2[%add3A, %run_scoped3A_136, %dma_wait3A_499, %dma_wait3A_500] : memref<32x8x50x128xi32, #tpu.memory_space<hbm>> -> memref<1x1x50x128xi32, #tpu.memory_space<hbm>>
      %dma_wait3A_502 = tpu.memref_squeeze %dma_wait3A_501 : memref<1x1x50x128xi32, #tpu.memory_space<hbm>> -> memref<50x128xi32, #tpu.memory_space<hbm>>
      %dma_wait3A_503 = arith.constant 0 : i32
      %dma_wait3A_504 = arith.constant 0 : i32
      %dma_wait3A_505 = tpu.memref_slice %arg7[%run_scoped3A_137, %dma_wait3A_503, %dma_wait3A_504] : memref<2x50x128xi32, #tpu.memory_space<vmem>> -> memref<1x50x128xi32, #tpu.memory_space<vmem>>
      %dma_wait3A_506 = tpu.memref_squeeze %dma_wait3A_505 : memref<1x50x128xi32, #tpu.memory_space<vmem>> -> memref<50x128xi32, #tpu.memory_space<vmem>>
      %dma_wait3A_507 = arith.constant 0 : i32
      %dma_wait3A_508 = arith.constant 0 : i32
      %dma_wait3A_509 = tpu.memref_slice %arg2[%add3A, %run_scoped3A_136, %dma_wait3A_507, %dma_wait3A_508] : memref<32x8x50x128xi32, #tpu.memory_space<hbm>> -> memref<1x1x50x128xi32, #tpu.memory_space<hbm>>
      %dma_wait3A_510 = tpu.memref_squeeze %dma_wait3A_509 : memref<1x1x50x128xi32, #tpu.memory_space<hbm>> -> memref<50x128xi32, #tpu.memory_space<hbm>>
      tpu.wait_dma2 semaphore(%run_scoped3A_480 : memref<!tpu.dma_semaphore, #tpu.memory_space<semaphore_mem>>) src(%dma_wait3A_510 : memref<50x128xi32, #tpu.memory_space<hbm>>) dst(%dma_wait3A_506 : memref<50x128xi32, #tpu.memory_space<vmem>>)
      tpu.yield
    }) : () -> ()
    %scan3A_138 = arith.constant 0 : i32
    %scan3A_139 = arith.constant 0 : i32
    %scan3A_140 = arith.constant 128 : i32
    %scan3A_141 = arith.addi %scan3A_139, %scan3A_140 : i32
    %scan3A_142 = arith.constant 1 : i32
    scf.for %scan3A_480 = %scan3A_139 to %scan3A_141 step %scan3A_142  : i32 {
      %swap3A = arith.constant 1 : i32
      %swap3A_481 = arith.index_cast %swap3A : i32 to index
      %swap3A_482 = arith.index_cast %scan3A_480 : i32 to index
      %swap3A_483 = arith.constant 0 : index
      %swap3A_484 = tpu.vector_load %arg8[%swap3A_481, %swap3A_482, %swap3A_483] {strides = array<i32>} : memref<2x128x128xf32, #tpu.memory_space<vmem>>, vector<1x1x16xf32>,
      %swap3A_485 = vector.shape_cast %swap3A_484 : vector<1x1x16xf32> to vector<16xf32>
      %swap3A_486 = vector.shape_cast %broadcast_in_dim3A_1 : vector<16xf32> to vector<1x1x16xf32>
      tpu.vector_store %arg8[%swap3A_481, %swap3A_482, %swap3A_483], %swap3A_486 {strides = array<i32>} : memref<2x128x128xf32, #tpu.memory_space<vmem>>, vector<1x1x16xf32>,
      %swap3A_487 = arith.constant 1 : i32
      %swap3A_488 = arith.index_cast %swap3A_487 : i32 to index
      %swap3A_489 = arith.index_cast %scan3A_480 : i32 to index
      %swap3A_490 = arith.constant 16 : index
      %swap3A_491 = tpu.vector_load %arg8[%swap3A_488, %swap3A_489, %swap3A_490] {strides = array<i32>} : memref<2x128x128xf32, #tpu.memory_space<vmem>>, vector<1x1x16xf32>,
      %swap3A_492 = vector.shape_cast %swap3A_491 : vector<1x1x16xf32> to vector<16xf32>
      %swap3A_493 = vector.shape_cast %broadcast_in_dim3A_1 : vector<16xf32> to vector<1x1x16xf32>
      tpu.vector_store %arg8[%swap3A_488, %swap3A_489, %swap3A_490], %swap3A_493 {strides = array<i32>} : memref<2x128x128xf32, #tpu.memory_space<vmem>>, vector<1x1x16xf32>,
      %swap3A_494 = arith.constant 1 : i32
      %swap3A_495 = arith.index_cast %swap3A_494 : i32 to index
      %swap3A_496 = arith.index_cast %scan3A_480 : i32 to index
      %swap3A_497 = arith.constant 32 : index
      %swap3A_498 = tpu.vector_load %arg8[%swap3A_495, %swap3A_496, %swap3A_497] {strides = array<i32>} : memref<2x128x128xf32, #tpu.memory_space<vmem>>, vector<1x1x16xf32>,
      %swap3A_499 = vector.shape_cast %swap3A_498 : vector<1x1x16xf32> to vector<16xf32>
      %swap3A_500 = vector.shape_cast %broadcast_in_dim3A_1 : vector<16xf32> to vector<1x1x16xf32>
      tpu.vector_store %arg8[%swap3A_495, %swap3A_496, %swap3A_497], %swap3A_500 {strides = array<i32>} : memref<2x128x128xf32, #tpu.memory_space<vmem>>, vector<1x1x16xf32>,
      %swap3A_501 = arith.constant 1 : i32
      %swap3A_502 = arith.index_cast %swap3A_501 : i32 to index
      %swap3A_503 = arith.index_cast %scan3A_480 : i32 to index
      %swap3A_504 = arith.constant 48 : index
      %swap3A_505 = tpu.vector_load %arg8[%swap3A_502, %swap3A_503, %swap3A_504] {strides = array<i32>} : memref<2x128x128xf32, #tpu.memory_space<vmem>>, vector<1x1x16xf32>,
      %swap3A_506 = vector.shape_cast %swap3A_505 : vector<1x1x16xf32> to vector<16xf32>
      %swap3A_507 = vector.shape_cast %broadcast_in_dim3A_1 : vector<16xf32> to vector<1x1x16xf32>
      tpu.vector_store %arg8[%swap3A_502, %swap3A_503, %swap3A_504], %swap3A_507 {strides = array<i32>} : memref<2x128x128xf32, #tpu.memory_space<vmem>>, vector<1x1x16xf32>,
      %swap3A_508 = arith.constant 1 : i32
      %swap3A_509 = arith.index_cast %swap3A_508 : i32 to index
      %swap3A_510 = arith.index_cast %scan3A_480 : i32 to index
      %swap3A_511 = arith.constant 64 : index
      %swap3A_512 = tpu.vector_load %arg8[%swap3A_509, %swap3A_510, %swap3A_511] {strides = array<i32>} : memref<2x128x128xf32, #tpu.memory_space<vmem>>, vector<1x1x16xf32>,
      %swap3A_513 = vector.shape_cast %swap3A_512 : vector<1x1x16xf32> to vector<16xf32>
      %swap3A_514 = vector.shape_cast %broadcast_in_dim3A_1 : vector<16xf32> to vector<1x1x16xf32>
      tpu.vector_store %arg8[%swap3A_509, %swap3A_510, %swap3A_511], %swap3A_514 {strides = array<i32>} : memref<2x128x128xf32, #tpu.memory_space<vmem>>, vector<1x1x16xf32>,
      %swap3A_515 = arith.constant 1 : i32
      %swap3A_516 = arith.index_cast %swap3A_515 : i32 to index
      %swap3A_517 = arith.index_cast %scan3A_480 : i32 to index
      %swap3A_518 = arith.constant 80 : index
      %swap3A_519 = tpu.vector_load %arg8[%swap3A_516, %swap3A_517, %swap3A_518] {strides = array<i32>} : memref<2x128x128xf32, #tpu.memory_space<vmem>>, vector<1x1x16xf32>,
      %swap3A_520 = vector.shape_cast %swap3A_519 : vector<1x1x16xf32> to vector<16xf32>
      %swap3A_521 = vector.shape_cast %broadcast_in_dim3A_1 : vector<16xf32> to vector<1x1x16xf32>
      tpu.vector_store %arg8[%swap3A_516, %swap3A_517, %swap3A_518], %swap3A_521 {strides = array<i32>} : memref<2x128x128xf32, #tpu.memory_space<vmem>>, vector<1x1x16xf32>,
      %swap3A_522 = arith.constant 1 : i32
      %swap3A_523 = arith.index_cast %swap3A_522 : i32 to index
      %swap3A_524 = arith.index_cast %scan3A_480 : i32 to index
      %swap3A_525 = arith.constant 96 : index
      %swap3A_526 = tpu.vector_load %arg8[%swap3A_523, %swap3A_524, %swap3A_525] {strides = array<i32>} : memref<2x128x128xf32, #tpu.memory_space<vmem>>, vector<1x1x16xf32>,
      %swap3A_527 = vector.shape_cast %swap3A_526 : vector<1x1x16xf32> to vector<16xf32>
      %swap3A_528 = vector.shape_cast %broadcast_in_dim3A_1 : vector<16xf32> to vector<1x1x16xf32>
      tpu.vector_store %arg8[%swap3A_523, %swap3A_524, %swap3A_525], %swap3A_528 {strides = array<i32>} : memref<2x128x128xf32, #tpu.memory_space<vmem>>, vector<1x1x16xf32>,
      %swap3A_529 = arith.constant 1 : i32
      %swap3A_530 = arith.index_cast %swap3A_529 : i32 to index
      %swap3A_531 = arith.index_cast %scan3A_480 : i32 to index
      %swap3A_532 = arith.constant 112 : index
      %swap3A_533 = tpu.vector_load %arg8[%swap3A_530, %swap3A_531, %swap3A_532] {strides = array<i32>} : memref<2x128x128xf32, #tpu.memory_space<vmem>>, vector<1x1x16xf32>,
      %swap3A_534 = vector.shape_cast %swap3A_533 : vector<1x1x16xf32> to vector<16xf32>
      %swap3A_535 = vector.shape_cast %broadcast_in_dim3A_1 : vector<16xf32> to vector<1x1x16xf32>
      tpu.vector_store %arg8[%swap3A_530, %swap3A_531, %swap3A_532], %swap3A_535 {strides = array<i32>} : memref<2x128x128xf32, #tpu.memory_space<vmem>>, vector<1x1x16xf32>,
    }
    %scan3A_143 = arith.constant 128 : i32
    %scan3A_144 = arith.constant 0 : i32
    %scan3A_145 = arith.constant 1 : i32
    %scan3A_146 = arith.constant 1 : i32
    %scan3A_147 = arith.constant 0 : i32
    %scan3A_148 = arith.constant 50 : i32
    %scan3A_149 = arith.addi %scan3A_147, %scan3A_148 : i32
    %scan3A_150 = arith.constant 1 : i32
    scf.for %scan3A_480 = %scan3A_147 to %scan3A_149 step %scan3A_150  : i32 {
      %dma_start3A = arith.constant 0 : i32
      %dma_start3A_481 = arith.constant 0 : i32
      %dma_start3A_482 = tpu.memref_slice %arg8[%scan3A_146, %dma_start3A, %dma_start3A_481] : memref<2x128x128xf32, #tpu.memory_space<vmem>> -> memref<1x128x128xf32, #tpu.memory_space<vmem>>
      %dma_start3A_483 = tpu.memref_squeeze %dma_start3A_482 : memref<1x128x128xf32, #tpu.memory_space<vmem>> -> memref<128x128xf32, #tpu.memory_space<vmem>>
      %dma_start3A_484 = arith.constant 0 : i32
      %dma_start3A_485 = arith.constant 0 : i32
      %dma_start3A_486 = tpu.memref_slice %arg7[%scan3A_145, %dma_start3A_484, %dma_start3A_485] : memref<2x50x128xi32, #tpu.memory_space<vmem>> -> memref<1x50x128xi32, #tpu.memory_space<vmem>>
      %dma_start3A_487 = tpu.memref_squeeze %dma_start3A_486 : memref<1x50x128xi32, #tpu.memory_space<vmem>> -> memref<50x128xi32, #tpu.memory_space<vmem>>
      %dma_start3A_488 = arith.constant 0 : i32
      %dma_start3A_489 = tpu.memref_slice %dma_start3A_487[%scan3A_480, %dma_start3A_488] : memref<50x128xi32, #tpu.memory_space<vmem>> -> memref<1x128xi32, #tpu.memory_space<vmem>>
      %dma_start3A_490 = tpu.memref_squeeze %dma_start3A_489 : memref<1x128xi32, #tpu.memory_space<vmem>> -> memref<128xi32, #tpu.memory_space<vmem>>
      %dma_start3A_491 = arith.constant 0 : i32
      %dma_start3A_492 = arith.constant 0 : i32
      %dma_start3A_493 = tpu.memref_slice %arg4[%dma_start3A_491, %dma_start3A_492] : memref<100000x128xf32, #tpu.memory_space<hbm>> -> memref<100000x128xf32, #tpu.memory_space<hbm>>
      tpu.enqueue_indirect_dma source(%dma_start3A_493 : memref<100000x128xf32, #tpu.memory_space<hbm>>) target(%dma_start3A_483 : memref<128x128xf32, #tpu.memory_space<vmem>>) offsets(%dma_start3A_490 : memref<128xi32, #tpu.memory_space<vmem>>) semaphore(%arg10 : memref<!tpu.dma_semaphore, #tpu.memory_space<semaphore_mem>>) {add = true}
    }
    %scan3A_151 = arith.constant 50 : i32
    %scan3A_152 = arith.constant 0 : i32
    %scan3A_153 = arith.constant 0 : i32
    %scan3A_154 = arith.constant 0 : i32
    %scan3A_155 = arith.constant 0 : i32
    %scan3A_156 = arith.constant 50 : i32
    %scan3A_157 = arith.addi %scan3A_155, %scan3A_156 : i32
    %scan3A_158 = arith.constant 1 : i32
    scf.for %scan3A_480 = %scan3A_155 to %scan3A_157 step %scan3A_158  : i32 {
      %dma_wait3A = arith.constant 0 : i32
      %dma_wait3A_481 = arith.constant 0 : i32
      %dma_wait3A_482 = arith.constant 0 : i32
      %dma_wait3A_483 = tpu.memref_slice %arg8[%scan3A_154, %dma_wait3A_481, %dma_wait3A_482] : memref<2x128x128xf32, #tpu.memory_space<vmem>> -> memref<1x128x128xf32, #tpu.memory_space<vmem>>
      %dma_wait3A_484 = tpu.memref_squeeze %dma_wait3A_483 : memref<1x128x128xf32, #tpu.memory_space<vmem>> -> memref<128x128xf32, #tpu.memory_space<vmem>>
      %dma_wait3A_485 = arith.constant 0 : i32
      %dma_wait3A_486 = arith.constant 0 : i32
      %dma_wait3A_487 = tpu.memref_slice %arg7[%scan3A_153, %dma_wait3A_485, %dma_wait3A_486] : memref<2x50x128xi32, #tpu.memory_space<vmem>> -> memref<1x50x128xi32, #tpu.memory_space<vmem>>
      %dma_wait3A_488 = tpu.memref_squeeze %dma_wait3A_487 : memref<1x50x128xi32, #tpu.memory_space<vmem>> -> memref<50x128xi32, #tpu.memory_space<vmem>>
      %dma_wait3A_489 = arith.constant 0 : i32
      %dma_wait3A_490 = tpu.memref_slice %dma_wait3A_488[%dma_wait3A, %dma_wait3A_489] : memref<50x128xi32, #tpu.memory_space<vmem>> -> memref<1x128xi32, #tpu.memory_space<vmem>>
      %dma_wait3A_491 = tpu.memref_squeeze %dma_wait3A_490 : memref<1x128xi32, #tpu.memory_space<vmem>> -> memref<128xi32, #tpu.memory_space<vmem>>
      %dma_wait3A_492 = arith.constant 0 : i32
      %dma_wait3A_493 = arith.constant 0 : i32
      %dma_wait3A_494 = tpu.memref_slice %arg4[%dma_wait3A_492, %dma_wait3A_493] : memref<100000x128xf32, #tpu.memory_space<hbm>> -> memref<100000x128xf32, #tpu.memory_space<hbm>>
      tpu.wait_indirect_dma semaphore(%arg9 : memref<!tpu.dma_semaphore, #tpu.memory_space<semaphore_mem>>) src(%dma_wait3A_494 : memref<100000x128xf32, #tpu.memory_space<hbm>>) dst(%dma_wait3A_484 : memref<128x128xf32, #tpu.memory_space<vmem>>)
    }
    %scan3A_159 = arith.constant 50 : i32
    %mul3A_160 = arith.constant 512 : i32
    %mul3A_161 = arith.muli %add3A, %mul3A_160 : i32
    %add3A_162 = arith.constant 0 : i32
    %add3A_163 = arith.addi %mul3A_161, %add3A_162 : i32
    %run_scoped3A_164 = arith.constant 0 : i32
    %run_scoped3A_165 = arith.constant 1 : i32
    "tpu.region"() ({
      %run_scoped3A_480 = tpu.sem_alloc : memref<!tpu.dma_semaphore, #tpu.memory_space<semaphore_mem>>
      %dma_start3A = arith.constant 0 : i32
      %dma_start3A_481 = arith.constant 0 : i32
      %dma_start3A_482 = tpu.memref_slice %arg8[%run_scoped3A_164, %dma_start3A, %dma_start3A_481] : memref<2x128x128xf32, #tpu.memory_space<vmem>> -> memref<1x128x128xf32, #tpu.memory_space<vmem>>
      %dma_start3A_483 = tpu.memref_squeeze %dma_start3A_482 : memref<1x128x128xf32, #tpu.memory_space<vmem>> -> memref<128x128xf32, #tpu.memory_space<vmem>>
      %dma_start3A_484 = arith.constant 0 : i32
      %dma_start3A_485 = tpu.memref_slice %arg6[%run_scoped3A_165, %add3A_163, %dma_start3A_484] : memref<4x16384x128xf32, #tpu.memory_space<hbm>> -> memref<1x128x128xf32, #tpu.memory_space<hbm>>
      %dma_start3A_486 = tpu.memref_squeeze %dma_start3A_485 : memref<1x128x128xf32, #tpu.memory_space<hbm>> -> memref<128x128xf32, #tpu.memory_space<hbm>>
      %dma_start3A_487 = arith.constant 0 : i32
      %dma_start3A_488 = tpu.memref_slice %arg6[%run_scoped3A_165, %add3A_163, %dma_start3A_487] : memref<4x16384x128xf32, #tpu.memory_space<hbm>> -> memref<1x128x128xf32, #tpu.memory_space<hbm>>
      %dma_start3A_489 = tpu.memref_squeeze %dma_start3A_488 : memref<1x128x128xf32, #tpu.memory_space<hbm>> -> memref<128x128xf32, #tpu.memory_space<hbm>>
      %dma_start3A_490 = arith.constant 0 : i32
      %dma_start3A_491 = arith.constant 0 : i32
      %dma_start3A_492 = tpu.memref_slice %arg8[%run_scoped3A_164, %dma_start3A_490, %dma_start3A_491] : memref<2x128x128xf32, #tpu.memory_space<vmem>> -> memref<1x128x128xf32, #tpu.memory_space<vmem>>
      %dma_start3A_493 = tpu.memref_squeeze %dma_start3A_492 : memref<1x128x128xf32, #tpu.memory_space<vmem>> -> memref<128x128xf32, #tpu.memory_space<vmem>>
      tpu.enqueue_dma source(%dma_start3A_493 : memref<128x128xf32, #tpu.memory_space<vmem>>) target(%dma_start3A_489 : memref<128x128xf32, #tpu.memory_space<hbm>>) target_semaphore(%run_scoped3A_480 : memref<!tpu.dma_semaphore, #tpu.memory_space<semaphore_mem>>)
      %dma_wait3A = arith.constant 0 : i32
      %dma_wait3A_494 = arith.constant 0 : i32
      %dma_wait3A_495 = tpu.memref_slice %arg8[%run_scoped3A_164, %dma_wait3A, %dma_wait3A_494] : memref<2x128x128xf32, #tpu.memory_space<vmem>> -> memref<1x128x128xf32, #tpu.memory_space<vmem>>
      %dma_wait3A_496 = tpu.memref_squeeze %dma_wait3A_495 : memref<1x128x128xf32, #tpu.memory_space<vmem>> -> memref<128x128xf32, #tpu.memory_space<vmem>>
      %dma_wait3A_497 = arith.constant 0 : i32
      %dma_wait3A_498 = tpu.memref_slice %arg6[%run_scoped3A_165, %add3A_163, %dma_wait3A_497] : memref<4x16384x128xf32, #tpu.memory_space<hbm>> -> memref<1x128x128xf32, #tpu.memory_space<hbm>>
      %dma_wait3A_499 = tpu.memref_squeeze %dma_wait3A_498 : memref<1x128x128xf32, #tpu.memory_space<hbm>> -> memref<128x128xf32, #tpu.memory_space<hbm>>
      %dma_wait3A_500 = arith.constant 0 : i32
      %dma_wait3A_501 = tpu.memref_slice %arg6[%run_scoped3A_165, %add3A_163, %dma_wait3A_500] : memref<4x16384x128xf32, #tpu.memory_space<hbm>> -> memref<1x128x128xf32, #tpu.memory_space<hbm>>
      %dma_wait3A_502 = tpu.memref_squeeze %dma_wait3A_501 : memref<1x128x128xf32, #tpu.memory_space<hbm>> -> memref<128x128xf32, #tpu.memory_space<hbm>>
      %dma_wait3A_503 = arith.constant 0 : i32
      %dma_wait3A_504 = arith.constant 0 : i32
      %dma_wait3A_505 = tpu.memref_slice %arg8[%run_scoped3A_164, %dma_wait3A_503, %dma_wait3A_504] : memref<2x128x128xf32, #tpu.memory_space<vmem>> -> memref<1x128x128xf32, #tpu.memory_space<vmem>>
      %dma_wait3A_506 = tpu.memref_squeeze %dma_wait3A_505 : memref<1x128x128xf32, #tpu.memory_space<vmem>> -> memref<128x128xf32, #tpu.memory_space<vmem>>
      tpu.wait_dma2 semaphore(%run_scoped3A_480 : memref<!tpu.dma_semaphore, #tpu.memory_space<semaphore_mem>>) src(%dma_wait3A_506 : memref<128x128xf32, #tpu.memory_space<vmem>>) dst(%dma_wait3A_502 : memref<128x128xf32, #tpu.memory_space<hbm>>)
      tpu.yield
    }) : () -> ()
    %run_scoped3A_166 = arith.constant 6 : i32
    %run_scoped3A_167 = arith.constant 0 : i32
    "tpu.region"() ({
      %run_scoped3A_480 = tpu.sem_alloc : memref<!tpu.dma_semaphore, #tpu.memory_space<semaphore_mem>>
      %dma_start3A = arith.constant 0 : i32
      %dma_start3A_481 = arith.constant 0 : i32
      %dma_start3A_482 = tpu.memref_slice %arg7[%run_scoped3A_167, %dma_start3A, %dma_start3A_481] : memref<2x50x128xi32, #tpu.memory_space<vmem>> -> memref<1x50x128xi32, #tpu.memory_space<vmem>>
      %dma_start3A_483 = tpu.memref_squeeze %dma_start3A_482 : memref<1x50x128xi32, #tpu.memory_space<vmem>> -> memref<50x128xi32, #tpu.memory_space<vmem>>
      %dma_start3A_484 = arith.constant 0 : i32
      %dma_start3A_485 = arith.constant 0 : i32
      %dma_start3A_486 = tpu.memref_slice %arg2[%add3A, %run_scoped3A_166, %dma_start3A_484, %dma_start3A_485] : memref<32x8x50x128xi32, #tpu.memory_space<hbm>> -> memref<1x1x50x128xi32, #tpu.memory_space<hbm>>
      %dma_start3A_487 = tpu.memref_squeeze %dma_start3A_486 : memref<1x1x50x128xi32, #tpu.memory_space<hbm>> -> memref<50x128xi32, #tpu.memory_space<hbm>>
      %dma_start3A_488 = arith.constant 0 : i32
      %dma_start3A_489 = arith.constant 0 : i32
      %dma_start3A_490 = tpu.memref_slice %arg7[%run_scoped3A_167, %dma_start3A_488, %dma_start3A_489] : memref<2x50x128xi32, #tpu.memory_space<vmem>> -> memref<1x50x128xi32, #tpu.memory_space<vmem>>
      %dma_start3A_491 = tpu.memref_squeeze %dma_start3A_490 : memref<1x50x128xi32, #tpu.memory_space<vmem>> -> memref<50x128xi32, #tpu.memory_space<vmem>>
      %dma_start3A_492 = arith.constant 0 : i32
      %dma_start3A_493 = arith.constant 0 : i32
      %dma_start3A_494 = tpu.memref_slice %arg2[%add3A, %run_scoped3A_166, %dma_start3A_492, %dma_start3A_493] : memref<32x8x50x128xi32, #tpu.memory_space<hbm>> -> memref<1x1x50x128xi32, #tpu.memory_space<hbm>>
      %dma_start3A_495 = tpu.memref_squeeze %dma_start3A_494 : memref<1x1x50x128xi32, #tpu.memory_space<hbm>> -> memref<50x128xi32, #tpu.memory_space<hbm>>
      tpu.enqueue_dma source(%dma_start3A_495 : memref<50x128xi32, #tpu.memory_space<hbm>>) target(%dma_start3A_491 : memref<50x128xi32, #tpu.memory_space<vmem>>) target_semaphore(%run_scoped3A_480 : memref<!tpu.dma_semaphore, #tpu.memory_space<semaphore_mem>>)
      %dma_wait3A = arith.constant 0 : i32
      %dma_wait3A_496 = arith.constant 0 : i32
      %dma_wait3A_497 = tpu.memref_slice %arg7[%run_scoped3A_167, %dma_wait3A, %dma_wait3A_496] : memref<2x50x128xi32, #tpu.memory_space<vmem>> -> memref<1x50x128xi32, #tpu.memory_space<vmem>>
      %dma_wait3A_498 = tpu.memref_squeeze %dma_wait3A_497 : memref<1x50x128xi32, #tpu.memory_space<vmem>> -> memref<50x128xi32, #tpu.memory_space<vmem>>
      %dma_wait3A_499 = arith.constant 0 : i32
      %dma_wait3A_500 = arith.constant 0 : i32
      %dma_wait3A_501 = tpu.memref_slice %arg2[%add3A, %run_scoped3A_166, %dma_wait3A_499, %dma_wait3A_500] : memref<32x8x50x128xi32, #tpu.memory_space<hbm>> -> memref<1x1x50x128xi32, #tpu.memory_space<hbm>>
      %dma_wait3A_502 = tpu.memref_squeeze %dma_wait3A_501 : memref<1x1x50x128xi32, #tpu.memory_space<hbm>> -> memref<50x128xi32, #tpu.memory_space<hbm>>
      %dma_wait3A_503 = arith.constant 0 : i32
      %dma_wait3A_504 = arith.constant 0 : i32
      %dma_wait3A_505 = tpu.memref_slice %arg7[%run_scoped3A_167, %dma_wait3A_503, %dma_wait3A_504] : memref<2x50x128xi32, #tpu.memory_space<vmem>> -> memref<1x50x128xi32, #tpu.memory_space<vmem>>
      %dma_wait3A_506 = tpu.memref_squeeze %dma_wait3A_505 : memref<1x50x128xi32, #tpu.memory_space<vmem>> -> memref<50x128xi32, #tpu.memory_space<vmem>>
      %dma_wait3A_507 = arith.constant 0 : i32
      %dma_wait3A_508 = arith.constant 0 : i32
      %dma_wait3A_509 = tpu.memref_slice %arg2[%add3A, %run_scoped3A_166, %dma_wait3A_507, %dma_wait3A_508] : memref<32x8x50x128xi32, #tpu.memory_space<hbm>> -> memref<1x1x50x128xi32, #tpu.memory_space<hbm>>
      %dma_wait3A_510 = tpu.memref_squeeze %dma_wait3A_509 : memref<1x1x50x128xi32, #tpu.memory_space<hbm>> -> memref<50x128xi32, #tpu.memory_space<hbm>>
      tpu.wait_dma2 semaphore(%run_scoped3A_480 : memref<!tpu.dma_semaphore, #tpu.memory_space<semaphore_mem>>) src(%dma_wait3A_510 : memref<50x128xi32, #tpu.memory_space<hbm>>) dst(%dma_wait3A_506 : memref<50x128xi32, #tpu.memory_space<vmem>>)
      tpu.yield
    }) : () -> ()
    %scan3A_168 = arith.constant 0 : i32
    %scan3A_169 = arith.constant 0 : i32
    %scan3A_170 = arith.constant 128 : i32
    %scan3A_171 = arith.addi %scan3A_169, %scan3A_170 : i32
    %scan3A_172 = arith.constant 1 : i32
    scf.for %scan3A_480 = %scan3A_169 to %scan3A_171 step %scan3A_172  : i32 {
      %swap3A = arith.constant 0 : i32
      %swap3A_481 = arith.index_cast %swap3A : i32 to index
      %swap3A_482 = arith.index_cast %scan3A_480 : i32 to index
      %swap3A_483 = arith.constant 0 : index
      %swap3A_484 = tpu.vector_load %arg8[%swap3A_481, %swap3A_482, %swap3A_483] {strides = array<i32>} : memref<2x128x128xf32, #tpu.memory_space<vmem>>, vector<1x1x16xf32>,
      %swap3A_485 = vector.shape_cast %swap3A_484 : vector<1x1x16xf32> to vector<16xf32>
      %swap3A_486 = vector.shape_cast %broadcast_in_dim3A_1 : vector<16xf32> to vector<1x1x16xf32>
      tpu.vector_store %arg8[%swap3A_481, %swap3A_482, %swap3A_483], %swap3A_486 {strides = array<i32>} : memref<2x128x128xf32, #tpu.memory_space<vmem>>, vector<1x1x16xf32>,
      %swap3A_487 = arith.constant 0 : i32
      %swap3A_488 = arith.index_cast %swap3A_487 : i32 to index
      %swap3A_489 = arith.index_cast %scan3A_480 : i32 to index
      %swap3A_490 = arith.constant 16 : index
      %swap3A_491 = tpu.vector_load %arg8[%swap3A_488, %swap3A_489, %swap3A_490] {strides = array<i32>} : memref<2x128x128xf32, #tpu.memory_space<vmem>>, vector<1x1x16xf32>,
      %swap3A_492 = vector.shape_cast %swap3A_491 : vector<1x1x16xf32> to vector<16xf32>
      %swap3A_493 = vector.shape_cast %broadcast_in_dim3A_1 : vector<16xf32> to vector<1x1x16xf32>
      tpu.vector_store %arg8[%swap3A_488, %swap3A_489, %swap3A_490], %swap3A_493 {strides = array<i32>} : memref<2x128x128xf32, #tpu.memory_space<vmem>>, vector<1x1x16xf32>,
      %swap3A_494 = arith.constant 0 : i32
      %swap3A_495 = arith.index_cast %swap3A_494 : i32 to index
      %swap3A_496 = arith.index_cast %scan3A_480 : i32 to index
      %swap3A_497 = arith.constant 32 : index
      %swap3A_498 = tpu.vector_load %arg8[%swap3A_495, %swap3A_496, %swap3A_497] {strides = array<i32>} : memref<2x128x128xf32, #tpu.memory_space<vmem>>, vector<1x1x16xf32>,
      %swap3A_499 = vector.shape_cast %swap3A_498 : vector<1x1x16xf32> to vector<16xf32>
      %swap3A_500 = vector.shape_cast %broadcast_in_dim3A_1 : vector<16xf32> to vector<1x1x16xf32>
      tpu.vector_store %arg8[%swap3A_495, %swap3A_496, %swap3A_497], %swap3A_500 {strides = array<i32>} : memref<2x128x128xf32, #tpu.memory_space<vmem>>, vector<1x1x16xf32>,
      %swap3A_501 = arith.constant 0 : i32
      %swap3A_502 = arith.index_cast %swap3A_501 : i32 to index
      %swap3A_503 = arith.index_cast %scan3A_480 : i32 to index
      %swap3A_504 = arith.constant 48 : index
      %swap3A_505 = tpu.vector_load %arg8[%swap3A_502, %swap3A_503, %swap3A_504] {strides = array<i32>} : memref<2x128x128xf32, #tpu.memory_space<vmem>>, vector<1x1x16xf32>,
      %swap3A_506 = vector.shape_cast %swap3A_505 : vector<1x1x16xf32> to vector<16xf32>
      %swap3A_507 = vector.shape_cast %broadcast_in_dim3A_1 : vector<16xf32> to vector<1x1x16xf32>
      tpu.vector_store %arg8[%swap3A_502, %swap3A_503, %swap3A_504], %swap3A_507 {strides = array<i32>} : memref<2x128x128xf32, #tpu.memory_space<vmem>>, vector<1x1x16xf32>,
      %swap3A_508 = arith.constant 0 : i32
      %swap3A_509 = arith.index_cast %swap3A_508 : i32 to index
      %swap3A_510 = arith.index_cast %scan3A_480 : i32 to index
      %swap3A_511 = arith.constant 64 : index
      %swap3A_512 = tpu.vector_load %arg8[%swap3A_509, %swap3A_510, %swap3A_511] {strides = array<i32>} : memref<2x128x128xf32, #tpu.memory_space<vmem>>, vector<1x1x16xf32>,
      %swap3A_513 = vector.shape_cast %swap3A_512 : vector<1x1x16xf32> to vector<16xf32>
      %swap3A_514 = vector.shape_cast %broadcast_in_dim3A_1 : vector<16xf32> to vector<1x1x16xf32>
      tpu.vector_store %arg8[%swap3A_509, %swap3A_510, %swap3A_511], %swap3A_514 {strides = array<i32>} : memref<2x128x128xf32, #tpu.memory_space<vmem>>, vector<1x1x16xf32>,
      %swap3A_515 = arith.constant 0 : i32
      %swap3A_516 = arith.index_cast %swap3A_515 : i32 to index
      %swap3A_517 = arith.index_cast %scan3A_480 : i32 to index
      %swap3A_518 = arith.constant 80 : index
      %swap3A_519 = tpu.vector_load %arg8[%swap3A_516, %swap3A_517, %swap3A_518] {strides = array<i32>} : memref<2x128x128xf32, #tpu.memory_space<vmem>>, vector<1x1x16xf32>,
      %swap3A_520 = vector.shape_cast %swap3A_519 : vector<1x1x16xf32> to vector<16xf32>
      %swap3A_521 = vector.shape_cast %broadcast_in_dim3A_1 : vector<16xf32> to vector<1x1x16xf32>
      tpu.vector_store %arg8[%swap3A_516, %swap3A_517, %swap3A_518], %swap3A_521 {strides = array<i32>} : memref<2x128x128xf32, #tpu.memory_space<vmem>>, vector<1x1x16xf32>,
      %swap3A_522 = arith.constant 0 : i32
      %swap3A_523 = arith.index_cast %swap3A_522 : i32 to index
      %swap3A_524 = arith.index_cast %scan3A_480 : i32 to index
      %swap3A_525 = arith.constant 96 : index
      %swap3A_526 = tpu.vector_load %arg8[%swap3A_523, %swap3A_524, %swap3A_525] {strides = array<i32>} : memref<2x128x128xf32, #tpu.memory_space<vmem>>, vector<1x1x16xf32>,
      %swap3A_527 = vector.shape_cast %swap3A_526 : vector<1x1x16xf32> to vector<16xf32>
      %swap3A_528 = vector.shape_cast %broadcast_in_dim3A_1 : vector<16xf32> to vector<1x1x16xf32>
      tpu.vector_store %arg8[%swap3A_523, %swap3A_524, %swap3A_525], %swap3A_528 {strides = array<i32>} : memref<2x128x128xf32, #tpu.memory_space<vmem>>, vector<1x1x16xf32>,
      %swap3A_529 = arith.constant 0 : i32
      %swap3A_530 = arith.index_cast %swap3A_529 : i32 to index
      %swap3A_531 = arith.index_cast %scan3A_480 : i32 to index
      %swap3A_532 = arith.constant 112 : index
      %swap3A_533 = tpu.vector_load %arg8[%swap3A_530, %swap3A_531, %swap3A_532] {strides = array<i32>} : memref<2x128x128xf32, #tpu.memory_space<vmem>>, vector<1x1x16xf32>,
      %swap3A_534 = vector.shape_cast %swap3A_533 : vector<1x1x16xf32> to vector<16xf32>
      %swap3A_535 = vector.shape_cast %broadcast_in_dim3A_1 : vector<16xf32> to vector<1x1x16xf32>
      tpu.vector_store %arg8[%swap3A_530, %swap3A_531, %swap3A_532], %swap3A_535 {strides = array<i32>} : memref<2x128x128xf32, #tpu.memory_space<vmem>>, vector<1x1x16xf32>,
    }
    %scan3A_173 = arith.constant 128 : i32
    %scan3A_174 = arith.constant 0 : i32
    %scan3A_175 = arith.constant 0 : i32
    %scan3A_176 = arith.constant 0 : i32
    %scan3A_177 = arith.constant 0 : i32
    %scan3A_178 = arith.constant 50 : i32
    %scan3A_179 = arith.addi %scan3A_177, %scan3A_178 : i32
    %scan3A_180 = arith.constant 1 : i32
    scf.for %scan3A_480 = %scan3A_177 to %scan3A_179 step %scan3A_180  : i32 {
      %dma_start3A = arith.constant 0 : i32
      %dma_start3A_481 = arith.constant 0 : i32
      %dma_start3A_482 = tpu.memref_slice %arg8[%scan3A_176, %dma_start3A, %dma_start3A_481] : memref<2x128x128xf32, #tpu.memory_space<vmem>> -> memref<1x128x128xf32, #tpu.memory_space<vmem>>
      %dma_start3A_483 = tpu.memref_squeeze %dma_start3A_482 : memref<1x128x128xf32, #tpu.memory_space<vmem>> -> memref<128x128xf32, #tpu.memory_space<vmem>>
      %dma_start3A_484 = arith.constant 0 : i32
      %dma_start3A_485 = arith.constant 0 : i32
      %dma_start3A_486 = tpu.memref_slice %arg7[%scan3A_175, %dma_start3A_484, %dma_start3A_485] : memref<2x50x128xi32, #tpu.memory_space<vmem>> -> memref<1x50x128xi32, #tpu.memory_space<vmem>>
      %dma_start3A_487 = tpu.memref_squeeze %dma_start3A_486 : memref<1x50x128xi32, #tpu.memory_space<vmem>> -> memref<50x128xi32, #tpu.memory_space<vmem>>
      %dma_start3A_488 = arith.constant 0 : i32
      %dma_start3A_489 = tpu.memref_slice %dma_start3A_487[%scan3A_480, %dma_start3A_488] : memref<50x128xi32, #tpu.memory_space<vmem>> -> memref<1x128xi32, #tpu.memory_space<vmem>>
      %dma_start3A_490 = tpu.memref_squeeze %dma_start3A_489 : memref<1x128xi32, #tpu.memory_space<vmem>> -> memref<128xi32, #tpu.memory_space<vmem>>
      %dma_start3A_491 = arith.constant 0 : i32
      %dma_start3A_492 = arith.constant 0 : i32
      %dma_start3A_493 = tpu.memref_slice %arg4[%dma_start3A_491, %dma_start3A_492] : memref<100000x128xf32, #tpu.memory_space<hbm>> -> memref<100000x128xf32, #tpu.memory_space<hbm>>
      tpu.enqueue_indirect_dma source(%dma_start3A_493 : memref<100000x128xf32, #tpu.memory_space<hbm>>) target(%dma_start3A_483 : memref<128x128xf32, #tpu.memory_space<vmem>>) offsets(%dma_start3A_490 : memref<128xi32, #tpu.memory_space<vmem>>) semaphore(%arg9 : memref<!tpu.dma_semaphore, #tpu.memory_space<semaphore_mem>>) {add = true}
    }
    %scan3A_181 = arith.constant 50 : i32
    %scan3A_182 = arith.constant 0 : i32
    %scan3A_183 = arith.constant 1 : i32
    %scan3A_184 = arith.constant 1 : i32
    %scan3A_185 = arith.constant 0 : i32
    %scan3A_186 = arith.constant 50 : i32
    %scan3A_187 = arith.addi %scan3A_185, %scan3A_186 : i32
    %scan3A_188 = arith.constant 1 : i32
    scf.for %scan3A_480 = %scan3A_185 to %scan3A_187 step %scan3A_188  : i32 {
      %dma_wait3A = arith.constant 0 : i32
      %dma_wait3A_481 = arith.constant 0 : i32
      %dma_wait3A_482 = arith.constant 0 : i32
      %dma_wait3A_483 = tpu.memref_slice %arg8[%scan3A_184, %dma_wait3A_481, %dma_wait3A_482] : memref<2x128x128xf32, #tpu.memory_space<vmem>> -> memref<1x128x128xf32, #tpu.memory_space<vmem>>
      %dma_wait3A_484 = tpu.memref_squeeze %dma_wait3A_483 : memref<1x128x128xf32, #tpu.memory_space<vmem>> -> memref<128x128xf32, #tpu.memory_space<vmem>>
      %dma_wait3A_485 = arith.constant 0 : i32
      %dma_wait3A_486 = arith.constant 0 : i32
      %dma_wait3A_487 = tpu.memref_slice %arg7[%scan3A_183, %dma_wait3A_485, %dma_wait3A_486] : memref<2x50x128xi32, #tpu.memory_space<vmem>> -> memref<1x50x128xi32, #tpu.memory_space<vmem>>
      %dma_wait3A_488 = tpu.memref_squeeze %dma_wait3A_487 : memref<1x50x128xi32, #tpu.memory_space<vmem>> -> memref<50x128xi32, #tpu.memory_space<vmem>>
      %dma_wait3A_489 = arith.constant 0 : i32
      %dma_wait3A_490 = tpu.memref_slice %dma_wait3A_488[%dma_wait3A, %dma_wait3A_489] : memref<50x128xi32, #tpu.memory_space<vmem>> -> memref<1x128xi32, #tpu.memory_space<vmem>>
      %dma_wait3A_491 = tpu.memref_squeeze %dma_wait3A_490 : memref<1x128xi32, #tpu.memory_space<vmem>> -> memref<128xi32, #tpu.memory_space<vmem>>
      %dma_wait3A_492 = arith.constant 0 : i32
      %dma_wait3A_493 = arith.constant 0 : i32
      %dma_wait3A_494 = tpu.memref_slice %arg4[%dma_wait3A_492, %dma_wait3A_493] : memref<100000x128xf32, #tpu.memory_space<hbm>> -> memref<100000x128xf32, #tpu.memory_space<hbm>>
      tpu.wait_indirect_dma semaphore(%arg10 : memref<!tpu.dma_semaphore, #tpu.memory_space<semaphore_mem>>) src(%dma_wait3A_494 : memref<100000x128xf32, #tpu.memory_space<hbm>>) dst(%dma_wait3A_484 : memref<128x128xf32, #tpu.memory_space<vmem>>)
    }
    %scan3A_189 = arith.constant 50 : i32
    %mul3A_190 = arith.constant 512 : i32
    %mul3A_191 = arith.muli %add3A, %mul3A_190 : i32
    %add3A_192 = arith.constant 128 : i32
    %add3A_193 = arith.addi %mul3A_191, %add3A_192 : i32
    %run_scoped3A_194 = arith.constant 1 : i32
    %run_scoped3A_195 = arith.constant 1 : i32
    "tpu.region"() ({
      %run_scoped3A_480 = tpu.sem_alloc : memref<!tpu.dma_semaphore, #tpu.memory_space<semaphore_mem>>
      %dma_start3A = arith.constant 0 : i32
      %dma_start3A_481 = arith.constant 0 : i32
      %dma_start3A_482 = tpu.memref_slice %arg8[%run_scoped3A_194, %dma_start3A, %dma_start3A_481] : memref<2x128x128xf32, #tpu.memory_space<vmem>> -> memref<1x128x128xf32, #tpu.memory_space<vmem>>
      %dma_start3A_483 = tpu.memref_squeeze %dma_start3A_482 : memref<1x128x128xf32, #tpu.memory_space<vmem>> -> memref<128x128xf32, #tpu.memory_space<vmem>>
      %dma_start3A_484 = arith.constant 0 : i32
      %dma_start3A_485 = tpu.memref_slice %arg6[%run_scoped3A_195, %add3A_193, %dma_start3A_484] : memref<4x16384x128xf32, #tpu.memory_space<hbm>> -> memref<1x128x128xf32, #tpu.memory_space<hbm>>
      %dma_start3A_486 = tpu.memref_squeeze %dma_start3A_485 : memref<1x128x128xf32, #tpu.memory_space<hbm>> -> memref<128x128xf32, #tpu.memory_space<hbm>>
      %dma_start3A_487 = arith.constant 0 : i32
      %dma_start3A_488 = tpu.memref_slice %arg6[%run_scoped3A_195, %add3A_193, %dma_start3A_487] : memref<4x16384x128xf32, #tpu.memory_space<hbm>> -> memref<1x128x128xf32, #tpu.memory_space<hbm>>
      %dma_start3A_489 = tpu.memref_squeeze %dma_start3A_488 : memref<1x128x128xf32, #tpu.memory_space<hbm>> -> memref<128x128xf32, #tpu.memory_space<hbm>>
      %dma_start3A_490 = arith.constant 0 : i32
      %dma_start3A_491 = arith.constant 0 : i32
      %dma_start3A_492 = tpu.memref_slice %arg8[%run_scoped3A_194, %dma_start3A_490, %dma_start3A_491] : memref<2x128x128xf32, #tpu.memory_space<vmem>> -> memref<1x128x128xf32, #tpu.memory_space<vmem>>
      %dma_start3A_493 = tpu.memref_squeeze %dma_start3A_492 : memref<1x128x128xf32, #tpu.memory_space<vmem>> -> memref<128x128xf32, #tpu.memory_space<vmem>>
      tpu.enqueue_dma source(%dma_start3A_493 : memref<128x128xf32, #tpu.memory_space<vmem>>) target(%dma_start3A_489 : memref<128x128xf32, #tpu.memory_space<hbm>>) target_semaphore(%run_scoped3A_480 : memref<!tpu.dma_semaphore, #tpu.memory_space<semaphore_mem>>)
      %dma_wait3A = arith.constant 0 : i32
      %dma_wait3A_494 = arith.constant 0 : i32
      %dma_wait3A_495 = tpu.memref_slice %arg8[%run_scoped3A_194, %dma_wait3A, %dma_wait3A_494] : memref<2x128x128xf32, #tpu.memory_space<vmem>> -> memref<1x128x128xf32, #tpu.memory_space<vmem>>
      %dma_wait3A_496 = tpu.memref_squeeze %dma_wait3A_495 : memref<1x128x128xf32, #tpu.memory_space<vmem>> -> memref<128x128xf32, #tpu.memory_space<vmem>>
      %dma_wait3A_497 = arith.constant 0 : i32
      %dma_wait3A_498 = tpu.memref_slice %arg6[%run_scoped3A_195, %add3A_193, %dma_wait3A_497] : memref<4x16384x128xf32, #tpu.memory_space<hbm>> -> memref<1x128x128xf32, #tpu.memory_space<hbm>>
      %dma_wait3A_499 = tpu.memref_squeeze %dma_wait3A_498 : memref<1x128x128xf32, #tpu.memory_space<hbm>> -> memref<128x128xf32, #tpu.memory_space<hbm>>
      %dma_wait3A_500 = arith.constant 0 : i32
      %dma_wait3A_501 = tpu.memref_slice %arg6[%run_scoped3A_195, %add3A_193, %dma_wait3A_500] : memref<4x16384x128xf32, #tpu.memory_space<hbm>> -> memref<1x128x128xf32, #tpu.memory_space<hbm>>
      %dma_wait3A_502 = tpu.memref_squeeze %dma_wait3A_501 : memref<1x128x128xf32, #tpu.memory_space<hbm>> -> memref<128x128xf32, #tpu.memory_space<hbm>>
      %dma_wait3A_503 = arith.constant 0 : i32
      %dma_wait3A_504 = arith.constant 0 : i32
      %dma_wait3A_505 = tpu.memref_slice %arg8[%run_scoped3A_194, %dma_wait3A_503, %dma_wait3A_504] : memref<2x128x128xf32, #tpu.memory_space<vmem>> -> memref<1x128x128xf32, #tpu.memory_space<vmem>>
      %dma_wait3A_506 = tpu.memref_squeeze %dma_wait3A_505 : memref<1x128x128xf32, #tpu.memory_space<vmem>> -> memref<128x128xf32, #tpu.memory_space<vmem>>
      tpu.wait_dma2 semaphore(%run_scoped3A_480 : memref<!tpu.dma_semaphore, #tpu.memory_space<semaphore_mem>>) src(%dma_wait3A_506 : memref<128x128xf32, #tpu.memory_space<vmem>>) dst(%dma_wait3A_502 : memref<128x128xf32, #tpu.memory_space<hbm>>)
      tpu.yield
    }) : () -> ()
    %run_scoped3A_196 = arith.constant 7 : i32
    %run_scoped3A_197 = arith.constant 1 : i32
    "tpu.region"() ({
      %run_scoped3A_480 = tpu.sem_alloc : memref<!tpu.dma_semaphore, #tpu.memory_space<semaphore_mem>>
      %dma_start3A = arith.constant 0 : i32
      %dma_start3A_481 = arith.constant 0 : i32
      %dma_start3A_482 = tpu.memref_slice %arg7[%run_scoped3A_197, %dma_start3A, %dma_start3A_481] : memref<2x50x128xi32, #tpu.memory_space<vmem>> -> memref<1x50x128xi32, #tpu.memory_space<vmem>>
      %dma_start3A_483 = tpu.memref_squeeze %dma_start3A_482 : memref<1x50x128xi32, #tpu.memory_space<vmem>> -> memref<50x128xi32, #tpu.memory_space<vmem>>
      %dma_start3A_484 = arith.constant 0 : i32
      %dma_start3A_485 = arith.constant 0 : i32
      %dma_start3A_486 = tpu.memref_slice %arg2[%add3A, %run_scoped3A_196, %dma_start3A_484, %dma_start3A_485] : memref<32x8x50x128xi32, #tpu.memory_space<hbm>> -> memref<1x1x50x128xi32, #tpu.memory_space<hbm>>
      %dma_start3A_487 = tpu.memref_squeeze %dma_start3A_486 : memref<1x1x50x128xi32, #tpu.memory_space<hbm>> -> memref<50x128xi32, #tpu.memory_space<hbm>>
      %dma_start3A_488 = arith.constant 0 : i32
      %dma_start3A_489 = arith.constant 0 : i32
      %dma_start3A_490 = tpu.memref_slice %arg7[%run_scoped3A_197, %dma_start3A_488, %dma_start3A_489] : memref<2x50x128xi32, #tpu.memory_space<vmem>> -> memref<1x50x128xi32, #tpu.memory_space<vmem>>
      %dma_start3A_491 = tpu.memref_squeeze %dma_start3A_490 : memref<1x50x128xi32, #tpu.memory_space<vmem>> -> memref<50x128xi32, #tpu.memory_space<vmem>>
      %dma_start3A_492 = arith.constant 0 : i32
      %dma_start3A_493 = arith.constant 0 : i32
      %dma_start3A_494 = tpu.memref_slice %arg2[%add3A, %run_scoped3A_196, %dma_start3A_492, %dma_start3A_493] : memref<32x8x50x128xi32, #tpu.memory_space<hbm>> -> memref<1x1x50x128xi32, #tpu.memory_space<hbm>>
      %dma_start3A_495 = tpu.memref_squeeze %dma_start3A_494 : memref<1x1x50x128xi32, #tpu.memory_space<hbm>> -> memref<50x128xi32, #tpu.memory_space<hbm>>
      tpu.enqueue_dma source(%dma_start3A_495 : memref<50x128xi32, #tpu.memory_space<hbm>>) target(%dma_start3A_491 : memref<50x128xi32, #tpu.memory_space<vmem>>) target_semaphore(%run_scoped3A_480 : memref<!tpu.dma_semaphore, #tpu.memory_space<semaphore_mem>>)
      %dma_wait3A = arith.constant 0 : i32
      %dma_wait3A_496 = arith.constant 0 : i32
      %dma_wait3A_497 = tpu.memref_slice %arg7[%run_scoped3A_197, %dma_wait3A, %dma_wait3A_496] : memref<2x50x128xi32, #tpu.memory_space<vmem>> -> memref<1x50x128xi32, #tpu.memory_space<vmem>>
      %dma_wait3A_498 = tpu.memref_squeeze %dma_wait3A_497 : memref<1x50x128xi32, #tpu.memory_space<vmem>> -> memref<50x128xi32, #tpu.memory_space<vmem>>
      %dma_wait3A_499 = arith.constant 0 : i32
      %dma_wait3A_500 = arith.constant 0 : i32
      %dma_wait3A_501 = tpu.memref_slice %arg2[%add3A, %run_scoped3A_196, %dma_wait3A_499, %dma_wait3A_500] : memref<32x8x50x128xi32, #tpu.memory_space<hbm>> -> memref<1x1x50x128xi32, #tpu.memory_space<hbm>>
      %dma_wait3A_502 = tpu.memref_squeeze %dma_wait3A_501 : memref<1x1x50x128xi32, #tpu.memory_space<hbm>> -> memref<50x128xi32, #tpu.memory_space<hbm>>
      %dma_wait3A_503 = arith.constant 0 : i32
      %dma_wait3A_504 = arith.constant 0 : i32
      %dma_wait3A_505 = tpu.memref_slice %arg7[%run_scoped3A_197, %dma_wait3A_503, %dma_wait3A_504] : memref<2x50x128xi32, #tpu.memory_space<vmem>> -> memref<1x50x128xi32, #tpu.memory_space<vmem>>
      %dma_wait3A_506 = tpu.memref_squeeze %dma_wait3A_505 : memref<1x50x128xi32, #tpu.memory_space<vmem>> -> memref<50x128xi32, #tpu.memory_space<vmem>>
      %dma_wait3A_507 = arith.constant 0 : i32
      %dma_wait3A_508 = arith.constant 0 : i32
      %dma_wait3A_509 = tpu.memref_slice %arg2[%add3A, %run_scoped3A_196, %dma_wait3A_507, %dma_wait3A_508] : memref<32x8x50x128xi32, #tpu.memory_space<hbm>> -> memref<1x1x50x128xi32, #tpu.memory_space<hbm>>
      %dma_wait3A_510 = tpu.memref_squeeze %dma_wait3A_509 : memref<1x1x50x128xi32, #tpu.memory_space<hbm>> -> memref<50x128xi32, #tpu.memory_space<hbm>>
      tpu.wait_dma2 semaphore(%run_scoped3A_480 : memref<!tpu.dma_semaphore, #tpu.memory_space<semaphore_mem>>) src(%dma_wait3A_510 : memref<50x128xi32, #tpu.memory_space<hbm>>) dst(%dma_wait3A_506 : memref<50x128xi32, #tpu.memory_space<vmem>>)
      tpu.yield
    }) : () -> ()
    %scan3A_198 = arith.constant 0 : i32
    %scan3A_199 = arith.constant 0 : i32
    %scan3A_200 = arith.constant 128 : i32
    %scan3A_201 = arith.addi %scan3A_199, %scan3A_200 : i32
    %scan3A_202 = arith.constant 1 : i32
    scf.for %scan3A_480 = %scan3A_199 to %scan3A_201 step %scan3A_202  : i32 {
      %swap3A = arith.constant 1 : i32
      %swap3A_481 = arith.index_cast %swap3A : i32 to index
      %swap3A_482 = arith.index_cast %scan3A_480 : i32 to index
      %swap3A_483 = arith.constant 0 : index
      %swap3A_484 = tpu.vector_load %arg8[%swap3A_481, %swap3A_482, %swap3A_483] {strides = array<i32>} : memref<2x128x128xf32, #tpu.memory_space<vmem>>, vector<1x1x16xf32>,
      %swap3A_485 = vector.shape_cast %swap3A_484 : vector<1x1x16xf32> to vector<16xf32>
      %swap3A_486 = vector.shape_cast %broadcast_in_dim3A_1 : vector<16xf32> to vector<1x1x16xf32>
      tpu.vector_store %arg8[%swap3A_481, %swap3A_482, %swap3A_483], %swap3A_486 {strides = array<i32>} : memref<2x128x128xf32, #tpu.memory_space<vmem>>, vector<1x1x16xf32>,
      %swap3A_487 = arith.constant 1 : i32
      %swap3A_488 = arith.index_cast %swap3A_487 : i32 to index
      %swap3A_489 = arith.index_cast %scan3A_480 : i32 to index
      %swap3A_490 = arith.constant 16 : index
      %swap3A_491 = tpu.vector_load %arg8[%swap3A_488, %swap3A_489, %swap3A_490] {strides = array<i32>} : memref<2x128x128xf32, #tpu.memory_space<vmem>>, vector<1x1x16xf32>,
      %swap3A_492 = vector.shape_cast %swap3A_491 : vector<1x1x16xf32> to vector<16xf32>
      %swap3A_493 = vector.shape_cast %broadcast_in_dim3A_1 : vector<16xf32> to vector<1x1x16xf32>
      tpu.vector_store %arg8[%swap3A_488, %swap3A_489, %swap3A_490], %swap3A_493 {strides = array<i32>} : memref<2x128x128xf32, #tpu.memory_space<vmem>>, vector<1x1x16xf32>,
      %swap3A_494 = arith.constant 1 : i32
      %swap3A_495 = arith.index_cast %swap3A_494 : i32 to index
      %swap3A_496 = arith.index_cast %scan3A_480 : i32 to index
      %swap3A_497 = arith.constant 32 : index
      %swap3A_498 = tpu.vector_load %arg8[%swap3A_495, %swap3A_496, %swap3A_497] {strides = array<i32>} : memref<2x128x128xf32, #tpu.memory_space<vmem>>, vector<1x1x16xf32>,
      %swap3A_499 = vector.shape_cast %swap3A_498 : vector<1x1x16xf32> to vector<16xf32>
      %swap3A_500 = vector.shape_cast %broadcast_in_dim3A_1 : vector<16xf32> to vector<1x1x16xf32>
      tpu.vector_store %arg8[%swap3A_495, %swap3A_496, %swap3A_497], %swap3A_500 {strides = array<i32>} : memref<2x128x128xf32, #tpu.memory_space<vmem>>, vector<1x1x16xf32>,
      %swap3A_501 = arith.constant 1 : i32
      %swap3A_502 = arith.index_cast %swap3A_501 : i32 to index
      %swap3A_503 = arith.index_cast %scan3A_480 : i32 to index
      %swap3A_504 = arith.constant 48 : index
      %swap3A_505 = tpu.vector_load %arg8[%swap3A_502, %swap3A_503, %swap3A_504] {strides = array<i32>} : memref<2x128x128xf32, #tpu.memory_space<vmem>>, vector<1x1x16xf32>,
      %swap3A_506 = vector.shape_cast %swap3A_505 : vector<1x1x16xf32> to vector<16xf32>
      %swap3A_507 = vector.shape_cast %broadcast_in_dim3A_1 : vector<16xf32> to vector<1x1x16xf32>
      tpu.vector_store %arg8[%swap3A_502, %swap3A_503, %swap3A_504], %swap3A_507 {strides = array<i32>} : memref<2x128x128xf32, #tpu.memory_space<vmem>>, vector<1x1x16xf32>,
      %swap3A_508 = arith.constant 1 : i32
      %swap3A_509 = arith.index_cast %swap3A_508 : i32 to index
      %swap3A_510 = arith.index_cast %scan3A_480 : i32 to index
      %swap3A_511 = arith.constant 64 : index
      %swap3A_512 = tpu.vector_load %arg8[%swap3A_509, %swap3A_510, %swap3A_511] {strides = array<i32>} : memref<2x128x128xf32, #tpu.memory_space<vmem>>, vector<1x1x16xf32>,
      %swap3A_513 = vector.shape_cast %swap3A_512 : vector<1x1x16xf32> to vector<16xf32>
      %swap3A_514 = vector.shape_cast %broadcast_in_dim3A_1 : vector<16xf32> to vector<1x1x16xf32>
      tpu.vector_store %arg8[%swap3A_509, %swap3A_510, %swap3A_511], %swap3A_514 {strides = array<i32>} : memref<2x128x128xf32, #tpu.memory_space<vmem>>, vector<1x1x16xf32>,
      %swap3A_515 = arith.constant 1 : i32
      %swap3A_516 = arith.index_cast %swap3A_515 : i32 to index
      %swap3A_517 = arith.index_cast %scan3A_480 : i32 to index
      %swap3A_518 = arith.constant 80 : index
      %swap3A_519 = tpu.vector_load %arg8[%swap3A_516, %swap3A_517, %swap3A_518] {strides = array<i32>} : memref<2x128x128xf32, #tpu.memory_space<vmem>>, vector<1x1x16xf32>,
      %swap3A_520 = vector.shape_cast %swap3A_519 : vector<1x1x16xf32> to vector<16xf32>
      %swap3A_521 = vector.shape_cast %broadcast_in_dim3A_1 : vector<16xf32> to vector<1x1x16xf32>
      tpu.vector_store %arg8[%swap3A_516, %swap3A_517, %swap3A_518], %swap3A_521 {strides = array<i32>} : memref<2x128x128xf32, #tpu.memory_space<vmem>>, vector<1x1x16xf32>,
      %swap3A_522 = arith.constant 1 : i32
      %swap3A_523 = arith.index_cast %swap3A_522 : i32 to index
      %swap3A_524 = arith.index_cast %scan3A_480 : i32 to index
      %swap3A_525 = arith.constant 96 : index
      %swap3A_526 = tpu.vector_load %arg8[%swap3A_523, %swap3A_524, %swap3A_525] {strides = array<i32>} : memref<2x128x128xf32, #tpu.memory_space<vmem>>, vector<1x1x16xf32>,
      %swap3A_527 = vector.shape_cast %swap3A_526 : vector<1x1x16xf32> to vector<16xf32>
      %swap3A_528 = vector.shape_cast %broadcast_in_dim3A_1 : vector<16xf32> to vector<1x1x16xf32>
      tpu.vector_store %arg8[%swap3A_523, %swap3A_524, %swap3A_525], %swap3A_528 {strides = array<i32>} : memref<2x128x128xf32, #tpu.memory_space<vmem>>, vector<1x1x16xf32>,
      %swap3A_529 = arith.constant 1 : i32
      %swap3A_530 = arith.index_cast %swap3A_529 : i32 to index
      %swap3A_531 = arith.index_cast %scan3A_480 : i32 to index
      %swap3A_532 = arith.constant 112 : index
      %swap3A_533 = tpu.vector_load %arg8[%swap3A_530, %swap3A_531, %swap3A_532] {strides = array<i32>} : memref<2x128x128xf32, #tpu.memory_space<vmem>>, vector<1x1x16xf32>,
      %swap3A_534 = vector.shape_cast %swap3A_533 : vector<1x1x16xf32> to vector<16xf32>
      %swap3A_535 = vector.shape_cast %broadcast_in_dim3A_1 : vector<16xf32> to vector<1x1x16xf32>
      tpu.vector_store %arg8[%swap3A_530, %swap3A_531, %swap3A_532], %swap3A_535 {strides = array<i32>} : memref<2x128x128xf32, #tpu.memory_space<vmem>>, vector<1x1x16xf32>,
    }
    %scan3A_203 = arith.constant 128 : i32
    %scan3A_204 = arith.constant 0 : i32
    %scan3A_205 = arith.constant 1 : i32
    %scan3A_206 = arith.constant 1 : i32
    %scan3A_207 = arith.constant 0 : i32
    %scan3A_208 = arith.constant 50 : i32
    %scan3A_209 = arith.addi %scan3A_207, %scan3A_208 : i32
    %scan3A_210 = arith.constant 1 : i32
    scf.for %scan3A_480 = %scan3A_207 to %scan3A_209 step %scan3A_210  : i32 {
      %dma_start3A = arith.constant 0 : i32
      %dma_start3A_481 = arith.constant 0 : i32
      %dma_start3A_482 = tpu.memref_slice %arg8[%scan3A_206, %dma_start3A, %dma_start3A_481] : memref<2x128x128xf32, #tpu.memory_space<vmem>> -> memref<1x128x128xf32, #tpu.memory_space<vmem>>
      %dma_start3A_483 = tpu.memref_squeeze %dma_start3A_482 : memref<1x128x128xf32, #tpu.memory_space<vmem>> -> memref<128x128xf32, #tpu.memory_space<vmem>>
      %dma_start3A_484 = arith.constant 0 : i32
      %dma_start3A_485 = arith.constant 0 : i32
      %dma_start3A_486 = tpu.memref_slice %arg7[%scan3A_205, %dma_start3A_484, %dma_start3A_485] : memref<2x50x128xi32, #tpu.memory_space<vmem>> -> memref<1x50x128xi32, #tpu.memory_space<vmem>>
      %dma_start3A_487 = tpu.memref_squeeze %dma_start3A_486 : memref<1x50x128xi32, #tpu.memory_space<vmem>> -> memref<50x128xi32, #tpu.memory_space<vmem>>
      %dma_start3A_488 = arith.constant 0 : i32
      %dma_start3A_489 = tpu.memref_slice %dma_start3A_487[%scan3A_480, %dma_start3A_488] : memref<50x128xi32, #tpu.memory_space<vmem>> -> memref<1x128xi32, #tpu.memory_space<vmem>>
      %dma_start3A_490 = tpu.memref_squeeze %dma_start3A_489 : memref<1x128xi32, #tpu.memory_space<vmem>> -> memref<128xi32, #tpu.memory_space<vmem>>
      %dma_start3A_491 = arith.constant 0 : i32
      %dma_start3A_492 = arith.constant 0 : i32
      %dma_start3A_493 = tpu.memref_slice %arg4[%dma_start3A_491, %dma_start3A_492] : memref<100000x128xf32, #tpu.memory_space<hbm>> -> memref<100000x128xf32, #tpu.memory_space<hbm>>
      tpu.enqueue_indirect_dma source(%dma_start3A_493 : memref<100000x128xf32, #tpu.memory_space<hbm>>) target(%dma_start3A_483 : memref<128x128xf32, #tpu.memory_space<vmem>>) offsets(%dma_start3A_490 : memref<128xi32, #tpu.memory_space<vmem>>) semaphore(%arg10 : memref<!tpu.dma_semaphore, #tpu.memory_space<semaphore_mem>>) {add = true}
    }
    %scan3A_211 = arith.constant 50 : i32
    %scan3A_212 = arith.constant 0 : i32
    %scan3A_213 = arith.constant 0 : i32
    %scan3A_214 = arith.constant 0 : i32
    %scan3A_215 = arith.constant 0 : i32
    %scan3A_216 = arith.constant 50 : i32
    %scan3A_217 = arith.addi %scan3A_215, %scan3A_216 : i32
    %scan3A_218 = arith.constant 1 : i32
    scf.for %scan3A_480 = %scan3A_215 to %scan3A_217 step %scan3A_218  : i32 {
      %dma_wait3A = arith.constant 0 : i32
      %dma_wait3A_481 = arith.constant 0 : i32
      %dma_wait3A_482 = arith.constant 0 : i32
      %dma_wait3A_483 = tpu.memref_slice %arg8[%scan3A_214, %dma_wait3A_481, %dma_wait3A_482] : memref<2x128x128xf32, #tpu.memory_space<vmem>> -> memref<1x128x128xf32, #tpu.memory_space<vmem>>
      %dma_wait3A_484 = tpu.memref_squeeze %dma_wait3A_483 : memref<1x128x128xf32, #tpu.memory_space<vmem>> -> memref<128x128xf32, #tpu.memory_space<vmem>>
      %dma_wait3A_485 = arith.constant 0 : i32
      %dma_wait3A_486 = arith.constant 0 : i32
      %dma_wait3A_487 = tpu.memref_slice %arg7[%scan3A_213, %dma_wait3A_485, %dma_wait3A_486] : memref<2x50x128xi32, #tpu.memory_space<vmem>> -> memref<1x50x128xi32, #tpu.memory_space<vmem>>
      %dma_wait3A_488 = tpu.memref_squeeze %dma_wait3A_487 : memref<1x50x128xi32, #tpu.memory_space<vmem>> -> memref<50x128xi32, #tpu.memory_space<vmem>>
      %dma_wait3A_489 = arith.constant 0 : i32
      %dma_wait3A_490 = tpu.memref_slice %dma_wait3A_488[%dma_wait3A, %dma_wait3A_489] : memref<50x128xi32, #tpu.memory_space<vmem>> -> memref<1x128xi32, #tpu.memory_space<vmem>>
      %dma_wait3A_491 = tpu.memref_squeeze %dma_wait3A_490 : memref<1x128xi32, #tpu.memory_space<vmem>> -> memref<128xi32, #tpu.memory_space<vmem>>
      %dma_wait3A_492 = arith.constant 0 : i32
      %dma_wait3A_493 = arith.constant 0 : i32
      %dma_wait3A_494 = tpu.memref_slice %arg4[%dma_wait3A_492, %dma_wait3A_493] : memref<100000x128xf32, #tpu.memory_space<hbm>> -> memref<100000x128xf32, #tpu.memory_space<hbm>>
      tpu.wait_indirect_dma semaphore(%arg9 : memref<!tpu.dma_semaphore, #tpu.memory_space<semaphore_mem>>) src(%dma_wait3A_494 : memref<100000x128xf32, #tpu.memory_space<hbm>>) dst(%dma_wait3A_484 : memref<128x128xf32, #tpu.memory_space<vmem>>)
    }
    %scan3A_219 = arith.constant 50 : i32
    %mul3A_220 = arith.constant 512 : i32
    %mul3A_221 = arith.muli %add3A, %mul3A_220 : i32
    %add3A_222 = arith.constant 256 : i32
    %add3A_223 = arith.addi %mul3A_221, %add3A_222 : i32
    %run_scoped3A_224 = arith.constant 0 : i32
    %run_scoped3A_225 = arith.constant 1 : i32
    "tpu.region"() ({
      %run_scoped3A_480 = tpu.sem_alloc : memref<!tpu.dma_semaphore, #tpu.memory_space<semaphore_mem>>
      %dma_start3A = arith.constant 0 : i32
      %dma_start3A_481 = arith.constant 0 : i32
      %dma_start3A_482 = tpu.memref_slice %arg8[%run_scoped3A_224, %dma_start3A, %dma_start3A_481] : memref<2x128x128xf32, #tpu.memory_space<vmem>> -> memref<1x128x128xf32, #tpu.memory_space<vmem>>
      %dma_start3A_483 = tpu.memref_squeeze %dma_start3A_482 : memref<1x128x128xf32, #tpu.memory_space<vmem>> -> memref<128x128xf32, #tpu.memory_space<vmem>>
      %dma_start3A_484 = arith.constant 0 : i32
      %dma_start3A_485 = tpu.memref_slice %arg6[%run_scoped3A_225, %add3A_223, %dma_start3A_484] : memref<4x16384x128xf32, #tpu.memory_space<hbm>> -> memref<1x128x128xf32, #tpu.memory_space<hbm>>
      %dma_start3A_486 = tpu.memref_squeeze %dma_start3A_485 : memref<1x128x128xf32, #tpu.memory_space<hbm>> -> memref<128x128xf32, #tpu.memory_space<hbm>>
      %dma_start3A_487 = arith.constant 0 : i32
      %dma_start3A_488 = tpu.memref_slice %arg6[%run_scoped3A_225, %add3A_223, %dma_start3A_487] : memref<4x16384x128xf32, #tpu.memory_space<hbm>> -> memref<1x128x128xf32, #tpu.memory_space<hbm>>
      %dma_start3A_489 = tpu.memref_squeeze %dma_start3A_488 : memref<1x128x128xf32, #tpu.memory_space<hbm>> -> memref<128x128xf32, #tpu.memory_space<hbm>>
      %dma_start3A_490 = arith.constant 0 : i32
      %dma_start3A_491 = arith.constant 0 : i32
      %dma_start3A_492 = tpu.memref_slice %arg8[%run_scoped3A_224, %dma_start3A_490, %dma_start3A_491] : memref<2x128x128xf32, #tpu.memory_space<vmem>> -> memref<1x128x128xf32, #tpu.memory_space<vmem>>
      %dma_start3A_493 = tpu.memref_squeeze %dma_start3A_492 : memref<1x128x128xf32, #tpu.memory_space<vmem>> -> memref<128x128xf32, #tpu.memory_space<vmem>>
      tpu.enqueue_dma source(%dma_start3A_493 : memref<128x128xf32, #tpu.memory_space<vmem>>) target(%dma_start3A_489 : memref<128x128xf32, #tpu.memory_space<hbm>>) target_semaphore(%run_scoped3A_480 : memref<!tpu.dma_semaphore, #tpu.memory_space<semaphore_mem>>)
      %dma_wait3A = arith.constant 0 : i32
      %dma_wait3A_494 = arith.constant 0 : i32
      %dma_wait3A_495 = tpu.memref_slice %arg8[%run_scoped3A_224, %dma_wait3A, %dma_wait3A_494] : memref<2x128x128xf32, #tpu.memory_space<vmem>> -> memref<1x128x128xf32, #tpu.memory_space<vmem>>
      %dma_wait3A_496 = tpu.memref_squeeze %dma_wait3A_495 : memref<1x128x128xf32, #tpu.memory_space<vmem>> -> memref<128x128xf32, #tpu.memory_space<vmem>>
      %dma_wait3A_497 = arith.constant 0 : i32
      %dma_wait3A_498 = tpu.memref_slice %arg6[%run_scoped3A_225, %add3A_223, %dma_wait3A_497] : memref<4x16384x128xf32, #tpu.memory_space<hbm>> -> memref<1x128x128xf32, #tpu.memory_space<hbm>>
      %dma_wait3A_499 = tpu.memref_squeeze %dma_wait3A_498 : memref<1x128x128xf32, #tpu.memory_space<hbm>> -> memref<128x128xf32, #tpu.memory_space<hbm>>
      %dma_wait3A_500 = arith.constant 0 : i32
      %dma_wait3A_501 = tpu.memref_slice %arg6[%run_scoped3A_225, %add3A_223, %dma_wait3A_500] : memref<4x16384x128xf32, #tpu.memory_space<hbm>> -> memref<1x128x128xf32, #tpu.memory_space<hbm>>
      %dma_wait3A_502 = tpu.memref_squeeze %dma_wait3A_501 : memref<1x128x128xf32, #tpu.memory_space<hbm>> -> memref<128x128xf32, #tpu.memory_space<hbm>>
      %dma_wait3A_503 = arith.constant 0 : i32
      %dma_wait3A_504 = arith.constant 0 : i32
      %dma_wait3A_505 = tpu.memref_slice %arg8[%run_scoped3A_224, %dma_wait3A_503, %dma_wait3A_504] : memref<2x128x128xf32, #tpu.memory_space<vmem>> -> memref<1x128x128xf32, #tpu.memory_space<vmem>>
      %dma_wait3A_506 = tpu.memref_squeeze %dma_wait3A_505 : memref<1x128x128xf32, #tpu.memory_space<vmem>> -> memref<128x128xf32, #tpu.memory_space<vmem>>
      tpu.wait_dma2 semaphore(%run_scoped3A_480 : memref<!tpu.dma_semaphore, #tpu.memory_space<semaphore_mem>>) src(%dma_wait3A_506 : memref<128x128xf32, #tpu.memory_space<vmem>>) dst(%dma_wait3A_502 : memref<128x128xf32, #tpu.memory_space<hbm>>)
      tpu.yield
    }) : () -> ()
    %run_scoped3A_226 = arith.constant 0 : i32
    %run_scoped3A_227 = arith.constant 0 : i32
    "tpu.region"() ({
      %run_scoped3A_480 = tpu.sem_alloc : memref<!tpu.dma_semaphore, #tpu.memory_space<semaphore_mem>>
      %dma_start3A = arith.constant 0 : i32
      %dma_start3A_481 = arith.constant 0 : i32
      %dma_start3A_482 = tpu.memref_slice %arg7[%run_scoped3A_227, %dma_start3A, %dma_start3A_481] : memref<2x50x128xi32, #tpu.memory_space<vmem>> -> memref<1x50x128xi32, #tpu.memory_space<vmem>>
      %dma_start3A_483 = tpu.memref_squeeze %dma_start3A_482 : memref<1x50x128xi32, #tpu.memory_space<vmem>> -> memref<50x128xi32, #tpu.memory_space<vmem>>
      %dma_start3A_484 = arith.constant 0 : i32
      %dma_start3A_485 = arith.constant 0 : i32
      %dma_start3A_486 = tpu.memref_slice %arg3[%add3A, %run_scoped3A_226, %dma_start3A_484, %dma_start3A_485] : memref<32x8x50x128xi32, #tpu.memory_space<hbm>> -> memref<1x1x50x128xi32, #tpu.memory_space<hbm>>
      %dma_start3A_487 = tpu.memref_squeeze %dma_start3A_486 : memref<1x1x50x128xi32, #tpu.memory_space<hbm>> -> memref<50x128xi32, #tpu.memory_space<hbm>>
      %dma_start3A_488 = arith.constant 0 : i32
      %dma_start3A_489 = arith.constant 0 : i32
      %dma_start3A_490 = tpu.memref_slice %arg7[%run_scoped3A_227, %dma_start3A_488, %dma_start3A_489] : memref<2x50x128xi32, #tpu.memory_space<vmem>> -> memref<1x50x128xi32, #tpu.memory_space<vmem>>
      %dma_start3A_491 = tpu.memref_squeeze %dma_start3A_490 : memref<1x50x128xi32, #tpu.memory_space<vmem>> -> memref<50x128xi32, #tpu.memory_space<vmem>>
      %dma_start3A_492 = arith.constant 0 : i32
      %dma_start3A_493 = arith.constant 0 : i32
      %dma_start3A_494 = tpu.memref_slice %arg3[%add3A, %run_scoped3A_226, %dma_start3A_492, %dma_start3A_493] : memref<32x8x50x128xi32, #tpu.memory_space<hbm>> -> memref<1x1x50x128xi32, #tpu.memory_space<hbm>>
      %dma_start3A_495 = tpu.memref_squeeze %dma_start3A_494 : memref<1x1x50x128xi32, #tpu.memory_space<hbm>> -> memref<50x128xi32, #tpu.memory_space<hbm>>
      tpu.enqueue_dma source(%dma_start3A_495 : memref<50x128xi32, #tpu.memory_space<hbm>>) target(%dma_start3A_491 : memref<50x128xi32, #tpu.memory_space<vmem>>) target_semaphore(%run_scoped3A_480 : memref<!tpu.dma_semaphore, #tpu.memory_space<semaphore_mem>>)
      %dma_wait3A = arith.constant 0 : i32
      %dma_wait3A_496 = arith.constant 0 : i32
      %dma_wait3A_497 = tpu.memref_slice %arg7[%run_scoped3A_227, %dma_wait3A, %dma_wait3A_496] : memref<2x50x128xi32, #tpu.memory_space<vmem>> -> memref<1x50x128xi32, #tpu.memory_space<vmem>>
      %dma_wait3A_498 = tpu.memref_squeeze %dma_wait3A_497 : memref<1x50x128xi32, #tpu.memory_space<vmem>> -> memref<50x128xi32, #tpu.memory_space<vmem>>
      %dma_wait3A_499 = arith.constant 0 : i32
      %dma_wait3A_500 = arith.constant 0 : i32
      %dma_wait3A_501 = tpu.memref_slice %arg3[%add3A, %run_scoped3A_226, %dma_wait3A_499, %dma_wait3A_500] : memref<32x8x50x128xi32, #tpu.memory_space<hbm>> -> memref<1x1x50x128xi32, #tpu.memory_space<hbm>>
      %dma_wait3A_502 = tpu.memref_squeeze %dma_wait3A_501 : memref<1x1x50x128xi32, #tpu.memory_space<hbm>> -> memref<50x128xi32, #tpu.memory_space<hbm>>
      %dma_wait3A_503 = arith.constant 0 : i32
      %dma_wait3A_504 = arith.constant 0 : i32
      %dma_wait3A_505 = tpu.memref_slice %arg7[%run_scoped3A_227, %dma_wait3A_503, %dma_wait3A_504] : memref<2x50x128xi32, #tpu.memory_space<vmem>> -> memref<1x50x128xi32, #tpu.memory_space<vmem>>
      %dma_wait3A_506 = tpu.memref_squeeze %dma_wait3A_505 : memref<1x50x128xi32, #tpu.memory_space<vmem>> -> memref<50x128xi32, #tpu.memory_space<vmem>>
      %dma_wait3A_507 = arith.constant 0 : i32
      %dma_wait3A_508 = arith.constant 0 : i32
      %dma_wait3A_509 = tpu.memref_slice %arg3[%add3A, %run_scoped3A_226, %dma_wait3A_507, %dma_wait3A_508] : memref<32x8x50x128xi32, #tpu.memory_space<hbm>> -> memref<1x1x50x128xi32, #tpu.memory_space<hbm>>
      %dma_wait3A_510 = tpu.memref_squeeze %dma_wait3A_509 : memref<1x1x50x128xi32, #tpu.memory_space<hbm>> -> memref<50x128xi32, #tpu.memory_space<hbm>>
      tpu.wait_dma2 semaphore(%run_scoped3A_480 : memref<!tpu.dma_semaphore, #tpu.memory_space<semaphore_mem>>) src(%dma_wait3A_510 : memref<50x128xi32, #tpu.memory_space<hbm>>) dst(%dma_wait3A_506 : memref<50x128xi32, #tpu.memory_space<vmem>>)
      tpu.yield
    }) : () -> ()
    %scan3A_228 = arith.constant 0 : i32
    %scan3A_229 = arith.constant 0 : i32
    %scan3A_230 = arith.constant 128 : i32
    %scan3A_231 = arith.addi %scan3A_229, %scan3A_230 : i32
    %scan3A_232 = arith.constant 1 : i32
    scf.for %scan3A_480 = %scan3A_229 to %scan3A_231 step %scan3A_232  : i32 {
      %swap3A = arith.constant 0 : i32
      %swap3A_481 = arith.index_cast %swap3A : i32 to index
      %swap3A_482 = arith.index_cast %scan3A_480 : i32 to index
      %swap3A_483 = arith.constant 0 : index
      %swap3A_484 = tpu.vector_load %arg8[%swap3A_481, %swap3A_482, %swap3A_483] {strides = array<i32>} : memref<2x128x128xf32, #tpu.memory_space<vmem>>, vector<1x1x16xf32>,
      %swap3A_485 = vector.shape_cast %swap3A_484 : vector<1x1x16xf32> to vector<16xf32>
      %swap3A_486 = vector.shape_cast %broadcast_in_dim3A_1 : vector<16xf32> to vector<1x1x16xf32>
      tpu.vector_store %arg8[%swap3A_481, %swap3A_482, %swap3A_483], %swap3A_486 {strides = array<i32>} : memref<2x128x128xf32, #tpu.memory_space<vmem>>, vector<1x1x16xf32>,
      %swap3A_487 = arith.constant 0 : i32
      %swap3A_488 = arith.index_cast %swap3A_487 : i32 to index
      %swap3A_489 = arith.index_cast %scan3A_480 : i32 to index
      %swap3A_490 = arith.constant 16 : index
      %swap3A_491 = tpu.vector_load %arg8[%swap3A_488, %swap3A_489, %swap3A_490] {strides = array<i32>} : memref<2x128x128xf32, #tpu.memory_space<vmem>>, vector<1x1x16xf32>,
      %swap3A_492 = vector.shape_cast %swap3A_491 : vector<1x1x16xf32> to vector<16xf32>
      %swap3A_493 = vector.shape_cast %broadcast_in_dim3A_1 : vector<16xf32> to vector<1x1x16xf32>
      tpu.vector_store %arg8[%swap3A_488, %swap3A_489, %swap3A_490], %swap3A_493 {strides = array<i32>} : memref<2x128x128xf32, #tpu.memory_space<vmem>>, vector<1x1x16xf32>,
      %swap3A_494 = arith.constant 0 : i32
      %swap3A_495 = arith.index_cast %swap3A_494 : i32 to index
      %swap3A_496 = arith.index_cast %scan3A_480 : i32 to index
      %swap3A_497 = arith.constant 32 : index
      %swap3A_498 = tpu.vector_load %arg8[%swap3A_495, %swap3A_496, %swap3A_497] {strides = array<i32>} : memref<2x128x128xf32, #tpu.memory_space<vmem>>, vector<1x1x16xf32>,
      %swap3A_499 = vector.shape_cast %swap3A_498 : vector<1x1x16xf32> to vector<16xf32>
      %swap3A_500 = vector.shape_cast %broadcast_in_dim3A_1 : vector<16xf32> to vector<1x1x16xf32>
      tpu.vector_store %arg8[%swap3A_495, %swap3A_496, %swap3A_497], %swap3A_500 {strides = array<i32>} : memref<2x128x128xf32, #tpu.memory_space<vmem>>, vector<1x1x16xf32>,
      %swap3A_501 = arith.constant 0 : i32
      %swap3A_502 = arith.index_cast %swap3A_501 : i32 to index
      %swap3A_503 = arith.index_cast %scan3A_480 : i32 to index
      %swap3A_504 = arith.constant 48 : index
      %swap3A_505 = tpu.vector_load %arg8[%swap3A_502, %swap3A_503, %swap3A_504] {strides = array<i32>} : memref<2x128x128xf32, #tpu.memory_space<vmem>>, vector<1x1x16xf32>,
      %swap3A_506 = vector.shape_cast %swap3A_505 : vector<1x1x16xf32> to vector<16xf32>
      %swap3A_507 = vector.shape_cast %broadcast_in_dim3A_1 : vector<16xf32> to vector<1x1x16xf32>
      tpu.vector_store %arg8[%swap3A_502, %swap3A_503, %swap3A_504], %swap3A_507 {strides = array<i32>} : memref<2x128x128xf32, #tpu.memory_space<vmem>>, vector<1x1x16xf32>,
      %swap3A_508 = arith.constant 0 : i32
      %swap3A_509 = arith.index_cast %swap3A_508 : i32 to index
      %swap3A_510 = arith.index_cast %scan3A_480 : i32 to index
      %swap3A_511 = arith.constant 64 : index
      %swap3A_512 = tpu.vector_load %arg8[%swap3A_509, %swap3A_510, %swap3A_511] {strides = array<i32>} : memref<2x128x128xf32, #tpu.memory_space<vmem>>, vector<1x1x16xf32>,
      %swap3A_513 = vector.shape_cast %swap3A_512 : vector<1x1x16xf32> to vector<16xf32>
      %swap3A_514 = vector.shape_cast %broadcast_in_dim3A_1 : vector<16xf32> to vector<1x1x16xf32>
      tpu.vector_store %arg8[%swap3A_509, %swap3A_510, %swap3A_511], %swap3A_514 {strides = array<i32>} : memref<2x128x128xf32, #tpu.memory_space<vmem>>, vector<1x1x16xf32>,
      %swap3A_515 = arith.constant 0 : i32
      %swap3A_516 = arith.index_cast %swap3A_515 : i32 to index
      %swap3A_517 = arith.index_cast %scan3A_480 : i32 to index
      %swap3A_518 = arith.constant 80 : index
      %swap3A_519 = tpu.vector_load %arg8[%swap3A_516, %swap3A_517, %swap3A_518] {strides = array<i32>} : memref<2x128x128xf32, #tpu.memory_space<vmem>>, vector<1x1x16xf32>,
      %swap3A_520 = vector.shape_cast %swap3A_519 : vector<1x1x16xf32> to vector<16xf32>
      %swap3A_521 = vector.shape_cast %broadcast_in_dim3A_1 : vector<16xf32> to vector<1x1x16xf32>
      tpu.vector_store %arg8[%swap3A_516, %swap3A_517, %swap3A_518], %swap3A_521 {strides = array<i32>} : memref<2x128x128xf32, #tpu.memory_space<vmem>>, vector<1x1x16xf32>,
      %swap3A_522 = arith.constant 0 : i32
      %swap3A_523 = arith.index_cast %swap3A_522 : i32 to index
      %swap3A_524 = arith.index_cast %scan3A_480 : i32 to index
      %swap3A_525 = arith.constant 96 : index
      %swap3A_526 = tpu.vector_load %arg8[%swap3A_523, %swap3A_524, %swap3A_525] {strides = array<i32>} : memref<2x128x128xf32, #tpu.memory_space<vmem>>, vector<1x1x16xf32>,
      %swap3A_527 = vector.shape_cast %swap3A_526 : vector<1x1x16xf32> to vector<16xf32>
      %swap3A_528 = vector.shape_cast %broadcast_in_dim3A_1 : vector<16xf32> to vector<1x1x16xf32>
      tpu.vector_store %arg8[%swap3A_523, %swap3A_524, %swap3A_525], %swap3A_528 {strides = array<i32>} : memref<2x128x128xf32, #tpu.memory_space<vmem>>, vector<1x1x16xf32>,
      %swap3A_529 = arith.constant 0 : i32
      %swap3A_530 = arith.index_cast %swap3A_529 : i32 to index
      %swap3A_531 = arith.index_cast %scan3A_480 : i32 to index
      %swap3A_532 = arith.constant 112 : index
      %swap3A_533 = tpu.vector_load %arg8[%swap3A_530, %swap3A_531, %swap3A_532] {strides = array<i32>} : memref<2x128x128xf32, #tpu.memory_space<vmem>>, vector<1x1x16xf32>,
      %swap3A_534 = vector.shape_cast %swap3A_533 : vector<1x1x16xf32> to vector<16xf32>
      %swap3A_535 = vector.shape_cast %broadcast_in_dim3A_1 : vector<16xf32> to vector<1x1x16xf32>
      tpu.vector_store %arg8[%swap3A_530, %swap3A_531, %swap3A_532], %swap3A_535 {strides = array<i32>} : memref<2x128x128xf32, #tpu.memory_space<vmem>>, vector<1x1x16xf32>,
    }
    %scan3A_233 = arith.constant 128 : i32
    %scan3A_234 = arith.constant 0 : i32
    %scan3A_235 = arith.constant 0 : i32
    %scan3A_236 = arith.constant 0 : i32
    %scan3A_237 = arith.constant 0 : i32
    %scan3A_238 = arith.constant 50 : i32
    %scan3A_239 = arith.addi %scan3A_237, %scan3A_238 : i32
    %scan3A_240 = arith.constant 1 : i32
    scf.for %scan3A_480 = %scan3A_237 to %scan3A_239 step %scan3A_240  : i32 {
      %dma_start3A = arith.constant 0 : i32
      %dma_start3A_481 = arith.constant 0 : i32
      %dma_start3A_482 = tpu.memref_slice %arg8[%scan3A_236, %dma_start3A, %dma_start3A_481] : memref<2x128x128xf32, #tpu.memory_space<vmem>> -> memref<1x128x128xf32, #tpu.memory_space<vmem>>
      %dma_start3A_483 = tpu.memref_squeeze %dma_start3A_482 : memref<1x128x128xf32, #tpu.memory_space<vmem>> -> memref<128x128xf32, #tpu.memory_space<vmem>>
      %dma_start3A_484 = arith.constant 0 : i32
      %dma_start3A_485 = arith.constant 0 : i32
      %dma_start3A_486 = tpu.memref_slice %arg7[%scan3A_235, %dma_start3A_484, %dma_start3A_485] : memref<2x50x128xi32, #tpu.memory_space<vmem>> -> memref<1x50x128xi32, #tpu.memory_space<vmem>>
      %dma_start3A_487 = tpu.memref_squeeze %dma_start3A_486 : memref<1x50x128xi32, #tpu.memory_space<vmem>> -> memref<50x128xi32, #tpu.memory_space<vmem>>
      %dma_start3A_488 = arith.constant 0 : i32
      %dma_start3A_489 = tpu.memref_slice %dma_start3A_487[%scan3A_480, %dma_start3A_488] : memref<50x128xi32, #tpu.memory_space<vmem>> -> memref<1x128xi32, #tpu.memory_space<vmem>>
      %dma_start3A_490 = tpu.memref_squeeze %dma_start3A_489 : memref<1x128xi32, #tpu.memory_space<vmem>> -> memref<128xi32, #tpu.memory_space<vmem>>
      %dma_start3A_491 = arith.constant 0 : i32
      %dma_start3A_492 = arith.constant 0 : i32
      %dma_start3A_493 = tpu.memref_slice %arg5[%dma_start3A_491, %dma_start3A_492] : memref<100000x128xf32, #tpu.memory_space<hbm>> -> memref<100000x128xf32, #tpu.memory_space<hbm>>
      tpu.enqueue_indirect_dma source(%dma_start3A_493 : memref<100000x128xf32, #tpu.memory_space<hbm>>) target(%dma_start3A_483 : memref<128x128xf32, #tpu.memory_space<vmem>>) offsets(%dma_start3A_490 : memref<128xi32, #tpu.memory_space<vmem>>) semaphore(%arg9 : memref<!tpu.dma_semaphore, #tpu.memory_space<semaphore_mem>>) {add = true}
    }
    %scan3A_241 = arith.constant 50 : i32
    %scan3A_242 = arith.constant 0 : i32
    %scan3A_243 = arith.constant 1 : i32
    %scan3A_244 = arith.constant 1 : i32
    %scan3A_245 = arith.constant 0 : i32
    %scan3A_246 = arith.constant 50 : i32
    %scan3A_247 = arith.addi %scan3A_245, %scan3A_246 : i32
    %scan3A_248 = arith.constant 1 : i32
    scf.for %scan3A_480 = %scan3A_245 to %scan3A_247 step %scan3A_248  : i32 {
      %dma_wait3A = arith.constant 0 : i32
      %dma_wait3A_481 = arith.constant 0 : i32
      %dma_wait3A_482 = arith.constant 0 : i32
      %dma_wait3A_483 = tpu.memref_slice %arg8[%scan3A_244, %dma_wait3A_481, %dma_wait3A_482] : memref<2x128x128xf32, #tpu.memory_space<vmem>> -> memref<1x128x128xf32, #tpu.memory_space<vmem>>
      %dma_wait3A_484 = tpu.memref_squeeze %dma_wait3A_483 : memref<1x128x128xf32, #tpu.memory_space<vmem>> -> memref<128x128xf32, #tpu.memory_space<vmem>>
      %dma_wait3A_485 = arith.constant 0 : i32
      %dma_wait3A_486 = arith.constant 0 : i32
      %dma_wait3A_487 = tpu.memref_slice %arg7[%scan3A_243, %dma_wait3A_485, %dma_wait3A_486] : memref<2x50x128xi32, #tpu.memory_space<vmem>> -> memref<1x50x128xi32, #tpu.memory_space<vmem>>
      %dma_wait3A_488 = tpu.memref_squeeze %dma_wait3A_487 : memref<1x50x128xi32, #tpu.memory_space<vmem>> -> memref<50x128xi32, #tpu.memory_space<vmem>>
      %dma_wait3A_489 = arith.constant 0 : i32
      %dma_wait3A_490 = tpu.memref_slice %dma_wait3A_488[%dma_wait3A, %dma_wait3A_489] : memref<50x128xi32, #tpu.memory_space<vmem>> -> memref<1x128xi32, #tpu.memory_space<vmem>>
      %dma_wait3A_491 = tpu.memref_squeeze %dma_wait3A_490 : memref<1x128xi32, #tpu.memory_space<vmem>> -> memref<128xi32, #tpu.memory_space<vmem>>
      %dma_wait3A_492 = arith.constant 0 : i32
      %dma_wait3A_493 = arith.constant 0 : i32
      %dma_wait3A_494 = tpu.memref_slice %arg4[%dma_wait3A_492, %dma_wait3A_493] : memref<100000x128xf32, #tpu.memory_space<hbm>> -> memref<100000x128xf32, #tpu.memory_space<hbm>>
      tpu.wait_indirect_dma semaphore(%arg10 : memref<!tpu.dma_semaphore, #tpu.memory_space<semaphore_mem>>) src(%dma_wait3A_494 : memref<100000x128xf32, #tpu.memory_space<hbm>>) dst(%dma_wait3A_484 : memref<128x128xf32, #tpu.memory_space<vmem>>)
    }
    %scan3A_249 = arith.constant 50 : i32
    %mul3A_250 = arith.constant 512 : i32
    %mul3A_251 = arith.muli %add3A, %mul3A_250 : i32
    %add3A_252 = arith.constant 384 : i32
    %add3A_253 = arith.addi %mul3A_251, %add3A_252 : i32
    %run_scoped3A_254 = arith.constant 1 : i32
    %run_scoped3A_255 = arith.constant 1 : i32
    "tpu.region"() ({
      %run_scoped3A_480 = tpu.sem_alloc : memref<!tpu.dma_semaphore, #tpu.memory_space<semaphore_mem>>
      %dma_start3A = arith.constant 0 : i32
      %dma_start3A_481 = arith.constant 0 : i32
      %dma_start3A_482 = tpu.memref_slice %arg8[%run_scoped3A_254, %dma_start3A, %dma_start3A_481] : memref<2x128x128xf32, #tpu.memory_space<vmem>> -> memref<1x128x128xf32, #tpu.memory_space<vmem>>
      %dma_start3A_483 = tpu.memref_squeeze %dma_start3A_482 : memref<1x128x128xf32, #tpu.memory_space<vmem>> -> memref<128x128xf32, #tpu.memory_space<vmem>>
      %dma_start3A_484 = arith.constant 0 : i32
      %dma_start3A_485 = tpu.memref_slice %arg6[%run_scoped3A_255, %add3A_253, %dma_start3A_484] : memref<4x16384x128xf32, #tpu.memory_space<hbm>> -> memref<1x128x128xf32, #tpu.memory_space<hbm>>
      %dma_start3A_486 = tpu.memref_squeeze %dma_start3A_485 : memref<1x128x128xf32, #tpu.memory_space<hbm>> -> memref<128x128xf32, #tpu.memory_space<hbm>>
      %dma_start3A_487 = arith.constant 0 : i32
      %dma_start3A_488 = tpu.memref_slice %arg6[%run_scoped3A_255, %add3A_253, %dma_start3A_487] : memref<4x16384x128xf32, #tpu.memory_space<hbm>> -> memref<1x128x128xf32, #tpu.memory_space<hbm>>
      %dma_start3A_489 = tpu.memref_squeeze %dma_start3A_488 : memref<1x128x128xf32, #tpu.memory_space<hbm>> -> memref<128x128xf32, #tpu.memory_space<hbm>>
      %dma_start3A_490 = arith.constant 0 : i32
      %dma_start3A_491 = arith.constant 0 : i32
      %dma_start3A_492 = tpu.memref_slice %arg8[%run_scoped3A_254, %dma_start3A_490, %dma_start3A_491] : memref<2x128x128xf32, #tpu.memory_space<vmem>> -> memref<1x128x128xf32, #tpu.memory_space<vmem>>
      %dma_start3A_493 = tpu.memref_squeeze %dma_start3A_492 : memref<1x128x128xf32, #tpu.memory_space<vmem>> -> memref<128x128xf32, #tpu.memory_space<vmem>>
      tpu.enqueue_dma source(%dma_start3A_493 : memref<128x128xf32, #tpu.memory_space<vmem>>) target(%dma_start3A_489 : memref<128x128xf32, #tpu.memory_space<hbm>>) target_semaphore(%run_scoped3A_480 : memref<!tpu.dma_semaphore, #tpu.memory_space<semaphore_mem>>)
      %dma_wait3A = arith.constant 0 : i32
      %dma_wait3A_494 = arith.constant 0 : i32
      %dma_wait3A_495 = tpu.memref_slice %arg8[%run_scoped3A_254, %dma_wait3A, %dma_wait3A_494] : memref<2x128x128xf32, #tpu.memory_space<vmem>> -> memref<1x128x128xf32, #tpu.memory_space<vmem>>
      %dma_wait3A_496 = tpu.memref_squeeze %dma_wait3A_495 : memref<1x128x128xf32, #tpu.memory_space<vmem>> -> memref<128x128xf32, #tpu.memory_space<vmem>>
      %dma_wait3A_497 = arith.constant 0 : i32
      %dma_wait3A_498 = tpu.memref_slice %arg6[%run_scoped3A_255, %add3A_253, %dma_wait3A_497] : memref<4x16384x128xf32, #tpu.memory_space<hbm>> -> memref<1x128x128xf32, #tpu.memory_space<hbm>>
      %dma_wait3A_499 = tpu.memref_squeeze %dma_wait3A_498 : memref<1x128x128xf32, #tpu.memory_space<hbm>> -> memref<128x128xf32, #tpu.memory_space<hbm>>
      %dma_wait3A_500 = arith.constant 0 : i32
      %dma_wait3A_501 = tpu.memref_slice %arg6[%run_scoped3A_255, %add3A_253, %dma_wait3A_500] : memref<4x16384x128xf32, #tpu.memory_space<hbm>> -> memref<1x128x128xf32, #tpu.memory_space<hbm>>
      %dma_wait3A_502 = tpu.memref_squeeze %dma_wait3A_501 : memref<1x128x128xf32, #tpu.memory_space<hbm>> -> memref<128x128xf32, #tpu.memory_space<hbm>>
      %dma_wait3A_503 = arith.constant 0 : i32
      %dma_wait3A_504 = arith.constant 0 : i32
      %dma_wait3A_505 = tpu.memref_slice %arg8[%run_scoped3A_254, %dma_wait3A_503, %dma_wait3A_504] : memref<2x128x128xf32, #tpu.memory_space<vmem>> -> memref<1x128x128xf32, #tpu.memory_space<vmem>>
      %dma_wait3A_506 = tpu.memref_squeeze %dma_wait3A_505 : memref<1x128x128xf32, #tpu.memory_space<vmem>> -> memref<128x128xf32, #tpu.memory_space<vmem>>
      tpu.wait_dma2 semaphore(%run_scoped3A_480 : memref<!tpu.dma_semaphore, #tpu.memory_space<semaphore_mem>>) src(%dma_wait3A_506 : memref<128x128xf32, #tpu.memory_space<vmem>>) dst(%dma_wait3A_502 : memref<128x128xf32, #tpu.memory_space<hbm>>)
      tpu.yield
    }) : () -> ()
    %run_scoped3A_256 = arith.constant 1 : i32
    %run_scoped3A_257 = arith.constant 1 : i32
    "tpu.region"() ({
      %run_scoped3A_480 = tpu.sem_alloc : memref<!tpu.dma_semaphore, #tpu.memory_space<semaphore_mem>>
      %dma_start3A = arith.constant 0 : i32
      %dma_start3A_481 = arith.constant 0 : i32
      %dma_start3A_482 = tpu.memref_slice %arg7[%run_scoped3A_257, %dma_start3A, %dma_start3A_481] : memref<2x50x128xi32, #tpu.memory_space<vmem>> -> memref<1x50x128xi32, #tpu.memory_space<vmem>>
      %dma_start3A_483 = tpu.memref_squeeze %dma_start3A_482 : memref<1x50x128xi32, #tpu.memory_space<vmem>> -> memref<50x128xi32, #tpu.memory_space<vmem>>
      %dma_start3A_484 = arith.constant 0 : i32
      %dma_start3A_485 = arith.constant 0 : i32
      %dma_start3A_486 = tpu.memref_slice %arg3[%add3A, %run_scoped3A_256, %dma_start3A_484, %dma_start3A_485] : memref<32x8x50x128xi32, #tpu.memory_space<hbm>> -> memref<1x1x50x128xi32, #tpu.memory_space<hbm>>
      %dma_start3A_487 = tpu.memref_squeeze %dma_start3A_486 : memref<1x1x50x128xi32, #tpu.memory_space<hbm>> -> memref<50x128xi32, #tpu.memory_space<hbm>>
      %dma_start3A_488 = arith.constant 0 : i32
      %dma_start3A_489 = arith.constant 0 : i32
      %dma_start3A_490 = tpu.memref_slice %arg7[%run_scoped3A_257, %dma_start3A_488, %dma_start3A_489] : memref<2x50x128xi32, #tpu.memory_space<vmem>> -> memref<1x50x128xi32, #tpu.memory_space<vmem>>
      %dma_start3A_491 = tpu.memref_squeeze %dma_start3A_490 : memref<1x50x128xi32, #tpu.memory_space<vmem>> -> memref<50x128xi32, #tpu.memory_space<vmem>>
      %dma_start3A_492 = arith.constant 0 : i32
      %dma_start3A_493 = arith.constant 0 : i32
      %dma_start3A_494 = tpu.memref_slice %arg3[%add3A, %run_scoped3A_256, %dma_start3A_492, %dma_start3A_493] : memref<32x8x50x128xi32, #tpu.memory_space<hbm>> -> memref<1x1x50x128xi32, #tpu.memory_space<hbm>>
      %dma_start3A_495 = tpu.memref_squeeze %dma_start3A_494 : memref<1x1x50x128xi32, #tpu.memory_space<hbm>> -> memref<50x128xi32, #tpu.memory_space<hbm>>
      tpu.enqueue_dma source(%dma_start3A_495 : memref<50x128xi32, #tpu.memory_space<hbm>>) target(%dma_start3A_491 : memref<50x128xi32, #tpu.memory_space<vmem>>) target_semaphore(%run_scoped3A_480 : memref<!tpu.dma_semaphore, #tpu.memory_space<semaphore_mem>>)
      %dma_wait3A = arith.constant 0 : i32
      %dma_wait3A_496 = arith.constant 0 : i32
      %dma_wait3A_497 = tpu.memref_slice %arg7[%run_scoped3A_257, %dma_wait3A, %dma_wait3A_496] : memref<2x50x128xi32, #tpu.memory_space<vmem>> -> memref<1x50x128xi32, #tpu.memory_space<vmem>>
      %dma_wait3A_498 = tpu.memref_squeeze %dma_wait3A_497 : memref<1x50x128xi32, #tpu.memory_space<vmem>> -> memref<50x128xi32, #tpu.memory_space<vmem>>
      %dma_wait3A_499 = arith.constant 0 : i32
      %dma_wait3A_500 = arith.constant 0 : i32
      %dma_wait3A_501 = tpu.memref_slice %arg3[%add3A, %run_scoped3A_256, %dma_wait3A_499, %dma_wait3A_500] : memref<32x8x50x128xi32, #tpu.memory_space<hbm>> -> memref<1x1x50x128xi32, #tpu.memory_space<hbm>>
      %dma_wait3A_502 = tpu.memref_squeeze %dma_wait3A_501 : memref<1x1x50x128xi32, #tpu.memory_space<hbm>> -> memref<50x128xi32, #tpu.memory_space<hbm>>
      %dma_wait3A_503 = arith.constant 0 : i32
      %dma_wait3A_504 = arith.constant 0 : i32
      %dma_wait3A_505 = tpu.memref_slice %arg7[%run_scoped3A_257, %dma_wait3A_503, %dma_wait3A_504] : memref<2x50x128xi32, #tpu.memory_space<vmem>> -> memref<1x50x128xi32, #tpu.memory_space<vmem>>
      %dma_wait3A_506 = tpu.memref_squeeze %dma_wait3A_505 : memref<1x50x128xi32, #tpu.memory_space<vmem>> -> memref<50x128xi32, #tpu.memory_space<vmem>>
      %dma_wait3A_507 = arith.constant 0 : i32
      %dma_wait3A_508 = arith.constant 0 : i32
      %dma_wait3A_509 = tpu.memref_slice %arg3[%add3A, %run_scoped3A_256, %dma_wait3A_507, %dma_wait3A_508] : memref<32x8x50x128xi32, #tpu.memory_space<hbm>> -> memref<1x1x50x128xi32, #tpu.memory_space<hbm>>
      %dma_wait3A_510 = tpu.memref_squeeze %dma_wait3A_509 : memref<1x1x50x128xi32, #tpu.memory_space<hbm>> -> memref<50x128xi32, #tpu.memory_space<hbm>>
      tpu.wait_dma2 semaphore(%run_scoped3A_480 : memref<!tpu.dma_semaphore, #tpu.memory_space<semaphore_mem>>) src(%dma_wait3A_510 : memref<50x128xi32, #tpu.memory_space<hbm>>) dst(%dma_wait3A_506 : memref<50x128xi32, #tpu.memory_space<vmem>>)
      tpu.yield
    }) : () -> ()
    %scan3A_258 = arith.constant 0 : i32
    %scan3A_259 = arith.constant 0 : i32
    %scan3A_260 = arith.constant 128 : i32
    %scan3A_261 = arith.addi %scan3A_259, %scan3A_260 : i32
    %scan3A_262 = arith.constant 1 : i32
    scf.for %scan3A_480 = %scan3A_259 to %scan3A_261 step %scan3A_262  : i32 {
      %swap3A = arith.constant 1 : i32
      %swap3A_481 = arith.index_cast %swap3A : i32 to index
      %swap3A_482 = arith.index_cast %scan3A_480 : i32 to index
      %swap3A_483 = arith.constant 0 : index
      %swap3A_484 = tpu.vector_load %arg8[%swap3A_481, %swap3A_482, %swap3A_483] {strides = array<i32>} : memref<2x128x128xf32, #tpu.memory_space<vmem>>, vector<1x1x16xf32>,
      %swap3A_485 = vector.shape_cast %swap3A_484 : vector<1x1x16xf32> to vector<16xf32>
      %swap3A_486 = vector.shape_cast %broadcast_in_dim3A_1 : vector<16xf32> to vector<1x1x16xf32>
      tpu.vector_store %arg8[%swap3A_481, %swap3A_482, %swap3A_483], %swap3A_486 {strides = array<i32>} : memref<2x128x128xf32, #tpu.memory_space<vmem>>, vector<1x1x16xf32>,
      %swap3A_487 = arith.constant 1 : i32
      %swap3A_488 = arith.index_cast %swap3A_487 : i32 to index
      %swap3A_489 = arith.index_cast %scan3A_480 : i32 to index
      %swap3A_490 = arith.constant 16 : index
      %swap3A_491 = tpu.vector_load %arg8[%swap3A_488, %swap3A_489, %swap3A_490] {strides = array<i32>} : memref<2x128x128xf32, #tpu.memory_space<vmem>>, vector<1x1x16xf32>,
      %swap3A_492 = vector.shape_cast %swap3A_491 : vector<1x1x16xf32> to vector<16xf32>
      %swap3A_493 = vector.shape_cast %broadcast_in_dim3A_1 : vector<16xf32> to vector<1x1x16xf32>
      tpu.vector_store %arg8[%swap3A_488, %swap3A_489, %swap3A_490], %swap3A_493 {strides = array<i32>} : memref<2x128x128xf32, #tpu.memory_space<vmem>>, vector<1x1x16xf32>,
      %swap3A_494 = arith.constant 1 : i32
      %swap3A_495 = arith.index_cast %swap3A_494 : i32 to index
      %swap3A_496 = arith.index_cast %scan3A_480 : i32 to index
      %swap3A_497 = arith.constant 32 : index
      %swap3A_498 = tpu.vector_load %arg8[%swap3A_495, %swap3A_496, %swap3A_497] {strides = array<i32>} : memref<2x128x128xf32, #tpu.memory_space<vmem>>, vector<1x1x16xf32>,
      %swap3A_499 = vector.shape_cast %swap3A_498 : vector<1x1x16xf32> to vector<16xf32>
      %swap3A_500 = vector.shape_cast %broadcast_in_dim3A_1 : vector<16xf32> to vector<1x1x16xf32>
      tpu.vector_store %arg8[%swap3A_495, %swap3A_496, %swap3A_497], %swap3A_500 {strides = array<i32>} : memref<2x128x128xf32, #tpu.memory_space<vmem>>, vector<1x1x16xf32>,
      %swap3A_501 = arith.constant 1 : i32
      %swap3A_502 = arith.index_cast %swap3A_501 : i32 to index
      %swap3A_503 = arith.index_cast %scan3A_480 : i32 to index
      %swap3A_504 = arith.constant 48 : index
      %swap3A_505 = tpu.vector_load %arg8[%swap3A_502, %swap3A_503, %swap3A_504] {strides = array<i32>} : memref<2x128x128xf32, #tpu.memory_space<vmem>>, vector<1x1x16xf32>,
      %swap3A_506 = vector.shape_cast %swap3A_505 : vector<1x1x16xf32> to vector<16xf32>
      %swap3A_507 = vector.shape_cast %broadcast_in_dim3A_1 : vector<16xf32> to vector<1x1x16xf32>
      tpu.vector_store %arg8[%swap3A_502, %swap3A_503, %swap3A_504], %swap3A_507 {strides = array<i32>} : memref<2x128x128xf32, #tpu.memory_space<vmem>>, vector<1x1x16xf32>,
      %swap3A_508 = arith.constant 1 : i32
      %swap3A_509 = arith.index_cast %swap3A_508 : i32 to index
      %swap3A_510 = arith.index_cast %scan3A_480 : i32 to index
      %swap3A_511 = arith.constant 64 : index
      %swap3A_512 = tpu.vector_load %arg8[%swap3A_509, %swap3A_510, %swap3A_511] {strides = array<i32>} : memref<2x128x128xf32, #tpu.memory_space<vmem>>, vector<1x1x16xf32>,
      %swap3A_513 = vector.shape_cast %swap3A_512 : vector<1x1x16xf32> to vector<16xf32>
      %swap3A_514 = vector.shape_cast %broadcast_in_dim3A_1 : vector<16xf32> to vector<1x1x16xf32>
      tpu.vector_store %arg8[%swap3A_509, %swap3A_510, %swap3A_511], %swap3A_514 {strides = array<i32>} : memref<2x128x128xf32, #tpu.memory_space<vmem>>, vector<1x1x16xf32>,
      %swap3A_515 = arith.constant 1 : i32
      %swap3A_516 = arith.index_cast %swap3A_515 : i32 to index
      %swap3A_517 = arith.index_cast %scan3A_480 : i32 to index
      %swap3A_518 = arith.constant 80 : index
      %swap3A_519 = tpu.vector_load %arg8[%swap3A_516, %swap3A_517, %swap3A_518] {strides = array<i32>} : memref<2x128x128xf32, #tpu.memory_space<vmem>>, vector<1x1x16xf32>,
      %swap3A_520 = vector.shape_cast %swap3A_519 : vector<1x1x16xf32> to vector<16xf32>
      %swap3A_521 = vector.shape_cast %broadcast_in_dim3A_1 : vector<16xf32> to vector<1x1x16xf32>
      tpu.vector_store %arg8[%swap3A_516, %swap3A_517, %swap3A_518], %swap3A_521 {strides = array<i32>} : memref<2x128x128xf32, #tpu.memory_space<vmem>>, vector<1x1x16xf32>,
      %swap3A_522 = arith.constant 1 : i32
      %swap3A_523 = arith.index_cast %swap3A_522 : i32 to index
      %swap3A_524 = arith.index_cast %scan3A_480 : i32 to index
      %swap3A_525 = arith.constant 96 : index
      %swap3A_526 = tpu.vector_load %arg8[%swap3A_523, %swap3A_524, %swap3A_525] {strides = array<i32>} : memref<2x128x128xf32, #tpu.memory_space<vmem>>, vector<1x1x16xf32>,
      %swap3A_527 = vector.shape_cast %swap3A_526 : vector<1x1x16xf32> to vector<16xf32>
      %swap3A_528 = vector.shape_cast %broadcast_in_dim3A_1 : vector<16xf32> to vector<1x1x16xf32>
      tpu.vector_store %arg8[%swap3A_523, %swap3A_524, %swap3A_525], %swap3A_528 {strides = array<i32>} : memref<2x128x128xf32, #tpu.memory_space<vmem>>, vector<1x1x16xf32>,
      %swap3A_529 = arith.constant 1 : i32
      %swap3A_530 = arith.index_cast %swap3A_529 : i32 to index
      %swap3A_531 = arith.index_cast %scan3A_480 : i32 to index
      %swap3A_532 = arith.constant 112 : index
      %swap3A_533 = tpu.vector_load %arg8[%swap3A_530, %swap3A_531, %swap3A_532] {strides = array<i32>} : memref<2x128x128xf32, #tpu.memory_space<vmem>>, vector<1x1x16xf32>,
      %swap3A_534 = vector.shape_cast %swap3A_533 : vector<1x1x16xf32> to vector<16xf32>
      %swap3A_535 = vector.shape_cast %broadcast_in_dim3A_1 : vector<16xf32> to vector<1x1x16xf32>
      tpu.vector_store %arg8[%swap3A_530, %swap3A_531, %swap3A_532], %swap3A_535 {strides = array<i32>} : memref<2x128x128xf32, #tpu.memory_space<vmem>>, vector<1x1x16xf32>,
    }
    %scan3A_263 = arith.constant 128 : i32
    %scan3A_264 = arith.constant 0 : i32
    %scan3A_265 = arith.constant 1 : i32
    %scan3A_266 = arith.constant 1 : i32
    %scan3A_267 = arith.constant 0 : i32
    %scan3A_268 = arith.constant 50 : i32
    %scan3A_269 = arith.addi %scan3A_267, %scan3A_268 : i32
    %scan3A_270 = arith.constant 1 : i32
    scf.for %scan3A_480 = %scan3A_267 to %scan3A_269 step %scan3A_270  : i32 {
      %dma_start3A = arith.constant 0 : i32
      %dma_start3A_481 = arith.constant 0 : i32
      %dma_start3A_482 = tpu.memref_slice %arg8[%scan3A_266, %dma_start3A, %dma_start3A_481] : memref<2x128x128xf32, #tpu.memory_space<vmem>> -> memref<1x128x128xf32, #tpu.memory_space<vmem>>
      %dma_start3A_483 = tpu.memref_squeeze %dma_start3A_482 : memref<1x128x128xf32, #tpu.memory_space<vmem>> -> memref<128x128xf32, #tpu.memory_space<vmem>>
      %dma_start3A_484 = arith.constant 0 : i32
      %dma_start3A_485 = arith.constant 0 : i32
      %dma_start3A_486 = tpu.memref_slice %arg7[%scan3A_265, %dma_start3A_484, %dma_start3A_485] : memref<2x50x128xi32, #tpu.memory_space<vmem>> -> memref<1x50x128xi32, #tpu.memory_space<vmem>>
      %dma_start3A_487 = tpu.memref_squeeze %dma_start3A_486 : memref<1x50x128xi32, #tpu.memory_space<vmem>> -> memref<50x128xi32, #tpu.memory_space<vmem>>
      %dma_start3A_488 = arith.constant 0 : i32
      %dma_start3A_489 = tpu.memref_slice %dma_start3A_487[%scan3A_480, %dma_start3A_488] : memref<50x128xi32, #tpu.memory_space<vmem>> -> memref<1x128xi32, #tpu.memory_space<vmem>>
      %dma_start3A_490 = tpu.memref_squeeze %dma_start3A_489 : memref<1x128xi32, #tpu.memory_space<vmem>> -> memref<128xi32, #tpu.memory_space<vmem>>
      %dma_start3A_491 = arith.constant 0 : i32
      %dma_start3A_492 = arith.constant 0 : i32
      %dma_start3A_493 = tpu.memref_slice %arg5[%dma_start3A_491, %dma_start3A_492] : memref<100000x128xf32, #tpu.memory_space<hbm>> -> memref<100000x128xf32, #tpu.memory_space<hbm>>
      tpu.enqueue_indirect_dma source(%dma_start3A_493 : memref<100000x128xf32, #tpu.memory_space<hbm>>) target(%dma_start3A_483 : memref<128x128xf32, #tpu.memory_space<vmem>>) offsets(%dma_start3A_490 : memref<128xi32, #tpu.memory_space<vmem>>) semaphore(%arg10 : memref<!tpu.dma_semaphore, #tpu.memory_space<semaphore_mem>>) {add = true}
    }
    %scan3A_271 = arith.constant 50 : i32
    %scan3A_272 = arith.constant 0 : i32
    %scan3A_273 = arith.constant 0 : i32
    %scan3A_274 = arith.constant 0 : i32
    %scan3A_275 = arith.constant 0 : i32
    %scan3A_276 = arith.constant 50 : i32
    %scan3A_277 = arith.addi %scan3A_275, %scan3A_276 : i32
    %scan3A_278 = arith.constant 1 : i32
    scf.for %scan3A_480 = %scan3A_275 to %scan3A_277 step %scan3A_278  : i32 {
      %dma_wait3A = arith.constant 0 : i32
      %dma_wait3A_481 = arith.constant 0 : i32
      %dma_wait3A_482 = arith.constant 0 : i32
      %dma_wait3A_483 = tpu.memref_slice %arg8[%scan3A_274, %dma_wait3A_481, %dma_wait3A_482] : memref<2x128x128xf32, #tpu.memory_space<vmem>> -> memref<1x128x128xf32, #tpu.memory_space<vmem>>
      %dma_wait3A_484 = tpu.memref_squeeze %dma_wait3A_483 : memref<1x128x128xf32, #tpu.memory_space<vmem>> -> memref<128x128xf32, #tpu.memory_space<vmem>>
      %dma_wait3A_485 = arith.constant 0 : i32
      %dma_wait3A_486 = arith.constant 0 : i32
      %dma_wait3A_487 = tpu.memref_slice %arg7[%scan3A_273, %dma_wait3A_485, %dma_wait3A_486] : memref<2x50x128xi32, #tpu.memory_space<vmem>> -> memref<1x50x128xi32, #tpu.memory_space<vmem>>
      %dma_wait3A_488 = tpu.memref_squeeze %dma_wait3A_487 : memref<1x50x128xi32, #tpu.memory_space<vmem>> -> memref<50x128xi32, #tpu.memory_space<vmem>>
      %dma_wait3A_489 = arith.constant 0 : i32
      %dma_wait3A_490 = tpu.memref_slice %dma_wait3A_488[%dma_wait3A, %dma_wait3A_489] : memref<50x128xi32, #tpu.memory_space<vmem>> -> memref<1x128xi32, #tpu.memory_space<vmem>>
      %dma_wait3A_491 = tpu.memref_squeeze %dma_wait3A_490 : memref<1x128xi32, #tpu.memory_space<vmem>> -> memref<128xi32, #tpu.memory_space<vmem>>
      %dma_wait3A_492 = arith.constant 0 : i32
      %dma_wait3A_493 = arith.constant 0 : i32
      %dma_wait3A_494 = tpu.memref_slice %arg5[%dma_wait3A_492, %dma_wait3A_493] : memref<100000x128xf32, #tpu.memory_space<hbm>> -> memref<100000x128xf32, #tpu.memory_space<hbm>>
      tpu.wait_indirect_dma semaphore(%arg9 : memref<!tpu.dma_semaphore, #tpu.memory_space<semaphore_mem>>) src(%dma_wait3A_494 : memref<100000x128xf32, #tpu.memory_space<hbm>>) dst(%dma_wait3A_484 : memref<128x128xf32, #tpu.memory_space<vmem>>)
    }
    %scan3A_279 = arith.constant 50 : i32
    %mul3A_280 = arith.constant 512 : i32
    %mul3A_281 = arith.muli %add3A, %mul3A_280 : i32
    %add3A_282 = arith.constant 0 : i32
    %add3A_283 = arith.addi %mul3A_281, %add3A_282 : i32
    %run_scoped3A_284 = arith.constant 0 : i32
    %run_scoped3A_285 = arith.constant 2 : i32
    "tpu.region"() ({
      %run_scoped3A_480 = tpu.sem_alloc : memref<!tpu.dma_semaphore, #tpu.memory_space<semaphore_mem>>
      %dma_start3A = arith.constant 0 : i32
      %dma_start3A_481 = arith.constant 0 : i32
      %dma_start3A_482 = tpu.memref_slice %arg8[%run_scoped3A_284, %dma_start3A, %dma_start3A_481] : memref<2x128x128xf32, #tpu.memory_space<vmem>> -> memref<1x128x128xf32, #tpu.memory_space<vmem>>
      %dma_start3A_483 = tpu.memref_squeeze %dma_start3A_482 : memref<1x128x128xf32, #tpu.memory_space<vmem>> -> memref<128x128xf32, #tpu.memory_space<vmem>>
      %dma_start3A_484 = arith.constant 0 : i32
      %dma_start3A_485 = tpu.memref_slice %arg6[%run_scoped3A_285, %add3A_283, %dma_start3A_484] : memref<4x16384x128xf32, #tpu.memory_space<hbm>> -> memref<1x128x128xf32, #tpu.memory_space<hbm>>
      %dma_start3A_486 = tpu.memref_squeeze %dma_start3A_485 : memref<1x128x128xf32, #tpu.memory_space<hbm>> -> memref<128x128xf32, #tpu.memory_space<hbm>>
      %dma_start3A_487 = arith.constant 0 : i32
      %dma_start3A_488 = tpu.memref_slice %arg6[%run_scoped3A_285, %add3A_283, %dma_start3A_487] : memref<4x16384x128xf32, #tpu.memory_space<hbm>> -> memref<1x128x128xf32, #tpu.memory_space<hbm>>
      %dma_start3A_489 = tpu.memref_squeeze %dma_start3A_488 : memref<1x128x128xf32, #tpu.memory_space<hbm>> -> memref<128x128xf32, #tpu.memory_space<hbm>>
      %dma_start3A_490 = arith.constant 0 : i32
      %dma_start3A_491 = arith.constant 0 : i32
      %dma_start3A_492 = tpu.memref_slice %arg8[%run_scoped3A_284, %dma_start3A_490, %dma_start3A_491] : memref<2x128x128xf32, #tpu.memory_space<vmem>> -> memref<1x128x128xf32, #tpu.memory_space<vmem>>
      %dma_start3A_493 = tpu.memref_squeeze %dma_start3A_492 : memref<1x128x128xf32, #tpu.memory_space<vmem>> -> memref<128x128xf32, #tpu.memory_space<vmem>>
      tpu.enqueue_dma source(%dma_start3A_493 : memref<128x128xf32, #tpu.memory_space<vmem>>) target(%dma_start3A_489 : memref<128x128xf32, #tpu.memory_space<hbm>>) target_semaphore(%run_scoped3A_480 : memref<!tpu.dma_semaphore, #tpu.memory_space<semaphore_mem>>)
      %dma_wait3A = arith.constant 0 : i32
      %dma_wait3A_494 = arith.constant 0 : i32
      %dma_wait3A_495 = tpu.memref_slice %arg8[%run_scoped3A_284, %dma_wait3A, %dma_wait3A_494] : memref<2x128x128xf32, #tpu.memory_space<vmem>> -> memref<1x128x128xf32, #tpu.memory_space<vmem>>
      %dma_wait3A_496 = tpu.memref_squeeze %dma_wait3A_495 : memref<1x128x128xf32, #tpu.memory_space<vmem>> -> memref<128x128xf32, #tpu.memory_space<vmem>>
      %dma_wait3A_497 = arith.constant 0 : i32
      %dma_wait3A_498 = tpu.memref_slice %arg6[%run_scoped3A_285, %add3A_283, %dma_wait3A_497] : memref<4x16384x128xf32, #tpu.memory_space<hbm>> -> memref<1x128x128xf32, #tpu.memory_space<hbm>>
      %dma_wait3A_499 = tpu.memref_squeeze %dma_wait3A_498 : memref<1x128x128xf32, #tpu.memory_space<hbm>> -> memref<128x128xf32, #tpu.memory_space<hbm>>
      %dma_wait3A_500 = arith.constant 0 : i32
      %dma_wait3A_501 = tpu.memref_slice %arg6[%run_scoped3A_285, %add3A_283, %dma_wait3A_500] : memref<4x16384x128xf32, #tpu.memory_space<hbm>> -> memref<1x128x128xf32, #tpu.memory_space<hbm>>
      %dma_wait3A_502 = tpu.memref_squeeze %dma_wait3A_501 : memref<1x128x128xf32, #tpu.memory_space<hbm>> -> memref<128x128xf32, #tpu.memory_space<hbm>>
      %dma_wait3A_503 = arith.constant 0 : i32
      %dma_wait3A_504 = arith.constant 0 : i32
      %dma_wait3A_505 = tpu.memref_slice %arg8[%run_scoped3A_284, %dma_wait3A_503, %dma_wait3A_504] : memref<2x128x128xf32, #tpu.memory_space<vmem>> -> memref<1x128x128xf32, #tpu.memory_space<vmem>>
      %dma_wait3A_506 = tpu.memref_squeeze %dma_wait3A_505 : memref<1x128x128xf32, #tpu.memory_space<vmem>> -> memref<128x128xf32, #tpu.memory_space<vmem>>
      tpu.wait_dma2 semaphore(%run_scoped3A_480 : memref<!tpu.dma_semaphore, #tpu.memory_space<semaphore_mem>>) src(%dma_wait3A_506 : memref<128x128xf32, #tpu.memory_space<vmem>>) dst(%dma_wait3A_502 : memref<128x128xf32, #tpu.memory_space<hbm>>)
      tpu.yield
    }) : () -> ()
    %run_scoped3A_286 = arith.constant 2 : i32
    %run_scoped3A_287 = arith.constant 0 : i32
    "tpu.region"() ({
      %run_scoped3A_480 = tpu.sem_alloc : memref<!tpu.dma_semaphore, #tpu.memory_space<semaphore_mem>>
      %dma_start3A = arith.constant 0 : i32
      %dma_start3A_481 = arith.constant 0 : i32
      %dma_start3A_482 = tpu.memref_slice %arg7[%run_scoped3A_287, %dma_start3A, %dma_start3A_481] : memref<2x50x128xi32, #tpu.memory_space<vmem>> -> memref<1x50x128xi32, #tpu.memory_space<vmem>>
      %dma_start3A_483 = tpu.memref_squeeze %dma_start3A_482 : memref<1x50x128xi32, #tpu.memory_space<vmem>> -> memref<50x128xi32, #tpu.memory_space<vmem>>
      %dma_start3A_484 = arith.constant 0 : i32
      %dma_start3A_485 = arith.constant 0 : i32
      %dma_start3A_486 = tpu.memref_slice %arg3[%add3A, %run_scoped3A_286, %dma_start3A_484, %dma_start3A_485] : memref<32x8x50x128xi32, #tpu.memory_space<hbm>> -> memref<1x1x50x128xi32, #tpu.memory_space<hbm>>
      %dma_start3A_487 = tpu.memref_squeeze %dma_start3A_486 : memref<1x1x50x128xi32, #tpu.memory_space<hbm>> -> memref<50x128xi32, #tpu.memory_space<hbm>>
      %dma_start3A_488 = arith.constant 0 : i32
      %dma_start3A_489 = arith.constant 0 : i32
      %dma_start3A_490 = tpu.memref_slice %arg7[%run_scoped3A_287, %dma_start3A_488, %dma_start3A_489] : memref<2x50x128xi32, #tpu.memory_space<vmem>> -> memref<1x50x128xi32, #tpu.memory_space<vmem>>
      %dma_start3A_491 = tpu.memref_squeeze %dma_start3A_490 : memref<1x50x128xi32, #tpu.memory_space<vmem>> -> memref<50x128xi32, #tpu.memory_space<vmem>>
      %dma_start3A_492 = arith.constant 0 : i32
      %dma_start3A_493 = arith.constant 0 : i32
      %dma_start3A_494 = tpu.memref_slice %arg3[%add3A, %run_scoped3A_286, %dma_start3A_492, %dma_start3A_493] : memref<32x8x50x128xi32, #tpu.memory_space<hbm>> -> memref<1x1x50x128xi32, #tpu.memory_space<hbm>>
      %dma_start3A_495 = tpu.memref_squeeze %dma_start3A_494 : memref<1x1x50x128xi32, #tpu.memory_space<hbm>> -> memref<50x128xi32, #tpu.memory_space<hbm>>
      tpu.enqueue_dma source(%dma_start3A_495 : memref<50x128xi32, #tpu.memory_space<hbm>>) target(%dma_start3A_491 : memref<50x128xi32, #tpu.memory_space<vmem>>) target_semaphore(%run_scoped3A_480 : memref<!tpu.dma_semaphore, #tpu.memory_space<semaphore_mem>>)
      %dma_wait3A = arith.constant 0 : i32
      %dma_wait3A_496 = arith.constant 0 : i32
      %dma_wait3A_497 = tpu.memref_slice %arg7[%run_scoped3A_287, %dma_wait3A, %dma_wait3A_496] : memref<2x50x128xi32, #tpu.memory_space<vmem>> -> memref<1x50x128xi32, #tpu.memory_space<vmem>>
      %dma_wait3A_498 = tpu.memref_squeeze %dma_wait3A_497 : memref<1x50x128xi32, #tpu.memory_space<vmem>> -> memref<50x128xi32, #tpu.memory_space<vmem>>
      %dma_wait3A_499 = arith.constant 0 : i32
      %dma_wait3A_500 = arith.constant 0 : i32
      %dma_wait3A_501 = tpu.memref_slice %arg3[%add3A, %run_scoped3A_286, %dma_wait3A_499, %dma_wait3A_500] : memref<32x8x50x128xi32, #tpu.memory_space<hbm>> -> memref<1x1x50x128xi32, #tpu.memory_space<hbm>>
      %dma_wait3A_502 = tpu.memref_squeeze %dma_wait3A_501 : memref<1x1x50x128xi32, #tpu.memory_space<hbm>> -> memref<50x128xi32, #tpu.memory_space<hbm>>
      %dma_wait3A_503 = arith.constant 0 : i32
      %dma_wait3A_504 = arith.constant 0 : i32
      %dma_wait3A_505 = tpu.memref_slice %arg7[%run_scoped3A_287, %dma_wait3A_503, %dma_wait3A_504] : memref<2x50x128xi32, #tpu.memory_space<vmem>> -> memref<1x50x128xi32, #tpu.memory_space<vmem>>
      %dma_wait3A_506 = tpu.memref_squeeze %dma_wait3A_505 : memref<1x50x128xi32, #tpu.memory_space<vmem>> -> memref<50x128xi32, #tpu.memory_space<vmem>>
      %dma_wait3A_507 = arith.constant 0 : i32
      %dma_wait3A_508 = arith.constant 0 : i32
      %dma_wait3A_509 = tpu.memref_slice %arg3[%add3A, %run_scoped3A_286, %dma_wait3A_507, %dma_wait3A_508] : memref<32x8x50x128xi32, #tpu.memory_space<hbm>> -> memref<1x1x50x128xi32, #tpu.memory_space<hbm>>
      %dma_wait3A_510 = tpu.memref_squeeze %dma_wait3A_509 : memref<1x1x50x128xi32, #tpu.memory_space<hbm>> -> memref<50x128xi32, #tpu.memory_space<hbm>>
      tpu.wait_dma2 semaphore(%run_scoped3A_480 : memref<!tpu.dma_semaphore, #tpu.memory_space<semaphore_mem>>) src(%dma_wait3A_510 : memref<50x128xi32, #tpu.memory_space<hbm>>) dst(%dma_wait3A_506 : memref<50x128xi32, #tpu.memory_space<vmem>>)
      tpu.yield
    }) : () -> ()
    %scan3A_288 = arith.constant 0 : i32
    %scan3A_289 = arith.constant 0 : i32
    %scan3A_290 = arith.constant 128 : i32
    %scan3A_291 = arith.addi %scan3A_289, %scan3A_290 : i32
    %scan3A_292 = arith.constant 1 : i32
    scf.for %scan3A_480 = %scan3A_289 to %scan3A_291 step %scan3A_292  : i32 {
      %swap3A = arith.constant 0 : i32
      %swap3A_481 = arith.index_cast %swap3A : i32 to index
      %swap3A_482 = arith.index_cast %scan3A_480 : i32 to index
      %swap3A_483 = arith.constant 0 : index
      %swap3A_484 = tpu.vector_load %arg8[%swap3A_481, %swap3A_482, %swap3A_483] {strides = array<i32>} : memref<2x128x128xf32, #tpu.memory_space<vmem>>, vector<1x1x16xf32>,
      %swap3A_485 = vector.shape_cast %swap3A_484 : vector<1x1x16xf32> to vector<16xf32>
      %swap3A_486 = vector.shape_cast %broadcast_in_dim3A_1 : vector<16xf32> to vector<1x1x16xf32>
      tpu.vector_store %arg8[%swap3A_481, %swap3A_482, %swap3A_483], %swap3A_486 {strides = array<i32>} : memref<2x128x128xf32, #tpu.memory_space<vmem>>, vector<1x1x16xf32>,
      %swap3A_487 = arith.constant 0 : i32
      %swap3A_488 = arith.index_cast %swap3A_487 : i32 to index
      %swap3A_489 = arith.index_cast %scan3A_480 : i32 to index
      %swap3A_490 = arith.constant 16 : index
      %swap3A_491 = tpu.vector_load %arg8[%swap3A_488, %swap3A_489, %swap3A_490] {strides = array<i32>} : memref<2x128x128xf32, #tpu.memory_space<vmem>>, vector<1x1x16xf32>,
      %swap3A_492 = vector.shape_cast %swap3A_491 : vector<1x1x16xf32> to vector<16xf32>
      %swap3A_493 = vector.shape_cast %broadcast_in_dim3A_1 : vector<16xf32> to vector<1x1x16xf32>
      tpu.vector_store %arg8[%swap3A_488, %swap3A_489, %swap3A_490], %swap3A_493 {strides = array<i32>} : memref<2x128x128xf32, #tpu.memory_space<vmem>>, vector<1x1x16xf32>,
      %swap3A_494 = arith.constant 0 : i32
      %swap3A_495 = arith.index_cast %swap3A_494 : i32 to index
      %swap3A_496 = arith.index_cast %scan3A_480 : i32 to index
      %swap3A_497 = arith.constant 32 : index
      %swap3A_498 = tpu.vector_load %arg8[%swap3A_495, %swap3A_496, %swap3A_497] {strides = array<i32>} : memref<2x128x128xf32, #tpu.memory_space<vmem>>, vector<1x1x16xf32>,
      %swap3A_499 = vector.shape_cast %swap3A_498 : vector<1x1x16xf32> to vector<16xf32>
      %swap3A_500 = vector.shape_cast %broadcast_in_dim3A_1 : vector<16xf32> to vector<1x1x16xf32>
      tpu.vector_store %arg8[%swap3A_495, %swap3A_496, %swap3A_497], %swap3A_500 {strides = array<i32>} : memref<2x128x128xf32, #tpu.memory_space<vmem>>, vector<1x1x16xf32>,
      %swap3A_501 = arith.constant 0 : i32
      %swap3A_502 = arith.index_cast %swap3A_501 : i32 to index
      %swap3A_503 = arith.index_cast %scan3A_480 : i32 to index
      %swap3A_504 = arith.constant 48 : index
      %swap3A_505 = tpu.vector_load %arg8[%swap3A_502, %swap3A_503, %swap3A_504] {strides = array<i32>} : memref<2x128x128xf32, #tpu.memory_space<vmem>>, vector<1x1x16xf32>,
      %swap3A_506 = vector.shape_cast %swap3A_505 : vector<1x1x16xf32> to vector<16xf32>
      %swap3A_507 = vector.shape_cast %broadcast_in_dim3A_1 : vector<16xf32> to vector<1x1x16xf32>
      tpu.vector_store %arg8[%swap3A_502, %swap3A_503, %swap3A_504], %swap3A_507 {strides = array<i32>} : memref<2x128x128xf32, #tpu.memory_space<vmem>>, vector<1x1x16xf32>,
      %swap3A_508 = arith.constant 0 : i32
      %swap3A_509 = arith.index_cast %swap3A_508 : i32 to index
      %swap3A_510 = arith.index_cast %scan3A_480 : i32 to index
      %swap3A_511 = arith.constant 64 : index
      %swap3A_512 = tpu.vector_load %arg8[%swap3A_509, %swap3A_510, %swap3A_511] {strides = array<i32>} : memref<2x128x128xf32, #tpu.memory_space<vmem>>, vector<1x1x16xf32>,
      %swap3A_513 = vector.shape_cast %swap3A_512 : vector<1x1x16xf32> to vector<16xf32>
      %swap3A_514 = vector.shape_cast %broadcast_in_dim3A_1 : vector<16xf32> to vector<1x1x16xf32>
      tpu.vector_store %arg8[%swap3A_509, %swap3A_510, %swap3A_511], %swap3A_514 {strides = array<i32>} : memref<2x128x128xf32, #tpu.memory_space<vmem>>, vector<1x1x16xf32>,
      %swap3A_515 = arith.constant 0 : i32
      %swap3A_516 = arith.index_cast %swap3A_515 : i32 to index
      %swap3A_517 = arith.index_cast %scan3A_480 : i32 to index
      %swap3A_518 = arith.constant 80 : index
      %swap3A_519 = tpu.vector_load %arg8[%swap3A_516, %swap3A_517, %swap3A_518] {strides = array<i32>} : memref<2x128x128xf32, #tpu.memory_space<vmem>>, vector<1x1x16xf32>,
      %swap3A_520 = vector.shape_cast %swap3A_519 : vector<1x1x16xf32> to vector<16xf32>
      %swap3A_521 = vector.shape_cast %broadcast_in_dim3A_1 : vector<16xf32> to vector<1x1x16xf32>
      tpu.vector_store %arg8[%swap3A_516, %swap3A_517, %swap3A_518], %swap3A_521 {strides = array<i32>} : memref<2x128x128xf32, #tpu.memory_space<vmem>>, vector<1x1x16xf32>,
      %swap3A_522 = arith.constant 0 : i32
      %swap3A_523 = arith.index_cast %swap3A_522 : i32 to index
      %swap3A_524 = arith.index_cast %scan3A_480 : i32 to index
      %swap3A_525 = arith.constant 96 : index
      %swap3A_526 = tpu.vector_load %arg8[%swap3A_523, %swap3A_524, %swap3A_525] {strides = array<i32>} : memref<2x128x128xf32, #tpu.memory_space<vmem>>, vector<1x1x16xf32>,
      %swap3A_527 = vector.shape_cast %swap3A_526 : vector<1x1x16xf32> to vector<16xf32>
      %swap3A_528 = vector.shape_cast %broadcast_in_dim3A_1 : vector<16xf32> to vector<1x1x16xf32>
      tpu.vector_store %arg8[%swap3A_523, %swap3A_524, %swap3A_525], %swap3A_528 {strides = array<i32>} : memref<2x128x128xf32, #tpu.memory_space<vmem>>, vector<1x1x16xf32>,
      %swap3A_529 = arith.constant 0 : i32
      %swap3A_530 = arith.index_cast %swap3A_529 : i32 to index
      %swap3A_531 = arith.index_cast %scan3A_480 : i32 to index
      %swap3A_532 = arith.constant 112 : index
      %swap3A_533 = tpu.vector_load %arg8[%swap3A_530, %swap3A_531, %swap3A_532] {strides = array<i32>} : memref<2x128x128xf32, #tpu.memory_space<vmem>>, vector<1x1x16xf32>,
      %swap3A_534 = vector.shape_cast %swap3A_533 : vector<1x1x16xf32> to vector<16xf32>
      %swap3A_535 = vector.shape_cast %broadcast_in_dim3A_1 : vector<16xf32> to vector<1x1x16xf32>
      tpu.vector_store %arg8[%swap3A_530, %swap3A_531, %swap3A_532], %swap3A_535 {strides = array<i32>} : memref<2x128x128xf32, #tpu.memory_space<vmem>>, vector<1x1x16xf32>,
    }
    %scan3A_293 = arith.constant 128 : i32
    %scan3A_294 = arith.constant 0 : i32
    %scan3A_295 = arith.constant 0 : i32
    %scan3A_296 = arith.constant 0 : i32
    %scan3A_297 = arith.constant 0 : i32
    %scan3A_298 = arith.constant 50 : i32
    %scan3A_299 = arith.addi %scan3A_297, %scan3A_298 : i32
    %scan3A_300 = arith.constant 1 : i32
    scf.for %scan3A_480 = %scan3A_297 to %scan3A_299 step %scan3A_300  : i32 {
      %dma_start3A = arith.constant 0 : i32
      %dma_start3A_481 = arith.constant 0 : i32
      %dma_start3A_482 = tpu.memref_slice %arg8[%scan3A_296, %dma_start3A, %dma_start3A_481] : memref<2x128x128xf32, #tpu.memory_space<vmem>> -> memref<1x128x128xf32, #tpu.memory_space<vmem>>
      %dma_start3A_483 = tpu.memref_squeeze %dma_start3A_482 : memref<1x128x128xf32, #tpu.memory_space<vmem>> -> memref<128x128xf32, #tpu.memory_space<vmem>>
      %dma_start3A_484 = arith.constant 0 : i32
      %dma_start3A_485 = arith.constant 0 : i32
      %dma_start3A_486 = tpu.memref_slice %arg7[%scan3A_295, %dma_start3A_484, %dma_start3A_485] : memref<2x50x128xi32, #tpu.memory_space<vmem>> -> memref<1x50x128xi32, #tpu.memory_space<vmem>>
      %dma_start3A_487 = tpu.memref_squeeze %dma_start3A_486 : memref<1x50x128xi32, #tpu.memory_space<vmem>> -> memref<50x128xi32, #tpu.memory_space<vmem>>
      %dma_start3A_488 = arith.constant 0 : i32
      %dma_start3A_489 = tpu.memref_slice %dma_start3A_487[%scan3A_480, %dma_start3A_488] : memref<50x128xi32, #tpu.memory_space<vmem>> -> memref<1x128xi32, #tpu.memory_space<vmem>>
      %dma_start3A_490 = tpu.memref_squeeze %dma_start3A_489 : memref<1x128xi32, #tpu.memory_space<vmem>> -> memref<128xi32, #tpu.memory_space<vmem>>
      %dma_start3A_491 = arith.constant 0 : i32
      %dma_start3A_492 = arith.constant 0 : i32
      %dma_start3A_493 = tpu.memref_slice %arg5[%dma_start3A_491, %dma_start3A_492] : memref<100000x128xf32, #tpu.memory_space<hbm>> -> memref<100000x128xf32, #tpu.memory_space<hbm>>
      tpu.enqueue_indirect_dma source(%dma_start3A_493 : memref<100000x128xf32, #tpu.memory_space<hbm>>) target(%dma_start3A_483 : memref<128x128xf32, #tpu.memory_space<vmem>>) offsets(%dma_start3A_490 : memref<128xi32, #tpu.memory_space<vmem>>) semaphore(%arg9 : memref<!tpu.dma_semaphore, #tpu.memory_space<semaphore_mem>>) {add = true}
    }
    %scan3A_301 = arith.constant 50 : i32
    %scan3A_302 = arith.constant 0 : i32
    %scan3A_303 = arith.constant 1 : i32
    %scan3A_304 = arith.constant 1 : i32
    %scan3A_305 = arith.constant 0 : i32
    %scan3A_306 = arith.constant 50 : i32
    %scan3A_307 = arith.addi %scan3A_305, %scan3A_306 : i32
    %scan3A_308 = arith.constant 1 : i32
    scf.for %scan3A_480 = %scan3A_305 to %scan3A_307 step %scan3A_308  : i32 {
      %dma_wait3A = arith.constant 0 : i32
      %dma_wait3A_481 = arith.constant 0 : i32
      %dma_wait3A_482 = arith.constant 0 : i32
      %dma_wait3A_483 = tpu.memref_slice %arg8[%scan3A_304, %dma_wait3A_481, %dma_wait3A_482] : memref<2x128x128xf32, #tpu.memory_space<vmem>> -> memref<1x128x128xf32, #tpu.memory_space<vmem>>
      %dma_wait3A_484 = tpu.memref_squeeze %dma_wait3A_483 : memref<1x128x128xf32, #tpu.memory_space<vmem>> -> memref<128x128xf32, #tpu.memory_space<vmem>>
      %dma_wait3A_485 = arith.constant 0 : i32
      %dma_wait3A_486 = arith.constant 0 : i32
      %dma_wait3A_487 = tpu.memref_slice %arg7[%scan3A_303, %dma_wait3A_485, %dma_wait3A_486] : memref<2x50x128xi32, #tpu.memory_space<vmem>> -> memref<1x50x128xi32, #tpu.memory_space<vmem>>
      %dma_wait3A_488 = tpu.memref_squeeze %dma_wait3A_487 : memref<1x50x128xi32, #tpu.memory_space<vmem>> -> memref<50x128xi32, #tpu.memory_space<vmem>>
      %dma_wait3A_489 = arith.constant 0 : i32
      %dma_wait3A_490 = tpu.memref_slice %dma_wait3A_488[%dma_wait3A, %dma_wait3A_489] : memref<50x128xi32, #tpu.memory_space<vmem>> -> memref<1x128xi32, #tpu.memory_space<vmem>>
      %dma_wait3A_491 = tpu.memref_squeeze %dma_wait3A_490 : memref<1x128xi32, #tpu.memory_space<vmem>> -> memref<128xi32, #tpu.memory_space<vmem>>
      %dma_wait3A_492 = arith.constant 0 : i32
      %dma_wait3A_493 = arith.constant 0 : i32
      %dma_wait3A_494 = tpu.memref_slice %arg5[%dma_wait3A_492, %dma_wait3A_493] : memref<100000x128xf32, #tpu.memory_space<hbm>> -> memref<100000x128xf32, #tpu.memory_space<hbm>>
      tpu.wait_indirect_dma semaphore(%arg10 : memref<!tpu.dma_semaphore, #tpu.memory_space<semaphore_mem>>) src(%dma_wait3A_494 : memref<100000x128xf32, #tpu.memory_space<hbm>>) dst(%dma_wait3A_484 : memref<128x128xf32, #tpu.memory_space<vmem>>)
    }
    %scan3A_309 = arith.constant 50 : i32
    %mul3A_310 = arith.constant 512 : i32
    %mul3A_311 = arith.muli %add3A, %mul3A_310 : i32
    %add3A_312 = arith.constant 128 : i32
    %add3A_313 = arith.addi %mul3A_311, %add3A_312 : i32
    %run_scoped3A_314 = arith.constant 1 : i32
    %run_scoped3A_315 = arith.constant 2 : i32
    "tpu.region"() ({
      %run_scoped3A_480 = tpu.sem_alloc : memref<!tpu.dma_semaphore, #tpu.memory_space<semaphore_mem>>
      %dma_start3A = arith.constant 0 : i32
      %dma_start3A_481 = arith.constant 0 : i32
      %dma_start3A_482 = tpu.memref_slice %arg8[%run_scoped3A_314, %dma_start3A, %dma_start3A_481] : memref<2x128x128xf32, #tpu.memory_space<vmem>> -> memref<1x128x128xf32, #tpu.memory_space<vmem>>
      %dma_start3A_483 = tpu.memref_squeeze %dma_start3A_482 : memref<1x128x128xf32, #tpu.memory_space<vmem>> -> memref<128x128xf32, #tpu.memory_space<vmem>>
      %dma_start3A_484 = arith.constant 0 : i32
      %dma_start3A_485 = tpu.memref_slice %arg6[%run_scoped3A_315, %add3A_313, %dma_start3A_484] : memref<4x16384x128xf32, #tpu.memory_space<hbm>> -> memref<1x128x128xf32, #tpu.memory_space<hbm>>
      %dma_start3A_486 = tpu.memref_squeeze %dma_start3A_485 : memref<1x128x128xf32, #tpu.memory_space<hbm>> -> memref<128x128xf32, #tpu.memory_space<hbm>>
      %dma_start3A_487 = arith.constant 0 : i32
      %dma_start3A_488 = tpu.memref_slice %arg6[%run_scoped3A_315, %add3A_313, %dma_start3A_487] : memref<4x16384x128xf32, #tpu.memory_space<hbm>> -> memref<1x128x128xf32, #tpu.memory_space<hbm>>
      %dma_start3A_489 = tpu.memref_squeeze %dma_start3A_488 : memref<1x128x128xf32, #tpu.memory_space<hbm>> -> memref<128x128xf32, #tpu.memory_space<hbm>>
      %dma_start3A_490 = arith.constant 0 : i32
      %dma_start3A_491 = arith.constant 0 : i32
      %dma_start3A_492 = tpu.memref_slice %arg8[%run_scoped3A_314, %dma_start3A_490, %dma_start3A_491] : memref<2x128x128xf32, #tpu.memory_space<vmem>> -> memref<1x128x128xf32, #tpu.memory_space<vmem>>
      %dma_start3A_493 = tpu.memref_squeeze %dma_start3A_492 : memref<1x128x128xf32, #tpu.memory_space<vmem>> -> memref<128x128xf32, #tpu.memory_space<vmem>>
      tpu.enqueue_dma source(%dma_start3A_493 : memref<128x128xf32, #tpu.memory_space<vmem>>) target(%dma_start3A_489 : memref<128x128xf32, #tpu.memory_space<hbm>>) target_semaphore(%run_scoped3A_480 : memref<!tpu.dma_semaphore, #tpu.memory_space<semaphore_mem>>)
      %dma_wait3A = arith.constant 0 : i32
      %dma_wait3A_494 = arith.constant 0 : i32
      %dma_wait3A_495 = tpu.memref_slice %arg8[%run_scoped3A_314, %dma_wait3A, %dma_wait3A_494] : memref<2x128x128xf32, #tpu.memory_space<vmem>> -> memref<1x128x128xf32, #tpu.memory_space<vmem>>
      %dma_wait3A_496 = tpu.memref_squeeze %dma_wait3A_495 : memref<1x128x128xf32, #tpu.memory_space<vmem>> -> memref<128x128xf32, #tpu.memory_space<vmem>>
      %dma_wait3A_497 = arith.constant 0 : i32
      %dma_wait3A_498 = tpu.memref_slice %arg6[%run_scoped3A_315, %add3A_313, %dma_wait3A_497] : memref<4x16384x128xf32, #tpu.memory_space<hbm>> -> memref<1x128x128xf32, #tpu.memory_space<hbm>>
      %dma_wait3A_499 = tpu.memref_squeeze %dma_wait3A_498 : memref<1x128x128xf32, #tpu.memory_space<hbm>> -> memref<128x128xf32, #tpu.memory_space<hbm>>
      %dma_wait3A_500 = arith.constant 0 : i32
      %dma_wait3A_501 = tpu.memref_slice %arg6[%run_scoped3A_315, %add3A_313, %dma_wait3A_500] : memref<4x16384x128xf32, #tpu.memory_space<hbm>> -> memref<1x128x128xf32, #tpu.memory_space<hbm>>
      %dma_wait3A_502 = tpu.memref_squeeze %dma_wait3A_501 : memref<1x128x128xf32, #tpu.memory_space<hbm>> -> memref<128x128xf32, #tpu.memory_space<hbm>>
      %dma_wait3A_503 = arith.constant 0 : i32
      %dma_wait3A_504 = arith.constant 0 : i32
      %dma_wait3A_505 = tpu.memref_slice %arg8[%run_scoped3A_314, %dma_wait3A_503, %dma_wait3A_504] : memref<2x128x128xf32, #tpu.memory_space<vmem>> -> memref<1x128x128xf32, #tpu.memory_space<vmem>>
      %dma_wait3A_506 = tpu.memref_squeeze %dma_wait3A_505 : memref<1x128x128xf32, #tpu.memory_space<vmem>> -> memref<128x128xf32, #tpu.memory_space<vmem>>
      tpu.wait_dma2 semaphore(%run_scoped3A_480 : memref<!tpu.dma_semaphore, #tpu.memory_space<semaphore_mem>>) src(%dma_wait3A_506 : memref<128x128xf32, #tpu.memory_space<vmem>>) dst(%dma_wait3A_502 : memref<128x128xf32, #tpu.memory_space<hbm>>)
      tpu.yield
    }) : () -> ()
    %run_scoped3A_316 = arith.constant 3 : i32
    %run_scoped3A_317 = arith.constant 1 : i32
    "tpu.region"() ({
      %run_scoped3A_480 = tpu.sem_alloc : memref<!tpu.dma_semaphore, #tpu.memory_space<semaphore_mem>>
      %dma_start3A = arith.constant 0 : i32
      %dma_start3A_481 = arith.constant 0 : i32
      %dma_start3A_482 = tpu.memref_slice %arg7[%run_scoped3A_317, %dma_start3A, %dma_start3A_481] : memref<2x50x128xi32, #tpu.memory_space<vmem>> -> memref<1x50x128xi32, #tpu.memory_space<vmem>>
      %dma_start3A_483 = tpu.memref_squeeze %dma_start3A_482 : memref<1x50x128xi32, #tpu.memory_space<vmem>> -> memref<50x128xi32, #tpu.memory_space<vmem>>
      %dma_start3A_484 = arith.constant 0 : i32
      %dma_start3A_485 = arith.constant 0 : i32
      %dma_start3A_486 = tpu.memref_slice %arg3[%add3A, %run_scoped3A_316, %dma_start3A_484, %dma_start3A_485] : memref<32x8x50x128xi32, #tpu.memory_space<hbm>> -> memref<1x1x50x128xi32, #tpu.memory_space<hbm>>
      %dma_start3A_487 = tpu.memref_squeeze %dma_start3A_486 : memref<1x1x50x128xi32, #tpu.memory_space<hbm>> -> memref<50x128xi32, #tpu.memory_space<hbm>>
      %dma_start3A_488 = arith.constant 0 : i32
      %dma_start3A_489 = arith.constant 0 : i32
      %dma_start3A_490 = tpu.memref_slice %arg7[%run_scoped3A_317, %dma_start3A_488, %dma_start3A_489] : memref<2x50x128xi32, #tpu.memory_space<vmem>> -> memref<1x50x128xi32, #tpu.memory_space<vmem>>
      %dma_start3A_491 = tpu.memref_squeeze %dma_start3A_490 : memref<1x50x128xi32, #tpu.memory_space<vmem>> -> memref<50x128xi32, #tpu.memory_space<vmem>>
      %dma_start3A_492 = arith.constant 0 : i32
      %dma_start3A_493 = arith.constant 0 : i32
      %dma_start3A_494 = tpu.memref_slice %arg3[%add3A, %run_scoped3A_316, %dma_start3A_492, %dma_start3A_493] : memref<32x8x50x128xi32, #tpu.memory_space<hbm>> -> memref<1x1x50x128xi32, #tpu.memory_space<hbm>>
      %dma_start3A_495 = tpu.memref_squeeze %dma_start3A_494 : memref<1x1x50x128xi32, #tpu.memory_space<hbm>> -> memref<50x128xi32, #tpu.memory_space<hbm>>
      tpu.enqueue_dma source(%dma_start3A_495 : memref<50x128xi32, #tpu.memory_space<hbm>>) target(%dma_start3A_491 : memref<50x128xi32, #tpu.memory_space<vmem>>) target_semaphore(%run_scoped3A_480 : memref<!tpu.dma_semaphore, #tpu.memory_space<semaphore_mem>>)
      %dma_wait3A = arith.constant 0 : i32
      %dma_wait3A_496 = arith.constant 0 : i32
      %dma_wait3A_497 = tpu.memref_slice %arg7[%run_scoped3A_317, %dma_wait3A, %dma_wait3A_496] : memref<2x50x128xi32, #tpu.memory_space<vmem>> -> memref<1x50x128xi32, #tpu.memory_space<vmem>>
      %dma_wait3A_498 = tpu.memref_squeeze %dma_wait3A_497 : memref<1x50x128xi32, #tpu.memory_space<vmem>> -> memref<50x128xi32, #tpu.memory_space<vmem>>
      %dma_wait3A_499 = arith.constant 0 : i32
      %dma_wait3A_500 = arith.constant 0 : i32
      %dma_wait3A_501 = tpu.memref_slice %arg3[%add3A, %run_scoped3A_316, %dma_wait3A_499, %dma_wait3A_500] : memref<32x8x50x128xi32, #tpu.memory_space<hbm>> -> memref<1x1x50x128xi32, #tpu.memory_space<hbm>>
      %dma_wait3A_502 = tpu.memref_squeeze %dma_wait3A_501 : memref<1x1x50x128xi32, #tpu.memory_space<hbm>> -> memref<50x128xi32, #tpu.memory_space<hbm>>
      %dma_wait3A_503 = arith.constant 0 : i32
      %dma_wait3A_504 = arith.constant 0 : i32
      %dma_wait3A_505 = tpu.memref_slice %arg7[%run_scoped3A_317, %dma_wait3A_503, %dma_wait3A_504] : memref<2x50x128xi32, #tpu.memory_space<vmem>> -> memref<1x50x128xi32, #tpu.memory_space<vmem>>
      %dma_wait3A_506 = tpu.memref_squeeze %dma_wait3A_505 : memref<1x50x128xi32, #tpu.memory_space<vmem>> -> memref<50x128xi32, #tpu.memory_space<vmem>>
      %dma_wait3A_507 = arith.constant 0 : i32
      %dma_wait3A_508 = arith.constant 0 : i32
      %dma_wait3A_509 = tpu.memref_slice %arg3[%add3A, %run_scoped3A_316, %dma_wait3A_507, %dma_wait3A_508] : memref<32x8x50x128xi32, #tpu.memory_space<hbm>> -> memref<1x1x50x128xi32, #tpu.memory_space<hbm>>
      %dma_wait3A_510 = tpu.memref_squeeze %dma_wait3A_509 : memref<1x1x50x128xi32, #tpu.memory_space<hbm>> -> memref<50x128xi32, #tpu.memory_space<hbm>>
      tpu.wait_dma2 semaphore(%run_scoped3A_480 : memref<!tpu.dma_semaphore, #tpu.memory_space<semaphore_mem>>) src(%dma_wait3A_510 : memref<50x128xi32, #tpu.memory_space<hbm>>) dst(%dma_wait3A_506 : memref<50x128xi32, #tpu.memory_space<vmem>>)
      tpu.yield
    }) : () -> ()
    %scan3A_318 = arith.constant 0 : i32
    %scan3A_319 = arith.constant 0 : i32
    %scan3A_320 = arith.constant 128 : i32
    %scan3A_321 = arith.addi %scan3A_319, %scan3A_320 : i32
    %scan3A_322 = arith.constant 1 : i32
    scf.for %scan3A_480 = %scan3A_319 to %scan3A_321 step %scan3A_322  : i32 {
      %swap3A = arith.constant 1 : i32
      %swap3A_481 = arith.index_cast %swap3A : i32 to index
      %swap3A_482 = arith.index_cast %scan3A_480 : i32 to index
      %swap3A_483 = arith.constant 0 : index
      %swap3A_484 = tpu.vector_load %arg8[%swap3A_481, %swap3A_482, %swap3A_483] {strides = array<i32>} : memref<2x128x128xf32, #tpu.memory_space<vmem>>, vector<1x1x16xf32>,
      %swap3A_485 = vector.shape_cast %swap3A_484 : vector<1x1x16xf32> to vector<16xf32>
      %swap3A_486 = vector.shape_cast %broadcast_in_dim3A_1 : vector<16xf32> to vector<1x1x16xf32>
      tpu.vector_store %arg8[%swap3A_481, %swap3A_482, %swap3A_483], %swap3A_486 {strides = array<i32>} : memref<2x128x128xf32, #tpu.memory_space<vmem>>, vector<1x1x16xf32>,
      %swap3A_487 = arith.constant 1 : i32
      %swap3A_488 = arith.index_cast %swap3A_487 : i32 to index
      %swap3A_489 = arith.index_cast %scan3A_480 : i32 to index
      %swap3A_490 = arith.constant 16 : index
      %swap3A_491 = tpu.vector_load %arg8[%swap3A_488, %swap3A_489, %swap3A_490] {strides = array<i32>} : memref<2x128x128xf32, #tpu.memory_space<vmem>>, vector<1x1x16xf32>,
      %swap3A_492 = vector.shape_cast %swap3A_491 : vector<1x1x16xf32> to vector<16xf32>
      %swap3A_493 = vector.shape_cast %broadcast_in_dim3A_1 : vector<16xf32> to vector<1x1x16xf32>
      tpu.vector_store %arg8[%swap3A_488, %swap3A_489, %swap3A_490], %swap3A_493 {strides = array<i32>} : memref<2x128x128xf32, #tpu.memory_space<vmem>>, vector<1x1x16xf32>,
      %swap3A_494 = arith.constant 1 : i32
      %swap3A_495 = arith.index_cast %swap3A_494 : i32 to index
      %swap3A_496 = arith.index_cast %scan3A_480 : i32 to index
      %swap3A_497 = arith.constant 32 : index
      %swap3A_498 = tpu.vector_load %arg8[%swap3A_495, %swap3A_496, %swap3A_497] {strides = array<i32>} : memref<2x128x128xf32, #tpu.memory_space<vmem>>, vector<1x1x16xf32>,
      %swap3A_499 = vector.shape_cast %swap3A_498 : vector<1x1x16xf32> to vector<16xf32>
      %swap3A_500 = vector.shape_cast %broadcast_in_dim3A_1 : vector<16xf32> to vector<1x1x16xf32>
      tpu.vector_store %arg8[%swap3A_495, %swap3A_496, %swap3A_497], %swap3A_500 {strides = array<i32>} : memref<2x128x128xf32, #tpu.memory_space<vmem>>, vector<1x1x16xf32>,
      %swap3A_501 = arith.constant 1 : i32
      %swap3A_502 = arith.index_cast %swap3A_501 : i32 to index
      %swap3A_503 = arith.index_cast %scan3A_480 : i32 to index
      %swap3A_504 = arith.constant 48 : index
      %swap3A_505 = tpu.vector_load %arg8[%swap3A_502, %swap3A_503, %swap3A_504] {strides = array<i32>} : memref<2x128x128xf32, #tpu.memory_space<vmem>>, vector<1x1x16xf32>,
      %swap3A_506 = vector.shape_cast %swap3A_505 : vector<1x1x16xf32> to vector<16xf32>
      %swap3A_507 = vector.shape_cast %broadcast_in_dim3A_1 : vector<16xf32> to vector<1x1x16xf32>
      tpu.vector_store %arg8[%swap3A_502, %swap3A_503, %swap3A_504], %swap3A_507 {strides = array<i32>} : memref<2x128x128xf32, #tpu.memory_space<vmem>>, vector<1x1x16xf32>,
      %swap3A_508 = arith.constant 1 : i32
      %swap3A_509 = arith.index_cast %swap3A_508 : i32 to index
      %swap3A_510 = arith.index_cast %scan3A_480 : i32 to index
      %swap3A_511 = arith.constant 64 : index
      %swap3A_512 = tpu.vector_load %arg8[%swap3A_509, %swap3A_510, %swap3A_511] {strides = array<i32>} : memref<2x128x128xf32, #tpu.memory_space<vmem>>, vector<1x1x16xf32>,
      %swap3A_513 = vector.shape_cast %swap3A_512 : vector<1x1x16xf32> to vector<16xf32>
      %swap3A_514 = vector.shape_cast %broadcast_in_dim3A_1 : vector<16xf32> to vector<1x1x16xf32>
      tpu.vector_store %arg8[%swap3A_509, %swap3A_510, %swap3A_511], %swap3A_514 {strides = array<i32>} : memref<2x128x128xf32, #tpu.memory_space<vmem>>, vector<1x1x16xf32>,
      %swap3A_515 = arith.constant 1 : i32
      %swap3A_516 = arith.index_cast %swap3A_515 : i32 to index
      %swap3A_517 = arith.index_cast %scan3A_480 : i32 to index
      %swap3A_518 = arith.constant 80 : index
      %swap3A_519 = tpu.vector_load %arg8[%swap3A_516, %swap3A_517, %swap3A_518] {strides = array<i32>} : memref<2x128x128xf32, #tpu.memory_space<vmem>>, vector<1x1x16xf32>,
      %swap3A_520 = vector.shape_cast %swap3A_519 : vector<1x1x16xf32> to vector<16xf32>
      %swap3A_521 = vector.shape_cast %broadcast_in_dim3A_1 : vector<16xf32> to vector<1x1x16xf32>
      tpu.vector_store %arg8[%swap3A_516, %swap3A_517, %swap3A_518], %swap3A_521 {strides = array<i32>} : memref<2x128x128xf32, #tpu.memory_space<vmem>>, vector<1x1x16xf32>,
      %swap3A_522 = arith.constant 1 : i32
      %swap3A_523 = arith.index_cast %swap3A_522 : i32 to index
      %swap3A_524 = arith.index_cast %scan3A_480 : i32 to index
      %swap3A_525 = arith.constant 96 : index
      %swap3A_526 = tpu.vector_load %arg8[%swap3A_523, %swap3A_524, %swap3A_525] {strides = array<i32>} : memref<2x128x128xf32, #tpu.memory_space<vmem>>, vector<1x1x16xf32>,
      %swap3A_527 = vector.shape_cast %swap3A_526 : vector<1x1x16xf32> to vector<16xf32>
      %swap3A_528 = vector.shape_cast %broadcast_in_dim3A_1 : vector<16xf32> to vector<1x1x16xf32>
      tpu.vector_store %arg8[%swap3A_523, %swap3A_524, %swap3A_525], %swap3A_528 {strides = array<i32>} : memref<2x128x128xf32, #tpu.memory_space<vmem>>, vector<1x1x16xf32>,
      %swap3A_529 = arith.constant 1 : i32
      %swap3A_530 = arith.index_cast %swap3A_529 : i32 to index
      %swap3A_531 = arith.index_cast %scan3A_480 : i32 to index
      %swap3A_532 = arith.constant 112 : index
      %swap3A_533 = tpu.vector_load %arg8[%swap3A_530, %swap3A_531, %swap3A_532] {strides = array<i32>} : memref<2x128x128xf32, #tpu.memory_space<vmem>>, vector<1x1x16xf32>,
      %swap3A_534 = vector.shape_cast %swap3A_533 : vector<1x1x16xf32> to vector<16xf32>
      %swap3A_535 = vector.shape_cast %broadcast_in_dim3A_1 : vector<16xf32> to vector<1x1x16xf32>
      tpu.vector_store %arg8[%swap3A_530, %swap3A_531, %swap3A_532], %swap3A_535 {strides = array<i32>} : memref<2x128x128xf32, #tpu.memory_space<vmem>>, vector<1x1x16xf32>,
    }
    %scan3A_323 = arith.constant 128 : i32
    %scan3A_324 = arith.constant 0 : i32
    %scan3A_325 = arith.constant 1 : i32
    %scan3A_326 = arith.constant 1 : i32
    %scan3A_327 = arith.constant 0 : i32
    %scan3A_328 = arith.constant 50 : i32
    %scan3A_329 = arith.addi %scan3A_327, %scan3A_328 : i32
    %scan3A_330 = arith.constant 1 : i32
    scf.for %scan3A_480 = %scan3A_327 to %scan3A_329 step %scan3A_330  : i32 {
      %dma_start3A = arith.constant 0 : i32
      %dma_start3A_481 = arith.constant 0 : i32
      %dma_start3A_482 = tpu.memref_slice %arg8[%scan3A_326, %dma_start3A, %dma_start3A_481] : memref<2x128x128xf32, #tpu.memory_space<vmem>> -> memref<1x128x128xf32, #tpu.memory_space<vmem>>
      %dma_start3A_483 = tpu.memref_squeeze %dma_start3A_482 : memref<1x128x128xf32, #tpu.memory_space<vmem>> -> memref<128x128xf32, #tpu.memory_space<vmem>>
      %dma_start3A_484 = arith.constant 0 : i32
      %dma_start3A_485 = arith.constant 0 : i32
      %dma_start3A_486 = tpu.memref_slice %arg7[%scan3A_325, %dma_start3A_484, %dma_start3A_485] : memref<2x50x128xi32, #tpu.memory_space<vmem>> -> memref<1x50x128xi32, #tpu.memory_space<vmem>>
      %dma_start3A_487 = tpu.memref_squeeze %dma_start3A_486 : memref<1x50x128xi32, #tpu.memory_space<vmem>> -> memref<50x128xi32, #tpu.memory_space<vmem>>
      %dma_start3A_488 = arith.constant 0 : i32
      %dma_start3A_489 = tpu.memref_slice %dma_start3A_487[%scan3A_480, %dma_start3A_488] : memref<50x128xi32, #tpu.memory_space<vmem>> -> memref<1x128xi32, #tpu.memory_space<vmem>>
      %dma_start3A_490 = tpu.memref_squeeze %dma_start3A_489 : memref<1x128xi32, #tpu.memory_space<vmem>> -> memref<128xi32, #tpu.memory_space<vmem>>
      %dma_start3A_491 = arith.constant 0 : i32
      %dma_start3A_492 = arith.constant 0 : i32
      %dma_start3A_493 = tpu.memref_slice %arg5[%dma_start3A_491, %dma_start3A_492] : memref<100000x128xf32, #tpu.memory_space<hbm>> -> memref<100000x128xf32, #tpu.memory_space<hbm>>
      tpu.enqueue_indirect_dma source(%dma_start3A_493 : memref<100000x128xf32, #tpu.memory_space<hbm>>) target(%dma_start3A_483 : memref<128x128xf32, #tpu.memory_space<vmem>>) offsets(%dma_start3A_490 : memref<128xi32, #tpu.memory_space<vmem>>) semaphore(%arg10 : memref<!tpu.dma_semaphore, #tpu.memory_space<semaphore_mem>>) {add = true}
    }
    %scan3A_331 = arith.constant 50 : i32
    %scan3A_332 = arith.constant 0 : i32
    %scan3A_333 = arith.constant 0 : i32
    %scan3A_334 = arith.constant 0 : i32
    %scan3A_335 = arith.constant 0 : i32
    %scan3A_336 = arith.constant 50 : i32
    %scan3A_337 = arith.addi %scan3A_335, %scan3A_336 : i32
    %scan3A_338 = arith.constant 1 : i32
    scf.for %scan3A_480 = %scan3A_335 to %scan3A_337 step %scan3A_338  : i32 {
      %dma_wait3A = arith.constant 0 : i32
      %dma_wait3A_481 = arith.constant 0 : i32
      %dma_wait3A_482 = arith.constant 0 : i32
      %dma_wait3A_483 = tpu.memref_slice %arg8[%scan3A_334, %dma_wait3A_481, %dma_wait3A_482] : memref<2x128x128xf32, #tpu.memory_space<vmem>> -> memref<1x128x128xf32, #tpu.memory_space<vmem>>
      %dma_wait3A_484 = tpu.memref_squeeze %dma_wait3A_483 : memref<1x128x128xf32, #tpu.memory_space<vmem>> -> memref<128x128xf32, #tpu.memory_space<vmem>>
      %dma_wait3A_485 = arith.constant 0 : i32
      %dma_wait3A_486 = arith.constant 0 : i32
      %dma_wait3A_487 = tpu.memref_slice %arg7[%scan3A_333, %dma_wait3A_485, %dma_wait3A_486] : memref<2x50x128xi32, #tpu.memory_space<vmem>> -> memref<1x50x128xi32, #tpu.memory_space<vmem>>
      %dma_wait3A_488 = tpu.memref_squeeze %dma_wait3A_487 : memref<1x50x128xi32, #tpu.memory_space<vmem>> -> memref<50x128xi32, #tpu.memory_space<vmem>>
      %dma_wait3A_489 = arith.constant 0 : i32
      %dma_wait3A_490 = tpu.memref_slice %dma_wait3A_488[%dma_wait3A, %dma_wait3A_489] : memref<50x128xi32, #tpu.memory_space<vmem>> -> memref<1x128xi32, #tpu.memory_space<vmem>>
      %dma_wait3A_491 = tpu.memref_squeeze %dma_wait3A_490 : memref<1x128xi32, #tpu.memory_space<vmem>> -> memref<128xi32, #tpu.memory_space<vmem>>
      %dma_wait3A_492 = arith.constant 0 : i32
      %dma_wait3A_493 = arith.constant 0 : i32
      %dma_wait3A_494 = tpu.memref_slice %arg5[%dma_wait3A_492, %dma_wait3A_493] : memref<100000x128xf32, #tpu.memory_space<hbm>> -> memref<100000x128xf32, #tpu.memory_space<hbm>>
      tpu.wait_indirect_dma semaphore(%arg9 : memref<!tpu.dma_semaphore, #tpu.memory_space<semaphore_mem>>) src(%dma_wait3A_494 : memref<100000x128xf32, #tpu.memory_space<hbm>>) dst(%dma_wait3A_484 : memref<128x128xf32, #tpu.memory_space<vmem>>)
    }
    %scan3A_339 = arith.constant 50 : i32
    %mul3A_340 = arith.constant 512 : i32
    %mul3A_341 = arith.muli %add3A, %mul3A_340 : i32
    %add3A_342 = arith.constant 256 : i32
    %add3A_343 = arith.addi %mul3A_341, %add3A_342 : i32
    %run_scoped3A_344 = arith.constant 0 : i32
    %run_scoped3A_345 = arith.constant 2 : i32
    "tpu.region"() ({
      %run_scoped3A_480 = tpu.sem_alloc : memref<!tpu.dma_semaphore, #tpu.memory_space<semaphore_mem>>
      %dma_start3A = arith.constant 0 : i32
      %dma_start3A_481 = arith.constant 0 : i32
      %dma_start3A_482 = tpu.memref_slice %arg8[%run_scoped3A_344, %dma_start3A, %dma_start3A_481] : memref<2x128x128xf32, #tpu.memory_space<vmem>> -> memref<1x128x128xf32, #tpu.memory_space<vmem>>
      %dma_start3A_483 = tpu.memref_squeeze %dma_start3A_482 : memref<1x128x128xf32, #tpu.memory_space<vmem>> -> memref<128x128xf32, #tpu.memory_space<vmem>>
      %dma_start3A_484 = arith.constant 0 : i32
      %dma_start3A_485 = tpu.memref_slice %arg6[%run_scoped3A_345, %add3A_343, %dma_start3A_484] : memref<4x16384x128xf32, #tpu.memory_space<hbm>> -> memref<1x128x128xf32, #tpu.memory_space<hbm>>
      %dma_start3A_486 = tpu.memref_squeeze %dma_start3A_485 : memref<1x128x128xf32, #tpu.memory_space<hbm>> -> memref<128x128xf32, #tpu.memory_space<hbm>>
      %dma_start3A_487 = arith.constant 0 : i32
      %dma_start3A_488 = tpu.memref_slice %arg6[%run_scoped3A_345, %add3A_343, %dma_start3A_487] : memref<4x16384x128xf32, #tpu.memory_space<hbm>> -> memref<1x128x128xf32, #tpu.memory_space<hbm>>
      %dma_start3A_489 = tpu.memref_squeeze %dma_start3A_488 : memref<1x128x128xf32, #tpu.memory_space<hbm>> -> memref<128x128xf32, #tpu.memory_space<hbm>>
      %dma_start3A_490 = arith.constant 0 : i32
      %dma_start3A_491 = arith.constant 0 : i32
      %dma_start3A_492 = tpu.memref_slice %arg8[%run_scoped3A_344, %dma_start3A_490, %dma_start3A_491] : memref<2x128x128xf32, #tpu.memory_space<vmem>> -> memref<1x128x128xf32, #tpu.memory_space<vmem>>
      %dma_start3A_493 = tpu.memref_squeeze %dma_start3A_492 : memref<1x128x128xf32, #tpu.memory_space<vmem>> -> memref<128x128xf32, #tpu.memory_space<vmem>>
      tpu.enqueue_dma source(%dma_start3A_493 : memref<128x128xf32, #tpu.memory_space<vmem>>) target(%dma_start3A_489 : memref<128x128xf32, #tpu.memory_space<hbm>>) target_semaphore(%run_scoped3A_480 : memref<!tpu.dma_semaphore, #tpu.memory_space<semaphore_mem>>)
      %dma_wait3A = arith.constant 0 : i32
      %dma_wait3A_494 = arith.constant 0 : i32
      %dma_wait3A_495 = tpu.memref_slice %arg8[%run_scoped3A_344, %dma_wait3A, %dma_wait3A_494] : memref<2x128x128xf32, #tpu.memory_space<vmem>> -> memref<1x128x128xf32, #tpu.memory_space<vmem>>
      %dma_wait3A_496 = tpu.memref_squeeze %dma_wait3A_495 : memref<1x128x128xf32, #tpu.memory_space<vmem>> -> memref<128x128xf32, #tpu.memory_space<vmem>>
      %dma_wait3A_497 = arith.constant 0 : i32
      %dma_wait3A_498 = tpu.memref_slice %arg6[%run_scoped3A_345, %add3A_343, %dma_wait3A_497] : memref<4x16384x128xf32, #tpu.memory_space<hbm>> -> memref<1x128x128xf32, #tpu.memory_space<hbm>>
      %dma_wait3A_499 = tpu.memref_squeeze %dma_wait3A_498 : memref<1x128x128xf32, #tpu.memory_space<hbm>> -> memref<128x128xf32, #tpu.memory_space<hbm>>
      %dma_wait3A_500 = arith.constant 0 : i32
      %dma_wait3A_501 = tpu.memref_slice %arg6[%run_scoped3A_345, %add3A_343, %dma_wait3A_500] : memref<4x16384x128xf32, #tpu.memory_space<hbm>> -> memref<1x128x128xf32, #tpu.memory_space<hbm>>
      %dma_wait3A_502 = tpu.memref_squeeze %dma_wait3A_501 : memref<1x128x128xf32, #tpu.memory_space<hbm>> -> memref<128x128xf32, #tpu.memory_space<hbm>>
      %dma_wait3A_503 = arith.constant 0 : i32
      %dma_wait3A_504 = arith.constant 0 : i32
      %dma_wait3A_505 = tpu.memref_slice %arg8[%run_scoped3A_344, %dma_wait3A_503, %dma_wait3A_504] : memref<2x128x128xf32, #tpu.memory_space<vmem>> -> memref<1x128x128xf32, #tpu.memory_space<vmem>>
      %dma_wait3A_506 = tpu.memref_squeeze %dma_wait3A_505 : memref<1x128x128xf32, #tpu.memory_space<vmem>> -> memref<128x128xf32, #tpu.memory_space<vmem>>
      tpu.wait_dma2 semaphore(%run_scoped3A_480 : memref<!tpu.dma_semaphore, #tpu.memory_space<semaphore_mem>>) src(%dma_wait3A_506 : memref<128x128xf32, #tpu.memory_space<vmem>>) dst(%dma_wait3A_502 : memref<128x128xf32, #tpu.memory_space<hbm>>)
      tpu.yield
    }) : () -> ()
    %run_scoped3A_346 = arith.constant 4 : i32
    %run_scoped3A_347 = arith.constant 0 : i32
    "tpu.region"() ({
      %run_scoped3A_480 = tpu.sem_alloc : memref<!tpu.dma_semaphore, #tpu.memory_space<semaphore_mem>>
      %dma_start3A = arith.constant 0 : i32
      %dma_start3A_481 = arith.constant 0 : i32
      %dma_start3A_482 = tpu.memref_slice %arg7[%run_scoped3A_347, %dma_start3A, %dma_start3A_481] : memref<2x50x128xi32, #tpu.memory_space<vmem>> -> memref<1x50x128xi32, #tpu.memory_space<vmem>>
      %dma_start3A_483 = tpu.memref_squeeze %dma_start3A_482 : memref<1x50x128xi32, #tpu.memory_space<vmem>> -> memref<50x128xi32, #tpu.memory_space<vmem>>
      %dma_start3A_484 = arith.constant 0 : i32
      %dma_start3A_485 = arith.constant 0 : i32
      %dma_start3A_486 = tpu.memref_slice %arg3[%add3A, %run_scoped3A_346, %dma_start3A_484, %dma_start3A_485] : memref<32x8x50x128xi32, #tpu.memory_space<hbm>> -> memref<1x1x50x128xi32, #tpu.memory_space<hbm>>
      %dma_start3A_487 = tpu.memref_squeeze %dma_start3A_486 : memref<1x1x50x128xi32, #tpu.memory_space<hbm>> -> memref<50x128xi32, #tpu.memory_space<hbm>>
      %dma_start3A_488 = arith.constant 0 : i32
      %dma_start3A_489 = arith.constant 0 : i32
      %dma_start3A_490 = tpu.memref_slice %arg7[%run_scoped3A_347, %dma_start3A_488, %dma_start3A_489] : memref<2x50x128xi32, #tpu.memory_space<vmem>> -> memref<1x50x128xi32, #tpu.memory_space<vmem>>
      %dma_start3A_491 = tpu.memref_squeeze %dma_start3A_490 : memref<1x50x128xi32, #tpu.memory_space<vmem>> -> memref<50x128xi32, #tpu.memory_space<vmem>>
      %dma_start3A_492 = arith.constant 0 : i32
      %dma_start3A_493 = arith.constant 0 : i32
      %dma_start3A_494 = tpu.memref_slice %arg3[%add3A, %run_scoped3A_346, %dma_start3A_492, %dma_start3A_493] : memref<32x8x50x128xi32, #tpu.memory_space<hbm>> -> memref<1x1x50x128xi32, #tpu.memory_space<hbm>>
      %dma_start3A_495 = tpu.memref_squeeze %dma_start3A_494 : memref<1x1x50x128xi32, #tpu.memory_space<hbm>> -> memref<50x128xi32, #tpu.memory_space<hbm>>
      tpu.enqueue_dma source(%dma_start3A_495 : memref<50x128xi32, #tpu.memory_space<hbm>>) target(%dma_start3A_491 : memref<50x128xi32, #tpu.memory_space<vmem>>) target_semaphore(%run_scoped3A_480 : memref<!tpu.dma_semaphore, #tpu.memory_space<semaphore_mem>>)
      %dma_wait3A = arith.constant 0 : i32
      %dma_wait3A_496 = arith.constant 0 : i32
      %dma_wait3A_497 = tpu.memref_slice %arg7[%run_scoped3A_347, %dma_wait3A, %dma_wait3A_496] : memref<2x50x128xi32, #tpu.memory_space<vmem>> -> memref<1x50x128xi32, #tpu.memory_space<vmem>>
      %dma_wait3A_498 = tpu.memref_squeeze %dma_wait3A_497 : memref<1x50x128xi32, #tpu.memory_space<vmem>> -> memref<50x128xi32, #tpu.memory_space<vmem>>
      %dma_wait3A_499 = arith.constant 0 : i32
      %dma_wait3A_500 = arith.constant 0 : i32
      %dma_wait3A_501 = tpu.memref_slice %arg3[%add3A, %run_scoped3A_346, %dma_wait3A_499, %dma_wait3A_500] : memref<32x8x50x128xi32, #tpu.memory_space<hbm>> -> memref<1x1x50x128xi32, #tpu.memory_space<hbm>>
      %dma_wait3A_502 = tpu.memref_squeeze %dma_wait3A_501 : memref<1x1x50x128xi32, #tpu.memory_space<hbm>> -> memref<50x128xi32, #tpu.memory_space<hbm>>
      %dma_wait3A_503 = arith.constant 0 : i32
      %dma_wait3A_504 = arith.constant 0 : i32
      %dma_wait3A_505 = tpu.memref_slice %arg7[%run_scoped3A_347, %dma_wait3A_503, %dma_wait3A_504] : memref<2x50x128xi32, #tpu.memory_space<vmem>> -> memref<1x50x128xi32, #tpu.memory_space<vmem>>
      %dma_wait3A_506 = tpu.memref_squeeze %dma_wait3A_505 : memref<1x50x128xi32, #tpu.memory_space<vmem>> -> memref<50x128xi32, #tpu.memory_space<vmem>>
      %dma_wait3A_507 = arith.constant 0 : i32
      %dma_wait3A_508 = arith.constant 0 : i32
      %dma_wait3A_509 = tpu.memref_slice %arg3[%add3A, %run_scoped3A_346, %dma_wait3A_507, %dma_wait3A_508] : memref<32x8x50x128xi32, #tpu.memory_space<hbm>> -> memref<1x1x50x128xi32, #tpu.memory_space<hbm>>
      %dma_wait3A_510 = tpu.memref_squeeze %dma_wait3A_509 : memref<1x1x50x128xi32, #tpu.memory_space<hbm>> -> memref<50x128xi32, #tpu.memory_space<hbm>>
      tpu.wait_dma2 semaphore(%run_scoped3A_480 : memref<!tpu.dma_semaphore, #tpu.memory_space<semaphore_mem>>) src(%dma_wait3A_510 : memref<50x128xi32, #tpu.memory_space<hbm>>) dst(%dma_wait3A_506 : memref<50x128xi32, #tpu.memory_space<vmem>>)
      tpu.yield
    }) : () -> ()
    %scan3A_348 = arith.constant 0 : i32
    %scan3A_349 = arith.constant 0 : i32
    %scan3A_350 = arith.constant 128 : i32
    %scan3A_351 = arith.addi %scan3A_349, %scan3A_350 : i32
    %scan3A_352 = arith.constant 1 : i32
    scf.for %scan3A_480 = %scan3A_349 to %scan3A_351 step %scan3A_352  : i32 {
      %swap3A = arith.constant 0 : i32
      %swap3A_481 = arith.index_cast %swap3A : i32 to index
      %swap3A_482 = arith.index_cast %scan3A_480 : i32 to index
      %swap3A_483 = arith.constant 0 : index
      %swap3A_484 = tpu.vector_load %arg8[%swap3A_481, %swap3A_482, %swap3A_483] {strides = array<i32>} : memref<2x128x128xf32, #tpu.memory_space<vmem>>, vector<1x1x16xf32>,
      %swap3A_485 = vector.shape_cast %swap3A_484 : vector<1x1x16xf32> to vector<16xf32>
      %swap3A_486 = vector.shape_cast %broadcast_in_dim3A_1 : vector<16xf32> to vector<1x1x16xf32>
      tpu.vector_store %arg8[%swap3A_481, %swap3A_482, %swap3A_483], %swap3A_486 {strides = array<i32>} : memref<2x128x128xf32, #tpu.memory_space<vmem>>, vector<1x1x16xf32>,
      %swap3A_487 = arith.constant 0 : i32
      %swap3A_488 = arith.index_cast %swap3A_487 : i32 to index
      %swap3A_489 = arith.index_cast %scan3A_480 : i32 to index
      %swap3A_490 = arith.constant 16 : index
      %swap3A_491 = tpu.vector_load %arg8[%swap3A_488, %swap3A_489, %swap3A_490] {strides = array<i32>} : memref<2x128x128xf32, #tpu.memory_space<vmem>>, vector<1x1x16xf32>,
      %swap3A_492 = vector.shape_cast %swap3A_491 : vector<1x1x16xf32> to vector<16xf32>
      %swap3A_493 = vector.shape_cast %broadcast_in_dim3A_1 : vector<16xf32> to vector<1x1x16xf32>
      tpu.vector_store %arg8[%swap3A_488, %swap3A_489, %swap3A_490], %swap3A_493 {strides = array<i32>} : memref<2x128x128xf32, #tpu.memory_space<vmem>>, vector<1x1x16xf32>,
      %swap3A_494 = arith.constant 0 : i32
      %swap3A_495 = arith.index_cast %swap3A_494 : i32 to index
      %swap3A_496 = arith.index_cast %scan3A_480 : i32 to index
      %swap3A_497 = arith.constant 32 : index
      %swap3A_498 = tpu.vector_load %arg8[%swap3A_495, %swap3A_496, %swap3A_497] {strides = array<i32>} : memref<2x128x128xf32, #tpu.memory_space<vmem>>, vector<1x1x16xf32>,
      %swap3A_499 = vector.shape_cast %swap3A_498 : vector<1x1x16xf32> to vector<16xf32>
      %swap3A_500 = vector.shape_cast %broadcast_in_dim3A_1 : vector<16xf32> to vector<1x1x16xf32>
      tpu.vector_store %arg8[%swap3A_495, %swap3A_496, %swap3A_497], %swap3A_500 {strides = array<i32>} : memref<2x128x128xf32, #tpu.memory_space<vmem>>, vector<1x1x16xf32>,
      %swap3A_501 = arith.constant 0 : i32
      %swap3A_502 = arith.index_cast %swap3A_501 : i32 to index
      %swap3A_503 = arith.index_cast %scan3A_480 : i32 to index
      %swap3A_504 = arith.constant 48 : index
      %swap3A_505 = tpu.vector_load %arg8[%swap3A_502, %swap3A_503, %swap3A_504] {strides = array<i32>} : memref<2x128x128xf32, #tpu.memory_space<vmem>>, vector<1x1x16xf32>,
      %swap3A_506 = vector.shape_cast %swap3A_505 : vector<1x1x16xf32> to vector<16xf32>
      %swap3A_507 = vector.shape_cast %broadcast_in_dim3A_1 : vector<16xf32> to vector<1x1x16xf32>
      tpu.vector_store %arg8[%swap3A_502, %swap3A_503, %swap3A_504], %swap3A_507 {strides = array<i32>} : memref<2x128x128xf32, #tpu.memory_space<vmem>>, vector<1x1x16xf32>,
      %swap3A_508 = arith.constant 0 : i32
      %swap3A_509 = arith.index_cast %swap3A_508 : i32 to index
      %swap3A_510 = arith.index_cast %scan3A_480 : i32 to index
      %swap3A_511 = arith.constant 64 : index
      %swap3A_512 = tpu.vector_load %arg8[%swap3A_509, %swap3A_510, %swap3A_511] {strides = array<i32>} : memref<2x128x128xf32, #tpu.memory_space<vmem>>, vector<1x1x16xf32>,
      %swap3A_513 = vector.shape_cast %swap3A_512 : vector<1x1x16xf32> to vector<16xf32>
      %swap3A_514 = vector.shape_cast %broadcast_in_dim3A_1 : vector<16xf32> to vector<1x1x16xf32>
      tpu.vector_store %arg8[%swap3A_509, %swap3A_510, %swap3A_511], %swap3A_514 {strides = array<i32>} : memref<2x128x128xf32, #tpu.memory_space<vmem>>, vector<1x1x16xf32>,
      %swap3A_515 = arith.constant 0 : i32
      %swap3A_516 = arith.index_cast %swap3A_515 : i32 to index
      %swap3A_517 = arith.index_cast %scan3A_480 : i32 to index
      %swap3A_518 = arith.constant 80 : index
      %swap3A_519 = tpu.vector_load %arg8[%swap3A_516, %swap3A_517, %swap3A_518] {strides = array<i32>} : memref<2x128x128xf32, #tpu.memory_space<vmem>>, vector<1x1x16xf32>,
      %swap3A_520 = vector.shape_cast %swap3A_519 : vector<1x1x16xf32> to vector<16xf32>
      %swap3A_521 = vector.shape_cast %broadcast_in_dim3A_1 : vector<16xf32> to vector<1x1x16xf32>
      tpu.vector_store %arg8[%swap3A_516, %swap3A_517, %swap3A_518], %swap3A_521 {strides = array<i32>} : memref<2x128x128xf32, #tpu.memory_space<vmem>>, vector<1x1x16xf32>,
      %swap3A_522 = arith.constant 0 : i32
      %swap3A_523 = arith.index_cast %swap3A_522 : i32 to index
      %swap3A_524 = arith.index_cast %scan3A_480 : i32 to index
      %swap3A_525 = arith.constant 96 : index
      %swap3A_526 = tpu.vector_load %arg8[%swap3A_523, %swap3A_524, %swap3A_525] {strides = array<i32>} : memref<2x128x128xf32, #tpu.memory_space<vmem>>, vector<1x1x16xf32>,
      %swap3A_527 = vector.shape_cast %swap3A_526 : vector<1x1x16xf32> to vector<16xf32>
      %swap3A_528 = vector.shape_cast %broadcast_in_dim3A_1 : vector<16xf32> to vector<1x1x16xf32>
      tpu.vector_store %arg8[%swap3A_523, %swap3A_524, %swap3A_525], %swap3A_528 {strides = array<i32>} : memref<2x128x128xf32, #tpu.memory_space<vmem>>, vector<1x1x16xf32>,
      %swap3A_529 = arith.constant 0 : i32
      %swap3A_530 = arith.index_cast %swap3A_529 : i32 to index
      %swap3A_531 = arith.index_cast %scan3A_480 : i32 to index
      %swap3A_532 = arith.constant 112 : index
      %swap3A_533 = tpu.vector_load %arg8[%swap3A_530, %swap3A_531, %swap3A_532] {strides = array<i32>} : memref<2x128x128xf32, #tpu.memory_space<vmem>>, vector<1x1x16xf32>,
      %swap3A_534 = vector.shape_cast %swap3A_533 : vector<1x1x16xf32> to vector<16xf32>
      %swap3A_535 = vector.shape_cast %broadcast_in_dim3A_1 : vector<16xf32> to vector<1x1x16xf32>
      tpu.vector_store %arg8[%swap3A_530, %swap3A_531, %swap3A_532], %swap3A_535 {strides = array<i32>} : memref<2x128x128xf32, #tpu.memory_space<vmem>>, vector<1x1x16xf32>,
    }
    %scan3A_353 = arith.constant 128 : i32
    %scan3A_354 = arith.constant 0 : i32
    %scan3A_355 = arith.constant 0 : i32
    %scan3A_356 = arith.constant 0 : i32
    %scan3A_357 = arith.constant 0 : i32
    %scan3A_358 = arith.constant 50 : i32
    %scan3A_359 = arith.addi %scan3A_357, %scan3A_358 : i32
    %scan3A_360 = arith.constant 1 : i32
    scf.for %scan3A_480 = %scan3A_357 to %scan3A_359 step %scan3A_360  : i32 {
      %dma_start3A = arith.constant 0 : i32
      %dma_start3A_481 = arith.constant 0 : i32
      %dma_start3A_482 = tpu.memref_slice %arg8[%scan3A_356, %dma_start3A, %dma_start3A_481] : memref<2x128x128xf32, #tpu.memory_space<vmem>> -> memref<1x128x128xf32, #tpu.memory_space<vmem>>
      %dma_start3A_483 = tpu.memref_squeeze %dma_start3A_482 : memref<1x128x128xf32, #tpu.memory_space<vmem>> -> memref<128x128xf32, #tpu.memory_space<vmem>>
      %dma_start3A_484 = arith.constant 0 : i32
      %dma_start3A_485 = arith.constant 0 : i32
      %dma_start3A_486 = tpu.memref_slice %arg7[%scan3A_355, %dma_start3A_484, %dma_start3A_485] : memref<2x50x128xi32, #tpu.memory_space<vmem>> -> memref<1x50x128xi32, #tpu.memory_space<vmem>>
      %dma_start3A_487 = tpu.memref_squeeze %dma_start3A_486 : memref<1x50x128xi32, #tpu.memory_space<vmem>> -> memref<50x128xi32, #tpu.memory_space<vmem>>
      %dma_start3A_488 = arith.constant 0 : i32
      %dma_start3A_489 = tpu.memref_slice %dma_start3A_487[%scan3A_480, %dma_start3A_488] : memref<50x128xi32, #tpu.memory_space<vmem>> -> memref<1x128xi32, #tpu.memory_space<vmem>>
      %dma_start3A_490 = tpu.memref_squeeze %dma_start3A_489 : memref<1x128xi32, #tpu.memory_space<vmem>> -> memref<128xi32, #tpu.memory_space<vmem>>
      %dma_start3A_491 = arith.constant 0 : i32
      %dma_start3A_492 = arith.constant 0 : i32
      %dma_start3A_493 = tpu.memref_slice %arg5[%dma_start3A_491, %dma_start3A_492] : memref<100000x128xf32, #tpu.memory_space<hbm>> -> memref<100000x128xf32, #tpu.memory_space<hbm>>
      tpu.enqueue_indirect_dma source(%dma_start3A_493 : memref<100000x128xf32, #tpu.memory_space<hbm>>) target(%dma_start3A_483 : memref<128x128xf32, #tpu.memory_space<vmem>>) offsets(%dma_start3A_490 : memref<128xi32, #tpu.memory_space<vmem>>) semaphore(%arg9 : memref<!tpu.dma_semaphore, #tpu.memory_space<semaphore_mem>>) {add = true}
    }
    %scan3A_361 = arith.constant 50 : i32
    %scan3A_362 = arith.constant 0 : i32
    %scan3A_363 = arith.constant 1 : i32
    %scan3A_364 = arith.constant 1 : i32
    %scan3A_365 = arith.constant 0 : i32
    %scan3A_366 = arith.constant 50 : i32
    %scan3A_367 = arith.addi %scan3A_365, %scan3A_366 : i32
    %scan3A_368 = arith.constant 1 : i32
    scf.for %scan3A_480 = %scan3A_365 to %scan3A_367 step %scan3A_368  : i32 {
      %dma_wait3A = arith.constant 0 : i32
      %dma_wait3A_481 = arith.constant 0 : i32
      %dma_wait3A_482 = arith.constant 0 : i32
      %dma_wait3A_483 = tpu.memref_slice %arg8[%scan3A_364, %dma_wait3A_481, %dma_wait3A_482] : memref<2x128x128xf32, #tpu.memory_space<vmem>> -> memref<1x128x128xf32, #tpu.memory_space<vmem>>
      %dma_wait3A_484 = tpu.memref_squeeze %dma_wait3A_483 : memref<1x128x128xf32, #tpu.memory_space<vmem>> -> memref<128x128xf32, #tpu.memory_space<vmem>>
      %dma_wait3A_485 = arith.constant 0 : i32
      %dma_wait3A_486 = arith.constant 0 : i32
      %dma_wait3A_487 = tpu.memref_slice %arg7[%scan3A_363, %dma_wait3A_485, %dma_wait3A_486] : memref<2x50x128xi32, #tpu.memory_space<vmem>> -> memref<1x50x128xi32, #tpu.memory_space<vmem>>
      %dma_wait3A_488 = tpu.memref_squeeze %dma_wait3A_487 : memref<1x50x128xi32, #tpu.memory_space<vmem>> -> memref<50x128xi32, #tpu.memory_space<vmem>>
      %dma_wait3A_489 = arith.constant 0 : i32
      %dma_wait3A_490 = tpu.memref_slice %dma_wait3A_488[%dma_wait3A, %dma_wait3A_489] : memref<50x128xi32, #tpu.memory_space<vmem>> -> memref<1x128xi32, #tpu.memory_space<vmem>>
      %dma_wait3A_491 = tpu.memref_squeeze %dma_wait3A_490 : memref<1x128xi32, #tpu.memory_space<vmem>> -> memref<128xi32, #tpu.memory_space<vmem>>
      %dma_wait3A_492 = arith.constant 0 : i32
      %dma_wait3A_493 = arith.constant 0 : i32
      %dma_wait3A_494 = tpu.memref_slice %arg5[%dma_wait3A_492, %dma_wait3A_493] : memref<100000x128xf32, #tpu.memory_space<hbm>> -> memref<100000x128xf32, #tpu.memory_space<hbm>>
      tpu.wait_indirect_dma semaphore(%arg10 : memref<!tpu.dma_semaphore, #tpu.memory_space<semaphore_mem>>) src(%dma_wait3A_494 : memref<100000x128xf32, #tpu.memory_space<hbm>>) dst(%dma_wait3A_484 : memref<128x128xf32, #tpu.memory_space<vmem>>)
    }
    %scan3A_369 = arith.constant 50 : i32
    %mul3A_370 = arith.constant 512 : i32
    %mul3A_371 = arith.muli %add3A, %mul3A_370 : i32
    %add3A_372 = arith.constant 384 : i32
    %add3A_373 = arith.addi %mul3A_371, %add3A_372 : i32
    %run_scoped3A_374 = arith.constant 1 : i32
    %run_scoped3A_375 = arith.constant 2 : i32
    "tpu.region"() ({
      %run_scoped3A_480 = tpu.sem_alloc : memref<!tpu.dma_semaphore, #tpu.memory_space<semaphore_mem>>
      %dma_start3A = arith.constant 0 : i32
      %dma_start3A_481 = arith.constant 0 : i32
      %dma_start3A_482 = tpu.memref_slice %arg8[%run_scoped3A_374, %dma_start3A, %dma_start3A_481] : memref<2x128x128xf32, #tpu.memory_space<vmem>> -> memref<1x128x128xf32, #tpu.memory_space<vmem>>
      %dma_start3A_483 = tpu.memref_squeeze %dma_start3A_482 : memref<1x128x128xf32, #tpu.memory_space<vmem>> -> memref<128x128xf32, #tpu.memory_space<vmem>>
      %dma_start3A_484 = arith.constant 0 : i32
      %dma_start3A_485 = tpu.memref_slice %arg6[%run_scoped3A_375, %add3A_373, %dma_start3A_484] : memref<4x16384x128xf32, #tpu.memory_space<hbm>> -> memref<1x128x128xf32, #tpu.memory_space<hbm>>
      %dma_start3A_486 = tpu.memref_squeeze %dma_start3A_485 : memref<1x128x128xf32, #tpu.memory_space<hbm>> -> memref<128x128xf32, #tpu.memory_space<hbm>>
      %dma_start3A_487 = arith.constant 0 : i32
      %dma_start3A_488 = tpu.memref_slice %arg6[%run_scoped3A_375, %add3A_373, %dma_start3A_487] : memref<4x16384x128xf32, #tpu.memory_space<hbm>> -> memref<1x128x128xf32, #tpu.memory_space<hbm>>
      %dma_start3A_489 = tpu.memref_squeeze %dma_start3A_488 : memref<1x128x128xf32, #tpu.memory_space<hbm>> -> memref<128x128xf32, #tpu.memory_space<hbm>>
      %dma_start3A_490 = arith.constant 0 : i32
      %dma_start3A_491 = arith.constant 0 : i32
      %dma_start3A_492 = tpu.memref_slice %arg8[%run_scoped3A_374, %dma_start3A_490, %dma_start3A_491] : memref<2x128x128xf32, #tpu.memory_space<vmem>> -> memref<1x128x128xf32, #tpu.memory_space<vmem>>
      %dma_start3A_493 = tpu.memref_squeeze %dma_start3A_492 : memref<1x128x128xf32, #tpu.memory_space<vmem>> -> memref<128x128xf32, #tpu.memory_space<vmem>>
      tpu.enqueue_dma source(%dma_start3A_493 : memref<128x128xf32, #tpu.memory_space<vmem>>) target(%dma_start3A_489 : memref<128x128xf32, #tpu.memory_space<hbm>>) target_semaphore(%run_scoped3A_480 : memref<!tpu.dma_semaphore, #tpu.memory_space<semaphore_mem>>)
      %dma_wait3A = arith.constant 0 : i32
      %dma_wait3A_494 = arith.constant 0 : i32
      %dma_wait3A_495 = tpu.memref_slice %arg8[%run_scoped3A_374, %dma_wait3A, %dma_wait3A_494] : memref<2x128x128xf32, #tpu.memory_space<vmem>> -> memref<1x128x128xf32, #tpu.memory_space<vmem>>
      %dma_wait3A_496 = tpu.memref_squeeze %dma_wait3A_495 : memref<1x128x128xf32, #tpu.memory_space<vmem>> -> memref<128x128xf32, #tpu.memory_space<vmem>>
      %dma_wait3A_497 = arith.constant 0 : i32
      %dma_wait3A_498 = tpu.memref_slice %arg6[%run_scoped3A_375, %add3A_373, %dma_wait3A_497] : memref<4x16384x128xf32, #tpu.memory_space<hbm>> -> memref<1x128x128xf32, #tpu.memory_space<hbm>>
      %dma_wait3A_499 = tpu.memref_squeeze %dma_wait3A_498 : memref<1x128x128xf32, #tpu.memory_space<hbm>> -> memref<128x128xf32, #tpu.memory_space<hbm>>
      %dma_wait3A_500 = arith.constant 0 : i32
      %dma_wait3A_501 = tpu.memref_slice %arg6[%run_scoped3A_375, %add3A_373, %dma_wait3A_500] : memref<4x16384x128xf32, #tpu.memory_space<hbm>> -> memref<1x128x128xf32, #tpu.memory_space<hbm>>
      %dma_wait3A_502 = tpu.memref_squeeze %dma_wait3A_501 : memref<1x128x128xf32, #tpu.memory_space<hbm>> -> memref<128x128xf32, #tpu.memory_space<hbm>>
      %dma_wait3A_503 = arith.constant 0 : i32
      %dma_wait3A_504 = arith.constant 0 : i32
      %dma_wait3A_505 = tpu.memref_slice %arg8[%run_scoped3A_374, %dma_wait3A_503, %dma_wait3A_504] : memref<2x128x128xf32, #tpu.memory_space<vmem>> -> memref<1x128x128xf32, #tpu.memory_space<vmem>>
      %dma_wait3A_506 = tpu.memref_squeeze %dma_wait3A_505 : memref<1x128x128xf32, #tpu.memory_space<vmem>> -> memref<128x128xf32, #tpu.memory_space<vmem>>
      tpu.wait_dma2 semaphore(%run_scoped3A_480 : memref<!tpu.dma_semaphore, #tpu.memory_space<semaphore_mem>>) src(%dma_wait3A_506 : memref<128x128xf32, #tpu.memory_space<vmem>>) dst(%dma_wait3A_502 : memref<128x128xf32, #tpu.memory_space<hbm>>)
      tpu.yield
    }) : () -> ()
    %run_scoped3A_376 = arith.constant 5 : i32
    %run_scoped3A_377 = arith.constant 1 : i32
    "tpu.region"() ({
      %run_scoped3A_480 = tpu.sem_alloc : memref<!tpu.dma_semaphore, #tpu.memory_space<semaphore_mem>>
      %dma_start3A = arith.constant 0 : i32
      %dma_start3A_481 = arith.constant 0 : i32
      %dma_start3A_482 = tpu.memref_slice %arg7[%run_scoped3A_377, %dma_start3A, %dma_start3A_481] : memref<2x50x128xi32, #tpu.memory_space<vmem>> -> memref<1x50x128xi32, #tpu.memory_space<vmem>>
      %dma_start3A_483 = tpu.memref_squeeze %dma_start3A_482 : memref<1x50x128xi32, #tpu.memory_space<vmem>> -> memref<50x128xi32, #tpu.memory_space<vmem>>
      %dma_start3A_484 = arith.constant 0 : i32
      %dma_start3A_485 = arith.constant 0 : i32
      %dma_start3A_486 = tpu.memref_slice %arg3[%add3A, %run_scoped3A_376, %dma_start3A_484, %dma_start3A_485] : memref<32x8x50x128xi32, #tpu.memory_space<hbm>> -> memref<1x1x50x128xi32, #tpu.memory_space<hbm>>
      %dma_start3A_487 = tpu.memref_squeeze %dma_start3A_486 : memref<1x1x50x128xi32, #tpu.memory_space<hbm>> -> memref<50x128xi32, #tpu.memory_space<hbm>>
      %dma_start3A_488 = arith.constant 0 : i32
      %dma_start3A_489 = arith.constant 0 : i32
      %dma_start3A_490 = tpu.memref_slice %arg7[%run_scoped3A_377, %dma_start3A_488, %dma_start3A_489] : memref<2x50x128xi32, #tpu.memory_space<vmem>> -> memref<1x50x128xi32, #tpu.memory_space<vmem>>
      %dma_start3A_491 = tpu.memref_squeeze %dma_start3A_490 : memref<1x50x128xi32, #tpu.memory_space<vmem>> -> memref<50x128xi32, #tpu.memory_space<vmem>>
      %dma_start3A_492 = arith.constant 0 : i32
      %dma_start3A_493 = arith.constant 0 : i32
      %dma_start3A_494 = tpu.memref_slice %arg3[%add3A, %run_scoped3A_376, %dma_start3A_492, %dma_start3A_493] : memref<32x8x50x128xi32, #tpu.memory_space<hbm>> -> memref<1x1x50x128xi32, #tpu.memory_space<hbm>>
      %dma_start3A_495 = tpu.memref_squeeze %dma_start3A_494 : memref<1x1x50x128xi32, #tpu.memory_space<hbm>> -> memref<50x128xi32, #tpu.memory_space<hbm>>
      tpu.enqueue_dma source(%dma_start3A_495 : memref<50x128xi32, #tpu.memory_space<hbm>>) target(%dma_start3A_491 : memref<50x128xi32, #tpu.memory_space<vmem>>) target_semaphore(%run_scoped3A_480 : memref<!tpu.dma_semaphore, #tpu.memory_space<semaphore_mem>>)
      %dma_wait3A = arith.constant 0 : i32
      %dma_wait3A_496 = arith.constant 0 : i32
      %dma_wait3A_497 = tpu.memref_slice %arg7[%run_scoped3A_377, %dma_wait3A, %dma_wait3A_496] : memref<2x50x128xi32, #tpu.memory_space<vmem>> -> memref<1x50x128xi32, #tpu.memory_space<vmem>>
      %dma_wait3A_498 = tpu.memref_squeeze %dma_wait3A_497 : memref<1x50x128xi32, #tpu.memory_space<vmem>> -> memref<50x128xi32, #tpu.memory_space<vmem>>
      %dma_wait3A_499 = arith.constant 0 : i32
      %dma_wait3A_500 = arith.constant 0 : i32
      %dma_wait3A_501 = tpu.memref_slice %arg3[%add3A, %run_scoped3A_376, %dma_wait3A_499, %dma_wait3A_500] : memref<32x8x50x128xi32, #tpu.memory_space<hbm>> -> memref<1x1x50x128xi32, #tpu.memory_space<hbm>>
      %dma_wait3A_502 = tpu.memref_squeeze %dma_wait3A_501 : memref<1x1x50x128xi32, #tpu.memory_space<hbm>> -> memref<50x128xi32, #tpu.memory_space<hbm>>
      %dma_wait3A_503 = arith.constant 0 : i32
      %dma_wait3A_504 = arith.constant 0 : i32
      %dma_wait3A_505 = tpu.memref_slice %arg7[%run_scoped3A_377, %dma_wait3A_503, %dma_wait3A_504] : memref<2x50x128xi32, #tpu.memory_space<vmem>> -> memref<1x50x128xi32, #tpu.memory_space<vmem>>
      %dma_wait3A_506 = tpu.memref_squeeze %dma_wait3A_505 : memref<1x50x128xi32, #tpu.memory_space<vmem>> -> memref<50x128xi32, #tpu.memory_space<vmem>>
      %dma_wait3A_507 = arith.constant 0 : i32
      %dma_wait3A_508 = arith.constant 0 : i32
      %dma_wait3A_509 = tpu.memref_slice %arg3[%add3A, %run_scoped3A_376, %dma_wait3A_507, %dma_wait3A_508] : memref<32x8x50x128xi32, #tpu.memory_space<hbm>> -> memref<1x1x50x128xi32, #tpu.memory_space<hbm>>
      %dma_wait3A_510 = tpu.memref_squeeze %dma_wait3A_509 : memref<1x1x50x128xi32, #tpu.memory_space<hbm>> -> memref<50x128xi32, #tpu.memory_space<hbm>>
      tpu.wait_dma2 semaphore(%run_scoped3A_480 : memref<!tpu.dma_semaphore, #tpu.memory_space<semaphore_mem>>) src(%dma_wait3A_510 : memref<50x128xi32, #tpu.memory_space<hbm>>) dst(%dma_wait3A_506 : memref<50x128xi32, #tpu.memory_space<vmem>>)
      tpu.yield
    }) : () -> ()
    %scan3A_378 = arith.constant 0 : i32
    %scan3A_379 = arith.constant 0 : i32
    %scan3A_380 = arith.constant 128 : i32
    %scan3A_381 = arith.addi %scan3A_379, %scan3A_380 : i32
    %scan3A_382 = arith.constant 1 : i32
    scf.for %scan3A_480 = %scan3A_379 to %scan3A_381 step %scan3A_382  : i32 {
      %swap3A = arith.constant 1 : i32
      %swap3A_481 = arith.index_cast %swap3A : i32 to index
      %swap3A_482 = arith.index_cast %scan3A_480 : i32 to index
      %swap3A_483 = arith.constant 0 : index
      %swap3A_484 = tpu.vector_load %arg8[%swap3A_481, %swap3A_482, %swap3A_483] {strides = array<i32>} : memref<2x128x128xf32, #tpu.memory_space<vmem>>, vector<1x1x16xf32>,
      %swap3A_485 = vector.shape_cast %swap3A_484 : vector<1x1x16xf32> to vector<16xf32>
      %swap3A_486 = vector.shape_cast %broadcast_in_dim3A_1 : vector<16xf32> to vector<1x1x16xf32>
      tpu.vector_store %arg8[%swap3A_481, %swap3A_482, %swap3A_483], %swap3A_486 {strides = array<i32>} : memref<2x128x128xf32, #tpu.memory_space<vmem>>, vector<1x1x16xf32>,
      %swap3A_487 = arith.constant 1 : i32
      %swap3A_488 = arith.index_cast %swap3A_487 : i32 to index
      %swap3A_489 = arith.index_cast %scan3A_480 : i32 to index
      %swap3A_490 = arith.constant 16 : index
      %swap3A_491 = tpu.vector_load %arg8[%swap3A_488, %swap3A_489, %swap3A_490] {strides = array<i32>} : memref<2x128x128xf32, #tpu.memory_space<vmem>>, vector<1x1x16xf32>,
      %swap3A_492 = vector.shape_cast %swap3A_491 : vector<1x1x16xf32> to vector<16xf32>
      %swap3A_493 = vector.shape_cast %broadcast_in_dim3A_1 : vector<16xf32> to vector<1x1x16xf32>
      tpu.vector_store %arg8[%swap3A_488, %swap3A_489, %swap3A_490], %swap3A_493 {strides = array<i32>} : memref<2x128x128xf32, #tpu.memory_space<vmem>>, vector<1x1x16xf32>,
      %swap3A_494 = arith.constant 1 : i32
      %swap3A_495 = arith.index_cast %swap3A_494 : i32 to index
      %swap3A_496 = arith.index_cast %scan3A_480 : i32 to index
      %swap3A_497 = arith.constant 32 : index
      %swap3A_498 = tpu.vector_load %arg8[%swap3A_495, %swap3A_496, %swap3A_497] {strides = array<i32>} : memref<2x128x128xf32, #tpu.memory_space<vmem>>, vector<1x1x16xf32>,
      %swap3A_499 = vector.shape_cast %swap3A_498 : vector<1x1x16xf32> to vector<16xf32>
      %swap3A_500 = vector.shape_cast %broadcast_in_dim3A_1 : vector<16xf32> to vector<1x1x16xf32>
      tpu.vector_store %arg8[%swap3A_495, %swap3A_496, %swap3A_497], %swap3A_500 {strides = array<i32>} : memref<2x128x128xf32, #tpu.memory_space<vmem>>, vector<1x1x16xf32>,
      %swap3A_501 = arith.constant 1 : i32
      %swap3A_502 = arith.index_cast %swap3A_501 : i32 to index
      %swap3A_503 = arith.index_cast %scan3A_480 : i32 to index
      %swap3A_504 = arith.constant 48 : index
      %swap3A_505 = tpu.vector_load %arg8[%swap3A_502, %swap3A_503, %swap3A_504] {strides = array<i32>} : memref<2x128x128xf32, #tpu.memory_space<vmem>>, vector<1x1x16xf32>,
      %swap3A_506 = vector.shape_cast %swap3A_505 : vector<1x1x16xf32> to vector<16xf32>
      %swap3A_507 = vector.shape_cast %broadcast_in_dim3A_1 : vector<16xf32> to vector<1x1x16xf32>
      tpu.vector_store %arg8[%swap3A_502, %swap3A_503, %swap3A_504], %swap3A_507 {strides = array<i32>} : memref<2x128x128xf32, #tpu.memory_space<vmem>>, vector<1x1x16xf32>,
      %swap3A_508 = arith.constant 1 : i32
      %swap3A_509 = arith.index_cast %swap3A_508 : i32 to index
      %swap3A_510 = arith.index_cast %scan3A_480 : i32 to index
      %swap3A_511 = arith.constant 64 : index
      %swap3A_512 = tpu.vector_load %arg8[%swap3A_509, %swap3A_510, %swap3A_511] {strides = array<i32>} : memref<2x128x128xf32, #tpu.memory_space<vmem>>, vector<1x1x16xf32>,
      %swap3A_513 = vector.shape_cast %swap3A_512 : vector<1x1x16xf32> to vector<16xf32>
      %swap3A_514 = vector.shape_cast %broadcast_in_dim3A_1 : vector<16xf32> to vector<1x1x16xf32>
      tpu.vector_store %arg8[%swap3A_509, %swap3A_510, %swap3A_511], %swap3A_514 {strides = array<i32>} : memref<2x128x128xf32, #tpu.memory_space<vmem>>, vector<1x1x16xf32>,
      %swap3A_515 = arith.constant 1 : i32
      %swap3A_516 = arith.index_cast %swap3A_515 : i32 to index
      %swap3A_517 = arith.index_cast %scan3A_480 : i32 to index
      %swap3A_518 = arith.constant 80 : index
      %swap3A_519 = tpu.vector_load %arg8[%swap3A_516, %swap3A_517, %swap3A_518] {strides = array<i32>} : memref<2x128x128xf32, #tpu.memory_space<vmem>>, vector<1x1x16xf32>,
      %swap3A_520 = vector.shape_cast %swap3A_519 : vector<1x1x16xf32> to vector<16xf32>
      %swap3A_521 = vector.shape_cast %broadcast_in_dim3A_1 : vector<16xf32> to vector<1x1x16xf32>
      tpu.vector_store %arg8[%swap3A_516, %swap3A_517, %swap3A_518], %swap3A_521 {strides = array<i32>} : memref<2x128x128xf32, #tpu.memory_space<vmem>>, vector<1x1x16xf32>,
      %swap3A_522 = arith.constant 1 : i32
      %swap3A_523 = arith.index_cast %swap3A_522 : i32 to index
      %swap3A_524 = arith.index_cast %scan3A_480 : i32 to index
      %swap3A_525 = arith.constant 96 : index
      %swap3A_526 = tpu.vector_load %arg8[%swap3A_523, %swap3A_524, %swap3A_525] {strides = array<i32>} : memref<2x128x128xf32, #tpu.memory_space<vmem>>, vector<1x1x16xf32>,
      %swap3A_527 = vector.shape_cast %swap3A_526 : vector<1x1x16xf32> to vector<16xf32>
      %swap3A_528 = vector.shape_cast %broadcast_in_dim3A_1 : vector<16xf32> to vector<1x1x16xf32>
      tpu.vector_store %arg8[%swap3A_523, %swap3A_524, %swap3A_525], %swap3A_528 {strides = array<i32>} : memref<2x128x128xf32, #tpu.memory_space<vmem>>, vector<1x1x16xf32>,
      %swap3A_529 = arith.constant 1 : i32
      %swap3A_530 = arith.index_cast %swap3A_529 : i32 to index
      %swap3A_531 = arith.index_cast %scan3A_480 : i32 to index
      %swap3A_532 = arith.constant 112 : index
      %swap3A_533 = tpu.vector_load %arg8[%swap3A_530, %swap3A_531, %swap3A_532] {strides = array<i32>} : memref<2x128x128xf32, #tpu.memory_space<vmem>>, vector<1x1x16xf32>,
      %swap3A_534 = vector.shape_cast %swap3A_533 : vector<1x1x16xf32> to vector<16xf32>
      %swap3A_535 = vector.shape_cast %broadcast_in_dim3A_1 : vector<16xf32> to vector<1x1x16xf32>
      tpu.vector_store %arg8[%swap3A_530, %swap3A_531, %swap3A_532], %swap3A_535 {strides = array<i32>} : memref<2x128x128xf32, #tpu.memory_space<vmem>>, vector<1x1x16xf32>,
    }
    %scan3A_383 = arith.constant 128 : i32
    %scan3A_384 = arith.constant 0 : i32
    %scan3A_385 = arith.constant 1 : i32
    %scan3A_386 = arith.constant 1 : i32
    %scan3A_387 = arith.constant 0 : i32
    %scan3A_388 = arith.constant 50 : i32
    %scan3A_389 = arith.addi %scan3A_387, %scan3A_388 : i32
    %scan3A_390 = arith.constant 1 : i32
    scf.for %scan3A_480 = %scan3A_387 to %scan3A_389 step %scan3A_390  : i32 {
      %dma_start3A = arith.constant 0 : i32
      %dma_start3A_481 = arith.constant 0 : i32
      %dma_start3A_482 = tpu.memref_slice %arg8[%scan3A_386, %dma_start3A, %dma_start3A_481] : memref<2x128x128xf32, #tpu.memory_space<vmem>> -> memref<1x128x128xf32, #tpu.memory_space<vmem>>
      %dma_start3A_483 = tpu.memref_squeeze %dma_start3A_482 : memref<1x128x128xf32, #tpu.memory_space<vmem>> -> memref<128x128xf32, #tpu.memory_space<vmem>>
      %dma_start3A_484 = arith.constant 0 : i32
      %dma_start3A_485 = arith.constant 0 : i32
      %dma_start3A_486 = tpu.memref_slice %arg7[%scan3A_385, %dma_start3A_484, %dma_start3A_485] : memref<2x50x128xi32, #tpu.memory_space<vmem>> -> memref<1x50x128xi32, #tpu.memory_space<vmem>>
      %dma_start3A_487 = tpu.memref_squeeze %dma_start3A_486 : memref<1x50x128xi32, #tpu.memory_space<vmem>> -> memref<50x128xi32, #tpu.memory_space<vmem>>
      %dma_start3A_488 = arith.constant 0 : i32
      %dma_start3A_489 = tpu.memref_slice %dma_start3A_487[%scan3A_480, %dma_start3A_488] : memref<50x128xi32, #tpu.memory_space<vmem>> -> memref<1x128xi32, #tpu.memory_space<vmem>>
      %dma_start3A_490 = tpu.memref_squeeze %dma_start3A_489 : memref<1x128xi32, #tpu.memory_space<vmem>> -> memref<128xi32, #tpu.memory_space<vmem>>
      %dma_start3A_491 = arith.constant 0 : i32
      %dma_start3A_492 = arith.constant 0 : i32
      %dma_start3A_493 = tpu.memref_slice %arg5[%dma_start3A_491, %dma_start3A_492] : memref<100000x128xf32, #tpu.memory_space<hbm>> -> memref<100000x128xf32, #tpu.memory_space<hbm>>
      tpu.enqueue_indirect_dma source(%dma_start3A_493 : memref<100000x128xf32, #tpu.memory_space<hbm>>) target(%dma_start3A_483 : memref<128x128xf32, #tpu.memory_space<vmem>>) offsets(%dma_start3A_490 : memref<128xi32, #tpu.memory_space<vmem>>) semaphore(%arg10 : memref<!tpu.dma_semaphore, #tpu.memory_space<semaphore_mem>>) {add = true}
    }
    %scan3A_391 = arith.constant 50 : i32
    %scan3A_392 = arith.constant 0 : i32
    %scan3A_393 = arith.constant 0 : i32
    %scan3A_394 = arith.constant 0 : i32
    %scan3A_395 = arith.constant 0 : i32
    %scan3A_396 = arith.constant 50 : i32
    %scan3A_397 = arith.addi %scan3A_395, %scan3A_396 : i32
    %scan3A_398 = arith.constant 1 : i32
    scf.for %scan3A_480 = %scan3A_395 to %scan3A_397 step %scan3A_398  : i32 {
      %dma_wait3A = arith.constant 0 : i32
      %dma_wait3A_481 = arith.constant 0 : i32
      %dma_wait3A_482 = arith.constant 0 : i32
      %dma_wait3A_483 = tpu.memref_slice %arg8[%scan3A_394, %dma_wait3A_481, %dma_wait3A_482] : memref<2x128x128xf32, #tpu.memory_space<vmem>> -> memref<1x128x128xf32, #tpu.memory_space<vmem>>
      %dma_wait3A_484 = tpu.memref_squeeze %dma_wait3A_483 : memref<1x128x128xf32, #tpu.memory_space<vmem>> -> memref<128x128xf32, #tpu.memory_space<vmem>>
      %dma_wait3A_485 = arith.constant 0 : i32
      %dma_wait3A_486 = arith.constant 0 : i32
      %dma_wait3A_487 = tpu.memref_slice %arg7[%scan3A_393, %dma_wait3A_485, %dma_wait3A_486] : memref<2x50x128xi32, #tpu.memory_space<vmem>> -> memref<1x50x128xi32, #tpu.memory_space<vmem>>
      %dma_wait3A_488 = tpu.memref_squeeze %dma_wait3A_487 : memref<1x50x128xi32, #tpu.memory_space<vmem>> -> memref<50x128xi32, #tpu.memory_space<vmem>>
      %dma_wait3A_489 = arith.constant 0 : i32
      %dma_wait3A_490 = tpu.memref_slice %dma_wait3A_488[%dma_wait3A, %dma_wait3A_489] : memref<50x128xi32, #tpu.memory_space<vmem>> -> memref<1x128xi32, #tpu.memory_space<vmem>>
      %dma_wait3A_491 = tpu.memref_squeeze %dma_wait3A_490 : memref<1x128xi32, #tpu.memory_space<vmem>> -> memref<128xi32, #tpu.memory_space<vmem>>
      %dma_wait3A_492 = arith.constant 0 : i32
      %dma_wait3A_493 = arith.constant 0 : i32
      %dma_wait3A_494 = tpu.memref_slice %arg5[%dma_wait3A_492, %dma_wait3A_493] : memref<100000x128xf32, #tpu.memory_space<hbm>> -> memref<100000x128xf32, #tpu.memory_space<hbm>>
      tpu.wait_indirect_dma semaphore(%arg9 : memref<!tpu.dma_semaphore, #tpu.memory_space<semaphore_mem>>) src(%dma_wait3A_494 : memref<100000x128xf32, #tpu.memory_space<hbm>>) dst(%dma_wait3A_484 : memref<128x128xf32, #tpu.memory_space<vmem>>)
    }
    %scan3A_399 = arith.constant 50 : i32
    %mul3A_400 = arith.constant 512 : i32
    %mul3A_401 = arith.muli %add3A, %mul3A_400 : i32
    %add3A_402 = arith.constant 0 : i32
    %add3A_403 = arith.addi %mul3A_401, %add3A_402 : i32
    %run_scoped3A_404 = arith.constant 0 : i32
    %run_scoped3A_405 = arith.constant 3 : i32
    "tpu.region"() ({
      %run_scoped3A_480 = tpu.sem_alloc : memref<!tpu.dma_semaphore, #tpu.memory_space<semaphore_mem>>
      %dma_start3A = arith.constant 0 : i32
      %dma_start3A_481 = arith.constant 0 : i32
      %dma_start3A_482 = tpu.memref_slice %arg8[%run_scoped3A_404, %dma_start3A, %dma_start3A_481] : memref<2x128x128xf32, #tpu.memory_space<vmem>> -> memref<1x128x128xf32, #tpu.memory_space<vmem>>
      %dma_start3A_483 = tpu.memref_squeeze %dma_start3A_482 : memref<1x128x128xf32, #tpu.memory_space<vmem>> -> memref<128x128xf32, #tpu.memory_space<vmem>>
      %dma_start3A_484 = arith.constant 0 : i32
      %dma_start3A_485 = tpu.memref_slice %arg6[%run_scoped3A_405, %add3A_403, %dma_start3A_484] : memref<4x16384x128xf32, #tpu.memory_space<hbm>> -> memref<1x128x128xf32, #tpu.memory_space<hbm>>
      %dma_start3A_486 = tpu.memref_squeeze %dma_start3A_485 : memref<1x128x128xf32, #tpu.memory_space<hbm>> -> memref<128x128xf32, #tpu.memory_space<hbm>>
      %dma_start3A_487 = arith.constant 0 : i32
      %dma_start3A_488 = tpu.memref_slice %arg6[%run_scoped3A_405, %add3A_403, %dma_start3A_487] : memref<4x16384x128xf32, #tpu.memory_space<hbm>> -> memref<1x128x128xf32, #tpu.memory_space<hbm>>
      %dma_start3A_489 = tpu.memref_squeeze %dma_start3A_488 : memref<1x128x128xf32, #tpu.memory_space<hbm>> -> memref<128x128xf32, #tpu.memory_space<hbm>>
      %dma_start3A_490 = arith.constant 0 : i32
      %dma_start3A_491 = arith.constant 0 : i32
      %dma_start3A_492 = tpu.memref_slice %arg8[%run_scoped3A_404, %dma_start3A_490, %dma_start3A_491] : memref<2x128x128xf32, #tpu.memory_space<vmem>> -> memref<1x128x128xf32, #tpu.memory_space<vmem>>
      %dma_start3A_493 = tpu.memref_squeeze %dma_start3A_492 : memref<1x128x128xf32, #tpu.memory_space<vmem>> -> memref<128x128xf32, #tpu.memory_space<vmem>>
      tpu.enqueue_dma source(%dma_start3A_493 : memref<128x128xf32, #tpu.memory_space<vmem>>) target(%dma_start3A_489 : memref<128x128xf32, #tpu.memory_space<hbm>>) target_semaphore(%run_scoped3A_480 : memref<!tpu.dma_semaphore, #tpu.memory_space<semaphore_mem>>)
      %dma_wait3A = arith.constant 0 : i32
      %dma_wait3A_494 = arith.constant 0 : i32
      %dma_wait3A_495 = tpu.memref_slice %arg8[%run_scoped3A_404, %dma_wait3A, %dma_wait3A_494] : memref<2x128x128xf32, #tpu.memory_space<vmem>> -> memref<1x128x128xf32, #tpu.memory_space<vmem>>
      %dma_wait3A_496 = tpu.memref_squeeze %dma_wait3A_495 : memref<1x128x128xf32, #tpu.memory_space<vmem>> -> memref<128x128xf32, #tpu.memory_space<vmem>>
      %dma_wait3A_497 = arith.constant 0 : i32
      %dma_wait3A_498 = tpu.memref_slice %arg6[%run_scoped3A_405, %add3A_403, %dma_wait3A_497] : memref<4x16384x128xf32, #tpu.memory_space<hbm>> -> memref<1x128x128xf32, #tpu.memory_space<hbm>>
      %dma_wait3A_499 = tpu.memref_squeeze %dma_wait3A_498 : memref<1x128x128xf32, #tpu.memory_space<hbm>> -> memref<128x128xf32, #tpu.memory_space<hbm>>
      %dma_wait3A_500 = arith.constant 0 : i32
      %dma_wait3A_501 = tpu.memref_slice %arg6[%run_scoped3A_405, %add3A_403, %dma_wait3A_500] : memref<4x16384x128xf32, #tpu.memory_space<hbm>> -> memref<1x128x128xf32, #tpu.memory_space<hbm>>
      %dma_wait3A_502 = tpu.memref_squeeze %dma_wait3A_501 : memref<1x128x128xf32, #tpu.memory_space<hbm>> -> memref<128x128xf32, #tpu.memory_space<hbm>>
      %dma_wait3A_503 = arith.constant 0 : i32
      %dma_wait3A_504 = arith.constant 0 : i32
      %dma_wait3A_505 = tpu.memref_slice %arg8[%run_scoped3A_404, %dma_wait3A_503, %dma_wait3A_504] : memref<2x128x128xf32, #tpu.memory_space<vmem>> -> memref<1x128x128xf32, #tpu.memory_space<vmem>>
      %dma_wait3A_506 = tpu.memref_squeeze %dma_wait3A_505 : memref<1x128x128xf32, #tpu.memory_space<vmem>> -> memref<128x128xf32, #tpu.memory_space<vmem>>
      tpu.wait_dma2 semaphore(%run_scoped3A_480 : memref<!tpu.dma_semaphore, #tpu.memory_space<semaphore_mem>>) src(%dma_wait3A_506 : memref<128x128xf32, #tpu.memory_space<vmem>>) dst(%dma_wait3A_502 : memref<128x128xf32, #tpu.memory_space<hbm>>)
      tpu.yield
    }) : () -> ()
    %run_scoped3A_406 = arith.constant 6 : i32
    %run_scoped3A_407 = arith.constant 0 : i32
    "tpu.region"() ({
      %run_scoped3A_480 = tpu.sem_alloc : memref<!tpu.dma_semaphore, #tpu.memory_space<semaphore_mem>>
      %dma_start3A = arith.constant 0 : i32
      %dma_start3A_481 = arith.constant 0 : i32
      %dma_start3A_482 = tpu.memref_slice %arg7[%run_scoped3A_407, %dma_start3A, %dma_start3A_481] : memref<2x50x128xi32, #tpu.memory_space<vmem>> -> memref<1x50x128xi32, #tpu.memory_space<vmem>>
      %dma_start3A_483 = tpu.memref_squeeze %dma_start3A_482 : memref<1x50x128xi32, #tpu.memory_space<vmem>> -> memref<50x128xi32, #tpu.memory_space<vmem>>
      %dma_start3A_484 = arith.constant 0 : i32
      %dma_start3A_485 = arith.constant 0 : i32
      %dma_start3A_486 = tpu.memref_slice %arg3[%add3A, %run_scoped3A_406, %dma_start3A_484, %dma_start3A_485] : memref<32x8x50x128xi32, #tpu.memory_space<hbm>> -> memref<1x1x50x128xi32, #tpu.memory_space<hbm>>
      %dma_start3A_487 = tpu.memref_squeeze %dma_start3A_486 : memref<1x1x50x128xi32, #tpu.memory_space<hbm>> -> memref<50x128xi32, #tpu.memory_space<hbm>>
      %dma_start3A_488 = arith.constant 0 : i32
      %dma_start3A_489 = arith.constant 0 : i32
      %dma_start3A_490 = tpu.memref_slice %arg7[%run_scoped3A_407, %dma_start3A_488, %dma_start3A_489] : memref<2x50x128xi32, #tpu.memory_space<vmem>> -> memref<1x50x128xi32, #tpu.memory_space<vmem>>
      %dma_start3A_491 = tpu.memref_squeeze %dma_start3A_490 : memref<1x50x128xi32, #tpu.memory_space<vmem>> -> memref<50x128xi32, #tpu.memory_space<vmem>>
      %dma_start3A_492 = arith.constant 0 : i32
      %dma_start3A_493 = arith.constant 0 : i32
      %dma_start3A_494 = tpu.memref_slice %arg3[%add3A, %run_scoped3A_406, %dma_start3A_492, %dma_start3A_493] : memref<32x8x50x128xi32, #tpu.memory_space<hbm>> -> memref<1x1x50x128xi32, #tpu.memory_space<hbm>>
      %dma_start3A_495 = tpu.memref_squeeze %dma_start3A_494 : memref<1x1x50x128xi32, #tpu.memory_space<hbm>> -> memref<50x128xi32, #tpu.memory_space<hbm>>
      tpu.enqueue_dma source(%dma_start3A_495 : memref<50x128xi32, #tpu.memory_space<hbm>>) target(%dma_start3A_491 : memref<50x128xi32, #tpu.memory_space<vmem>>) target_semaphore(%run_scoped3A_480 : memref<!tpu.dma_semaphore, #tpu.memory_space<semaphore_mem>>)
      %dma_wait3A = arith.constant 0 : i32
      %dma_wait3A_496 = arith.constant 0 : i32
      %dma_wait3A_497 = tpu.memref_slice %arg7[%run_scoped3A_407, %dma_wait3A, %dma_wait3A_496] : memref<2x50x128xi32, #tpu.memory_space<vmem>> -> memref<1x50x128xi32, #tpu.memory_space<vmem>>
      %dma_wait3A_498 = tpu.memref_squeeze %dma_wait3A_497 : memref<1x50x128xi32, #tpu.memory_space<vmem>> -> memref<50x128xi32, #tpu.memory_space<vmem>>
      %dma_wait3A_499 = arith.constant 0 : i32
      %dma_wait3A_500 = arith.constant 0 : i32
      %dma_wait3A_501 = tpu.memref_slice %arg3[%add3A, %run_scoped3A_406, %dma_wait3A_499, %dma_wait3A_500] : memref<32x8x50x128xi32, #tpu.memory_space<hbm>> -> memref<1x1x50x128xi32, #tpu.memory_space<hbm>>
      %dma_wait3A_502 = tpu.memref_squeeze %dma_wait3A_501 : memref<1x1x50x128xi32, #tpu.memory_space<hbm>> -> memref<50x128xi32, #tpu.memory_space<hbm>>
      %dma_wait3A_503 = arith.constant 0 : i32
      %dma_wait3A_504 = arith.constant 0 : i32
      %dma_wait3A_505 = tpu.memref_slice %arg7[%run_scoped3A_407, %dma_wait3A_503, %dma_wait3A_504] : memref<2x50x128xi32, #tpu.memory_space<vmem>> -> memref<1x50x128xi32, #tpu.memory_space<vmem>>
      %dma_wait3A_506 = tpu.memref_squeeze %dma_wait3A_505 : memref<1x50x128xi32, #tpu.memory_space<vmem>> -> memref<50x128xi32, #tpu.memory_space<vmem>>
      %dma_wait3A_507 = arith.constant 0 : i32
      %dma_wait3A_508 = arith.constant 0 : i32
      %dma_wait3A_509 = tpu.memref_slice %arg3[%add3A, %run_scoped3A_406, %dma_wait3A_507, %dma_wait3A_508] : memref<32x8x50x128xi32, #tpu.memory_space<hbm>> -> memref<1x1x50x128xi32, #tpu.memory_space<hbm>>
      %dma_wait3A_510 = tpu.memref_squeeze %dma_wait3A_509 : memref<1x1x50x128xi32, #tpu.memory_space<hbm>> -> memref<50x128xi32, #tpu.memory_space<hbm>>
      tpu.wait_dma2 semaphore(%run_scoped3A_480 : memref<!tpu.dma_semaphore, #tpu.memory_space<semaphore_mem>>) src(%dma_wait3A_510 : memref<50x128xi32, #tpu.memory_space<hbm>>) dst(%dma_wait3A_506 : memref<50x128xi32, #tpu.memory_space<vmem>>)
      tpu.yield
    }) : () -> ()
    %scan3A_408 = arith.constant 0 : i32
    %scan3A_409 = arith.constant 0 : i32
    %scan3A_410 = arith.constant 128 : i32
    %scan3A_411 = arith.addi %scan3A_409, %scan3A_410 : i32
    %scan3A_412 = arith.constant 1 : i32
    scf.for %scan3A_480 = %scan3A_409 to %scan3A_411 step %scan3A_412  : i32 {
      %swap3A = arith.constant 0 : i32
      %swap3A_481 = arith.index_cast %swap3A : i32 to index
      %swap3A_482 = arith.index_cast %scan3A_480 : i32 to index
      %swap3A_483 = arith.constant 0 : index
      %swap3A_484 = tpu.vector_load %arg8[%swap3A_481, %swap3A_482, %swap3A_483] {strides = array<i32>} : memref<2x128x128xf32, #tpu.memory_space<vmem>>, vector<1x1x16xf32>,
      %swap3A_485 = vector.shape_cast %swap3A_484 : vector<1x1x16xf32> to vector<16xf32>
      %swap3A_486 = vector.shape_cast %broadcast_in_dim3A_1 : vector<16xf32> to vector<1x1x16xf32>
      tpu.vector_store %arg8[%swap3A_481, %swap3A_482, %swap3A_483], %swap3A_486 {strides = array<i32>} : memref<2x128x128xf32, #tpu.memory_space<vmem>>, vector<1x1x16xf32>,
      %swap3A_487 = arith.constant 0 : i32
      %swap3A_488 = arith.index_cast %swap3A_487 : i32 to index
      %swap3A_489 = arith.index_cast %scan3A_480 : i32 to index
      %swap3A_490 = arith.constant 16 : index
      %swap3A_491 = tpu.vector_load %arg8[%swap3A_488, %swap3A_489, %swap3A_490] {strides = array<i32>} : memref<2x128x128xf32, #tpu.memory_space<vmem>>, vector<1x1x16xf32>,
      %swap3A_492 = vector.shape_cast %swap3A_491 : vector<1x1x16xf32> to vector<16xf32>
      %swap3A_493 = vector.shape_cast %broadcast_in_dim3A_1 : vector<16xf32> to vector<1x1x16xf32>
      tpu.vector_store %arg8[%swap3A_488, %swap3A_489, %swap3A_490], %swap3A_493 {strides = array<i32>} : memref<2x128x128xf32, #tpu.memory_space<vmem>>, vector<1x1x16xf32>,
      %swap3A_494 = arith.constant 0 : i32
      %swap3A_495 = arith.index_cast %swap3A_494 : i32 to index
      %swap3A_496 = arith.index_cast %scan3A_480 : i32 to index
      %swap3A_497 = arith.constant 32 : index
      %swap3A_498 = tpu.vector_load %arg8[%swap3A_495, %swap3A_496, %swap3A_497] {strides = array<i32>} : memref<2x128x128xf32, #tpu.memory_space<vmem>>, vector<1x1x16xf32>,
      %swap3A_499 = vector.shape_cast %swap3A_498 : vector<1x1x16xf32> to vector<16xf32>
      %swap3A_500 = vector.shape_cast %broadcast_in_dim3A_1 : vector<16xf32> to vector<1x1x16xf32>
      tpu.vector_store %arg8[%swap3A_495, %swap3A_496, %swap3A_497], %swap3A_500 {strides = array<i32>} : memref<2x128x128xf32, #tpu.memory_space<vmem>>, vector<1x1x16xf32>,
      %swap3A_501 = arith.constant 0 : i32
      %swap3A_502 = arith.index_cast %swap3A_501 : i32 to index
      %swap3A_503 = arith.index_cast %scan3A_480 : i32 to index
      %swap3A_504 = arith.constant 48 : index
      %swap3A_505 = tpu.vector_load %arg8[%swap3A_502, %swap3A_503, %swap3A_504] {strides = array<i32>} : memref<2x128x128xf32, #tpu.memory_space<vmem>>, vector<1x1x16xf32>,
      %swap3A_506 = vector.shape_cast %swap3A_505 : vector<1x1x16xf32> to vector<16xf32>
      %swap3A_507 = vector.shape_cast %broadcast_in_dim3A_1 : vector<16xf32> to vector<1x1x16xf32>
      tpu.vector_store %arg8[%swap3A_502, %swap3A_503, %swap3A_504], %swap3A_507 {strides = array<i32>} : memref<2x128x128xf32, #tpu.memory_space<vmem>>, vector<1x1x16xf32>,
      %swap3A_508 = arith.constant 0 : i32
      %swap3A_509 = arith.index_cast %swap3A_508 : i32 to index
      %swap3A_510 = arith.index_cast %scan3A_480 : i32 to index
      %swap3A_511 = arith.constant 64 : index
      %swap3A_512 = tpu.vector_load %arg8[%swap3A_509, %swap3A_510, %swap3A_511] {strides = array<i32>} : memref<2x128x128xf32, #tpu.memory_space<vmem>>, vector<1x1x16xf32>,
      %swap3A_513 = vector.shape_cast %swap3A_512 : vector<1x1x16xf32> to vector<16xf32>
      %swap3A_514 = vector.shape_cast %broadcast_in_dim3A_1 : vector<16xf32> to vector<1x1x16xf32>
      tpu.vector_store %arg8[%swap3A_509, %swap3A_510, %swap3A_511], %swap3A_514 {strides = array<i32>} : memref<2x128x128xf32, #tpu.memory_space<vmem>>, vector<1x1x16xf32>,
      %swap3A_515 = arith.constant 0 : i32
      %swap3A_516 = arith.index_cast %swap3A_515 : i32 to index
      %swap3A_517 = arith.index_cast %scan3A_480 : i32 to index
      %swap3A_518 = arith.constant 80 : index
      %swap3A_519 = tpu.vector_load %arg8[%swap3A_516, %swap3A_517, %swap3A_518] {strides = array<i32>} : memref<2x128x128xf32, #tpu.memory_space<vmem>>, vector<1x1x16xf32>,
      %swap3A_520 = vector.shape_cast %swap3A_519 : vector<1x1x16xf32> to vector<16xf32>
      %swap3A_521 = vector.shape_cast %broadcast_in_dim3A_1 : vector<16xf32> to vector<1x1x16xf32>
      tpu.vector_store %arg8[%swap3A_516, %swap3A_517, %swap3A_518], %swap3A_521 {strides = array<i32>} : memref<2x128x128xf32, #tpu.memory_space<vmem>>, vector<1x1x16xf32>,
      %swap3A_522 = arith.constant 0 : i32
      %swap3A_523 = arith.index_cast %swap3A_522 : i32 to index
      %swap3A_524 = arith.index_cast %scan3A_480 : i32 to index
      %swap3A_525 = arith.constant 96 : index
      %swap3A_526 = tpu.vector_load %arg8[%swap3A_523, %swap3A_524, %swap3A_525] {strides = array<i32>} : memref<2x128x128xf32, #tpu.memory_space<vmem>>, vector<1x1x16xf32>,
      %swap3A_527 = vector.shape_cast %swap3A_526 : vector<1x1x16xf32> to vector<16xf32>
      %swap3A_528 = vector.shape_cast %broadcast_in_dim3A_1 : vector<16xf32> to vector<1x1x16xf32>
      tpu.vector_store %arg8[%swap3A_523, %swap3A_524, %swap3A_525], %swap3A_528 {strides = array<i32>} : memref<2x128x128xf32, #tpu.memory_space<vmem>>, vector<1x1x16xf32>,
      %swap3A_529 = arith.constant 0 : i32
      %swap3A_530 = arith.index_cast %swap3A_529 : i32 to index
      %swap3A_531 = arith.index_cast %scan3A_480 : i32 to index
      %swap3A_532 = arith.constant 112 : index
      %swap3A_533 = tpu.vector_load %arg8[%swap3A_530, %swap3A_531, %swap3A_532] {strides = array<i32>} : memref<2x128x128xf32, #tpu.memory_space<vmem>>, vector<1x1x16xf32>,
      %swap3A_534 = vector.shape_cast %swap3A_533 : vector<1x1x16xf32> to vector<16xf32>
      %swap3A_535 = vector.shape_cast %broadcast_in_dim3A_1 : vector<16xf32> to vector<1x1x16xf32>
      tpu.vector_store %arg8[%swap3A_530, %swap3A_531, %swap3A_532], %swap3A_535 {strides = array<i32>} : memref<2x128x128xf32, #tpu.memory_space<vmem>>, vector<1x1x16xf32>,
    }
    %scan3A_413 = arith.constant 128 : i32
    %scan3A_414 = arith.constant 0 : i32
    %scan3A_415 = arith.constant 0 : i32
    %scan3A_416 = arith.constant 0 : i32
    %scan3A_417 = arith.constant 0 : i32
    %scan3A_418 = arith.constant 50 : i32
    %scan3A_419 = arith.addi %scan3A_417, %scan3A_418 : i32
    %scan3A_420 = arith.constant 1 : i32
    scf.for %scan3A_480 = %scan3A_417 to %scan3A_419 step %scan3A_420  : i32 {
      %dma_start3A = arith.constant 0 : i32
      %dma_start3A_481 = arith.constant 0 : i32
      %dma_start3A_482 = tpu.memref_slice %arg8[%scan3A_416, %dma_start3A, %dma_start3A_481] : memref<2x128x128xf32, #tpu.memory_space<vmem>> -> memref<1x128x128xf32, #tpu.memory_space<vmem>>
      %dma_start3A_483 = tpu.memref_squeeze %dma_start3A_482 : memref<1x128x128xf32, #tpu.memory_space<vmem>> -> memref<128x128xf32, #tpu.memory_space<vmem>>
      %dma_start3A_484 = arith.constant 0 : i32
      %dma_start3A_485 = arith.constant 0 : i32
      %dma_start3A_486 = tpu.memref_slice %arg7[%scan3A_415, %dma_start3A_484, %dma_start3A_485] : memref<2x50x128xi32, #tpu.memory_space<vmem>> -> memref<1x50x128xi32, #tpu.memory_space<vmem>>
      %dma_start3A_487 = tpu.memref_squeeze %dma_start3A_486 : memref<1x50x128xi32, #tpu.memory_space<vmem>> -> memref<50x128xi32, #tpu.memory_space<vmem>>
      %dma_start3A_488 = arith.constant 0 : i32
      %dma_start3A_489 = tpu.memref_slice %dma_start3A_487[%scan3A_480, %dma_start3A_488] : memref<50x128xi32, #tpu.memory_space<vmem>> -> memref<1x128xi32, #tpu.memory_space<vmem>>
      %dma_start3A_490 = tpu.memref_squeeze %dma_start3A_489 : memref<1x128xi32, #tpu.memory_space<vmem>> -> memref<128xi32, #tpu.memory_space<vmem>>
      %dma_start3A_491 = arith.constant 0 : i32
      %dma_start3A_492 = arith.constant 0 : i32
      %dma_start3A_493 = tpu.memref_slice %arg5[%dma_start3A_491, %dma_start3A_492] : memref<100000x128xf32, #tpu.memory_space<hbm>> -> memref<100000x128xf32, #tpu.memory_space<hbm>>
      tpu.enqueue_indirect_dma source(%dma_start3A_493 : memref<100000x128xf32, #tpu.memory_space<hbm>>) target(%dma_start3A_483 : memref<128x128xf32, #tpu.memory_space<vmem>>) offsets(%dma_start3A_490 : memref<128xi32, #tpu.memory_space<vmem>>) semaphore(%arg9 : memref<!tpu.dma_semaphore, #tpu.memory_space<semaphore_mem>>) {add = true}
    }
    %scan3A_421 = arith.constant 50 : i32
    %scan3A_422 = arith.constant 0 : i32
    %scan3A_423 = arith.constant 1 : i32
    %scan3A_424 = arith.constant 1 : i32
    %scan3A_425 = arith.constant 0 : i32
    %scan3A_426 = arith.constant 50 : i32
    %scan3A_427 = arith.addi %scan3A_425, %scan3A_426 : i32
    %scan3A_428 = arith.constant 1 : i32
    scf.for %scan3A_480 = %scan3A_425 to %scan3A_427 step %scan3A_428  : i32 {
      %dma_wait3A = arith.constant 0 : i32
      %dma_wait3A_481 = arith.constant 0 : i32
      %dma_wait3A_482 = arith.constant 0 : i32
      %dma_wait3A_483 = tpu.memref_slice %arg8[%scan3A_424, %dma_wait3A_481, %dma_wait3A_482] : memref<2x128x128xf32, #tpu.memory_space<vmem>> -> memref<1x128x128xf32, #tpu.memory_space<vmem>>
      %dma_wait3A_484 = tpu.memref_squeeze %dma_wait3A_483 : memref<1x128x128xf32, #tpu.memory_space<vmem>> -> memref<128x128xf32, #tpu.memory_space<vmem>>
      %dma_wait3A_485 = arith.constant 0 : i32
      %dma_wait3A_486 = arith.constant 0 : i32
      %dma_wait3A_487 = tpu.memref_slice %arg7[%scan3A_423, %dma_wait3A_485, %dma_wait3A_486] : memref<2x50x128xi32, #tpu.memory_space<vmem>> -> memref<1x50x128xi32, #tpu.memory_space<vmem>>
      %dma_wait3A_488 = tpu.memref_squeeze %dma_wait3A_487 : memref<1x50x128xi32, #tpu.memory_space<vmem>> -> memref<50x128xi32, #tpu.memory_space<vmem>>
      %dma_wait3A_489 = arith.constant 0 : i32
      %dma_wait3A_490 = tpu.memref_slice %dma_wait3A_488[%dma_wait3A, %dma_wait3A_489] : memref<50x128xi32, #tpu.memory_space<vmem>> -> memref<1x128xi32, #tpu.memory_space<vmem>>
      %dma_wait3A_491 = tpu.memref_squeeze %dma_wait3A_490 : memref<1x128xi32, #tpu.memory_space<vmem>> -> memref<128xi32, #tpu.memory_space<vmem>>
      %dma_wait3A_492 = arith.constant 0 : i32
      %dma_wait3A_493 = arith.constant 0 : i32
      %dma_wait3A_494 = tpu.memref_slice %arg5[%dma_wait3A_492, %dma_wait3A_493] : memref<100000x128xf32, #tpu.memory_space<hbm>> -> memref<100000x128xf32, #tpu.memory_space<hbm>>
      tpu.wait_indirect_dma semaphore(%arg10 : memref<!tpu.dma_semaphore, #tpu.memory_space<semaphore_mem>>) src(%dma_wait3A_494 : memref<100000x128xf32, #tpu.memory_space<hbm>>) dst(%dma_wait3A_484 : memref<128x128xf32, #tpu.memory_space<vmem>>)
    }
    %scan3A_429 = arith.constant 50 : i32
    %mul3A_430 = arith.constant 512 : i32
    %mul3A_431 = arith.muli %add3A, %mul3A_430 : i32
    %add3A_432 = arith.constant 128 : i32
    %add3A_433 = arith.addi %mul3A_431, %add3A_432 : i32
    %run_scoped3A_434 = arith.constant 1 : i32
    %run_scoped3A_435 = arith.constant 3 : i32
    "tpu.region"() ({
      %run_scoped3A_480 = tpu.sem_alloc : memref<!tpu.dma_semaphore, #tpu.memory_space<semaphore_mem>>
      %dma_start3A = arith.constant 0 : i32
      %dma_start3A_481 = arith.constant 0 : i32
      %dma_start3A_482 = tpu.memref_slice %arg8[%run_scoped3A_434, %dma_start3A, %dma_start3A_481] : memref<2x128x128xf32, #tpu.memory_space<vmem>> -> memref<1x128x128xf32, #tpu.memory_space<vmem>>
      %dma_start3A_483 = tpu.memref_squeeze %dma_start3A_482 : memref<1x128x128xf32, #tpu.memory_space<vmem>> -> memref<128x128xf32, #tpu.memory_space<vmem>>
      %dma_start3A_484 = arith.constant 0 : i32
      %dma_start3A_485 = tpu.memref_slice %arg6[%run_scoped3A_435, %add3A_433, %dma_start3A_484] : memref<4x16384x128xf32, #tpu.memory_space<hbm>> -> memref<1x128x128xf32, #tpu.memory_space<hbm>>
      %dma_start3A_486 = tpu.memref_squeeze %dma_start3A_485 : memref<1x128x128xf32, #tpu.memory_space<hbm>> -> memref<128x128xf32, #tpu.memory_space<hbm>>
      %dma_start3A_487 = arith.constant 0 : i32
      %dma_start3A_488 = tpu.memref_slice %arg6[%run_scoped3A_435, %add3A_433, %dma_start3A_487] : memref<4x16384x128xf32, #tpu.memory_space<hbm>> -> memref<1x128x128xf32, #tpu.memory_space<hbm>>
      %dma_start3A_489 = tpu.memref_squeeze %dma_start3A_488 : memref<1x128x128xf32, #tpu.memory_space<hbm>> -> memref<128x128xf32, #tpu.memory_space<hbm>>
      %dma_start3A_490 = arith.constant 0 : i32
      %dma_start3A_491 = arith.constant 0 : i32
      %dma_start3A_492 = tpu.memref_slice %arg8[%run_scoped3A_434, %dma_start3A_490, %dma_start3A_491] : memref<2x128x128xf32, #tpu.memory_space<vmem>> -> memref<1x128x128xf32, #tpu.memory_space<vmem>>
      %dma_start3A_493 = tpu.memref_squeeze %dma_start3A_492 : memref<1x128x128xf32, #tpu.memory_space<vmem>> -> memref<128x128xf32, #tpu.memory_space<vmem>>
      tpu.enqueue_dma source(%dma_start3A_493 : memref<128x128xf32, #tpu.memory_space<vmem>>) target(%dma_start3A_489 : memref<128x128xf32, #tpu.memory_space<hbm>>) target_semaphore(%run_scoped3A_480 : memref<!tpu.dma_semaphore, #tpu.memory_space<semaphore_mem>>)
      %dma_wait3A = arith.constant 0 : i32
      %dma_wait3A_494 = arith.constant 0 : i32
      %dma_wait3A_495 = tpu.memref_slice %arg8[%run_scoped3A_434, %dma_wait3A, %dma_wait3A_494] : memref<2x128x128xf32, #tpu.memory_space<vmem>> -> memref<1x128x128xf32, #tpu.memory_space<vmem>>
      %dma_wait3A_496 = tpu.memref_squeeze %dma_wait3A_495 : memref<1x128x128xf32, #tpu.memory_space<vmem>> -> memref<128x128xf32, #tpu.memory_space<vmem>>
      %dma_wait3A_497 = arith.constant 0 : i32
      %dma_wait3A_498 = tpu.memref_slice %arg6[%run_scoped3A_435, %add3A_433, %dma_wait3A_497] : memref<4x16384x128xf32, #tpu.memory_space<hbm>> -> memref<1x128x128xf32, #tpu.memory_space<hbm>>
      %dma_wait3A_499 = tpu.memref_squeeze %dma_wait3A_498 : memref<1x128x128xf32, #tpu.memory_space<hbm>> -> memref<128x128xf32, #tpu.memory_space<hbm>>
      %dma_wait3A_500 = arith.constant 0 : i32
      %dma_wait3A_501 = tpu.memref_slice %arg6[%run_scoped3A_435, %add3A_433, %dma_wait3A_500] : memref<4x16384x128xf32, #tpu.memory_space<hbm>> -> memref<1x128x128xf32, #tpu.memory_space<hbm>>
      %dma_wait3A_502 = tpu.memref_squeeze %dma_wait3A_501 : memref<1x128x128xf32, #tpu.memory_space<hbm>> -> memref<128x128xf32, #tpu.memory_space<hbm>>
      %dma_wait3A_503 = arith.constant 0 : i32
      %dma_wait3A_504 = arith.constant 0 : i32
      %dma_wait3A_505 = tpu.memref_slice %arg8[%run_scoped3A_434, %dma_wait3A_503, %dma_wait3A_504] : memref<2x128x128xf32, #tpu.memory_space<vmem>> -> memref<1x128x128xf32, #tpu.memory_space<vmem>>
      %dma_wait3A_506 = tpu.memref_squeeze %dma_wait3A_505 : memref<1x128x128xf32, #tpu.memory_space<vmem>> -> memref<128x128xf32, #tpu.memory_space<vmem>>
      tpu.wait_dma2 semaphore(%run_scoped3A_480 : memref<!tpu.dma_semaphore, #tpu.memory_space<semaphore_mem>>) src(%dma_wait3A_506 : memref<128x128xf32, #tpu.memory_space<vmem>>) dst(%dma_wait3A_502 : memref<128x128xf32, #tpu.memory_space<hbm>>)
      tpu.yield
    }) : () -> ()
    %run_scoped3A_436 = arith.constant 7 : i32
    %run_scoped3A_437 = arith.constant 1 : i32
    "tpu.region"() ({
      %run_scoped3A_480 = tpu.sem_alloc : memref<!tpu.dma_semaphore, #tpu.memory_space<semaphore_mem>>
      %dma_start3A = arith.constant 0 : i32
      %dma_start3A_481 = arith.constant 0 : i32
      %dma_start3A_482 = tpu.memref_slice %arg7[%run_scoped3A_437, %dma_start3A, %dma_start3A_481] : memref<2x50x128xi32, #tpu.memory_space<vmem>> -> memref<1x50x128xi32, #tpu.memory_space<vmem>>
      %dma_start3A_483 = tpu.memref_squeeze %dma_start3A_482 : memref<1x50x128xi32, #tpu.memory_space<vmem>> -> memref<50x128xi32, #tpu.memory_space<vmem>>
      %dma_start3A_484 = arith.constant 0 : i32
      %dma_start3A_485 = arith.constant 0 : i32
      %dma_start3A_486 = tpu.memref_slice %arg3[%add3A, %run_scoped3A_436, %dma_start3A_484, %dma_start3A_485] : memref<32x8x50x128xi32, #tpu.memory_space<hbm>> -> memref<1x1x50x128xi32, #tpu.memory_space<hbm>>
      %dma_start3A_487 = tpu.memref_squeeze %dma_start3A_486 : memref<1x1x50x128xi32, #tpu.memory_space<hbm>> -> memref<50x128xi32, #tpu.memory_space<hbm>>
      %dma_start3A_488 = arith.constant 0 : i32
      %dma_start3A_489 = arith.constant 0 : i32
      %dma_start3A_490 = tpu.memref_slice %arg7[%run_scoped3A_437, %dma_start3A_488, %dma_start3A_489] : memref<2x50x128xi32, #tpu.memory_space<vmem>> -> memref<1x50x128xi32, #tpu.memory_space<vmem>>
      %dma_start3A_491 = tpu.memref_squeeze %dma_start3A_490 : memref<1x50x128xi32, #tpu.memory_space<vmem>> -> memref<50x128xi32, #tpu.memory_space<vmem>>
      %dma_start3A_492 = arith.constant 0 : i32
      %dma_start3A_493 = arith.constant 0 : i32
      %dma_start3A_494 = tpu.memref_slice %arg3[%add3A, %run_scoped3A_436, %dma_start3A_492, %dma_start3A_493] : memref<32x8x50x128xi32, #tpu.memory_space<hbm>> -> memref<1x1x50x128xi32, #tpu.memory_space<hbm>>
      %dma_start3A_495 = tpu.memref_squeeze %dma_start3A_494 : memref<1x1x50x128xi32, #tpu.memory_space<hbm>> -> memref<50x128xi32, #tpu.memory_space<hbm>>
      tpu.enqueue_dma source(%dma_start3A_495 : memref<50x128xi32, #tpu.memory_space<hbm>>) target(%dma_start3A_491 : memref<50x128xi32, #tpu.memory_space<vmem>>) target_semaphore(%run_scoped3A_480 : memref<!tpu.dma_semaphore, #tpu.memory_space<semaphore_mem>>)
      %dma_wait3A = arith.constant 0 : i32
      %dma_wait3A_496 = arith.constant 0 : i32
      %dma_wait3A_497 = tpu.memref_slice %arg7[%run_scoped3A_437, %dma_wait3A, %dma_wait3A_496] : memref<2x50x128xi32, #tpu.memory_space<vmem>> -> memref<1x50x128xi32, #tpu.memory_space<vmem>>
      %dma_wait3A_498 = tpu.memref_squeeze %dma_wait3A_497 : memref<1x50x128xi32, #tpu.memory_space<vmem>> -> memref<50x128xi32, #tpu.memory_space<vmem>>
      %dma_wait3A_499 = arith.constant 0 : i32
      %dma_wait3A_500 = arith.constant 0 : i32
      %dma_wait3A_501 = tpu.memref_slice %arg3[%add3A, %run_scoped3A_436, %dma_wait3A_499, %dma_wait3A_500] : memref<32x8x50x128xi32, #tpu.memory_space<hbm>> -> memref<1x1x50x128xi32, #tpu.memory_space<hbm>>
      %dma_wait3A_502 = tpu.memref_squeeze %dma_wait3A_501 : memref<1x1x50x128xi32, #tpu.memory_space<hbm>> -> memref<50x128xi32, #tpu.memory_space<hbm>>
      %dma_wait3A_503 = arith.constant 0 : i32
      %dma_wait3A_504 = arith.constant 0 : i32
      %dma_wait3A_505 = tpu.memref_slice %arg7[%run_scoped3A_437, %dma_wait3A_503, %dma_wait3A_504] : memref<2x50x128xi32, #tpu.memory_space<vmem>> -> memref<1x50x128xi32, #tpu.memory_space<vmem>>
      %dma_wait3A_506 = tpu.memref_squeeze %dma_wait3A_505 : memref<1x50x128xi32, #tpu.memory_space<vmem>> -> memref<50x128xi32, #tpu.memory_space<vmem>>
      %dma_wait3A_507 = arith.constant 0 : i32
      %dma_wait3A_508 = arith.constant 0 : i32
      %dma_wait3A_509 = tpu.memref_slice %arg3[%add3A, %run_scoped3A_436, %dma_wait3A_507, %dma_wait3A_508] : memref<32x8x50x128xi32, #tpu.memory_space<hbm>> -> memref<1x1x50x128xi32, #tpu.memory_space<hbm>>
      %dma_wait3A_510 = tpu.memref_squeeze %dma_wait3A_509 : memref<1x1x50x128xi32, #tpu.memory_space<hbm>> -> memref<50x128xi32, #tpu.memory_space<hbm>>
      tpu.wait_dma2 semaphore(%run_scoped3A_480 : memref<!tpu.dma_semaphore, #tpu.memory_space<semaphore_mem>>) src(%dma_wait3A_510 : memref<50x128xi32, #tpu.memory_space<hbm>>) dst(%dma_wait3A_506 : memref<50x128xi32, #tpu.memory_space<vmem>>)
      tpu.yield
    }) : () -> ()
    %scan3A_438 = arith.constant 0 : i32
    %scan3A_439 = arith.constant 0 : i32
    %scan3A_440 = arith.constant 128 : i32
    %scan3A_441 = arith.addi %scan3A_439, %scan3A_440 : i32
    %scan3A_442 = arith.constant 1 : i32
    scf.for %scan3A_480 = %scan3A_439 to %scan3A_441 step %scan3A_442  : i32 {
      %swap3A = arith.constant 1 : i32
      %swap3A_481 = arith.index_cast %swap3A : i32 to index
      %swap3A_482 = arith.index_cast %scan3A_480 : i32 to index
      %swap3A_483 = arith.constant 0 : index
      %swap3A_484 = tpu.vector_load %arg8[%swap3A_481, %swap3A_482, %swap3A_483] {strides = array<i32>} : memref<2x128x128xf32, #tpu.memory_space<vmem>>, vector<1x1x16xf32>,
      %swap3A_485 = vector.shape_cast %swap3A_484 : vector<1x1x16xf32> to vector<16xf32>
      %swap3A_486 = vector.shape_cast %broadcast_in_dim3A_1 : vector<16xf32> to vector<1x1x16xf32>
      tpu.vector_store %arg8[%swap3A_481, %swap3A_482, %swap3A_483], %swap3A_486 {strides = array<i32>} : memref<2x128x128xf32, #tpu.memory_space<vmem>>, vector<1x1x16xf32>,
      %swap3A_487 = arith.constant 1 : i32
      %swap3A_488 = arith.index_cast %swap3A_487 : i32 to index
      %swap3A_489 = arith.index_cast %scan3A_480 : i32 to index
      %swap3A_490 = arith.constant 16 : index
      %swap3A_491 = tpu.vector_load %arg8[%swap3A_488, %swap3A_489, %swap3A_490] {strides = array<i32>} : memref<2x128x128xf32, #tpu.memory_space<vmem>>, vector<1x1x16xf32>,
      %swap3A_492 = vector.shape_cast %swap3A_491 : vector<1x1x16xf32> to vector<16xf32>
      %swap3A_493 = vector.shape_cast %broadcast_in_dim3A_1 : vector<16xf32> to vector<1x1x16xf32>
      tpu.vector_store %arg8[%swap3A_488, %swap3A_489, %swap3A_490], %swap3A_493 {strides = array<i32>} : memref<2x128x128xf32, #tpu.memory_space<vmem>>, vector<1x1x16xf32>,
      %swap3A_494 = arith.constant 1 : i32
      %swap3A_495 = arith.index_cast %swap3A_494 : i32 to index
      %swap3A_496 = arith.index_cast %scan3A_480 : i32 to index
      %swap3A_497 = arith.constant 32 : index
      %swap3A_498 = tpu.vector_load %arg8[%swap3A_495, %swap3A_496, %swap3A_497] {strides = array<i32>} : memref<2x128x128xf32, #tpu.memory_space<vmem>>, vector<1x1x16xf32>,
      %swap3A_499 = vector.shape_cast %swap3A_498 : vector<1x1x16xf32> to vector<16xf32>
      %swap3A_500 = vector.shape_cast %broadcast_in_dim3A_1 : vector<16xf32> to vector<1x1x16xf32>
      tpu.vector_store %arg8[%swap3A_495, %swap3A_496, %swap3A_497], %swap3A_500 {strides = array<i32>} : memref<2x128x128xf32, #tpu.memory_space<vmem>>, vector<1x1x16xf32>,
      %swap3A_501 = arith.constant 1 : i32
      %swap3A_502 = arith.index_cast %swap3A_501 : i32 to index
      %swap3A_503 = arith.index_cast %scan3A_480 : i32 to index
      %swap3A_504 = arith.constant 48 : index
      %swap3A_505 = tpu.vector_load %arg8[%swap3A_502, %swap3A_503, %swap3A_504] {strides = array<i32>} : memref<2x128x128xf32, #tpu.memory_space<vmem>>, vector<1x1x16xf32>,
      %swap3A_506 = vector.shape_cast %swap3A_505 : vector<1x1x16xf32> to vector<16xf32>
      %swap3A_507 = vector.shape_cast %broadcast_in_dim3A_1 : vector<16xf32> to vector<1x1x16xf32>
      tpu.vector_store %arg8[%swap3A_502, %swap3A_503, %swap3A_504], %swap3A_507 {strides = array<i32>} : memref<2x128x128xf32, #tpu.memory_space<vmem>>, vector<1x1x16xf32>,
      %swap3A_508 = arith.constant 1 : i32
      %swap3A_509 = arith.index_cast %swap3A_508 : i32 to index
      %swap3A_510 = arith.index_cast %scan3A_480 : i32 to index
      %swap3A_511 = arith.constant 64 : index
      %swap3A_512 = tpu.vector_load %arg8[%swap3A_509, %swap3A_510, %swap3A_511] {strides = array<i32>} : memref<2x128x128xf32, #tpu.memory_space<vmem>>, vector<1x1x16xf32>,
      %swap3A_513 = vector.shape_cast %swap3A_512 : vector<1x1x16xf32> to vector<16xf32>
      %swap3A_514 = vector.shape_cast %broadcast_in_dim3A_1 : vector<16xf32> to vector<1x1x16xf32>
      tpu.vector_store %arg8[%swap3A_509, %swap3A_510, %swap3A_511], %swap3A_514 {strides = array<i32>} : memref<2x128x128xf32, #tpu.memory_space<vmem>>, vector<1x1x16xf32>,
      %swap3A_515 = arith.constant 1 : i32
      %swap3A_516 = arith.index_cast %swap3A_515 : i32 to index
      %swap3A_517 = arith.index_cast %scan3A_480 : i32 to index
      %swap3A_518 = arith.constant 80 : index
      %swap3A_519 = tpu.vector_load %arg8[%swap3A_516, %swap3A_517, %swap3A_518] {strides = array<i32>} : memref<2x128x128xf32, #tpu.memory_space<vmem>>, vector<1x1x16xf32>,
      %swap3A_520 = vector.shape_cast %swap3A_519 : vector<1x1x16xf32> to vector<16xf32>
      %swap3A_521 = vector.shape_cast %broadcast_in_dim3A_1 : vector<16xf32> to vector<1x1x16xf32>
      tpu.vector_store %arg8[%swap3A_516, %swap3A_517, %swap3A_518], %swap3A_521 {strides = array<i32>} : memref<2x128x128xf32, #tpu.memory_space<vmem>>, vector<1x1x16xf32>,
      %swap3A_522 = arith.constant 1 : i32
      %swap3A_523 = arith.index_cast %swap3A_522 : i32 to index
      %swap3A_524 = arith.index_cast %scan3A_480 : i32 to index
      %swap3A_525 = arith.constant 96 : index
      %swap3A_526 = tpu.vector_load %arg8[%swap3A_523, %swap3A_524, %swap3A_525] {strides = array<i32>} : memref<2x128x128xf32, #tpu.memory_space<vmem>>, vector<1x1x16xf32>,
      %swap3A_527 = vector.shape_cast %swap3A_526 : vector<1x1x16xf32> to vector<16xf32>
      %swap3A_528 = vector.shape_cast %broadcast_in_dim3A_1 : vector<16xf32> to vector<1x1x16xf32>
      tpu.vector_store %arg8[%swap3A_523, %swap3A_524, %swap3A_525], %swap3A_528 {strides = array<i32>} : memref<2x128x128xf32, #tpu.memory_space<vmem>>, vector<1x1x16xf32>,
      %swap3A_529 = arith.constant 1 : i32
      %swap3A_530 = arith.index_cast %swap3A_529 : i32 to index
      %swap3A_531 = arith.index_cast %scan3A_480 : i32 to index
      %swap3A_532 = arith.constant 112 : index
      %swap3A_533 = tpu.vector_load %arg8[%swap3A_530, %swap3A_531, %swap3A_532] {strides = array<i32>} : memref<2x128x128xf32, #tpu.memory_space<vmem>>, vector<1x1x16xf32>,
      %swap3A_534 = vector.shape_cast %swap3A_533 : vector<1x1x16xf32> to vector<16xf32>
      %swap3A_535 = vector.shape_cast %broadcast_in_dim3A_1 : vector<16xf32> to vector<1x1x16xf32>
      tpu.vector_store %arg8[%swap3A_530, %swap3A_531, %swap3A_532], %swap3A_535 {strides = array<i32>} : memref<2x128x128xf32, #tpu.memory_space<vmem>>, vector<1x1x16xf32>,
    }
    %scan3A_443 = arith.constant 128 : i32
    %scan3A_444 = arith.constant 0 : i32
    %scan3A_445 = arith.constant 1 : i32
    %scan3A_446 = arith.constant 1 : i32
    %scan3A_447 = arith.constant 0 : i32
    %scan3A_448 = arith.constant 50 : i32
    %scan3A_449 = arith.addi %scan3A_447, %scan3A_448 : i32
    %scan3A_450 = arith.constant 1 : i32
    scf.for %scan3A_480 = %scan3A_447 to %scan3A_449 step %scan3A_450  : i32 {
      %dma_start3A = arith.constant 0 : i32
      %dma_start3A_481 = arith.constant 0 : i32
      %dma_start3A_482 = tpu.memref_slice %arg8[%scan3A_446, %dma_start3A, %dma_start3A_481] : memref<2x128x128xf32, #tpu.memory_space<vmem>> -> memref<1x128x128xf32, #tpu.memory_space<vmem>>
      %dma_start3A_483 = tpu.memref_squeeze %dma_start3A_482 : memref<1x128x128xf32, #tpu.memory_space<vmem>> -> memref<128x128xf32, #tpu.memory_space<vmem>>
      %dma_start3A_484 = arith.constant 0 : i32
      %dma_start3A_485 = arith.constant 0 : i32
      %dma_start3A_486 = tpu.memref_slice %arg7[%scan3A_445, %dma_start3A_484, %dma_start3A_485] : memref<2x50x128xi32, #tpu.memory_space<vmem>> -> memref<1x50x128xi32, #tpu.memory_space<vmem>>
      %dma_start3A_487 = tpu.memref_squeeze %dma_start3A_486 : memref<1x50x128xi32, #tpu.memory_space<vmem>> -> memref<50x128xi32, #tpu.memory_space<vmem>>
      %dma_start3A_488 = arith.constant 0 : i32
      %dma_start3A_489 = tpu.memref_slice %dma_start3A_487[%scan3A_480, %dma_start3A_488] : memref<50x128xi32, #tpu.memory_space<vmem>> -> memref<1x128xi32, #tpu.memory_space<vmem>>
      %dma_start3A_490 = tpu.memref_squeeze %dma_start3A_489 : memref<1x128xi32, #tpu.memory_space<vmem>> -> memref<128xi32, #tpu.memory_space<vmem>>
      %dma_start3A_491 = arith.constant 0 : i32
      %dma_start3A_492 = arith.constant 0 : i32
      %dma_start3A_493 = tpu.memref_slice %arg5[%dma_start3A_491, %dma_start3A_492] : memref<100000x128xf32, #tpu.memory_space<hbm>> -> memref<100000x128xf32, #tpu.memory_space<hbm>>
      tpu.enqueue_indirect_dma source(%dma_start3A_493 : memref<100000x128xf32, #tpu.memory_space<hbm>>) target(%dma_start3A_483 : memref<128x128xf32, #tpu.memory_space<vmem>>) offsets(%dma_start3A_490 : memref<128xi32, #tpu.memory_space<vmem>>) semaphore(%arg10 : memref<!tpu.dma_semaphore, #tpu.memory_space<semaphore_mem>>) {add = true}
    }
    %scan3A_451 = arith.constant 50 : i32
    %scan3A_452 = arith.constant 0 : i32
    %scan3A_453 = arith.constant 0 : i32
    %scan3A_454 = arith.constant 0 : i32
    %scan3A_455 = arith.constant 0 : i32
    %scan3A_456 = arith.constant 50 : i32
    %scan3A_457 = arith.addi %scan3A_455, %scan3A_456 : i32
    %scan3A_458 = arith.constant 1 : i32
    scf.for %scan3A_480 = %scan3A_455 to %scan3A_457 step %scan3A_458  : i32 {
      %dma_wait3A = arith.constant 0 : i32
      %dma_wait3A_481 = arith.constant 0 : i32
      %dma_wait3A_482 = arith.constant 0 : i32
      %dma_wait3A_483 = tpu.memref_slice %arg8[%scan3A_454, %dma_wait3A_481, %dma_wait3A_482] : memref<2x128x128xf32, #tpu.memory_space<vmem>> -> memref<1x128x128xf32, #tpu.memory_space<vmem>>
      %dma_wait3A_484 = tpu.memref_squeeze %dma_wait3A_483 : memref<1x128x128xf32, #tpu.memory_space<vmem>> -> memref<128x128xf32, #tpu.memory_space<vmem>>
      %dma_wait3A_485 = arith.constant 0 : i32
      %dma_wait3A_486 = arith.constant 0 : i32
      %dma_wait3A_487 = tpu.memref_slice %arg7[%scan3A_453, %dma_wait3A_485, %dma_wait3A_486] : memref<2x50x128xi32, #tpu.memory_space<vmem>> -> memref<1x50x128xi32, #tpu.memory_space<vmem>>
      %dma_wait3A_488 = tpu.memref_squeeze %dma_wait3A_487 : memref<1x50x128xi32, #tpu.memory_space<vmem>> -> memref<50x128xi32, #tpu.memory_space<vmem>>
      %dma_wait3A_489 = arith.constant 0 : i32
      %dma_wait3A_490 = tpu.memref_slice %dma_wait3A_488[%dma_wait3A, %dma_wait3A_489] : memref<50x128xi32, #tpu.memory_space<vmem>> -> memref<1x128xi32, #tpu.memory_space<vmem>>
      %dma_wait3A_491 = tpu.memref_squeeze %dma_wait3A_490 : memref<1x128xi32, #tpu.memory_space<vmem>> -> memref<128xi32, #tpu.memory_space<vmem>>
      %dma_wait3A_492 = arith.constant 0 : i32
      %dma_wait3A_493 = arith.constant 0 : i32
      %dma_wait3A_494 = tpu.memref_slice %arg5[%dma_wait3A_492, %dma_wait3A_493] : memref<100000x128xf32, #tpu.memory_space<hbm>> -> memref<100000x128xf32, #tpu.memory_space<hbm>>
      tpu.wait_indirect_dma semaphore(%arg9 : memref<!tpu.dma_semaphore, #tpu.memory_space<semaphore_mem>>) src(%dma_wait3A_494 : memref<100000x128xf32, #tpu.memory_space<hbm>>) dst(%dma_wait3A_484 : memref<128x128xf32, #tpu.memory_space<vmem>>)
    }
    %scan3A_459 = arith.constant 50 : i32
    %mul3A_460 = arith.constant 512 : i32
    %mul3A_461 = arith.muli %add3A, %mul3A_460 : i32
    %add3A_462 = arith.constant 256 : i32
    %add3A_463 = arith.addi %mul3A_461, %add3A_462 : i32
    %run_scoped3A_464 = arith.constant 0 : i32
    %run_scoped3A_465 = arith.constant 3 : i32
    "tpu.region"() ({
      %run_scoped3A_480 = tpu.sem_alloc : memref<!tpu.dma_semaphore, #tpu.memory_space<semaphore_mem>>
      %dma_start3A = arith.constant 0 : i32
      %dma_start3A_481 = arith.constant 0 : i32
      %dma_start3A_482 = tpu.memref_slice %arg8[%run_scoped3A_464, %dma_start3A, %dma_start3A_481] : memref<2x128x128xf32, #tpu.memory_space<vmem>> -> memref<1x128x128xf32, #tpu.memory_space<vmem>>
      %dma_start3A_483 = tpu.memref_squeeze %dma_start3A_482 : memref<1x128x128xf32, #tpu.memory_space<vmem>> -> memref<128x128xf32, #tpu.memory_space<vmem>>
      %dma_start3A_484 = arith.constant 0 : i32
      %dma_start3A_485 = tpu.memref_slice %arg6[%run_scoped3A_465, %add3A_463, %dma_start3A_484] : memref<4x16384x128xf32, #tpu.memory_space<hbm>> -> memref<1x128x128xf32, #tpu.memory_space<hbm>>
      %dma_start3A_486 = tpu.memref_squeeze %dma_start3A_485 : memref<1x128x128xf32, #tpu.memory_space<hbm>> -> memref<128x128xf32, #tpu.memory_space<hbm>>
      %dma_start3A_487 = arith.constant 0 : i32
      %dma_start3A_488 = tpu.memref_slice %arg6[%run_scoped3A_465, %add3A_463, %dma_start3A_487] : memref<4x16384x128xf32, #tpu.memory_space<hbm>> -> memref<1x128x128xf32, #tpu.memory_space<hbm>>
      %dma_start3A_489 = tpu.memref_squeeze %dma_start3A_488 : memref<1x128x128xf32, #tpu.memory_space<hbm>> -> memref<128x128xf32, #tpu.memory_space<hbm>>
      %dma_start3A_490 = arith.constant 0 : i32
      %dma_start3A_491 = arith.constant 0 : i32
      %dma_start3A_492 = tpu.memref_slice %arg8[%run_scoped3A_464, %dma_start3A_490, %dma_start3A_491] : memref<2x128x128xf32, #tpu.memory_space<vmem>> -> memref<1x128x128xf32, #tpu.memory_space<vmem>>
      %dma_start3A_493 = tpu.memref_squeeze %dma_start3A_492 : memref<1x128x128xf32, #tpu.memory_space<vmem>> -> memref<128x128xf32, #tpu.memory_space<vmem>>
      tpu.enqueue_dma source(%dma_start3A_493 : memref<128x128xf32, #tpu.memory_space<vmem>>) target(%dma_start3A_489 : memref<128x128xf32, #tpu.memory_space<hbm>>) target_semaphore(%run_scoped3A_480 : memref<!tpu.dma_semaphore, #tpu.memory_space<semaphore_mem>>)
      %dma_wait3A = arith.constant 0 : i32
      %dma_wait3A_494 = arith.constant 0 : i32
      %dma_wait3A_495 = tpu.memref_slice %arg8[%run_scoped3A_464, %dma_wait3A, %dma_wait3A_494] : memref<2x128x128xf32, #tpu.memory_space<vmem>> -> memref<1x128x128xf32, #tpu.memory_space<vmem>>
      %dma_wait3A_496 = tpu.memref_squeeze %dma_wait3A_495 : memref<1x128x128xf32, #tpu.memory_space<vmem>> -> memref<128x128xf32, #tpu.memory_space<vmem>>
      %dma_wait3A_497 = arith.constant 0 : i32
      %dma_wait3A_498 = tpu.memref_slice %arg6[%run_scoped3A_465, %add3A_463, %dma_wait3A_497] : memref<4x16384x128xf32, #tpu.memory_space<hbm>> -> memref<1x128x128xf32, #tpu.memory_space<hbm>>
      %dma_wait3A_499 = tpu.memref_squeeze %dma_wait3A_498 : memref<1x128x128xf32, #tpu.memory_space<hbm>> -> memref<128x128xf32, #tpu.memory_space<hbm>>
      %dma_wait3A_500 = arith.constant 0 : i32
      %dma_wait3A_501 = tpu.memref_slice %arg6[%run_scoped3A_465, %add3A_463, %dma_wait3A_500] : memref<4x16384x128xf32, #tpu.memory_space<hbm>> -> memref<1x128x128xf32, #tpu.memory_space<hbm>>
      %dma_wait3A_502 = tpu.memref_squeeze %dma_wait3A_501 : memref<1x128x128xf32, #tpu.memory_space<hbm>> -> memref<128x128xf32, #tpu.memory_space<hbm>>
      %dma_wait3A_503 = arith.constant 0 : i32
      %dma_wait3A_504 = arith.constant 0 : i32
      %dma_wait3A_505 = tpu.memref_slice %arg8[%run_scoped3A_464, %dma_wait3A_503, %dma_wait3A_504] : memref<2x128x128xf32, #tpu.memory_space<vmem>> -> memref<1x128x128xf32, #tpu.memory_space<vmem>>
      %dma_wait3A_506 = tpu.memref_squeeze %dma_wait3A_505 : memref<1x128x128xf32, #tpu.memory_space<vmem>> -> memref<128x128xf32, #tpu.memory_space<vmem>>
      tpu.wait_dma2 semaphore(%run_scoped3A_480 : memref<!tpu.dma_semaphore, #tpu.memory_space<semaphore_mem>>) src(%dma_wait3A_506 : memref<128x128xf32, #tpu.memory_space<vmem>>) dst(%dma_wait3A_502 : memref<128x128xf32, #tpu.memory_space<hbm>>)
      tpu.yield
    }) : () -> ()
    %scan3A_466 = arith.constant 0 : i32
    %scan3A_467 = arith.constant 1 : i32
    %scan3A_468 = arith.constant 1 : i32
    %scan3A_469 = arith.constant 0 : i32
    %scan3A_470 = arith.constant 50 : i32
    %scan3A_471 = arith.addi %scan3A_469, %scan3A_470 : i32
    %scan3A_472 = arith.constant 1 : i32
    scf.for %scan3A_480 = %scan3A_469 to %scan3A_471 step %scan3A_472  : i32 {
      %dma_wait3A = arith.constant 0 : i32
      %dma_wait3A_481 = arith.constant 0 : i32
      %dma_wait3A_482 = arith.constant 0 : i32
      %dma_wait3A_483 = tpu.memref_slice %arg8[%scan3A_468, %dma_wait3A_481, %dma_wait3A_482] : memref<2x128x128xf32, #tpu.memory_space<vmem>> -> memref<1x128x128xf32, #tpu.memory_space<vmem>>
      %dma_wait3A_484 = tpu.memref_squeeze %dma_wait3A_483 : memref<1x128x128xf32, #tpu.memory_space<vmem>> -> memref<128x128xf32, #tpu.memory_space<vmem>>
      %dma_wait3A_485 = arith.constant 0 : i32
      %dma_wait3A_486 = arith.constant 0 : i32
      %dma_wait3A_487 = tpu.memref_slice %arg7[%scan3A_467, %dma_wait3A_485, %dma_wait3A_486] : memref<2x50x128xi32, #tpu.memory_space<vmem>> -> memref<1x50x128xi32, #tpu.memory_space<vmem>>
      %dma_wait3A_488 = tpu.memref_squeeze %dma_wait3A_487 : memref<1x50x128xi32, #tpu.memory_space<vmem>> -> memref<50x128xi32, #tpu.memory_space<vmem>>
      %dma_wait3A_489 = arith.constant 0 : i32
      %dma_wait3A_490 = tpu.memref_slice %dma_wait3A_488[%dma_wait3A, %dma_wait3A_489] : memref<50x128xi32, #tpu.memory_space<vmem>> -> memref<1x128xi32, #tpu.memory_space<vmem>>
      %dma_wait3A_491 = tpu.memref_squeeze %dma_wait3A_490 : memref<1x128xi32, #tpu.memory_space<vmem>> -> memref<128xi32, #tpu.memory_space<vmem>>
      %dma_wait3A_492 = arith.constant 0 : i32
      %dma_wait3A_493 = arith.constant 0 : i32
      %dma_wait3A_494 = tpu.memref_slice %arg5[%dma_wait3A_492, %dma_wait3A_493] : memref<100000x128xf32, #tpu.memory_space<hbm>> -> memref<100000x128xf32, #tpu.memory_space<hbm>>
      tpu.wait_indirect_dma semaphore(%arg10 : memref<!tpu.dma_semaphore, #tpu.memory_space<semaphore_mem>>) src(%dma_wait3A_494 : memref<100000x128xf32, #tpu.memory_space<hbm>>) dst(%dma_wait3A_484 : memref<128x128xf32, #tpu.memory_space<vmem>>)
    }
    %scan3A_473 = arith.constant 50 : i32
    %mul3A_474 = arith.constant 512 : i32
    %mul3A_475 = arith.muli %add3A, %mul3A_474 : i32
    %add3A_476 = arith.constant 384 : i32
    %add3A_477 = arith.addi %mul3A_475, %add3A_476 : i32
    %run_scoped3A_478 = arith.constant 1 : i32
    %run_scoped3A_479 = arith.constant 3 : i32
    "tpu.region"() ({
      %run_scoped3A_480 = tpu.sem_alloc : memref<!tpu.dma_semaphore, #tpu.memory_space<semaphore_mem>>
      %dma_start3A = arith.constant 0 : i32
      %dma_start3A_481 = arith.constant 0 : i32
      %dma_start3A_482 = tpu.memref_slice %arg8[%run_scoped3A_478, %dma_start3A, %dma_start3A_481] : memref<2x128x128xf32, #tpu.memory_space<vmem>> -> memref<1x128x128xf32, #tpu.memory_space<vmem>>
      %dma_start3A_483 = tpu.memref_squeeze %dma_start3A_482 : memref<1x128x128xf32, #tpu.memory_space<vmem>> -> memref<128x128xf32, #tpu.memory_space<vmem>>
      %dma_start3A_484 = arith.constant 0 : i32
      %dma_start3A_485 = tpu.memref_slice %arg6[%run_scoped3A_479, %add3A_477, %dma_start3A_484] : memref<4x16384x128xf32, #tpu.memory_space<hbm>> -> memref<1x128x128xf32, #tpu.memory_space<hbm>>
      %dma_start3A_486 = tpu.memref_squeeze %dma_start3A_485 : memref<1x128x128xf32, #tpu.memory_space<hbm>> -> memref<128x128xf32, #tpu.memory_space<hbm>>
      %dma_start3A_487 = arith.constant 0 : i32
      %dma_start3A_488 = tpu.memref_slice %arg6[%run_scoped3A_479, %add3A_477, %dma_start3A_487] : memref<4x16384x128xf32, #tpu.memory_space<hbm>> -> memref<1x128x128xf32, #tpu.memory_space<hbm>>
      %dma_start3A_489 = tpu.memref_squeeze %dma_start3A_488 : memref<1x128x128xf32, #tpu.memory_space<hbm>> -> memref<128x128xf32, #tpu.memory_space<hbm>>
      %dma_start3A_490 = arith.constant 0 : i32
      %dma_start3A_491 = arith.constant 0 : i32
      %dma_start3A_492 = tpu.memref_slice %arg8[%run_scoped3A_478, %dma_start3A_490, %dma_start3A_491] : memref<2x128x128xf32, #tpu.memory_space<vmem>> -> memref<1x128x128xf32, #tpu.memory_space<vmem>>
      %dma_start3A_493 = tpu.memref_squeeze %dma_start3A_492 : memref<1x128x128xf32, #tpu.memory_space<vmem>> -> memref<128x128xf32, #tpu.memory_space<vmem>>
      tpu.enqueue_dma source(%dma_start3A_493 : memref<128x128xf32, #tpu.memory_space<vmem>>) target(%dma_start3A_489 : memref<128x128xf32, #tpu.memory_space<hbm>>) target_semaphore(%run_scoped3A_480 : memref<!tpu.dma_semaphore, #tpu.memory_space<semaphore_mem>>)
      %dma_wait3A = arith.constant 0 : i32
      %dma_wait3A_494 = arith.constant 0 : i32
      %dma_wait3A_495 = tpu.memref_slice %arg8[%run_scoped3A_478, %dma_wait3A, %dma_wait3A_494] : memref<2x128x128xf32, #tpu.memory_space<vmem>> -> memref<1x128x128xf32, #tpu.memory_space<vmem>>
      %dma_wait3A_496 = tpu.memref_squeeze %dma_wait3A_495 : memref<1x128x128xf32, #tpu.memory_space<vmem>> -> memref<128x128xf32, #tpu.memory_space<vmem>>
      %dma_wait3A_497 = arith.constant 0 : i32
      %dma_wait3A_498 = tpu.memref_slice %arg6[%run_scoped3A_479, %add3A_477, %dma_wait3A_497] : memref<4x16384x128xf32, #tpu.memory_space<hbm>> -> memref<1x128x128xf32, #tpu.memory_space<hbm>>
      %dma_wait3A_499 = tpu.memref_squeeze %dma_wait3A_498 : memref<1x128x128xf32, #tpu.memory_space<hbm>> -> memref<128x128xf32, #tpu.memory_space<hbm>>
      %dma_wait3A_500 = arith.constant 0 : i32
      %dma_wait3A_501 = tpu.memref_slice %arg6[%run_scoped3A_479, %add3A_477, %dma_wait3A_500] : memref<4x16384x128xf32, #tpu.memory_space<hbm>> -> memref<1x128x128xf32, #tpu.memory_space<hbm>>
      %dma_wait3A_502 = tpu.memref_squeeze %dma_wait3A_501 : memref<1x128x128xf32, #tpu.memory_space<hbm>> -> memref<128x128xf32, #tpu.memory_space<hbm>>
      %dma_wait3A_503 = arith.constant 0 : i32
      %dma_wait3A_504 = arith.constant 0 : i32
      %dma_wait3A_505 = tpu.memref_slice %arg8[%run_scoped3A_478, %dma_wait3A_503, %dma_wait3A_504] : memref<2x128x128xf32, #tpu.memory_space<vmem>> -> memref<1x128x128xf32, #tpu.memory_space<vmem>>
      %dma_wait3A_506 = tpu.memref_squeeze %dma_wait3A_505 : memref<1x128x128xf32, #tpu.memory_space<vmem>> -> memref<128x128xf32, #tpu.memory_space<vmem>>
      tpu.wait_dma2 semaphore(%run_scoped3A_480 : memref<!tpu.dma_semaphore, #tpu.memory_space<semaphore_mem>>) src(%dma_wait3A_506 : memref<128x128xf32, #tpu.memory_space<vmem>>) dst(%dma_wait3A_502 : memref<128x128xf32, #tpu.memory_space<hbm>>)
      tpu.yield
    }) : () -> ()
    return
  }
}

module attributes {stable_mosaic.version = 14 : i64} {
  func.func @_mlp_body(%arg0: i32, %arg1: memref<4x2048x128xf32, #tpu.memory_space<vmem>>, %arg2: memref<128x128xbf16, #tpu.memory_space<vmem>>, %arg3: memref<128x128xbf16, #tpu.memory_space<vmem>>, %arg4: memref<1x128xf32, #tpu.memory_space<vmem>>, %arg5: memref<256x128xbf16, #tpu.memory_space<vmem>>, %arg6: memref<256x128xbf16, #tpu.memory_space<vmem>>, %arg7: memref<1x256xf32, #tpu.memory_space<vmem>>, %arg8: memref<1000x256xbf16, #tpu.memory_space<vmem>>, %arg9: memref<1x1000xf32, #tpu.memory_space<vmem>>, %arg10: memref<2048x1000xf32, #tpu.memory_space<vmem>>) attributes {dimension_semantics = [#tpu.dimension_semantics<arbitrary>], iteration_bounds = array<i64: 8>, scalar_prefetch = 0 : i64, scratch_operands = 0 : i64, tpu.core_type = #tpu.core_type<tc>, window_params = [{transform_indices = @transform_0, window_bounds = array<i64: 4, 2048, 128>}, {pipeline_mode = #tpu.pipeline_mode<synchronous>, transform_indices = @transform_1, window_bounds = array<i64: 128, 128>}, {pipeline_mode = #tpu.pipeline_mode<synchronous>, transform_indices = @transform_2, window_bounds = array<i64: 128, 128>}, {pipeline_mode = #tpu.pipeline_mode<synchronous>, transform_indices = @transform_3, window_bounds = array<i64: 1, 128>}, {pipeline_mode = #tpu.pipeline_mode<synchronous>, transform_indices = @transform_4, window_bounds = array<i64: 256, 128>}, {pipeline_mode = #tpu.pipeline_mode<synchronous>, transform_indices = @transform_5, window_bounds = array<i64: 256, 128>}, {pipeline_mode = #tpu.pipeline_mode<synchronous>, transform_indices = @transform_6, window_bounds = array<i64: 1, 256>}, {pipeline_mode = #tpu.pipeline_mode<synchronous>, transform_indices = @transform_7, window_bounds = array<i64: 1000, 256>}, {pipeline_mode = #tpu.pipeline_mode<synchronous>, transform_indices = @transform_8, window_bounds = array<i64: 1, 1000>}, {transform_indices = @transform_9, window_bounds = array<i64: 2048, 1000>}]} {
    %get3A = arith.constant 0 : index
    %get3A_0 = arith.constant 0 : index
    %get3A_1 = arith.constant 0 : index
    %get3A_2 = vector.load %arg1[%get3A, %get3A_0, %get3A_1] : memref<4x2048x128xf32, #tpu.memory_space<vmem>>, vector<1x2048x128xf32>
    %get3A_3 = vector.shape_cast %get3A_2 : vector<1x2048x128xf32> to vector<2048x128xf32>
    %convert_element_type3A = arith.truncf %get3A_3 : vector<2048x128xf32> to vector<2048x128xbf16>
    %get3A_4 = arith.constant 1 : index
    %get3A_5 = arith.constant 0 : index
    %get3A_6 = arith.constant 0 : index
    %get3A_7 = vector.load %arg1[%get3A_4, %get3A_5, %get3A_6] : memref<4x2048x128xf32, #tpu.memory_space<vmem>>, vector<1x2048x128xf32>
    %get3A_8 = vector.shape_cast %get3A_7 : vector<1x2048x128xf32> to vector<2048x128xf32>
    %convert_element_type3A_9 = arith.truncf %get3A_8 : vector<2048x128xf32> to vector<2048x128xbf16>
    %get3A_10 = arith.constant 2 : index
    %get3A_11 = arith.constant 0 : index
    %get3A_12 = arith.constant 0 : index
    %get3A_13 = vector.load %arg1[%get3A_10, %get3A_11, %get3A_12] : memref<4x2048x128xf32, #tpu.memory_space<vmem>>, vector<1x2048x128xf32>
    %get3A_14 = vector.shape_cast %get3A_13 : vector<1x2048x128xf32> to vector<2048x128xf32>
    %convert_element_type3A_15 = arith.truncf %get3A_14 : vector<2048x128xf32> to vector<2048x128xbf16>
    %get3A_16 = arith.constant 3 : index
    %get3A_17 = arith.constant 0 : index
    %get3A_18 = arith.constant 0 : index
    %get3A_19 = vector.load %arg1[%get3A_16, %get3A_17, %get3A_18] : memref<4x2048x128xf32, #tpu.memory_space<vmem>>, vector<1x2048x128xf32>
    %get3A_20 = vector.shape_cast %get3A_19 : vector<1x2048x128xf32> to vector<2048x128xf32>
    %convert_element_type3A_21 = arith.truncf %get3A_20 : vector<2048x128xf32> to vector<2048x128xbf16>
    %get3A_22 = arith.constant 0 : index
    %get3A_23 = arith.constant 0 : index
    %get3A_24 = vector.load %arg2[%get3A_22, %get3A_23] : memref<128x128xbf16, #tpu.memory_space<vmem>>, vector<128x128xbf16>
    %dot_general3A = arith.constant dense<0.000000e+00> : vector<2048x128xf32>
    %dot_general3A_25 = tpu.matmul %convert_element_type3A, %get3A_24, %dot_general3A {dimension_numbers = #tpu.dot_dimension_numbers<[1], [1], [0], [0], [0, 0, 1, 0], [], []>, transpose_lhs_hint = false} : vector<2048x128xbf16>, vector<128x128xbf16>, vector<2048x128xf32> -> vector<2048x128xf32>
    %get3A_26 = arith.constant 0 : index
    %get3A_27 = arith.constant 0 : index
    %get3A_28 = vector.load %arg3[%get3A_26, %get3A_27] : memref<128x128xbf16, #tpu.memory_space<vmem>>, vector<128x128xbf16>
    %dot_general3A_29 = arith.constant dense<0.000000e+00> : vector<2048x128xf32>
    %dot_general3A_30 = tpu.matmul %convert_element_type3A_15, %get3A_28, %dot_general3A_29 {dimension_numbers = #tpu.dot_dimension_numbers<[1], [1], [0], [0], [0, 0, 1, 0], [], []>, transpose_lhs_hint = false} : vector<2048x128xbf16>, vector<128x128xbf16>, vector<2048x128xf32> -> vector<2048x128xf32>
    %add3A = arith.addf %dot_general3A_25, %dot_general3A_30 : vector<2048x128xf32>
    %get3A_31 = arith.constant 0 : index
    %get3A_32 = arith.constant 0 : index
    %get3A_33 = vector.load %arg4[%get3A_31, %get3A_32] : memref<1x128xf32, #tpu.memory_space<vmem>>, vector<1x128xf32>
    %add3A_34 = vector.broadcast %get3A_33 : vector<1x128xf32> to vector<2048x128xf32>
    %add3A_35 = arith.addf %add3A, %add3A_34 : vector<2048x128xf32>
    %get3A_36 = arith.constant 0 : index
    %get3A_37 = arith.constant 0 : index
    %get3A_38 = vector.load %arg2[%get3A_36, %get3A_37] : memref<128x128xbf16, #tpu.memory_space<vmem>>, vector<128x128xbf16>
    %dot_general3A_39 = arith.constant dense<0.000000e+00> : vector<2048x128xf32>
    %dot_general3A_40 = tpu.matmul %convert_element_type3A_9, %get3A_38, %dot_general3A_39 {dimension_numbers = #tpu.dot_dimension_numbers<[1], [1], [0], [0], [0, 0, 1, 0], [], []>, transpose_lhs_hint = false} : vector<2048x128xbf16>, vector<128x128xbf16>, vector<2048x128xf32> -> vector<2048x128xf32>
    %get3A_41 = arith.constant 0 : index
    %get3A_42 = arith.constant 0 : index
    %get3A_43 = vector.load %arg3[%get3A_41, %get3A_42] : memref<128x128xbf16, #tpu.memory_space<vmem>>, vector<128x128xbf16>
    %dot_general3A_44 = arith.constant dense<0.000000e+00> : vector<2048x128xf32>
    %dot_general3A_45 = tpu.matmul %convert_element_type3A_21, %get3A_43, %dot_general3A_44 {dimension_numbers = #tpu.dot_dimension_numbers<[1], [1], [0], [0], [0, 0, 1, 0], [], []>, transpose_lhs_hint = false} : vector<2048x128xbf16>, vector<128x128xbf16>, vector<2048x128xf32> -> vector<2048x128xf32>
    %add3A_46 = arith.addf %dot_general3A_40, %dot_general3A_45 : vector<2048x128xf32>
    %get3A_47 = arith.constant 0 : index
    %get3A_48 = arith.constant 0 : index
    %get3A_49 = vector.load %arg4[%get3A_47, %get3A_48] : memref<1x128xf32, #tpu.memory_space<vmem>>, vector<1x128xf32>
    %add3A_50 = vector.broadcast %get3A_49 : vector<1x128xf32> to vector<2048x128xf32>
    %add3A_51 = arith.addf %add3A_46, %add3A_50 : vector<2048x128xf32>
    %convert_element_type3A_52 = arith.truncf %add3A_35 : vector<2048x128xf32> to vector<2048x128xbf16>
    %get3A_53 = arith.constant 0 : index
    %get3A_54 = arith.constant 0 : index
    %get3A_55 = vector.load %arg5[%get3A_53, %get3A_54] : memref<256x128xbf16, #tpu.memory_space<vmem>>, vector<256x128xbf16>
    %dot_general3A_56 = arith.constant dense<0.000000e+00> : vector<2048x256xf32>
    %dot_general3A_57 = tpu.matmul %convert_element_type3A_52, %get3A_55, %dot_general3A_56 {dimension_numbers = #tpu.dot_dimension_numbers<[1], [1], [0], [0], [0, 0, 1, 0], [], []>, transpose_lhs_hint = false} : vector<2048x128xbf16>, vector<256x128xbf16>, vector<2048x256xf32> -> vector<2048x256xf32>
    %convert_element_type3A_58 = arith.truncf %add3A_51 : vector<2048x128xf32> to vector<2048x128xbf16>
    %get3A_59 = arith.constant 0 : index
    %get3A_60 = arith.constant 0 : index
    %get3A_61 = vector.load %arg6[%get3A_59, %get3A_60] : memref<256x128xbf16, #tpu.memory_space<vmem>>, vector<256x128xbf16>
    %dot_general3A_62 = arith.constant dense<0.000000e+00> : vector<2048x256xf32>
    %dot_general3A_63 = tpu.matmul %convert_element_type3A_58, %get3A_61, %dot_general3A_62 {dimension_numbers = #tpu.dot_dimension_numbers<[1], [1], [0], [0], [0, 0, 1, 0], [], []>, transpose_lhs_hint = false} : vector<2048x128xbf16>, vector<256x128xbf16>, vector<2048x256xf32> -> vector<2048x256xf32>
    %add3A_64 = arith.addf %dot_general3A_57, %dot_general3A_63 : vector<2048x256xf32>
    %get3A_65 = arith.constant 0 : index
    %get3A_66 = arith.constant 0 : index
    %get3A_67 = vector.load %arg7[%get3A_65, %get3A_66] : memref<1x256xf32, #tpu.memory_space<vmem>>, vector<1x256xf32>
    %add3A_68 = vector.broadcast %get3A_67 : vector<1x256xf32> to vector<2048x256xf32>
    %add3A_69 = arith.addf %add3A_64, %add3A_68 : vector<2048x256xf32>
    %max3A = arith.constant 0.000000e+00 : f32
    %max3A_70 = vector.broadcast %max3A : f32 to vector<2048x256xf32>
    %max3A_71 = arith.maximumf %add3A_69, %max3A_70 : vector<2048x256xf32>
    %convert_element_type3A_72 = arith.truncf %max3A_71 : vector<2048x256xf32> to vector<2048x256xbf16>
    %get3A_73 = arith.constant 0 : index
    %get3A_74 = arith.constant 0 : index
    %get3A_75 = vector.load %arg8[%get3A_73, %get3A_74] : memref<1000x256xbf16, #tpu.memory_space<vmem>>, vector<1000x256xbf16>
    %dot_general3A_76 = arith.constant dense<0.000000e+00> : vector<2048x1000xf32>
    %dot_general3A_77 = tpu.matmul %convert_element_type3A_72, %get3A_75, %dot_general3A_76 {dimension_numbers = #tpu.dot_dimension_numbers<[1], [1], [0], [0], [0, 0, 1, 0], [], []>, transpose_lhs_hint = false} : vector<2048x256xbf16>, vector<1000x256xbf16>, vector<2048x1000xf32> -> vector<2048x1000xf32>
    %get3A_78 = arith.constant 0 : index
    %get3A_79 = arith.constant 0 : index
    %get3A_80 = vector.load %arg9[%get3A_78, %get3A_79] : memref<1x1000xf32, #tpu.memory_space<vmem>>, vector<1x1000xf32>
    %add3A_81 = vector.broadcast %get3A_80 : vector<1x1000xf32> to vector<2048x1000xf32>
    %add3A_82 = arith.addf %dot_general3A_77, %add3A_81 : vector<2048x1000xf32>
    %logistic3A = arith.negf %add3A_82 : vector<2048x1000xf32>
    %logistic3A_83 = math.exp %logistic3A : vector<2048x1000xf32>
    %logistic3A_84 = arith.constant 1.000000e+00 : f32
    %logistic3A_85 = vector.broadcast %logistic3A_84 : f32 to vector<2048x1000xf32>
    %logistic3A_86 = arith.addf %logistic3A_85, %logistic3A_83 : vector<2048x1000xf32>
    %logistic3A_87 = arith.divf %logistic3A_85, %logistic3A_86 : vector<2048x1000xf32>
    %swap3A = arith.constant 0 : index
    %swap3A_88 = arith.constant 0 : index
    %swap3A_89 = vector.load %arg10[%swap3A, %swap3A_88] : memref<2048x1000xf32, #tpu.memory_space<vmem>>, vector<2048x1000xf32>
    tpu.vector_store %arg10[%swap3A, %swap3A_88], %logistic3A_87 {strides = array<i32>} : memref<2048x1000xf32, #tpu.memory_space<vmem>>, vector<2048x1000xf32>,
    return
  }
  func.func @transform_0(%arg0: i32) -> (i32, i32, i32) {
    %c0_i32 = arith.constant 0 : i32
    %c0_i32_0 = arith.constant 0 : i32
    %c0_i32_1 = arith.constant 0 : i32
    return %c0_i32, %arg0, %c0_i32_0 : i32, i32, i32
  }
  func.func @transform_1(%arg0: i32) -> (i32, i32) {
    %c0_i32 = arith.constant 0 : i32
    %c0_i32_0 = arith.constant 0 : i32
    %c0_i32_1 = arith.constant 0 : i32
    return %c0_i32, %c0_i32_0 : i32, i32
  }
  func.func @transform_2(%arg0: i32) -> (i32, i32) {
    %c0_i32 = arith.constant 0 : i32
    %c0_i32_0 = arith.constant 0 : i32
    %c0_i32_1 = arith.constant 0 : i32
    return %c0_i32, %c0_i32_0 : i32, i32
  }
  func.func @transform_3(%arg0: i32) -> (i32, i32) {
    %c0_i32 = arith.constant 0 : i32
    %c0_i32_0 = arith.constant 0 : i32
    %c0_i32_1 = arith.constant 0 : i32
    return %c0_i32, %c0_i32_0 : i32, i32
  }
  func.func @transform_4(%arg0: i32) -> (i32, i32) {
    %c0_i32 = arith.constant 0 : i32
    %c0_i32_0 = arith.constant 0 : i32
    %c0_i32_1 = arith.constant 0 : i32
    return %c0_i32, %c0_i32_0 : i32, i32
  }
  func.func @transform_5(%arg0: i32) -> (i32, i32) {
    %c0_i32 = arith.constant 0 : i32
    %c0_i32_0 = arith.constant 0 : i32
    %c0_i32_1 = arith.constant 0 : i32
    return %c0_i32, %c0_i32_0 : i32, i32
  }
  func.func @transform_6(%arg0: i32) -> (i32, i32) {
    %c0_i32 = arith.constant 0 : i32
    %c0_i32_0 = arith.constant 0 : i32
    %c0_i32_1 = arith.constant 0 : i32
    return %c0_i32, %c0_i32_0 : i32, i32
  }
  func.func @transform_7(%arg0: i32) -> (i32, i32) {
    %c0_i32 = arith.constant 0 : i32
    %c0_i32_0 = arith.constant 0 : i32
    %c0_i32_1 = arith.constant 0 : i32
    return %c0_i32, %c0_i32_0 : i32, i32
  }
  func.func @transform_8(%arg0: i32) -> (i32, i32) {
    %c0_i32 = arith.constant 0 : i32
    %c0_i32_0 = arith.constant 0 : i32
    %c0_i32_1 = arith.constant 0 : i32
    return %c0_i32, %c0_i32_0 : i32, i32
  }
  func.func @transform_9(%arg0: i32) -> (i32, i32) {
    %c0_i32 = arith.constant 0 : i32
    %c0_i32_0 = arith.constant 0 : i32
    return %arg0, %c0_i32 : i32, i32
  }
}

</mosaic_0001>

<sc_bundles>
// kernel: kernel.4.cloned.1.call-start
scs
__scs_entry_jumppad:
0x0: {  	(pc) =	sbr.rel $0x88, $3  }
0x1: {  	(tag) =	ssettag $0x0;
	lr =	simm.s32 $0x1  }
0x2: {  	[smem:$0x3F95] =	sst lr;
	_ =	strace $0xD0000000  }
0x3: {  	_ = 	snop  }
0x4: {  	_ = 	snop  }
0x5: {  	_ = 	snop  }
0x6: {  	_ = 	snop  }
0x7: {  	_ = 	snop  }
__scs_overlays_trampoline_lowered:
0x8: {  	[smem:$0x3FA4] =	sst s0  }
0x9: {  	[smem:$0x3FA5] =	sst s1  }
0xa: {  	[smem:$0x3FA6] =	sst s2  }
0xb: {  	[smem:$0x3FA7] =	sst s3  }
0xc: {  	[smem:$0x3FA8] =	sst s4  }
0xd: {  	[smem:$0x3FA9] =	sst s5  }
0xe: {  	[smem:$0x3FAA] =	sst s6  }
0xf: {  	[smem:$0x3FAB] =	sst s7  }
0x10: {  	[smem:$0x3FAC] =	sst s8  }
0x11: {  	[smem:$0x3FAD] =	sst s9;
	s0 =	simm.s32 @!p0 $0x0  }
0x12: {  	s1 =	sld [smem:$0x3F93];
	s0 =	simm.s32 @p0 $0x1  }
0x13: {  	[smem:$0x3FAE] =	sst s0;
	s0 =	simm.s32 @!p1 $0x0  }
0x14: {  	s2 =	sld [smem:$0x3F92];
	s0 =	simm.s32 @p1 $0x1  }
0x15: {  	[smem:$0x3FAF] =	sst s0;
	s0 =	simm.s32 @!p2 $0x0  }
0x16: {  	s3 =	sld [smem:$0x3FDB];
	s0 =	simm.s32 @p2 $0x1  }
0x17: {  	s4 =	simm.s32 $0x1BF5;
	[smem:$0x3FB1] =	sst s0  }
0x18: {  	s0 =	sld [smem:$0x3F94];
	_ =	swait.ge [sflag:s4], $0x0  }
0x19: {  	s7 =	sld [smem:$0x3F95]  }
0x1a: {  	s8 =	sadd.s32 $0xFFFFE003, lr  }
0x1b: {  	s9 =	sadd.s32 $0xFFFFFEF7, lr;
	s5 =	simm.s32 $0xFFFFFFFF;
	p2 =	slt.u32 s8, $0xFFFFF086  }
0x1c: {  	p1 =	slt.u32 s9, $0xF7A;
	s5 =	simm.s32 @!p2 $0x0  }
0x1d: {  	s5 =	simm.s32 @p1 $0x1;
	p0 =	seq.s32 s7, s2  }
0x1e: {  	s7 =	smul.u32 @!p0 $0xF7A, s2;
	p2 =	seq.s32 @!p0 s5, $0x0  }
0x1f: {  	s9 =	smul.u32 $0xF7A, s1;
	s8 =	simm.s32 @!p0 $0x1BF5;
	p2 =	por !p2, p0  }
0x20: {  	[sflag:s8] =	ssyncset.s32 @!p0 $0xFFFFF086;
	s6 =	sadd.s32 @!p0 s3, s7;
	s7 =	simm.s32 @!p0 $0x108  }
0x21: {  	s3 =	sadd.s32 s3, s9;
	s6 =	sadd.s32 @!p0 $0x88, s6;
	s7 =	simm.s32 @p2 $0x1082  }
0x22: {  	[simem:s7], [sflag:s8] =	dma.local @!p0 [hbm:s6], $0xF7A  }
0x23: {  	s9 =	sor.u32 $0xD0000000, s2;
	s6 =	simm.s32 $0x108;
	_ =	swait.ge @!p0 [sflag:s8], $0x0  }
0x24: {  	s3 =	sadd.s32 $0x88, s3;
	s6 =	simm.s32 @!p1 $0x1082;
	[sflag:s4] =	ssyncset.s32 $0xFFFFF086  }
0x25: {  	[simem:s6], [sflag:s4] =	dma.local [hbm:s3], $0xF7A  }
0x26: {  	[smem:$0x3F95] =	sst s1;
	(tag) =	ssettag s2;
	_ =	strace s9  }
0x27: {  	s1 =	sld [smem:$0x3FA5]  }
0x28: {  	s2 =	sld [smem:$0x3FA6]  }
0x29: {  	s4 =	sld [smem:$0x3FA8]  }
0x2a: {  	p0 =	seq.s32 s5, $0x0;
	s5 =	sld [smem:$0x3FA9]  }
0x2b: {  	s6 =	sld [smem:$0x3FAA]  }
0x2c: {  	s7 =	sld [smem:$0x3FAB]  }
0x2d: {  	s3 =	simm.s32 $0x108;
	s8 =	sld [smem:$0x3FAC]  }
0x2e: {  	s3 =	simm.s32 @!p0 $0x1082;
	s9 =	sld [smem:$0x3FAD]  }
0x2f: {  	lr =	sadd.s32 s0, s3;
	s0 =	sld [smem:$0x3FA4]  }
0x30: {  	s3 =	sld [smem:$0x3FA7]  }
0x31: {  	[smem:$0x3FB0] =	sst s10  }
0x32: {  	s10 =	sld [smem:$0x3FAE];
	_ =	sdelay $0x3  }
0x33: {  	p0 =	seq.s32 s10, $0x1;
	s10 =	sld [smem:$0x3FB0];
	_ =	sdelay $0x3  }
0x34: {  	[smem:$0x3FB0] =	sst s10  }
0x35: {  	s10 =	sld [smem:$0x3FAF];
	_ =	sdelay $0x3  }
0x36: {  	p1 =	seq.s32 s10, $0x1;
	s10 =	sld [smem:$0x3FB0];
	_ =	sdelay $0x3  }
0x37: {  	[smem:$0x3FB0] =	sst s10  }
0x38: {  	s10 =	sld [smem:$0x3FB1]  }
0x39: {  	_ = 	snop;
	(pc) =	sbr.ind lr, $3  }
0x3a: {  	_ = 	snop  }
0x3b: {  	_ = 	snop  }
0x3c: {  	p2 =	seq.s32 s10, $0x1;
	s10 =	sld [smem:$0x3FB0]  }
0x3d: {  	_ =	shalt  }
0x3e: {  	_ =	shalt  }
0x3f: {  	_ =	shalt  }
0x40: {  	_ =	shalt  }
0x41: {  	_ =	shalt  }
0x42: {  	_ =	shalt  }
0x43: {  	_ =	shalt  }
0x44: {  	_ =	shalt  }
0x45: {  	_ =	shalt  }
0x46: {  	_ =	shalt  }
0x47: {  	_ =	shalt  }
0x48: {  	_ =	shalt  }
0x49: {  	_ =	shalt  }
0x4a: {  	_ =	shalt  }
0x4b: {  	_ =	shalt  }
0x4c: {  	_ =	shalt  }
0x4d: {  	_ =	shalt  }
0x4e: {  	_ =	shalt  }
0x4f: {  	_ =	shalt  }
0x50: {  	_ =	shalt  }
0x51: {  	_ =	shalt  }
0x52: {  	_ =	shalt  }
0x53: {  	_ =	shalt  }
0x54: {  	_ =	shalt  }
0x55: {  	_ =	shalt  }
0x56: {  	_ =	shalt  }
0x57: {  	_ =	shalt  }
0x58: {  	_ =	shalt  }
0x59: {  	_ =	shalt  }
0x5a: {  	_ =	shalt  }
0x5b: {  	_ =	shalt  }
0x5c: {  	_ =	shalt  }
0x5d: {  	_ =	shalt  }
0x5e: {  	_ =	shalt  }
0x5f: {  	_ =	shalt  }
0x60: {  	_ =	shalt  }
0x61: {  	_ =	shalt  }
0x62: {  	_ =	shalt  }
0x63: {  	_ =	shalt  }
0x64: {  	_ =	shalt  }
0x65: {  	_ =	shalt  }
0x66: {  	_ =	shalt  }
0x67: {  	_ =	shalt  }
0x68: {  	_ =	shalt  }
0x69: {  	_ =	shalt  }
0x6a: {  	_ =	shalt  }
0x6b: {  	_ =	shalt  }
0x6c: {  	_ =	shalt  }
0x6d: {  	_ =	shalt  }
0x6e: {  	_ =	shalt  }
0x6f: {  	_ =	shalt  }
0x70: {  	_ =	shalt  }
0x71: {  	_ =	shalt  }
0x72: {  	_ =	shalt  }
0x73: {  	_ =	shalt  }
0x74: {  	_ =	shalt  }
0x75: {  	_ =	shalt  }
0x76: {  	_ =	shalt  }
0x77: {  	_ =	shalt  }
0x78: {  	_ =	shalt  }
0x79: {  	_ =	shalt  }
0x7a: {  	_ =	shalt  }
0x7b: {  	_ =	shalt  }
0x7c: {  	_ =	shalt  }
0x7d: {  	_ =	shalt  }
0x7e: {  	_ =	shalt  }
0x7f: {  	_ =	shalt  }
0x80: {  	_ =	shalt  }
0x81: {  	_ =	shalt  }
0x82: {  	_ =	shalt  }
0x83: {  	_ =	shalt  }
0x84: {  	_ =	shalt  }
0x85: {  	_ =	shalt  }
0x86: {  	_ =	shalt  }
0x87: {  	_ =	shalt  }
.Lfunc_end0:
.L_simem_size_0:
called_computation_lowered:
.L_overlay_start_0:
0x88: {  	s2 =	sld [smem:$0x3FD9]  }
0x89: {  	s3 =	sld [smem:$0x3FFE];
	_ =	sdelay $0x1  }
0x8a: {  	s1 =	srdreg.scid  }
0x8b: {  	s0 =	sand.u32 $0x1, s1  }
0x8c: {  	s17 =	sshll.u32 s0, $0xA;
	s2 =	sadd.s32 s3, s2  }
0x8d: {  	s2 =	sadd.s32 s2, s17  }
0x8e: {  	[smem:$0x3FBC] =	sst s2  }
0x8f: {  	_ = 	snop  }
0x90: {  	s2 =	sld [smem:$0x3FC5]  }
0x91: {  	s18 =	sld [smem:$0x3FC4]  }
0x92: {  	s4 =	sld [smem:$0x3FD0];
	(tm) =	ssettm $0x1  }
0x93: {  	s5 =	sld [smem:$0x3FFB];
	_ =	sdelay $0x3  }
0x94: {  	_ =	strace s5  }
0x95: {  	s5 =	sld [smem:$0x3FFC];
	_ =	sdelay $0x3  }
0x96: {  	_ =	strace s5  }
0x97: {  	s5 =	sld [smem:$0x3FFD];
	_ =	sdelay $0x3  }
0x98: {  	_ =	strace s5  }
0x99: {  	_ =	strace $0x8FFFFFFF  }
0x9a: {  	s19 =	sld [smem:$0x3FDB];
	_ =	sdelay $0x1  }
0x9b: {  	s6 =	simm.s32 $_scs_section_size  }
0x9c: {  	s7 =	simm.s32 $_size__tile_overlayer_lowered;
	s8 =	simm.s32 $_tile_overlayer_lowered  }
0x9d: {  	s22 =	simm.s32 $0x1BFF;
	s21 =	sshll.u32 s8, $0x1;
	s5 =	sadd.s32 s6, s19  }
0x9e: {  	s9 =	simm.s32 $0x0;
	s20 =	sshll.u32 s7, $0x1;
	s7 =	sadd.s32 s21, s5  }
0x9f: {  	[timem:s9], [sflag:s22] =	dma.local [hbm:s7], s20  }
0xa0: {  	_ =	swait.ge [sflag:s22], s20  }
0xa1: {  	s6 =	ssub.s32 $0x0, s20;
	[sflag:s22] =	ssyncset.done $0x0  }
0xa2: {  	[sflag:s22] =	ssyncadd.s32 s6;
	_ =	sdelay $0x1  }
0xa3: {  	s23 =	simm.s32 $0x1B8B  }
0xa4: {  	_ =	swait.ge [sflag:s23], $0x1  }
0xa5: {  	[sflag:s23] =	ssyncset.done $0x0  }
0xa6: {  	s25 =	simm.s32 $0x1B8E;
	s24 =	sld [smem:$0x3FFE];
	[sflag:s23] =	ssyncadd.s32 $0xFFFFFFFF  }
0xa7: {  	s26 =	simm.s32 $execute0_lowered;
	[smem:$0x3FD2] =	sst s25  }
0xa8: {  	s7 =	sshll.u32 s26, $0x1;
	_ =	strace $0x80000046;
	[dreg:$0x1] =	wrdreg $0xFFFFFFFF  }
0xa9: {  	s28 =	simm.s32 $_size_execute0_lowered;
	s5 =	sadd.s32 s5, s7;
	[dreg:$0x0] =	wrdreg $0x0  }
0xaa: {  	s7 =	sshll.u32 s28, $0x1;
	[dreg:$0x2] =	wrdreg s5  }
0xab: {  	[dreg:$0x3] =	wrdreg s7  }
0xac: {  	[dreg:$0x4] =	wrdreg $0xC0  }
0xad: {  	_ =	task [dreg:s9], $0x5FFFF  }
0xae: {  	[dreg:$0x1] =	wrdreg $0xFFFFFFFF  }
0xaf: {  	[dreg:$0x0] =	wrdreg $0x60  }
0xb0: {  	[dreg:$0x2] =	wrdreg s24  }
0xb1: {  	[dreg:$0x3] =	wrdreg s2  }
0xb2: {  	[dreg:$0x4] =	wrdreg s18  }
0xb3: {  	[dreg:$0x5] =	wrdreg s4  }
0xb4: {  	[dreg:$0x6] =	wrdreg $0x9  }
0xb5: {  	_ =	task.clear_ibuf [dreg:s9], $0x7FFFF;
	_ =	strace $0x90000046  }
0xb6: {  	s29 =	simm.s32 $0x9;
	_ =	strace $0x80000048  }
0xb7: {  	_ =	swait.ge [sflag:s29], $0x1  }
0xb8: {  	[sflag:s29] =	ssyncadd.s32 $0xFFFFFFFF  }
0xb9: {  	_ =	strace $0x90000048  }
0xba: {  	_ =	sfence  }
0xbb: {  	s30 =	sld [smem:$0x0];
	_ =	sdelay $0x2  }
0xbc: {  	s31 =	sshll.u32 s1, $0xD;
	s1 =	sshrl.u32 s1, $0x2  }
0xbd: {  	s3 =	sand.u32 $0x4000, s31;
	s1 =	sadd.s32 s1, s30  }
0xbe: {  	s0 =	sor.u32 s3, s0;
	s1 =	sshll.u32 s1, $0x11  }
0xbf: {  	s0 =	sor.u32 s1, s0  }
0xc0: {  	s0 =	sadd.s32 $0x8F2B, s0  }
0xc1: {  	[sflag:s0] =	ssyncadd.remote.s32 $0x1  }
0xc2: {  	_ =	sfence.sel $0xFFFF  }
0xc3: {  	[dreg:$0x0] =	wrdreg $0xFFFFFFFF;
	(pc) =	sbr.abs _section_cstart, $3  }
0xc4: {  	[dreg:$0x1] =	wrdreg $0xFFFFFFFF  }
0xc5: {  	_ =	task.clear_ibuf [dreg:s9], $0x2FFFF;
	_ =	strace $0x9FFFFFFF  }
0xc6: {  	(tm) =	ssettm $0x7FFFFFFF  }
0xc7: {  	_ =	shalt  }
tec
execute0_lowered:
.L_overlay_start_1:
0x0: {  	(tag) =	ssettag $0x1  }
0x1: {  	s0 =	rddreg [dreg:$0x0]  }
0x2: {  	s1 =	rddreg [dreg:$0x1]  }
0x3: {  	s2 =	srdreg.scid;
	s4 =	stileid.u32  }
0x4: {  	s3 =	rddreg [dreg:$0x2];
	s2 =	sand.u32 $0x1, s2;
	s6 =	sshll.u32 s4, $0x1  }
0x5: {  	s5 =	rddreg [dreg:$0x3];
	s6 =	sor.u32 s2, s6  }
0x6: {  	s4 =	simm.s32 $0x0;
	s8 =	sadd.s32 $0x1A00, s0;
	s7 =	smul.u32 $0xE000, s6  }
0x7: {  	s0 =	sadd.s32 $0x39A00, s0;
	[smem:$0x7FF] =	sst s4;
	s2 =	ssub.s32 $0x2, s2  }
0x8: {  	_ =	strace $0x80000047;
	s9 =	sshrl.u32 s2, $0x1;
	s10 =	sshrl.u32 s7, $0x3  }
0x9: {  	s6 =	sshll.u32 s6, $0xD;
	s2 =	ssub.s32 s2, s9;
	s7 =	sadd.s32 s8, s10  }
0xa: {  	s26 =	sor.u32 $0x380, s10;
	s11 =	sadd.s32 $0x700, s10;
	s16 =	sadd.s32 $0xA80, s10  }
0xb: {  	s17 =	sadd.s32 $0xE00, s10;
	s22 =	sadd.s32 s0, s10;
	[dreg:$0x5] =	wrdreg s7  }
0xc: {  	s20 =	sadd.s32 $0x1180, s10;
	s13 =	sadd.s32 s8, s26;
	[dreg:$0xf] =	wrdreg s22  }
0xd: {  	s7 =	sadd.s32 s5, s6;
	s14 =	sadd.s32 s8, s11;
	[dreg:$0x6] =	wrdreg s13  }
0xe: {  	s12 =	sadd.s32 s8, s16;
	s19 =	sadd.s32 s8, s17;
	[dreg:$0x7] =	wrdreg s14  }
0xf: {  	s23 =	sadd.s32 s0, s26;
	s24 =	sadd.s32 s0, s11;
	[dreg:$0x9] =	wrdreg s12  }
0x10: {  	s5 =	sadd.s32 s0, s16;
	s25 =	sadd.s32 s0, s17;
	[dreg:$0xb] =	wrdreg s19  }
0x11: {  	s26 =	sadd.s32 s0, s20;
	s11 =	simm.s32 $0x3;
	[dreg:$0x10] =	wrdreg s23  }
0x12: {  	s16 =	simm.s32 $0x1;
	s17 =	simm.s32 $0x2;
	[dreg:$0x11] =	wrdreg s24  }
0x13: {  	s15 =	sadd.s32 $0x800, s7;
	s18 =	sadd.s32 $0x1000, s7;
	[dreg:$0x12] =	wrdreg s5  }
0x14: {  	s13 =	sadd.s32 $0x1500, s10;
	s14 =	sadd.s32 $0x1880, s10;
	[dreg:$0x13] =	wrdreg s25  }
0x15: {  	[dreg:$0x14] =	wrdreg s26;
	s24 =	sadd.s32 $0x1800, s7;
	s25 =	smax.u32 s2, $0x1  }
0x16: {  	s26 =	sadd.s32 $0x40000, s7;
	s28 =	sadd.s32 $0x40800, s7;
	s29 =	sadd.s32 $0x41000, s7  }
0x17: {  	s30 =	sadd.s32 $0x41800, s7;
	s31 =	sadd.s32 $0x80000, s7;
	s2 =	sadd.s32 $0x80800, s7  }
0x18: {  	s5 =	sadd.s32 $0x81800, s7;
	s6 =	sadd.s32 $0xC0000, s7;
	s9 =	sadd.s32 $0xC1000, s7  }
0x19: {  	s10 =	sadd.s32 $0xC1800, s7;
	s12 =	simm.s32 $0x80;
	[dreg:$0x8] =	wrdreg s15  }
0x1a: {  	[dreg:$0xa] =	wrdreg s18;
	s15 =	sadd.s32 s8, s20;
	s21 =	sadd.s32 s8, s13  }
0x1b: {  	s8 =	sadd.s32 s8, s14;
	s22 =	sadd.s32 s0, s13;
	s23 =	sadd.s32 s0, s14  }
0x1c: {  	s0 =	sadd.s32 $0x81000, s7;
	s13 =	simm.s32 $0x3800;
	[dreg:$0xc] =	wrdreg s15  }
0x1d: {  	s14 =	simm.s32 $0x1C00;
	s18 =	simm.s32 $0x0;
	[dreg:$0xd] =	wrdreg s21  }
0x1e: {  	v0 =	vimm.f32 $0.0e+00;
	[dreg:$0xe] =	wrdreg s8;
	s8 =	sadd.s32 $0xC0800, s7;
	s15 =	simm.s32 $0x7800  }
.LBB2_1:
0x1f: {  	s19 =	rddreg [dreg:$0x5]  }
0x20: {  	[tilespmem:s4], [sflag:$0x3] =	stream.linear.gather [hbm4b:s19+s4], $0x1900, $0x38;
	[tilespmem:$0xB800] =	vst v63  }
0x21: {  	_ =	swait.ge [sflag:s11], $0x1900  }
0x22: {  	[sflag:s11] =	ssyncset.done $0x0  }
0x23: {  	s20 =	simm.s32 $0x200;
	s19 =	simm.s32 $0x0;
	[sflag:s11] =	ssyncadd.s32 $0xFFFFE700  }
.LBB2_2:
0x24: {  	p0 =	sne.s32 s20, $0xFE00;
	[tilespmem:s19+$0x3870] =	vst v0  }
0x25: {  	[tilespmem:s19+$0x3800] =	vst v0  }
0x26: {  	[tilespmem:s19+$0x3810] =	vst v0  }
.Ltmp0:
0x27: {  	[tilespmem:s19+$0x3820] =	vst v0;
	(pc) =	sbr.rel @p0 .LBB2_2-.Ltmp0, $4  }
0x28: {  	[tilespmem:s19+$0x3830] =	vst v0  }
0x29: {  	[tilespmem:s19+$0x3840] =	vst v0  }
0x2a: {  	[tilespmem:s19+$0x3850] =	vst v0  }
0x2b: {  	[tilespmem:s19+$0x3860] =	vst v0;
	s19 =	sshra.s32 s20, $0x2;
	s20 =	sadd.s32 $0x200, s20  }
0x2c: {  	[tilespmem:s19+$0x3870] =	vst v0  }
0x2d: {  	[tilespmem:s19+$0x3800] =	vst v0  }
0x2e: {  	[tilespmem:s19+$0x3810] =	vst v0  }
0x2f: {  	[tilespmem:s19+$0x3820] =	vst v0  }
0x30: {  	[tilespmem:s19+$0x3830] =	vst v0  }
0x31: {  	[tilespmem:s19+$0x3840] =	vst v0  }
0x32: {  	[tilespmem:s19+$0x3850] =	vst v0  }
0x33: {  	[tilespmem:s19+$0x3860] =	vst v0;
	s19 =	simm.s32 $0x200;
	s20 =	simm.s32 $0x0  }
.LBB2_4:
0x34: {  	[tilespmem:s13], [sflag:$0x1] =	stream.indirect.gather.add.f32 [hbm:s1], $0x80, s20, s12, $0xb8;
	[tilespmem:$0xB800] =	vst v63  }
0x35: {  	s20 =	smov.u32 s19;
	p0 =	sne.s32 s19, $0x6200  }
.Ltmp1:
0x36: {  	s19 =	sadd.s32 $0x200, s19;
	(pc) =	sbr.rel @p0 .LBB2_4-.Ltmp1, $2  }
0x37: {  	_ =	sdelay $0x2  }
0x38: {  	s20 =	sshra.s32 s20, $0x2  }
0x39: {  	[tilespmem:s13], [sflag:$0x1] =	stream.indirect.gather.add.f32 [hbm:s1], $0x80, s20, s12, $0xb8;
	[tilespmem:$0xB800] =	vst v63  }
0x3a: {  	s19 =	simm.s32 $0x0;
	s21 =	rddreg [dreg:$0x6]  }
0x3b: {  	[tilespmem:s14], [sflag:$0x3] =	stream.linear.gather [hbm4b:s21+s19], $0x1900, $0x38;
	[tilespmem:$0xB800] =	vst v63  }
0x3c: {  	_ =	swait.ge [sflag:s11], $0x1900  }
0x3d: {  	[sflag:s11] =	ssyncset.done $0x0  }
0x3e: {  	s20 =	simm.s32 $0x0;
	s21 =	simm.s32 $0x200;
	[sflag:s11] =	ssyncadd.s32 $0xFFFFE700  }
.LBB2_6:
0x3f: {  	p0 =	sne.s32 s21, $0xFE00;
	[tilespmem:s20+$0x7870] =	vst v0  }
0x40: {  	[tilespmem:s20+$0x7800] =	vst v0  }
0x41: {  	[tilespmem:s20+$0x7810] =	vst v0  }
.Ltmp2:
0x42: {  	[tilespmem:s20+$0x7820] =	vst v0;
	(pc) =	sbr.rel @p0 .LBB2_6-.Ltmp2, $4  }
0x43: {  	[tilespmem:s20+$0x7830] =	vst v0  }
0x44: {  	[tilespmem:s20+$0x7840] =	vst v0  }
0x45: {  	[tilespmem:s20+$0x7850] =	vst v0  }
0x46: {  	[tilespmem:s20+$0x7860] =	vst v0;
	s20 =	sshra.s32 s21, $0x2;
	s21 =	sadd.s32 $0x200, s21  }
0x47: {  	[tilespmem:s20+$0x7870] =	vst v0  }
0x48: {  	[tilespmem:s20+$0x7800] =	vst v0  }
0x49: {  	[tilespmem:s20+$0x7810] =	vst v0  }
0x4a: {  	[tilespmem:s20+$0x7820] =	vst v0  }
0x4b: {  	[tilespmem:s20+$0x7830] =	vst v0  }
0x4c: {  	[tilespmem:s20+$0x7840] =	vst v0  }
0x4d: {  	[tilespmem:s20+$0x7850] =	vst v0  }
0x4e: {  	[tilespmem:s20+$0x7860] =	vst v0  }
.LBB2_8:
0x4f: {  	p0 =	sne.s32 s19, $0x6200  }
.Ltmp3:
0x50: {  	_ = 	snop;
	(pc) =	sbr.rel @p0 .LBB2_8-.Ltmp3, $4  }
0x51: {  	_ = 	snop  }
0x52: {  	s20 =	sshra.s32 s19, $0x2  }
0x53: {  	s19 =	sadd.s32 $0x200, s19;
	s20 =	sadd.s32 $0x1C00, s20  }
0x54: {  	[tilespmem:s15], [sflag:$0x2] =	stream.indirect.gather.add.f32 [hbm:s1], $0x80, s20, s12, $0xb8;
	[tilespmem:$0xB800] =	vst v63  }
0x55: {  	_ =	swait.ge [sflag:s16], $0x4000  }
0x56: {  	s19 =	simm.s32 $0x31;
	[sflag:s16] =	ssyncset.done $0x0  }
.LBB2_10:
0x57: {  	p0 =	sne.s32 s19, $0x1;
	s19 =	sadd.s32 $0xFFFFFFFF, s19;
	[sflag:s16] =	ssyncadd.s32 $0xFFFFC000  }
.Ltmp4:
0x58: {  	(pc) =	sbr.rel @p0 .LBB2_10-.Ltmp4, $3  }
0x59: {  	_ =	sdelay $0x1  }
0x5a: {  	_ =	swait.ge [sflag:s16], $0x4000  }
0x5b: {  	[sflag:s16] =	ssyncset.done $0x0  }
0x5c: {  	[sflag:s16] =	ssyncadd.s32 $0xFFFFC000;
	s19 =	simm.s32 $0x0  }
0x5d: {  	[hbm4b:s7+s19] =	stream.linear.scatter [tilespmem:s13], [sflag:$0x3], $0x4000, $0x38;
	[tilespmem:$0xB800] =	vst v63  }
0x5e: {  	_ =	swait.ge [sflag:s11], $0x4000  }
0x5f: {  	[sflag:s11] =	ssyncset.done $0x0  }
0x60: {  	s20 =	rddreg [dreg:$0x7];
	[sflag:s11] =	ssyncadd.s32 $0xFFFFC000  }
0x61: {  	[tilespmem:s19], [sflag:$0x3] =	stream.linear.gather [hbm4b:s20+s19], $0x1900, $0x38;
	[tilespmem:$0xB800] =	vst v63  }
0x62: {  	_ =	swait.ge [sflag:s11], $0x1900  }
0x63: {  	[sflag:s11] =	ssyncset.done $0x0  }
0x64: {  	s21 =	simm.s32 $0x200;
	s20 =	simm.s32 $0x0;
	[sflag:s11] =	ssyncadd.s32 $0xFFFFE700  }
.LBB2_12:
0x65: {  	p0 =	sne.s32 s21, $0xFE00;
	[tilespmem:s20+$0x3870] =	vst v0  }
0x66: {  	[tilespmem:s20+$0x3800] =	vst v0  }
0x67: {  	[tilespmem:s20+$0x3810] =	vst v0  }
.Ltmp5:
0x68: {  	[tilespmem:s20+$0x3820] =	vst v0;
	(pc) =	sbr.rel @p0 .LBB2_12-.Ltmp5, $4  }
0x69: {  	[tilespmem:s20+$0x3830] =	vst v0  }
0x6a: {  	[tilespmem:s20+$0x3840] =	vst v0  }
0x6b: {  	[tilespmem:s20+$0x3850] =	vst v0  }
0x6c: {  	[tilespmem:s20+$0x3860] =	vst v0;
	s20 =	sshra.s32 s21, $0x2;
	s21 =	sadd.s32 $0x200, s21  }
0x6d: {  	[tilespmem:s20+$0x3870] =	vst v0  }
0x6e: {  	[tilespmem:s20+$0x3800] =	vst v0  }
0x6f: {  	[tilespmem:s20+$0x3810] =	vst v0  }
0x70: {  	[tilespmem:s20+$0x3820] =	vst v0  }
0x71: {  	[tilespmem:s20+$0x3830] =	vst v0  }
0x72: {  	[tilespmem:s20+$0x3840] =	vst v0  }
0x73: {  	[tilespmem:s20+$0x3850] =	vst v0  }
0x74: {  	[tilespmem:s20+$0x3860] =	vst v0  }
.LBB2_14:
0x75: {  	p0 =	sne.s32 s19, $0x6200  }
.Ltmp6:
0x76: {  	_ = 	snop;
	(pc) =	sbr.rel @p0 .LBB2_14-.Ltmp6, $3  }
0x77: {  	_ =	sdelay $0x1  }
0x78: {  	s20 =	sshra.s32 s19, $0x2;
	s19 =	sadd.s32 $0x200, s19  }
0x79: {  	[tilespmem:s13], [sflag:$0x1] =	stream.indirect.gather.add.f32 [hbm:s1], $0x80, s20, s12, $0xb8;
	[tilespmem:$0xB800] =	vst v63  }
0x7a: {  	_ =	swait.ge [sflag:s17], $0x4000  }
0x7b: {  	s19 =	simm.s32 $0x31;
	[sflag:s17] =	ssyncset.done $0x0  }
.LBB2_16:
0x7c: {  	p0 =	sne.s32 s19, $0x1;
	s19 =	sadd.s32 $0xFFFFFFFF, s19;
	[sflag:s17] =	ssyncadd.s32 $0xFFFFC000  }
.Ltmp7:
0x7d: {  	(pc) =	sbr.rel @p0 .LBB2_16-.Ltmp7, $3  }
0x7e: {  	_ =	sdelay $0x1  }
0x7f: {  	_ =	swait.ge [sflag:s17], $0x4000  }
0x80: {  	[sflag:s17] =	ssyncset.done $0x0  }
0x81: {  	[sflag:s17] =	ssyncadd.s32 $0xFFFFC000;
	s19 =	simm.s32 $0x0;
	s20 =	rddreg [dreg:$0x8]  }
0x82: {  	[hbm4b:s20+s19] =	stream.linear.scatter [tilespmem:s15], [sflag:$0x3], $0x4000, $0x38;
	[tilespmem:$0xB800] =	vst v63  }
0x83: {  	_ =	swait.ge [sflag:s11], $0x4000  }
0x84: {  	[sflag:s11] =	ssyncset.done $0x0  }
0x85: {  	s21 =	rddreg [dreg:$0x9];
	[sflag:s11] =	ssyncadd.s32 $0xFFFFC000  }
0x86: {  	[tilespmem:s14], [sflag:$0x3] =	stream.linear.gather [hbm4b:s21+s19], $0x1900, $0x38;
	[tilespmem:$0xB800] =	vst v63  }
0x87: {  	_ =	swait.ge [sflag:s11], $0x1900  }
0x88: {  	[sflag:s11] =	ssyncset.done $0x0  }
0x89: {  	s20 =	simm.s32 $0x0;
	s21 =	simm.s32 $0x200;
	[sflag:s11] =	ssyncadd.s32 $0xFFFFE700  }
.LBB2_18:
0x8a: {  	p0 =	sne.s32 s21, $0xFE00;
	[tilespmem:s20+$0x7870] =	vst v0  }
0x8b: {  	[tilespmem:s20+$0x7800] =	vst v0  }
0x8c: {  	[tilespmem:s20+$0x7810] =	vst v0  }
.Ltmp8:
0x8d: {  	[tilespmem:s20+$0x7820] =	vst v0;
	(pc) =	sbr.rel @p0 .LBB2_18-.Ltmp8, $4  }
0x8e: {  	[tilespmem:s20+$0x7830] =	vst v0  }
0x8f: {  	[tilespmem:s20+$0x7840] =	vst v0  }
0x90: {  	[tilespmem:s20+$0x7850] =	vst v0  }
0x91: {  	[tilespmem:s20+$0x7860] =	vst v0;
	s20 =	sshra.s32 s21, $0x2;
	s21 =	sadd.s32 $0x200, s21  }
0x92: {  	[tilespmem:s20+$0x7870] =	vst v0  }
0x93: {  	[tilespmem:s20+$0x7800] =	vst v0  }
0x94: {  	[tilespmem:s20+$0x7810] =	vst v0  }
0x95: {  	[tilespmem:s20+$0x7820] =	vst v0  }
0x96: {  	[tilespmem:s20+$0x7830] =	vst v0  }
0x97: {  	[tilespmem:s20+$0x7840] =	vst v0  }
0x98: {  	[tilespmem:s20+$0x7850] =	vst v0  }
0x99: {  	[tilespmem:s20+$0x7860] =	vst v0  }
.LBB2_20:
0x9a: {  	p0 =	sne.s32 s19, $0x6200  }
.Ltmp9:
0x9b: {  	_ = 	snop;
	(pc) =	sbr.rel @p0 .LBB2_20-.Ltmp9, $4  }
0x9c: {  	_ = 	snop  }
0x9d: {  	s20 =	sshra.s32 s19, $0x2  }
0x9e: {  	s19 =	sadd.s32 $0x200, s19;
	s20 =	sadd.s32 $0x1C00, s20  }
0x9f: {  	[tilespmem:s15], [sflag:$0x2] =	stream.indirect.gather.add.f32 [hbm:s1], $0x80, s20, s12, $0xb8;
	[tilespmem:$0xB800] =	vst v63  }
0xa0: {  	_ =	swait.ge [sflag:s16], $0x4000  }
0xa1: {  	s19 =	simm.s32 $0x31;
	[sflag:s16] =	ssyncset.done $0x0  }
.LBB2_22:
0xa2: {  	p0 =	sne.s32 s19, $0x1;
	s19 =	sadd.s32 $0xFFFFFFFF, s19;
	[sflag:s16] =	ssyncadd.s32 $0xFFFFC000  }
.Ltmp10:
0xa3: {  	(pc) =	sbr.rel @p0 .LBB2_22-.Ltmp10, $3  }
0xa4: {  	_ =	sdelay $0x1  }
0xa5: {  	_ =	swait.ge [sflag:s16], $0x4000  }
0xa6: {  	[sflag:s16] =	ssyncset.done $0x0  }
0xa7: {  	[sflag:s16] =	ssyncadd.s32 $0xFFFFC000;
	s19 =	simm.s32 $0x0;
	s20 =	rddreg [dreg:$0xa]  }
0xa8: {  	[hbm4b:s20+s19] =	stream.linear.scatter [tilespmem:s13], [sflag:$0x3], $0x4000, $0x38;
	[tilespmem:$0xB800] =	vst v63  }
0xa9: {  	_ =	swait.ge [sflag:s11], $0x4000  }
0xaa: {  	[sflag:s11] =	ssyncset.done $0x0  }
0xab: {  	s21 =	rddreg [dreg:$0xb];
	[sflag:s11] =	ssyncadd.s32 $0xFFFFC000  }
0xac: {  	[tilespmem:s19], [sflag:$0x3] =	stream.linear.gather [hbm4b:s21+s19], $0x1900, $0x38;
	[tilespmem:$0xB800] =	vst v63  }
0xad: {  	_ =	swait.ge [sflag:s11], $0x1900  }
0xae: {  	[sflag:s11] =	ssyncset.done $0x0  }
0xaf: {  	s20 =	simm.s32 $0x0;
	s21 =	simm.s32 $0x200;
	[sflag:s11] =	ssyncadd.s32 $0xFFFFE700  }
.LBB2_24:
0xb0: {  	p0 =	sne.s32 s21, $0xFE00;
	[tilespmem:s20+$0x3870] =	vst v0  }
0xb1: {  	[tilespmem:s20+$0x3800] =	vst v0  }
0xb2: {  	[tilespmem:s20+$0x3810] =	vst v0  }
.Ltmp11:
0xb3: {  	[tilespmem:s20+$0x3820] =	vst v0;
	(pc) =	sbr.rel @p0 .LBB2_24-.Ltmp11, $4  }
0xb4: {  	[tilespmem:s20+$0x3830] =	vst v0  }
0xb5: {  	[tilespmem:s20+$0x3840] =	vst v0  }
0xb6: {  	[tilespmem:s20+$0x3850] =	vst v0  }
0xb7: {  	[tilespmem:s20+$0x3860] =	vst v0;
	s20 =	sshra.s32 s21, $0x2;
	s21 =	sadd.s32 $0x200, s21  }
0xb8: {  	[tilespmem:s20+$0x3870] =	vst v0  }
0xb9: {  	[tilespmem:s20+$0x3800] =	vst v0  }
0xba: {  	[tilespmem:s20+$0x3810] =	vst v0  }
0xbb: {  	[tilespmem:s20+$0x3820] =	vst v0  }
0xbc: {  	[tilespmem:s20+$0x3830] =	vst v0  }
0xbd: {  	[tilespmem:s20+$0x3840] =	vst v0  }
0xbe: {  	[tilespmem:s20+$0x3850] =	vst v0  }
0xbf: {  	[tilespmem:s20+$0x3860] =	vst v0  }
.LBB2_26:
0xc0: {  	p0 =	sne.s32 s19, $0x6200  }
.Ltmp12:
0xc1: {  	_ = 	snop;
	(pc) =	sbr.rel @p0 .LBB2_26-.Ltmp12, $3  }
0xc2: {  	_ =	sdelay $0x1  }
0xc3: {  	s20 =	sshra.s32 s19, $0x2;
	s19 =	sadd.s32 $0x200, s19  }
0xc4: {  	[tilespmem:s13], [sflag:$0x1] =	stream.indirect.gather.add.f32 [hbm:s1], $0x80, s20, s12, $0xb8;
	[tilespmem:$0xB800] =	vst v63  }
0xc5: {  	_ =	swait.ge [sflag:s17], $0x4000  }
0xc6: {  	s19 =	simm.s32 $0x31;
	[sflag:s17] =	ssyncset.done $0x0  }
.LBB2_28:
0xc7: {  	p0 =	sne.s32 s19, $0x1;
	s19 =	sadd.s32 $0xFFFFFFFF, s19;
	[sflag:s17] =	ssyncadd.s32 $0xFFFFC000  }
.Ltmp13:
0xc8: {  	(pc) =	sbr.rel @p0 .LBB2_28-.Ltmp13, $3  }
0xc9: {  	_ =	sdelay $0x1  }
0xca: {  	_ =	swait.ge [sflag:s17], $0x4000  }
0xcb: {  	[sflag:s17] =	ssyncset.done $0x0  }
0xcc: {  	[sflag:s17] =	ssyncadd.s32 $0xFFFFC000;
	s19 =	simm.s32 $0x0  }
0xcd: {  	[hbm4b:s24+s19] =	stream.linear.scatter [tilespmem:s15], [sflag:$0x3], $0x4000, $0x38;
	[tilespmem:$0xB800] =	vst v63  }
0xce: {  	_ =	swait.ge [sflag:s11], $0x4000  }
0xcf: {  	[sflag:s11] =	ssyncset.done $0x0  }
0xd0: {  	s20 =	rddreg [dreg:$0xc];
	[sflag:s11] =	ssyncadd.s32 $0xFFFFC000  }
0xd1: {  	[tilespmem:s14], [sflag:$0x3] =	stream.linear.gather [hbm4b:s20+s19], $0x1900, $0x38;
	[tilespmem:$0xB800] =	vst v63  }
0xd2: {  	_ =	swait.ge [sflag:s11], $0x1900  }
0xd3: {  	[sflag:s11] =	ssyncset.done $0x0  }
0xd4: {  	s21 =	simm.s32 $0x200;
	s20 =	simm.s32 $0x0;
	[sflag:s11] =	ssyncadd.s32 $0xFFFFE700  }
.LBB2_30:
0xd5: {  	p0 =	sne.s32 s21, $0xFE00;
	[tilespmem:s20+$0x7870] =	vst v0  }
0xd6: {  	[tilespmem:s20+$0x7800] =	vst v0  }
0xd7: {  	[tilespmem:s20+$0x7810] =	vst v0  }
.Ltmp14:
0xd8: {  	[tilespmem:s20+$0x7820] =	vst v0;
	(pc) =	sbr.rel @p0 .LBB2_30-.Ltmp14, $4  }
0xd9: {  	[tilespmem:s20+$0x7830] =	vst v0  }
0xda: {  	[tilespmem:s20+$0x7840] =	vst v0  }
0xdb: {  	[tilespmem:s20+$0x7850] =	vst v0  }
0xdc: {  	[tilespmem:s20+$0x7860] =	vst v0;
	s20 =	sshra.s32 s21, $0x2;
	s21 =	sadd.s32 $0x200, s21  }
0xdd: {  	[tilespmem:s20+$0x7870] =	vst v0  }
0xde: {  	[tilespmem:s20+$0x7800] =	vst v0  }
0xdf: {  	[tilespmem:s20+$0x7810] =	vst v0  }
0xe0: {  	[tilespmem:s20+$0x7820] =	vst v0  }
0xe1: {  	[tilespmem:s20+$0x7830] =	vst v0  }
0xe2: {  	[tilespmem:s20+$0x7840] =	vst v0  }
0xe3: {  	[tilespmem:s20+$0x7850] =	vst v0  }
0xe4: {  	[tilespmem:s20+$0x7860] =	vst v0  }
.LBB2_32:
0xe5: {  	p0 =	sne.s32 s19, $0x6200  }
.Ltmp15:
0xe6: {  	_ = 	snop;
	(pc) =	sbr.rel @p0 .LBB2_32-.Ltmp15, $4  }
0xe7: {  	_ = 	snop  }
0xe8: {  	s20 =	sshra.s32 s19, $0x2  }
0xe9: {  	s19 =	sadd.s32 $0x200, s19;
	s20 =	sadd.s32 $0x1C00, s20  }
0xea: {  	[tilespmem:s15], [sflag:$0x2] =	stream.indirect.gather.add.f32 [hbm:s1], $0x80, s20, s12, $0xb8;
	[tilespmem:$0xB800] =	vst v63  }
0xeb: {  	_ =	swait.ge [sflag:s16], $0x4000  }
0xec: {  	s19 =	simm.s32 $0x31;
	[sflag:s16] =	ssyncset.done $0x0  }
.LBB2_34:
0xed: {  	p0 =	sne.s32 s19, $0x1;
	s19 =	sadd.s32 $0xFFFFFFFF, s19;
	[sflag:s16] =	ssyncadd.s32 $0xFFFFC000  }
.Ltmp16:
0xee: {  	(pc) =	sbr.rel @p0 .LBB2_34-.Ltmp16, $3  }
0xef: {  	_ =	sdelay $0x1  }
0xf0: {  	_ =	swait.ge [sflag:s16], $0x4000  }
0xf1: {  	[sflag:s16] =	ssyncset.done $0x0  }
0xf2: {  	[sflag:s16] =	ssyncadd.s32 $0xFFFFC000;
	s19 =	simm.s32 $0x0  }
0xf3: {  	[hbm4b:s26+s19] =	stream.linear.scatter [tilespmem:s13], [sflag:$0x3], $0x4000, $0x38;
	[tilespmem:$0xB800] =	vst v63  }
0xf4: {  	_ =	swait.ge [sflag:s11], $0x4000  }
0xf5: {  	[sflag:s11] =	ssyncset.done $0x0  }
0xf6: {  	s20 =	rddreg [dreg:$0xd];
	[sflag:s11] =	ssyncadd.s32 $0xFFFFC000  }
0xf7: {  	[tilespmem:s19], [sflag:$0x3] =	stream.linear.gather [hbm4b:s20+s19], $0x1900, $0x38;
	[tilespmem:$0xB800] =	vst v63  }
0xf8: {  	_ =	swait.ge [sflag:s11], $0x1900  }
0xf9: {  	[sflag:s11] =	ssyncset.done $0x0  }
0xfa: {  	s21 =	simm.s32 $0x200;
	s20 =	simm.s32 $0x0;
	[sflag:s11] =	ssyncadd.s32 $0xFFFFE700  }
.LBB2_36:
0xfb: {  	p0 =	sne.s32 s21, $0xFE00;
	[tilespmem:s20+$0x3870] =	vst v0  }
0xfc: {  	[tilespmem:s20+$0x3800] =	vst v0  }
0xfd: {  	[tilespmem:s20+$0x3810] =	vst v0  }
.Ltmp17:
0xfe: {  	[tilespmem:s20+$0x3820] =	vst v0;
	(pc) =	sbr.rel @p0 .LBB2_36-.Ltmp17, $4  }
0xff: {  	[tilespmem:s20+$0x3830] =	vst v0  }
0x100: {  	[tilespmem:s20+$0x3840] =	vst v0  }
0x101: {  	[tilespmem:s20+$0x3850] =	vst v0  }
0x102: {  	[tilespmem:s20+$0x3860] =	vst v0;
	s20 =	sshra.s32 s21, $0x2;
	s21 =	sadd.s32 $0x200, s21  }
0x103: {  	[tilespmem:s20+$0x3870] =	vst v0  }
0x104: {  	[tilespmem:s20+$0x3800] =	vst v0  }
0x105: {  	[tilespmem:s20+$0x3810] =	vst v0  }
0x106: {  	[tilespmem:s20+$0x3820] =	vst v0  }
0x107: {  	[tilespmem:s20+$0x3830] =	vst v0  }
0x108: {  	[tilespmem:s20+$0x3840] =	vst v0  }
0x109: {  	[tilespmem:s20+$0x3850] =	vst v0  }
0x10a: {  	[tilespmem:s20+$0x3860] =	vst v0  }
.LBB2_38:
0x10b: {  	p0 =	sne.s32 s19, $0x6200  }
.Ltmp18:
0x10c: {  	_ = 	snop;
	(pc) =	sbr.rel @p0 .LBB2_38-.Ltmp18, $3  }
0x10d: {  	_ =	sdelay $0x1  }
0x10e: {  	s20 =	sshra.s32 s19, $0x2;
	s19 =	sadd.s32 $0x200, s19  }
0x10f: {  	[tilespmem:s13], [sflag:$0x1] =	stream.indirect.gather.add.f32 [hbm:s1], $0x80, s20, s12, $0xb8;
	[tilespmem:$0xB800] =	vst v63  }
0x110: {  	_ =	swait.ge [sflag:s17], $0x4000  }
0x111: {  	s19 =	simm.s32 $0x31;
	[sflag:s17] =	ssyncset.done $0x0  }
.LBB2_40:
0x112: {  	p0 =	sne.s32 s19, $0x1;
	s19 =	sadd.s32 $0xFFFFFFFF, s19;
	[sflag:s17] =	ssyncadd.s32 $0xFFFFC000  }
.Ltmp19:
0x113: {  	(pc) =	sbr.rel @p0 .LBB2_40-.Ltmp19, $3  }
0x114: {  	_ =	sdelay $0x1  }
0x115: {  	_ =	swait.ge [sflag:s17], $0x4000  }
0x116: {  	[sflag:s17] =	ssyncset.done $0x0  }
0x117: {  	[sflag:s17] =	ssyncadd.s32 $0xFFFFC000;
	s19 =	simm.s32 $0x0  }
0x118: {  	[hbm4b:s28+s19] =	stream.linear.scatter [tilespmem:s15], [sflag:$0x3], $0x4000, $0x38;
	[tilespmem:$0xB800] =	vst v63  }
0x119: {  	_ =	swait.ge [sflag:s11], $0x4000  }
0x11a: {  	[sflag:s11] =	ssyncset.done $0x0  }
0x11b: {  	s20 =	rddreg [dreg:$0xe];
	[sflag:s11] =	ssyncadd.s32 $0xFFFFC000  }
0x11c: {  	[tilespmem:s14], [sflag:$0x3] =	stream.linear.gather [hbm4b:s20+s19], $0x1900, $0x38;
	[tilespmem:$0xB800] =	vst v63  }
0x11d: {  	_ =	swait.ge [sflag:s11], $0x1900  }
0x11e: {  	[sflag:s11] =	ssyncset.done $0x0  }
0x11f: {  	s21 =	simm.s32 $0x200;
	s20 =	simm.s32 $0x0;
	[sflag:s11] =	ssyncadd.s32 $0xFFFFE700  }
.LBB2_42:
0x120: {  	p0 =	sne.s32 s21, $0xFE00;
	[tilespmem:s20+$0x7870] =	vst v0  }
0x121: {  	[tilespmem:s20+$0x7800] =	vst v0  }
0x122: {  	[tilespmem:s20+$0x7810] =	vst v0  }
.Ltmp20:
0x123: {  	[tilespmem:s20+$0x7820] =	vst v0;
	(pc) =	sbr.rel @p0 .LBB2_42-.Ltmp20, $4  }
0x124: {  	[tilespmem:s20+$0x7830] =	vst v0  }
0x125: {  	[tilespmem:s20+$0x7840] =	vst v0  }
0x126: {  	[tilespmem:s20+$0x7850] =	vst v0  }
0x127: {  	[tilespmem:s20+$0x7860] =	vst v0;
	s20 =	sshra.s32 s21, $0x2;
	s21 =	sadd.s32 $0x200, s21  }
0x128: {  	[tilespmem:s20+$0x7870] =	vst v0  }
0x129: {  	[tilespmem:s20+$0x7800] =	vst v0  }
0x12a: {  	[tilespmem:s20+$0x7810] =	vst v0  }
0x12b: {  	[tilespmem:s20+$0x7820] =	vst v0  }
0x12c: {  	[tilespmem:s20+$0x7830] =	vst v0  }
0x12d: {  	[tilespmem:s20+$0x7840] =	vst v0  }
0x12e: {  	[tilespmem:s20+$0x7850] =	vst v0  }
0x12f: {  	[tilespmem:s20+$0x7860] =	vst v0  }
.LBB2_44:
0x130: {  	p0 =	sne.s32 s19, $0x6200  }
.Ltmp21:
0x131: {  	_ = 	snop;
	(pc) =	sbr.rel @p0 .LBB2_44-.Ltmp21, $4  }
0x132: {  	_ = 	snop  }
0x133: {  	s20 =	sshra.s32 s19, $0x2  }
0x134: {  	s19 =	sadd.s32 $0x200, s19;
	s20 =	sadd.s32 $0x1C00, s20  }
0x135: {  	[tilespmem:s15], [sflag:$0x2] =	stream.indirect.gather.add.f32 [hbm:s1], $0x80, s20, s12, $0xb8;
	[tilespmem:$0xB800] =	vst v63  }
0x136: {  	_ =	swait.ge [sflag:s16], $0x4000  }
0x137: {  	s19 =	simm.s32 $0x31;
	[sflag:s16] =	ssyncset.done $0x0  }
.LBB2_46:
0x138: {  	p0 =	sne.s32 s19, $0x1;
	s19 =	sadd.s32 $0xFFFFFFFF, s19;
	[sflag:s16] =	ssyncadd.s32 $0xFFFFC000  }
.Ltmp22:
0x139: {  	(pc) =	sbr.rel @p0 .LBB2_46-.Ltmp22, $3  }
0x13a: {  	_ =	sdelay $0x1  }
0x13b: {  	_ =	swait.ge [sflag:s16], $0x4000  }
0x13c: {  	[sflag:s16] =	ssyncset.done $0x0  }
0x13d: {  	[sflag:s16] =	ssyncadd.s32 $0xFFFFC000;
	s19 =	simm.s32 $0x0  }
0x13e: {  	[hbm4b:s29+s19] =	stream.linear.scatter [tilespmem:s13], [sflag:$0x3], $0x4000, $0x38;
	[tilespmem:$0xB800] =	vst v63  }
0x13f: {  	_ =	swait.ge [sflag:s11], $0x4000  }
0x140: {  	[sflag:s11] =	ssyncset.done $0x0  }
0x141: {  	s20 =	rddreg [dreg:$0xf];
	[sflag:s11] =	ssyncadd.s32 $0xFFFFC000  }
0x142: {  	[tilespmem:s19], [sflag:$0x3] =	stream.linear.gather [hbm4b:s20+s19], $0x1900, $0x38;
	[tilespmem:$0xB800] =	vst v63  }
0x143: {  	_ =	swait.ge [sflag:s11], $0x1900  }
0x144: {  	[sflag:s11] =	ssyncset.done $0x0  }
0x145: {  	s21 =	simm.s32 $0x200;
	s20 =	simm.s32 $0x0;
	[sflag:s11] =	ssyncadd.s32 $0xFFFFE700  }
.LBB2_48:
0x146: {  	p0 =	sne.s32 s21, $0xFE00;
	[tilespmem:s20+$0x3870] =	vst v0  }
0x147: {  	[tilespmem:s20+$0x3800] =	vst v0  }
0x148: {  	[tilespmem:s20+$0x3810] =	vst v0  }
.Ltmp23:
0x149: {  	[tilespmem:s20+$0x3820] =	vst v0;
	(pc) =	sbr.rel @p0 .LBB2_48-.Ltmp23, $4  }
0x14a: {  	[tilespmem:s20+$0x3830] =	vst v0  }
0x14b: {  	[tilespmem:s20+$0x3840] =	vst v0  }
0x14c: {  	[tilespmem:s20+$0x3850] =	vst v0  }
0x14d: {  	[tilespmem:s20+$0x3860] =	vst v0;
	s20 =	sshra.s32 s21, $0x2;
	s21 =	sadd.s32 $0x200, s21  }
0x14e: {  	[tilespmem:s20+$0x3870] =	vst v0  }
0x14f: {  	[tilespmem:s20+$0x3800] =	vst v0  }
0x150: {  	[tilespmem:s20+$0x3810] =	vst v0  }
0x151: {  	[tilespmem:s20+$0x3820] =	vst v0  }
0x152: {  	[tilespmem:s20+$0x3830] =	vst v0  }
0x153: {  	[tilespmem:s20+$0x3840] =	vst v0  }
0x154: {  	[tilespmem:s20+$0x3850] =	vst v0  }
0x155: {  	[tilespmem:s20+$0x3860] =	vst v0  }
.LBB2_50:
0x156: {  	p0 =	sne.s32 s19, $0x6200  }
.Ltmp24:
0x157: {  	_ = 	snop;
	(pc) =	sbr.rel @p0 .LBB2_50-.Ltmp24, $3  }
0x158: {  	_ =	sdelay $0x1  }
0x159: {  	s20 =	sshra.s32 s19, $0x2;
	s19 =	sadd.s32 $0x200, s19  }
0x15a: {  	[tilespmem:s13], [sflag:$0x1] =	stream.indirect.gather.add.f32 [hbm:s3], $0x80, s20, s12, $0xb8;
	[tilespmem:$0xB800] =	vst v63  }
0x15b: {  	_ =	swait.ge [sflag:s17], $0x4000  }
0x15c: {  	s19 =	simm.s32 $0x31;
	[sflag:s17] =	ssyncset.done $0x0  }
.LBB2_52:
0x15d: {  	p0 =	sne.s32 s19, $0x1;
	s19 =	sadd.s32 $0xFFFFFFFF, s19;
	[sflag:s17] =	ssyncadd.s32 $0xFFFFC000  }
.Ltmp25:
0x15e: {  	(pc) =	sbr.rel @p0 .LBB2_52-.Ltmp25, $3  }
0x15f: {  	_ =	sdelay $0x1  }
0x160: {  	_ =	swait.ge [sflag:s17], $0x4000  }
0x161: {  	[sflag:s17] =	ssyncset.done $0x0  }
0x162: {  	[sflag:s17] =	ssyncadd.s32 $0xFFFFC000;
	s19 =	simm.s32 $0x0  }
0x163: {  	[hbm4b:s30+s19] =	stream.linear.scatter [tilespmem:s15], [sflag:$0x3], $0x4000, $0x38;
	[tilespmem:$0xB800] =	vst v63  }
0x164: {  	_ =	swait.ge [sflag:s11], $0x4000  }
0x165: {  	[sflag:s11] =	ssyncset.done $0x0  }
0x166: {  	s20 =	rddreg [dreg:$0x10];
	[sflag:s11] =	ssyncadd.s32 $0xFFFFC000  }
0x167: {  	[tilespmem:s14], [sflag:$0x3] =	stream.linear.gather [hbm4b:s20+s19], $0x1900, $0x38;
	[tilespmem:$0xB800] =	vst v63  }
0x168: {  	_ =	swait.ge [sflag:s11], $0x1900  }
0x169: {  	[sflag:s11] =	ssyncset.done $0x0  }
0x16a: {  	s21 =	simm.s32 $0x200;
	s20 =	simm.s32 $0x0;
	[sflag:s11] =	ssyncadd.s32 $0xFFFFE700  }
.LBB2_54:
0x16b: {  	p0 =	sne.s32 s21, $0xFE00;
	[tilespmem:s20+$0x7870] =	vst v0  }
0x16c: {  	[tilespmem:s20+$0x7800] =	vst v0  }
0x16d: {  	[tilespmem:s20+$0x7810] =	vst v0  }
.Ltmp26:
0x16e: {  	[tilespmem:s20+$0x7820] =	vst v0;
	(pc) =	sbr.rel @p0 .LBB2_54-.Ltmp26, $4  }
0x16f: {  	[tilespmem:s20+$0x7830] =	vst v0  }
0x170: {  	[tilespmem:s20+$0x7840] =	vst v0  }
0x171: {  	[tilespmem:s20+$0x7850] =	vst v0  }
0x172: {  	[tilespmem:s20+$0x7860] =	vst v0;
	s20 =	sshra.s32 s21, $0x2;
	s21 =	sadd.s32 $0x200, s21  }
0x173: {  	[tilespmem:s20+$0x7870] =	vst v0  }
0x174: {  	[tilespmem:s20+$0x7800] =	vst v0  }
0x175: {  	[tilespmem:s20+$0x7810] =	vst v0  }
0x176: {  	[tilespmem:s20+$0x7820] =	vst v0  }
0x177: {  	[tilespmem:s20+$0x7830] =	vst v0  }
0x178: {  	[tilespmem:s20+$0x7840] =	vst v0  }
0x179: {  	[tilespmem:s20+$0x7850] =	vst v0  }
0x17a: {  	[tilespmem:s20+$0x7860] =	vst v0  }
.LBB2_56:
0x17b: {  	p0 =	sne.s32 s19, $0x6200  }
.Ltmp27:
0x17c: {  	_ = 	snop;
	(pc) =	sbr.rel @p0 .LBB2_56-.Ltmp27, $4  }
0x17d: {  	_ = 	snop  }
0x17e: {  	s20 =	sshra.s32 s19, $0x2  }
0x17f: {  	s19 =	sadd.s32 $0x200, s19;
	s20 =	sadd.s32 $0x1C00, s20  }
0x180: {  	[tilespmem:s15], [sflag:$0x2] =	stream.indirect.gather.add.f32 [hbm:s3], $0x80, s20, s12, $0xb8;
	[tilespmem:$0xB800] =	vst v63  }
0x181: {  	_ =	swait.ge [sflag:s16], $0x4000  }
0x182: {  	s19 =	simm.s32 $0x31;
	[sflag:s16] =	ssyncset.done $0x0  }
.LBB2_58:
0x183: {  	p0 =	sne.s32 s19, $0x1;
	s19 =	sadd.s32 $0xFFFFFFFF, s19;
	[sflag:s16] =	ssyncadd.s32 $0xFFFFC000  }
.Ltmp28:
0x184: {  	(pc) =	sbr.rel @p0 .LBB2_58-.Ltmp28, $3  }
0x185: {  	_ =	sdelay $0x1  }
0x186: {  	_ =	swait.ge [sflag:s16], $0x4000  }
0x187: {  	[sflag:s16] =	ssyncset.done $0x0  }
0x188: {  	[sflag:s16] =	ssyncadd.s32 $0xFFFFC000;
	s19 =	simm.s32 $0x0  }
0x189: {  	[hbm4b:s31+s19] =	stream.linear.scatter [tilespmem:s13], [sflag:$0x3], $0x4000, $0x38;
	[tilespmem:$0xB800] =	vst v63  }
0x18a: {  	_ =	swait.ge [sflag:s11], $0x4000  }
0x18b: {  	[sflag:s11] =	ssyncset.done $0x0  }
0x18c: {  	s20 =	rddreg [dreg:$0x11];
	[sflag:s11] =	ssyncadd.s32 $0xFFFFC000  }
0x18d: {  	[tilespmem:s19], [sflag:$0x3] =	stream.linear.gather [hbm4b:s20+s19], $0x1900, $0x38;
	[tilespmem:$0xB800] =	vst v63  }
0x18e: {  	_ =	swait.ge [sflag:s11], $0x1900  }
0x18f: {  	[sflag:s11] =	ssyncset.done $0x0  }
0x190: {  	s21 =	simm.s32 $0x200;
	s20 =	simm.s32 $0x0;
	[sflag:s11] =	ssyncadd.s32 $0xFFFFE700  }
.LBB2_60:
0x191: {  	p0 =	sne.s32 s21, $0xFE00;
	[tilespmem:s20+$0x3870] =	vst v0  }
0x192: {  	[tilespmem:s20+$0x3800] =	vst v0  }
0x193: {  	[tilespmem:s20+$0x3810] =	vst v0  }
.Ltmp29:
0x194: {  	[tilespmem:s20+$0x3820] =	vst v0;
	(pc) =	sbr.rel @p0 .LBB2_60-.Ltmp29, $4  }
0x195: {  	[tilespmem:s20+$0x3830] =	vst v0  }
0x196: {  	[tilespmem:s20+$0x3840] =	vst v0  }
0x197: {  	[tilespmem:s20+$0x3850] =	vst v0  }
0x198: {  	[tilespmem:s20+$0x3860] =	vst v0;
	s20 =	sshra.s32 s21, $0x2;
	s21 =	sadd.s32 $0x200, s21  }
0x199: {  	[tilespmem:s20+$0x3870] =	vst v0  }
0x19a: {  	[tilespmem:s20+$0x3800] =	vst v0  }
0x19b: {  	[tilespmem:s20+$0x3810] =	vst v0  }
0x19c: {  	[tilespmem:s20+$0x3820] =	vst v0  }
0x19d: {  	[tilespmem:s20+$0x3830] =	vst v0  }
0x19e: {  	[tilespmem:s20+$0x3840] =	vst v0  }
0x19f: {  	[tilespmem:s20+$0x3850] =	vst v0  }
0x1a0: {  	[tilespmem:s20+$0x3860] =	vst v0  }
.LBB2_62:
0x1a1: {  	p0 =	sne.s32 s19, $0x6200  }
.Ltmp30:
0x1a2: {  	_ = 	snop;
	(pc) =	sbr.rel @p0 .LBB2_62-.Ltmp30, $3  }
0x1a3: {  	_ =	sdelay $0x1  }
0x1a4: {  	s20 =	sshra.s32 s19, $0x2;
	s19 =	sadd.s32 $0x200, s19  }
0x1a5: {  	[tilespmem:s13], [sflag:$0x1] =	stream.indirect.gather.add.f32 [hbm:s3], $0x80, s20, s12, $0xb8;
	[tilespmem:$0xB800] =	vst v63  }
0x1a6: {  	_ =	swait.ge [sflag:s17], $0x4000  }
0x1a7: {  	s19 =	simm.s32 $0x31;
	[sflag:s17] =	ssyncset.done $0x0  }
.LBB2_64:
0x1a8: {  	p0 =	sne.s32 s19, $0x1;
	s19 =	sadd.s32 $0xFFFFFFFF, s19;
	[sflag:s17] =	ssyncadd.s32 $0xFFFFC000  }
.Ltmp31:
0x1a9: {  	(pc) =	sbr.rel @p0 .LBB2_64-.Ltmp31, $3  }
0x1aa: {  	_ =	sdelay $0x1  }
0x1ab: {  	_ =	swait.ge [sflag:s17], $0x4000  }
0x1ac: {  	[sflag:s17] =	ssyncset.done $0x0  }
0x1ad: {  	[sflag:s17] =	ssyncadd.s32 $0xFFFFC000;
	s19 =	simm.s32 $0x0  }
0x1ae: {  	[hbm4b:s2+s19] =	stream.linear.scatter [tilespmem:s15], [sflag:$0x3], $0x4000, $0x38;
	[tilespmem:$0xB800] =	vst v63  }
0x1af: {  	_ =	swait.ge [sflag:s11], $0x4000  }
0x1b0: {  	[sflag:s11] =	ssyncset.done $0x0  }
0x1b1: {  	s20 =	rddreg [dreg:$0x12];
	[sflag:s11] =	ssyncadd.s32 $0xFFFFC000  }
0x1b2: {  	[tilespmem:s14], [sflag:$0x3] =	stream.linear.gather [hbm4b:s20+s19], $0x1900, $0x38;
	[tilespmem:$0xB800] =	vst v63  }
0x1b3: {  	_ =	swait.ge [sflag:s11], $0x1900  }
0x1b4: {  	[sflag:s11] =	ssyncset.done $0x0  }
0x1b5: {  	s21 =	simm.s32 $0x200;
	s20 =	simm.s32 $0x0;
	[sflag:s11] =	ssyncadd.s32 $0xFFFFE700  }
.LBB2_66:
0x1b6: {  	p0 =	sne.s32 s21, $0xFE00;
	[tilespmem:s20+$0x7870] =	vst v0  }
0x1b7: {  	[tilespmem:s20+$0x7800] =	vst v0  }
0x1b8: {  	[tilespmem:s20+$0x7810] =	vst v0  }
.Ltmp32:
0x1b9: {  	[tilespmem:s20+$0x7820] =	vst v0;
	(pc) =	sbr.rel @p0 .LBB2_66-.Ltmp32, $4  }
0x1ba: {  	[tilespmem:s20+$0x7830] =	vst v0  }
0x1bb: {  	[tilespmem:s20+$0x7840] =	vst v0  }
0x1bc: {  	[tilespmem:s20+$0x7850] =	vst v0  }
0x1bd: {  	[tilespmem:s20+$0x7860] =	vst v0;
	s20 =	sshra.s32 s21, $0x2;
	s21 =	sadd.s32 $0x200, s21  }
0x1be: {  	[tilespmem:s20+$0x7870] =	vst v0  }
0x1bf: {  	[tilespmem:s20+$0x7800] =	vst v0  }
0x1c0: {  	[tilespmem:s20+$0x7810] =	vst v0  }
0x1c1: {  	[tilespmem:s20+$0x7820] =	vst v0  }
0x1c2: {  	[tilespmem:s20+$0x7830] =	vst v0  }
0x1c3: {  	[tilespmem:s20+$0x7840] =	vst v0  }
0x1c4: {  	[tilespmem:s20+$0x7850] =	vst v0  }
0x1c5: {  	[tilespmem:s20+$0x7860] =	vst v0  }
.LBB2_68:
0x1c6: {  	p0 =	sne.s32 s19, $0x6200  }
.Ltmp33:
0x1c7: {  	_ = 	snop;
	(pc) =	sbr.rel @p0 .LBB2_68-.Ltmp33, $4  }
0x1c8: {  	_ = 	snop  }
0x1c9: {  	s20 =	sshra.s32 s19, $0x2  }
0x1ca: {  	s19 =	sadd.s32 $0x200, s19;
	s20 =	sadd.s32 $0x1C00, s20  }
0x1cb: {  	[tilespmem:s15], [sflag:$0x2] =	stream.indirect.gather.add.f32 [hbm:s3], $0x80, s20, s12, $0xb8;
	[tilespmem:$0xB800] =	vst v63  }
0x1cc: {  	_ =	swait.ge [sflag:s16], $0x4000  }
0x1cd: {  	s19 =	simm.s32 $0x31;
	[sflag:s16] =	ssyncset.done $0x0  }
.LBB2_70:
0x1ce: {  	p0 =	sne.s32 s19, $0x1;
	s19 =	sadd.s32 $0xFFFFFFFF, s19;
	[sflag:s16] =	ssyncadd.s32 $0xFFFFC000  }
.Ltmp34:
0x1cf: {  	(pc) =	sbr.rel @p0 .LBB2_70-.Ltmp34, $3  }
0x1d0: {  	_ =	sdelay $0x1  }
0x1d1: {  	_ =	swait.ge [sflag:s16], $0x4000  }
0x1d2: {  	[sflag:s16] =	ssyncset.done $0x0  }
0x1d3: {  	[sflag:s16] =	ssyncadd.s32 $0xFFFFC000;
	s19 =	simm.s32 $0x0  }
0x1d4: {  	[hbm4b:s0+s19] =	stream.linear.scatter [tilespmem:s13], [sflag:$0x3], $0x4000, $0x38;
	[tilespmem:$0xB800] =	vst v63  }
0x1d5: {  	_ =	swait.ge [sflag:s11], $0x4000  }
0x1d6: {  	[sflag:s11] =	ssyncset.done $0x0  }
0x1d7: {  	s20 =	rddreg [dreg:$0x13];
	[sflag:s11] =	ssyncadd.s32 $0xFFFFC000  }
0x1d8: {  	[tilespmem:s19], [sflag:$0x3] =	stream.linear.gather [hbm4b:s20+s19], $0x1900, $0x38;
	[tilespmem:$0xB800] =	vst v63  }
0x1d9: {  	_ =	swait.ge [sflag:s11], $0x1900  }
0x1da: {  	[sflag:s11] =	ssyncset.done $0x0  }
0x1db: {  	s21 =	simm.s32 $0x200;
	s20 =	simm.s32 $0x0;
	[sflag:s11] =	ssyncadd.s32 $0xFFFFE700  }
.LBB2_72:
0x1dc: {  	p0 =	sne.s32 s21, $0xFE00;
	[tilespmem:s20+$0x3870] =	vst v0  }
0x1dd: {  	[tilespmem:s20+$0x3800] =	vst v0  }
0x1de: {  	[tilespmem:s20+$0x3810] =	vst v0  }
.Ltmp35:
0x1df: {  	[tilespmem:s20+$0x3820] =	vst v0;
	(pc) =	sbr.rel @p0 .LBB2_72-.Ltmp35, $4  }
0x1e0: {  	[tilespmem:s20+$0x3830] =	vst v0  }
0x1e1: {  	[tilespmem:s20+$0x3840] =	vst v0  }
0x1e2: {  	[tilespmem:s20+$0x3850] =	vst v0  }
0x1e3: {  	[tilespmem:s20+$0x3860] =	vst v0;
	s20 =	sshra.s32 s21, $0x2;
	s21 =	sadd.s32 $0x200, s21  }
0x1e4: {  	[tilespmem:s20+$0x3870] =	vst v0  }
0x1e5: {  	[tilespmem:s20+$0x3800] =	vst v0  }
0x1e6: {  	[tilespmem:s20+$0x3810] =	vst v0  }
0x1e7: {  	[tilespmem:s20+$0x3820] =	vst v0  }
0x1e8: {  	[tilespmem:s20+$0x3830] =	vst v0  }
0x1e9: {  	[tilespmem:s20+$0x3840] =	vst v0  }
0x1ea: {  	[tilespmem:s20+$0x3850] =	vst v0  }
0x1eb: {  	[tilespmem:s20+$0x3860] =	vst v0  }
.LBB2_74:
0x1ec: {  	p0 =	sne.s32 s19, $0x6200  }
.Ltmp36:
0x1ed: {  	_ = 	snop;
	(pc) =	sbr.rel @p0 .LBB2_74-.Ltmp36, $3  }
0x1ee: {  	_ =	sdelay $0x1  }
0x1ef: {  	s20 =	sshra.s32 s19, $0x2;
	s19 =	sadd.s32 $0x200, s19  }
0x1f0: {  	[tilespmem:s13], [sflag:$0x1] =	stream.indirect.gather.add.f32 [hbm:s3], $0x80, s20, s12, $0xb8;
	[tilespmem:$0xB800] =	vst v63  }
0x1f1: {  	_ =	swait.ge [sflag:s17], $0x4000  }
0x1f2: {  	s19 =	simm.s32 $0x31;
	[sflag:s17] =	ssyncset.done $0x0  }
.LBB2_76:
0x1f3: {  	p0 =	sne.s32 s19, $0x1;
	s19 =	sadd.s32 $0xFFFFFFFF, s19;
	[sflag:s17] =	ssyncadd.s32 $0xFFFFC000  }
.Ltmp37:
0x1f4: {  	(pc) =	sbr.rel @p0 .LBB2_76-.Ltmp37, $3  }
0x1f5: {  	_ =	sdelay $0x1  }
0x1f6: {  	_ =	swait.ge [sflag:s17], $0x4000  }
0x1f7: {  	[sflag:s17] =	ssyncset.done $0x0  }
0x1f8: {  	[sflag:s17] =	ssyncadd.s32 $0xFFFFC000;
	s19 =	simm.s32 $0x0  }
0x1f9: {  	[hbm4b:s5+s19] =	stream.linear.scatter [tilespmem:s15], [sflag:$0x3], $0x4000, $0x38;
	[tilespmem:$0xB800] =	vst v63  }
0x1fa: {  	_ =	swait.ge [sflag:s11], $0x4000  }
0x1fb: {  	[sflag:s11] =	ssyncset.done $0x0  }
0x1fc: {  	s20 =	rddreg [dreg:$0x14];
	[sflag:s11] =	ssyncadd.s32 $0xFFFFC000  }
0x1fd: {  	[tilespmem:s14], [sflag:$0x3] =	stream.linear.gather [hbm4b:s20+s19], $0x1900, $0x38;
	[tilespmem:$0xB800] =	vst v63  }
0x1fe: {  	_ =	swait.ge [sflag:s11], $0x1900  }
0x1ff: {  	[sflag:s11] =	ssyncset.done $0x0  }
0x200: {  	s21 =	simm.s32 $0x200;
	s20 =	simm.s32 $0x0;
	[sflag:s11] =	ssyncadd.s32 $0xFFFFE700  }
.LBB2_78:
0x201: {  	p0 =	sne.s32 s21, $0xFE00;
	[tilespmem:s20+$0x7870] =	vst v0  }
0x202: {  	[tilespmem:s20+$0x7800] =	vst v0  }
0x203: {  	[tilespmem:s20+$0x7810] =	vst v0  }
.Ltmp38:
0x204: {  	[tilespmem:s20+$0x7820] =	vst v0;
	(pc) =	sbr.rel @p0 .LBB2_78-.Ltmp38, $4  }
0x205: {  	[tilespmem:s20+$0x7830] =	vst v0  }
0x206: {  	[tilespmem:s20+$0x7840] =	vst v0  }
0x207: {  	[tilespmem:s20+$0x7850] =	vst v0  }
0x208: {  	[tilespmem:s20+$0x7860] =	vst v0;
	s20 =	sshra.s32 s21, $0x2;
	s21 =	sadd.s32 $0x200, s21  }
0x209: {  	[tilespmem:s20+$0x7870] =	vst v0  }
0x20a: {  	[tilespmem:s20+$0x7800] =	vst v0  }
0x20b: {  	[tilespmem:s20+$0x7810] =	vst v0  }
0x20c: {  	[tilespmem:s20+$0x7820] =	vst v0  }
0x20d: {  	[tilespmem:s20+$0x7830] =	vst v0  }
0x20e: {  	[tilespmem:s20+$0x7840] =	vst v0  }
0x20f: {  	[tilespmem:s20+$0x7850] =	vst v0  }
0x210: {  	[tilespmem:s20+$0x7860] =	vst v0  }
.LBB2_80:
0x211: {  	p0 =	sne.s32 s19, $0x6200  }
.Ltmp39:
0x212: {  	_ = 	snop;
	(pc) =	sbr.rel @p0 .LBB2_80-.Ltmp39, $4  }
0x213: {  	_ = 	snop  }
0x214: {  	s20 =	sshra.s32 s19, $0x2  }
0x215: {  	s19 =	sadd.s32 $0x200, s19;
	s20 =	sadd.s32 $0x1C00, s20  }
0x216: {  	[tilespmem:s15], [sflag:$0x2] =	stream.indirect.gather.add.f32 [hbm:s3], $0x80, s20, s12, $0xb8;
	[tilespmem:$0xB800] =	vst v63  }
0x217: {  	_ =	swait.ge [sflag:s16], $0x4000  }
0x218: {  	s19 =	simm.s32 $0x31;
	[sflag:s16] =	ssyncset.done $0x0  }
.LBB2_82:
0x219: {  	p0 =	sne.s32 s19, $0x1;
	s19 =	sadd.s32 $0xFFFFFFFF, s19;
	[sflag:s16] =	ssyncadd.s32 $0xFFFFC000  }
.Ltmp40:
0x21a: {  	(pc) =	sbr.rel @p0 .LBB2_82-.Ltmp40, $3  }
0x21b: {  	_ =	sdelay $0x1  }
0x21c: {  	_ =	swait.ge [sflag:s16], $0x4000  }
0x21d: {  	[sflag:s16] =	ssyncset.done $0x0  }
0x21e: {  	[sflag:s16] =	ssyncadd.s32 $0xFFFFC000;
	s19 =	simm.s32 $0x0  }
0x21f: {  	[hbm4b:s6+s19] =	stream.linear.scatter [tilespmem:s13], [sflag:$0x3], $0x4000, $0x38;
	[tilespmem:$0xB800] =	vst v63  }
0x220: {  	_ =	swait.ge [sflag:s11], $0x4000  }
0x221: {  	[sflag:s11] =	ssyncset.done $0x0  }
0x222: {  	[sflag:s11] =	ssyncadd.s32 $0xFFFFC000  }
0x223: {  	[tilespmem:s19], [sflag:$0x3] =	stream.linear.gather [hbm4b:s22+s19], $0x1900, $0x38;
	[tilespmem:$0xB800] =	vst v63  }
0x224: {  	_ =	swait.ge [sflag:s11], $0x1900  }
0x225: {  	[sflag:s11] =	ssyncset.done $0x0  }
0x226: {  	s20 =	simm.s32 $0x0;
	s21 =	simm.s32 $0x200;
	[sflag:s11] =	ssyncadd.s32 $0xFFFFE700  }
.LBB2_84:
0x227: {  	p0 =	sne.s32 s21, $0xFE00;
	[tilespmem:s20+$0x3870] =	vst v0  }
0x228: {  	[tilespmem:s20+$0x3800] =	vst v0  }
0x229: {  	[tilespmem:s20+$0x3810] =	vst v0  }
.Ltmp41:
0x22a: {  	[tilespmem:s20+$0x3820] =	vst v0;
	(pc) =	sbr.rel @p0 .LBB2_84-.Ltmp41, $4  }
0x22b: {  	[tilespmem:s20+$0x3830] =	vst v0  }
0x22c: {  	[tilespmem:s20+$0x3840] =	vst v0  }
0x22d: {  	[tilespmem:s20+$0x3850] =	vst v0  }
0x22e: {  	[tilespmem:s20+$0x3860] =	vst v0;
	s20 =	sshra.s32 s21, $0x2;
	s21 =	sadd.s32 $0x200, s21  }
0x22f: {  	[tilespmem:s20+$0x3870] =	vst v0  }
0x230: {  	[tilespmem:s20+$0x3800] =	vst v0  }
0x231: {  	[tilespmem:s20+$0x3810] =	vst v0  }
0x232: {  	[tilespmem:s20+$0x3820] =	vst v0  }
0x233: {  	[tilespmem:s20+$0x3830] =	vst v0  }
0x234: {  	[tilespmem:s20+$0x3840] =	vst v0  }
0x235: {  	[tilespmem:s20+$0x3850] =	vst v0  }
0x236: {  	[tilespmem:s20+$0x3860] =	vst v0  }
.LBB2_86:
0x237: {  	p0 =	sne.s32 s19, $0x6200  }
.Ltmp42:
0x238: {  	_ = 	snop;
	(pc) =	sbr.rel @p0 .LBB2_86-.Ltmp42, $3  }
0x239: {  	_ =	sdelay $0x1  }
0x23a: {  	s20 =	sshra.s32 s19, $0x2;
	s19 =	sadd.s32 $0x200, s19  }
0x23b: {  	[tilespmem:s13], [sflag:$0x1] =	stream.indirect.gather.add.f32 [hbm:s3], $0x80, s20, s12, $0xb8;
	[tilespmem:$0xB800] =	vst v63  }
0x23c: {  	_ =	swait.ge [sflag:s17], $0x4000  }
0x23d: {  	s19 =	simm.s32 $0x31;
	[sflag:s17] =	ssyncset.done $0x0  }
.LBB2_88:
0x23e: {  	p0 =	sne.s32 s19, $0x1;
	s19 =	sadd.s32 $0xFFFFFFFF, s19;
	[sflag:s17] =	ssyncadd.s32 $0xFFFFC000  }
.Ltmp43:
0x23f: {  	(pc) =	sbr.rel @p0 .LBB2_88-.Ltmp43, $3  }
0x240: {  	_ =	sdelay $0x1  }
0x241: {  	_ =	swait.ge [sflag:s17], $0x4000  }
0x242: {  	[sflag:s17] =	ssyncset.done $0x0  }
0x243: {  	[sflag:s17] =	ssyncadd.s32 $0xFFFFC000;
	s19 =	simm.s32 $0x0  }
0x244: {  	[hbm4b:s8+s19] =	stream.linear.scatter [tilespmem:s15], [sflag:$0x3], $0x4000, $0x38;
	[tilespmem:$0xB800] =	vst v63  }
0x245: {  	_ =	swait.ge [sflag:s11], $0x4000  }
0x246: {  	[sflag:s11] =	ssyncset.done $0x0  }
0x247: {  	[sflag:s11] =	ssyncadd.s32 $0xFFFFC000  }
0x248: {  	[tilespmem:s14], [sflag:$0x3] =	stream.linear.gather [hbm4b:s23+s19], $0x1900, $0x38;
	[tilespmem:$0xB800] =	vst v63  }
0x249: {  	_ =	swait.ge [sflag:s11], $0x1900  }
0x24a: {  	[sflag:s11] =	ssyncset.done $0x0  }
0x24b: {  	s20 =	simm.s32 $0x0;
	s21 =	simm.s32 $0x200;
	[sflag:s11] =	ssyncadd.s32 $0xFFFFE700  }
.LBB2_90:
0x24c: {  	p0 =	sne.s32 s21, $0xFE00;
	[tilespmem:s20+$0x7870] =	vst v0  }
0x24d: {  	[tilespmem:s20+$0x7800] =	vst v0  }
0x24e: {  	[tilespmem:s20+$0x7810] =	vst v0  }
.Ltmp44:
0x24f: {  	[tilespmem:s20+$0x7820] =	vst v0;
	(pc) =	sbr.rel @p0 .LBB2_90-.Ltmp44, $4  }
0x250: {  	[tilespmem:s20+$0x7830] =	vst v0  }
0x251: {  	[tilespmem:s20+$0x7840] =	vst v0  }
0x252: {  	[tilespmem:s20+$0x7850] =	vst v0  }
0x253: {  	[tilespmem:s20+$0x7860] =	vst v0;
	s20 =	sshra.s32 s21, $0x2;
	s21 =	sadd.s32 $0x200, s21  }
0x254: {  	[tilespmem:s20+$0x7870] =	vst v0  }
0x255: {  	[tilespmem:s20+$0x7800] =	vst v0  }
0x256: {  	[tilespmem:s20+$0x7810] =	vst v0  }
0x257: {  	[tilespmem:s20+$0x7820] =	vst v0  }
0x258: {  	[tilespmem:s20+$0x7830] =	vst v0  }
0x259: {  	[tilespmem:s20+$0x7840] =	vst v0  }
0x25a: {  	[tilespmem:s20+$0x7850] =	vst v0  }
0x25b: {  	[tilespmem:s20+$0x7860] =	vst v0  }
.LBB2_92:
0x25c: {  	p0 =	sne.s32 s19, $0x6200  }
.Ltmp45:
0x25d: {  	_ = 	snop;
	(pc) =	sbr.rel @p0 .LBB2_92-.Ltmp45, $4  }
0x25e: {  	_ = 	snop  }
0x25f: {  	s20 =	sshra.s32 s19, $0x2  }
0x260: {  	s19 =	sadd.s32 $0x200, s19;
	s20 =	sadd.s32 $0x1C00, s20  }
0x261: {  	[tilespmem:s15], [sflag:$0x2] =	stream.indirect.gather.add.f32 [hbm:s3], $0x80, s20, s12, $0xb8;
	[tilespmem:$0xB800] =	vst v63  }
0x262: {  	_ =	swait.ge [sflag:s16], $0x4000  }
0x263: {  	s19 =	simm.s32 $0x31;
	[sflag:s16] =	ssyncset.done $0x0  }
.LBB2_94:
0x264: {  	p0 =	sne.s32 s19, $0x1;
	s19 =	sadd.s32 $0xFFFFFFFF, s19;
	[sflag:s16] =	ssyncadd.s32 $0xFFFFC000  }
.Ltmp46:
0x265: {  	(pc) =	sbr.rel @p0 .LBB2_94-.Ltmp46, $3  }
0x266: {  	_ =	sdelay $0x1  }
0x267: {  	_ =	swait.ge [sflag:s16], $0x4000  }
0x268: {  	[sflag:s16] =	ssyncset.done $0x0  }
0x269: {  	[sflag:s16] =	ssyncadd.s32 $0xFFFFC000  }
0x26a: {  	[hbm4b:s9+s4] =	stream.linear.scatter [tilespmem:s13], [sflag:$0x3], $0x4000, $0x38;
	[tilespmem:$0xB800] =	vst v63  }
0x26b: {  	_ =	swait.ge [sflag:s11], $0x4000  }
0x26c: {  	[sflag:s11] =	ssyncset.done $0x0  }
0x26d: {  	[sflag:s11] =	ssyncadd.s32 $0xFFFFC000  }
0x26e: {  	_ =	swait.ge [sflag:s17], $0x4000  }
0x26f: {  	s19 =	simm.s32 $0x31;
	[sflag:s17] =	ssyncset.done $0x0  }
.LBB2_96:
0x270: {  	p0 =	sne.s32 s19, $0x1;
	s19 =	sadd.s32 $0xFFFFFFFF, s19;
	[sflag:s17] =	ssyncadd.s32 $0xFFFFC000  }
.Ltmp47:
0x271: {  	(pc) =	sbr.rel @p0 .LBB2_96-.Ltmp47, $3  }
0x272: {  	_ =	sdelay $0x1  }
0x273: {  	_ =	swait.ge [sflag:s17], $0x4000  }
0x274: {  	[sflag:s17] =	ssyncset.done $0x0  }
0x275: {  	s18 =	sadd.s32 $0x1, s18  }
0x276: {  	p0 =	sne.s32 s18, s25  }
.Ltmp48:
0x277: {  	[sflag:s17] =	ssyncadd.s32 $0xFFFFC000;
	(pc) =	sbr.rel @p0 .LBB2_1-.Ltmp48, $4  }
0x278: {  	[hbm4b:s10+s4] =	stream.linear.scatter [tilespmem:s15], [sflag:$0x3], $0x4000, $0x38;
	[tilespmem:$0xB800] =	vst v63  }
0x279: {  	_ =	swait.ge [sflag:s11], $0x4000  }
0x27a: {  	[sflag:s11] =	ssyncset.done $0x0  }
0x27b: {  	[sflag:s11] =	ssyncadd.s32 $0xFFFFC000  }
0x27c: {  	_ =	sfence.sel $0x180000  }
0x27d: {  	[bflag:$0x0] =	sbarrier.arrive $0xFFFF  }
0x27e: {  	_ =	strace $0x90000047  }
0x27f: {  	s0 =	stileid.u32;
	[bflag:$0x2] =	sbarrier.arrive $0xFFFF  }
0x280: {  	p0 =	sne.s32 s0, $0x0;
	s0 =	rddreg [dreg:$0x4]  }
0x281: {  	s0 =	sadd.s32 @!p0 $0x100000, s0  }
0x282: {  	[sflag:s0] =	ssyncadd.tile.s32 @!p0 $0x1;
	_ =	shalt  }
.Lfunc_end2:
_tile_overlayer_lowered:
.L_overlay_start_2:
0x283: {  	(tag) =	ssettag $0x2  }
0x284: {  	s0 =	rddreg [dreg:$0x0];
	s2 =	stileid.u32  }
0x285: {  	s1 =	rddreg [dreg:$0x1];
	p0 =	sne.s32 s2, $0x0  }
0x286: {  	s3 =	rddreg [dreg:$0x2];
	[bflag:$0x3] =	sbarrier.arrive $0xFFFF;
	s2 =	simm.s32 @!p0 $0x1C03  }
0x287: {  	[timem:s3], [sflag:s2] =	dma.local @!p0 [hbm:s0], s1  }
0x288: {  	s0 =	simm.s32 @!p0 $0x3  }
0x289: {  	_ =	swait.ge @!p0 [sflag:s0], s1  }
0x28a: {  	s1 =	ssub.s32 @!p0 $0x0, s1;
	[sflag:s0] =	ssyncset.done @!p0 $0x0  }
0x28b: {  	[sflag:s0] =	ssyncadd.s32 @!p0 s1  }
0x28c: {  	[bflag:$0x3] =	sbarrier.arrive $0xFFFF  }
0x28d: {  	_ =	shalt  }

</sc_bundles>
